<compile_context>
chip_gen: v7x
topology: tpu7x:2x2x1
jax: 0.10.2.dev20260603
libtpu: 0.0.44.dev20260713+nightly
codegen_flags: <defaults>
</compile_context>

<pallas_src>
import jax
import jax.numpy as jnp
from jax import lax
from jax.experimental import pallas as pl
from jax.experimental.pallas import tpu as pltpu
from jax.experimental.pallas import tpu_sc as plsc

F32 = jnp.float32
I32 = jnp.int32
NW = 32
L = 16


def _pad_edges(a, ep):
    e = a.shape[0]
    if e == ep:
        return a
    return jnp.concatenate([a, jnp.zeros((ep - e,), a.dtype)])



def _proj_body(x_ref, c_ref, wpa_ref, wgs_ref, b4_ref, o_ref):
    dn = (((1,), (1,)), ((), ()))
    pa = lax.dot_general(wpa_ref[...], x_ref[...], dn, preferred_element_type=F32)
    pg = lax.dot_general(wgs_ref[...], c_ref[...], dn, preferred_element_type=F32)
    o_ref[...] = jnp.concatenate([pa, pg], axis=0) + b4_ref[...]


def _hw1_body(x_ref, w_ref, o_ref):
    dn = (((1,), (1,)), ((), ()))
    hw = lax.dot_general(x_ref[...], w_ref[...], dn, preferred_element_type=F32)
    o_ref[0] = hw[:, :128]
    o_ref[1] = hw[:, 128:]


def _deg_body(degp_ref, dis_ref, inv_ref):
    deg = jnp.sum(degp_ref[...], axis=0, keepdims=True) + 1.0
    inv_ref[...] = 1.0 / deg
    dis_ref[...] = lax.rsqrt(deg)


def _stage_e_body(acc_ref, hwf_ref, inv_ref, bc1_ref, wc2a_ref, wc2b_ref,
                  wqa_ref, wqb_ref, bq_ref, hw2_ref, q_ref):
    dn = (((1,), (1,)), ((), ()))
    dn0 = (((1,), (0,)), ((), ()))
    inv = inv_ref[...]
    h0 = jnp.maximum(acc_ref[0] + hwf_ref[0] * inv + bc1_ref[0], 0.0)
    h1 = jnp.maximum(acc_ref[1] + hwf_ref[1] * inv + bc1_ref[1], 0.0)
    hw2_ref[...] = (lax.dot_general(h0, wc2a_ref[...], dn, preferred_element_type=F32)
                    + lax.dot_general(h1, wc2b_ref[...], dn, preferred_element_type=F32))
    q_ref[...] = (lax.dot_general(h0, wqa_ref[...], dn0, preferred_element_type=F32)
                  + lax.dot_general(h1, wqb_ref[...], dn0, preferred_element_type=F32)
                  + bq_ref[...])


def _combine_body(accp_ref, hw2_ref, inv2_ref, o_ref):
    o_ref[...] = accp_ref[0] + accp_ref[1] + hw2_ref[...] * inv2_ref[...]


def _mlp_body(inp_ref, wf1_ref, bf1_ref, wf2_ref, bf2_ref, o_ref):
    dn = (((1,), (1,)), ((), ()))
    hid = jnp.maximum(
        lax.dot_general(inp_ref[...], wf1_ref[...], dn, preferred_element_type=F32)
        + bf1_ref[...], 0.0)
    logits = jnp.sum(hid * wf2_ref[...], axis=1, keepdims=True) + bf2_ref[0, 0]
    o_ref[...] = jax.nn.sigmoid(logits)



def _sc_mesh():
    return plsc.VectorSubcoreMesh(core_axis_name="c", subcore_axis_name="s",
                                  num_cores=2, num_subcores=16)


_SC_PARAMS = pltpu.CompilerParams(needs_layout_passes=False)


def _make_affinity(N, E, EP):
    EPW = EP // NW

    def body(src_h, dst_h, pg_h, cst_h, ew_h, degp_h,
             sv, dv, p1v, p2v, g1v, g2v, degv, ewv, cstv):
        c = lax.axis_index("c")
        s = lax.axis_index("s")
        wid = s * 2 + c
        base = wid * EPW
        pltpu.sync_copy(src_h.at[pl.ds(base, EPW)], sv)
        pltpu.sync_copy(dst_h.at[pl.ds(base, EPW)], dv)
        pltpu.sync_copy(pg_h.at[pl.ds(0, N)], p1v)
        pltpu.sync_copy(pg_h.at[pl.ds(N, N)], p2v)
        pltpu.sync_copy(pg_h.at[pl.ds(2 * N, N)], g1v)
        pltpu.sync_copy(pg_h.at[pl.ds(3 * N, N)], g2v)
        pltpu.sync_copy(cst_h, cstv)
        w0 = cstv[pl.ds(0, L)]
        w1 = cstv[pl.ds(L, L)]
        bafv = cstv[pl.ds(2 * L, L)]

        def zero(i, carry):
            degv[pl.ds(i * L, L)] = jnp.full((L,), 0.0, F32)
            return carry
        lax.fori_loop(0, N // L, zero, 0)

        iot = lax.iota(I32, L)

        def step(i, carry):
            off = i * L
            s16 = sv[pl.ds(off, L)]
            d16 = dv[pl.ds(off, L)]
            x1 = jnp.maximum(plsc.load_gather(p1v, [s16]) + plsc.load_gather(p2v, [d16]), 0.0)
            x2 = jnp.maximum(plsc.load_gather(g1v, [s16]) + plsc.load_gather(g2v, [d16]), 0.0)
            ew16 = jnp.maximum(w0 * x1 + w1 * x2 + bafv, 0.0)
            ew16 = jnp.where(base + off + iot < E, ew16, 0.0)
            ewv[pl.ds(off, L)] = ew16
            plsc.addupdate_scatter(degv, [d16], ew16)
            return carry
        lax.fori_loop(0, EPW // L, step, 0)

        pltpu.sync_copy(ewv, ew_h.at[pl.ds(base, EPW)])
        pltpu.sync_copy(degv, degp_h.at[pl.ds(wid * N, N)])

    return pl.kernel(
        body,
        out_type=(jax.ShapeDtypeStruct((EP,), F32),
                  jax.ShapeDtypeStruct((NW * N,), F32)),
        mesh=_sc_mesh(),
        scratch_types=[
            pltpu.VMEM((EPW,), I32), pltpu.VMEM((EPW,), I32),
            pltpu.VMEM((N,), F32), pltpu.VMEM((N,), F32),
            pltpu.VMEM((N,), F32), pltpu.VMEM((N,), F32),
            pltpu.VMEM((N,), F32), pltpu.VMEM((EPW,), F32),
            pltpu.VMEM((3 * L,), F32),
        ],
        compiler_params=_SC_PARAMS,
        name="sc_affinity",
    )


def _make_affinity2(N, NP, E, EP):
    EPW = EP // NW

    def body(src_h, dst_h, qf_h, ea_h, degp_h, sv, dv, qv, degv, eav):
        c = lax.axis_index("c")
        s = lax.axis_index("s")
        wid = s * 2 + c
        base = wid * EPW
        pltpu.sync_copy(src_h.at[pl.ds(base, EPW)], sv)
        pltpu.sync_copy(dst_h.at[pl.ds(base, EPW)], dv)
        pltpu.sync_copy(qf_h, qv)

        def zero(i, carry):
            degv[pl.ds(i * L, L)] = jnp.full((L,), 0.0, F32)
            return carry
        lax.fori_loop(0, N // L, zero, 0)

        iot = lax.iota(I32, L)

        def step(i, carry):
            off = i * L
            s16 = sv[pl.ds(off, L)]
            d16 = dv[pl.ds(off, L)]
            ea16 = jnp.maximum(
                plsc.load_gather(qv, [s16 * 2]) + plsc.load_gather(qv, [d16 * 2 + 1]), 0.0)
            ea16 = jnp.where(base + off + iot < E, ea16, 0.0)
            eav[pl.ds(off, L)] = ea16
            plsc.addupdate_scatter(degv, [d16], ea16)
            return carry
        lax.fori_loop(0, EPW // L, step, 0)

        pltpu.sync_copy(eav, ea_h.at[pl.ds(base, EPW)])
        pltpu.sync_copy(degv, degp_h.at[pl.ds(wid * N, N)])

    return pl.kernel(
        body,
        out_type=(jax.ShapeDtypeStruct((EP,), F32),
                  jax.ShapeDtypeStruct((NW * N,), F32)),
        mesh=_sc_mesh(),
        scratch_types=[
            pltpu.VMEM((EPW,), I32), pltpu.VMEM((EPW,), I32),
            pltpu.VMEM((2 * NP,), F32), pltpu.VMEM((N,), F32),
            pltpu.VMEM((EPW,), F32),
        ],
        compiler_params=_SC_PARAMS,
        name="sc_affinity2",
    )


def _make_conv(N, NP, EP, CH, col_split):
    if col_split:
        EPS = EP // 16
    else:
        EPS = EP // NW
    STEPS = EPS // CH
    RPT = NP // 16
    ZR = 128
    NZ = RPT // ZR

    def body(pk_h, dis_h, feat_h, out_h,
             disv, sa, sb, da, db, gia, gib, ca, cb, ra, rb,
             acc, gsa, gsb, ssa, ssb):
        SI = (sa, sb)
        DI = (da, db)
        GI = (gia, gib)
        CV = (ca, cb)
        ROWS = (ra, rb)
        GSEM = (gsa, gsb)
        SSEM = (ssa, ssb)
        c = lax.axis_index("c")
        s = lax.axis_index("s")
        cNP = c * NP
        pltpu.sync_copy(dis_h, disv)

        def zrow(i, carry):
            for b in range(8):
                ra[i, pl.ds(b * L, L)] = jnp.full((L,), 0.0, F32)
            return carry
        lax.fori_loop(0, ZR, zrow, 0)
        r0 = s * RPT
        for j in range(NZ):
            pltpu.sync_copy(ra, acc.at[pl.ds(r0 + j * ZR, ZR)])
        plsc.subcore_barrier()

        if col_split:
            edge0 = s * EPS
        else:
            edge0 = c * (EP // 2) + s * EPS

        def stage(g, p):
            base = edge0 + g * CH
            pltpu.sync_copy(pk_h.at[pl.ds(base * 3, 3 * CH)], SI[p])
            for b in range(CH // L):
                s16 = SI[p][pl.ds(b * L, L)]
                d16 = SI[p][pl.ds(CH + b * L, L)]
                ew16 = plsc.bitcast(SI[p][pl.ds(2 * CH + b * L, L)], F32)
                GI[p][pl.ds(b * L, L)] = s16 + cNP if col_split else s16
                DI[p][pl.ds(b * L, L)] = d16
                CV[p][pl.ds(b * L, L)] = (plsc.load_gather(disv, [s16]) * ew16
                                          * plsc.load_gather(disv, [d16]))
            return pltpu.async_copy(feat_h.at[GI[p]], ROWS[p], GSEM[p])

        def scale(p):
            def scale_j(j, carry2):
                cj = plsc.load_gather(CV[p],
                                      [jnp.broadcast_to(j, (L,)).astype(I32)])
                for b in range(8):
                    ROWS[p][j, pl.ds(b * L, L)] = ROWS[p][j, pl.ds(b * L, L)] * cj
                return carry2
            lax.fori_loop(0, CH, scale_j, 0)

        def step2(o, carry):
            g = o * 2
            hga = stage(g, 0)
            hgb = stage(g + 1, 1)
            hga.wait()
            scale(0)
            hsa = pltpu.async_copy(ROWS[0], acc.at[DI[0]], SSEM[0], add=True)
            hgb.wait()
            scale(1)
            hsb = pltpu.async_copy(ROWS[1], acc.at[DI[1]], SSEM[1], add=True)
            hsa.wait()
            hsb.wait()
            return carry
        lax.fori_loop(0, STEPS // 2, step2, 0)
        if STEPS % 2:
            hga = stage(STEPS - 1, 0)
            hga.wait()
            scale(0)
            pltpu.sync_copy(ROWS[0], acc.at[DI[0]], add=True)
        plsc.subcore_barrier()

        for j in range(NZ):
            pltpu.sync_copy(acc.at[pl.ds(r0 + j * ZR, ZR)], ra)
            pltpu.sync_copy(ra, out_h.at[pl.ds(cNP + r0 + j * ZR, ZR)])

    return pl.kernel(
        body,
        out_type=jax.ShapeDtypeStruct((2 * NP, 128), F32),
        mesh=_sc_mesh(),
        scratch_types=[
            pltpu.VMEM((N,), F32),
            pltpu.VMEM((3 * CH,), I32), pltpu.VMEM((3 * CH,), I32),
            pltpu.VMEM((CH,), I32), pltpu.VMEM((CH,), I32),
            pltpu.VMEM((CH,), I32), pltpu.VMEM((CH,), I32),
            pltpu.VMEM((CH,), F32), pltpu.VMEM((CH,), F32),
            pltpu.VMEM((CH, 128), F32), pltpu.VMEM((CH, 128), F32),
            pltpu.VMEM_SHARED((NP, 128), F32),
            pltpu.SemaphoreType.DMA, pltpu.SemaphoreType.DMA,
            pltpu.SemaphoreType.DMA, pltpu.SemaphoreType.DMA,
        ],
        compiler_params=_SC_PARAMS,
        name="sc_conv_col" if col_split else "sc_conv_edge",
    )


def _make_diff(EP2, CH):
    EPW = EP2 // NW
    STEPS = EPW // CH

    def body(d0_h, d1_h, outf_h, inp_h,
             ia0, ia1, ib0, ib1, r0a, r0b, r1a, r1b, wa, wb,
             ga0, ga1, gb0, gb1, ws0, ws1):
        IA = (ia0, ia1)
        IB = (ib0, ib1)
        R0 = (r0a, r0b)
        R1 = (r1a, r1b)
        WO = (wa, wb)
        GA = (ga0, ga1)
        GB = (gb0, gb1)
        WS = (ws0, ws1)
        c = lax.axis_index("c")
        s = lax.axis_index("s")
        wid = s * 2 + c
        base0 = wid * EPW

        def stage(g, p):
            base = base0 + g * CH
            pltpu.sync_copy(d0_h.at[pl.ds(base, CH)], IA[p])
            pltpu.sync_copy(d1_h.at[pl.ds(base, CH)], IB[p])
            return (pltpu.async_copy(outf_h.at[IA[p]], R0[p], GA[p]),
                    pltpu.async_copy(outf_h.at[IB[p]], R1[p], GB[p]))

        def diffrows(p):
            def diff_j(j, carry2):
                for b in range(8):
                    WO[p][j, pl.ds(b * L, L)] = (R0[p][j, pl.ds(b * L, L)]
                                                 - R1[p][j, pl.ds(b * L, L)])
                return carry2
            lax.fori_loop(0, CH, diff_j, 0)

        def step2(o, carry):
            g = o * 2
            ha0, ha1 = stage(g, 0)
            hb0, hb1 = stage(g + 1, 1)
            ha0.wait()
            ha1.wait()
            diffrows(0)
            hw0 = pltpu.async_copy(WO[0], inp_h.at[pl.ds(base0 + g * CH, CH)],
                                   WS[0])
            hb0.wait()
            hb1.wait()
            diffrows(1)
            hw1 = pltpu.async_copy(WO[1],
                                   inp_h.at[pl.ds(base0 + (g + 1) * CH, CH)],
                                   WS[1])
            hw0.wait()
            hw1.wait()
            return carry
        lax.fori_loop(0, STEPS // 2, step2, 0)
        if STEPS % 2:
            h0, h1 = stage(STEPS - 1, 0)
            h0.wait()
            h1.wait()
            diffrows(0)
            pltpu.sync_copy(WO[0], inp_h.at[pl.ds(base0 + (STEPS - 1) * CH, CH)])

    return pl.kernel(
        body,
        out_type=jax.ShapeDtypeStruct((EP2, 128), F32),
        mesh=_sc_mesh(),
        scratch_types=[
            pltpu.VMEM((CH,), I32), pltpu.VMEM((CH,), I32),
            pltpu.VMEM((CH,), I32), pltpu.VMEM((CH,), I32),
            pltpu.VMEM((CH, 128), F32), pltpu.VMEM((CH, 128), F32),
            pltpu.VMEM((CH, 128), F32), pltpu.VMEM((CH, 128), F32),
            pltpu.VMEM((CH, 128), F32), pltpu.VMEM((CH, 128), F32),
            pltpu.SemaphoreType.DMA, pltpu.SemaphoreType.DMA,
            pltpu.SemaphoreType.DMA, pltpu.SemaphoreType.DMA,
            pltpu.SemaphoreType.DMA, pltpu.SemaphoreType.DMA,
        ],
        compiler_params=_SC_PARAMS,
        name="sc_diff",
    )



def _round_up(v, m):
    return ((v + m - 1) // m) * m



def kernel(x, coords, edge_index, data_edge_index, Wa, ba, Wg, bg, Waf, baf,
           Wc1, bc1, Wm1, bm1, Wc2, bc2, Wf1, bf1, Wf2, bf2):
    N, D = x.shape
    E = edge_index.shape[1]
    E2 = data_edge_index.shape[1]
    EP = _round_up(E, 4096)
    EP2 = _round_up(E2, 4096)
    NP = _round_up(N, 2048)
    BN = 1024
    GN = NP // BN
    BM = 1024

    src = _pad_edges(edge_index[0], EP)
    dst = _pad_edges(edge_index[1], EP)
    d0 = _pad_edges(data_edge_index[0], EP2)
    d1 = _pad_edges(data_edge_index[1], EP2)
    xp = jnp.concatenate([x, jnp.zeros((NP - N, D), F32)])

    Wpa = jnp.stack([Wa[0, :D], Wa[0, D:]])
    Wgs = jnp.stack([Wg[0, :4], Wg[0, 4:]])
    b4 = jnp.stack([ba[0], 0.0, bg[0], 0.0]).reshape(4, 1).astype(F32)
    cst = jnp.concatenate([jnp.broadcast_to(Waf[0, 0], (L,)),
                           jnp.broadcast_to(Waf[0, 1], (L,)),
                           jnp.broadcast_to(baf[0], (L,))]).astype(F32)
    bc1r = bc1.reshape(2, 1, 128)
    Wc2a = Wc2[:, :128]
    Wc2b = Wc2[:, 128:]
    Wqc = jnp.stack([Wm1[0, :256], Wm1[0, 256:]], axis=1)
    Wqa = Wqc[:128]
    Wqb = Wqc[128:]
    bq = jnp.stack([bm1[0], 0.0]).reshape(1, 2).astype(F32)
    bf1r = bf1.reshape(1, 64)
    bf2r = bf2.reshape(1, 1)

    pg = pl.pallas_call(
        _proj_body,
        out_shape=jax.ShapeDtypeStruct((4, N), F32),
    )(x, coords, Wpa, Wgs, b4)
    pgf = pg.reshape(4 * N)

    hw1 = pl.pallas_call(
        _hw1_body,
        grid=(GN,),
        in_specs=[pl.BlockSpec((BN, D), lambda i: (i, 0)),
                  pl.BlockSpec((256, D), lambda i: (0, 0))],
        out_specs=pl.BlockSpec((2, BN, 128), lambda i: (0, i, 0)),
        out_shape=jax.ShapeDtypeStruct((2, NP, 128), F32),
    )(xp, Wc1)
    hw1f = hw1.reshape(2 * NP, 128)

    ew, degp = _make_affinity(N, E, EP)(src, dst, pgf, cst)

    dis, inv = pl.pallas_call(
        _deg_body,
        out_shape=(jax.ShapeDtypeStruct((1, N), F32),
                   jax.ShapeDtypeStruct((1, N), F32)),
    )(degp.reshape(NW, N))
    disf = dis.reshape(N)
    invc = jnp.concatenate([inv.reshape(N, 1), jnp.zeros((NP - N, 1), F32)])

    pk1 = jnp.stack([src.reshape(-1, 128), dst.reshape(-1, 128),
                     lax.bitcast_convert_type(ew, I32).reshape(-1, 128)],
                    axis=1).reshape(-1)
    acc1 = _make_conv(N, NP, EP, 128, True)(pk1, disf, hw1f)
    acc1v = acc1.reshape(2, NP, 128)

    hw2, q = pl.pallas_call(
        _stage_e_body,
        grid=(GN,),
        in_specs=[pl.BlockSpec((2, BN, 128), lambda i: (0, i, 0)),
                  pl.BlockSpec((2, BN, 128), lambda i: (0, i, 0)),
                  pl.BlockSpec((BN, 1), lambda i: (i, 0)),
                  pl.BlockSpec((2, 1, 128), lambda i: (0, 0, 0)),
                  pl.BlockSpec((128, 128), lambda i: (0, 0)),
                  pl.BlockSpec((128, 128), lambda i: (0, 0)),
                  pl.BlockSpec((128, 2), lambda i: (0, 0)),
                  pl.BlockSpec((128, 2), lambda i: (0, 0)),
                  pl.BlockSpec((1, 2), lambda i: (0, 0))],
        out_specs=(pl.BlockSpec((BN, 128), lambda i: (i, 0)),
                   pl.BlockSpec((BN, 2), lambda i: (i, 0))),
        out_shape=(jax.ShapeDtypeStruct((NP, 128), F32),
                   jax.ShapeDtypeStruct((NP, 2), F32)),
    )(acc1v, hw1, invc, bc1r, Wc2a, Wc2b, Wqa, Wqb, bq)
    qf = q.reshape(2 * NP)

    ea2, degp2 = _make_affinity2(N, NP, E, EP)(src, dst, qf)

    dis2, inv2 = pl.pallas_call(
        _deg_body,
        out_shape=(jax.ShapeDtypeStruct((1, N), F32),
                   jax.ShapeDtypeStruct((1, N), F32)),
    )(degp2.reshape(NW, N))
    dis2f = dis2.reshape(N)
    inv2c = jnp.concatenate([inv2.reshape(N, 1), jnp.zeros((NP - N, 1), F32)])

    pk2 = jnp.stack([src.reshape(-1, 128), dst.reshape(-1, 128),
                     lax.bitcast_convert_type(ea2, I32).reshape(-1, 128)],
                    axis=1).reshape(-1)
    acc2 = _make_conv(N, NP, EP, 128, False)(pk2, dis2f, hw2)
    acc2v = acc2.reshape(2, NP, 128)

    outF = pl.pallas_call(
        _combine_body,
        grid=(GN,),
        in_specs=[pl.BlockSpec((2, BN, 128), lambda i: (0, i, 0)),
                  pl.BlockSpec((BN, 128), lambda i: (i, 0)),
                  pl.BlockSpec((BN, 1), lambda i: (i, 0))],
        out_specs=pl.BlockSpec((BN, 128), lambda i: (i, 0)),
        out_shape=jax.ShapeDtypeStruct((NP, 128), F32),
    )(acc2v, hw2, inv2c)

    inp = _make_diff(EP2, 128)(d0, d1, outF)

    prob = pl.pallas_call(
        _mlp_body,
        grid=(EP2 // BM,),
        in_specs=[pl.BlockSpec((BM, 128), lambda i: (i, 0)),
                  pl.BlockSpec((64, 128), lambda i: (0, 0)),
                  pl.BlockSpec((1, 64), lambda i: (0, 0)),
                  pl.BlockSpec((1, 64), lambda i: (0, 0)),
                  pl.BlockSpec((1, 1), lambda i: (0, 0))],
        out_specs=pl.BlockSpec((BM, 1), lambda i: (i, 0)),
        out_shape=jax.ShapeDtypeStruct((EP2, 1), F32),
    )(inp, Wf1, bf1r, Wf2, bf2r)

    return prob[:E2]

# --- scband reference (transcript-rebuilt; emitter-appended) ---
"""Pipeline reference for scband-model-16475494548225 (READ-ONLY COPY).

The authoritative reference and input builder live on the scoring server;
editing this copy changes nothing except your own understanding.
"""

import jax, jax.numpy as jnp
import numpy as np

N = 10000
E = 150000
E2 = 150000
D = 512


def _lin(k, out_d, in_d):
    k1, k2 = jax.random.split(k)
    W = jax.random.normal(k1, (out_d, in_d), dtype=jnp.float32) * 0.05
    b = jax.random.normal(k2, (out_d,), dtype=jnp.float32) * 0.05
    return W, b


def setup_inputs(seed: int = 0):
    key = jax.random.key(seed)
    ks = [jax.random.fold_in(key, i) for i in range(16)]
    x = jax.random.normal(ks[0], (N, D), dtype=jnp.float32)
    coords = jax.random.uniform(ks[1], (N, 4), dtype=jnp.float32)
    edge_index = jax.random.randint(ks[2], (2, E), 0, N, dtype=jnp.int32)
    data_edge_index = jax.random.randint(ks[3], (2, E2), 0, N, dtype=jnp.int32)
    Wa, ba = _lin(ks[4], 1, 1024)
    Wg, bg = _lin(ks[5], 1, 8)
    Waf, baf = _lin(ks[6], 1, 2)
    Wc1, bc1 = _lin(ks[7], 256, 512)
    Wm1, bm1 = _lin(ks[8], 1, 512)
    Wc2, bc2 = _lin(ks[9], 128, 256)
    Wf1, bf1 = _lin(ks[10], 64, 128)
    Wf2, bf2 = _lin(ks[11], 1, 64)
    return {
        'x': x, 'coords': coords, 'edge_index': edge_index,
        'data_edge_index': data_edge_index,
        'Wa': Wa, 'ba': ba, 'Wg': Wg, 'bg': bg, 'Waf': Waf, 'baf': baf,
        'Wc1': Wc1, 'bc1': bc1, 'Wm1': Wm1, 'bm1': bm1,
        'Wc2': Wc2, 'bc2': bc2, 'Wf1': Wf1, 'bf1': bf1, 'Wf2': Wf2, 'bf2': bf2,
    }


def _gcn_conv(h, edge_index, edge_weight, W, b):
    # PyG GCNConv: x' = x @ W^T, add self loops (weight 1), sym-normalize, aggregate, + bias
    n = h.shape[0]
    hw = h @ W.T
    loop = jnp.arange(n, dtype=edge_index.dtype)
    row = jnp.concatenate([edge_index[0], loop])
    col = jnp.concatenate([edge_index[1], loop])
    w = jnp.concatenate([edge_weight, jnp.ones((n,), dtype=h.dtype)])
    deg = jnp.zeros((n,), dtype=h.dtype).at[col].add(w)
    dis = jnp.where(deg > 0, deg ** -0.5, 0.0)
    norm = dis[row] * w * dis[col]
    out = jnp.zeros((n, W.shape[0]), dtype=h.dtype).at[col].add(norm[:, None] * hw[row])
    return out + b


def reference(x, coords, edge_index, data_edge_index, Wa, ba, Wg, bg, Waf, baf,
              Wc1, bc1, Wm1, bm1, Wc2, bc2, Wf1, bf1, Wf2, bf2):
    src, dst = edge_index[0], edge_index[1]
    # per-edge affinity MLPs (vectorized form of the python loops)
    app_in = jnp.concatenate([x[src], x[dst]], axis=1)           # [E, 1024]
    x1 = jax.nn.relu(app_in @ Wa.T + ba)                          # [E, 1]
    geo_in = jnp.concatenate([coords[src], coords[dst]], axis=1)  # [E, 8]
    x2 = jax.nn.relu(geo_in @ Wg.T + bg)                          # [E, 1]
    ew = jax.nn.relu(jnp.concatenate([x1, x2], axis=1) @ Waf.T + baf).reshape(-1)  # [E]
    # optimNet
    h = jax.nn.relu(_gcn_conv(x, edge_index, ew, Wc1, bc1))       # [N, 256]
    sim_in = jnp.concatenate([h[src], h[dst]], axis=1)            # [E, 512]
    ea2 = jax.nn.relu(sim_in @ Wm1.T + bm1).reshape(-1)           # [E]
    out = _gcn_conv(h, edge_index, ea2, Wc2, bc2)                 # [N, 128]
    # final affinity on data.edge_index
    inp = out[data_edge_index[0]] - out[data_edge_index[1]]       # [E2, 128]
    hid = jax.nn.relu(inp @ Wf1.T + bf1)
    logits = hid @ Wf2.T + bf2
    prob = jax.nn.sigmoid(logits)
    return prob

if __name__ == "__main__":
    import jax
    _d = setup_inputs()
    print(jax.jit(kernel)(*tuple(_d.values())))

</pallas_src>

<mosaic_0001>
#map = affine_map<(d0, d1) -> (0)>
#map1 = affine_map<(d0, d1) -> (0, 0)>
module attributes {stable_mosaic.version = 14 : i64} {
  func.func @sc_conv_col(%arg0: i32, %arg1: i32, %arg2: memref<454656xi32, #tpu.memory_space<hbm>>, %arg3: memref<10000xf32, #tpu.memory_space<hbm>>, %arg4: memref<20480x128xf32, #tpu.memory_space<hbm>>, %arg5: memref<20480x128xf32, #tpu.memory_space<hbm>>, %arg6: memref<10000xf32, #tpu.memory_space<vmem>>, %arg7: memref<384xi32, #tpu.memory_space<vmem>>, %arg8: memref<384xi32, #tpu.memory_space<vmem>>, %arg9: memref<128xi32, #tpu.memory_space<vmem>>, %arg10: memref<128xi32, #tpu.memory_space<vmem>>, %arg11: memref<128xi32, #tpu.memory_space<vmem>>, %arg12: memref<128xi32, #tpu.memory_space<vmem>>, %arg13: memref<128xf32, #tpu.memory_space<vmem>>, %arg14: memref<128xf32, #tpu.memory_space<vmem>>, %arg15: memref<128x128xf32, #tpu.memory_space<vmem>>, %arg16: memref<128x128xf32, #tpu.memory_space<vmem>>, %arg17: memref<10240x128xf32, #tpu.memory_space<vmem_shared>>, %arg18: memref<!tpu.dma_semaphore, #tpu.memory_space<semaphore_mem>>, %arg19: memref<!tpu.dma_semaphore, #tpu.memory_space<semaphore_mem>>, %arg20: memref<!tpu.dma_semaphore, #tpu.memory_space<semaphore_mem>>, %arg21: memref<!tpu.dma_semaphore, #tpu.memory_space<semaphore_mem>>) attributes {dimension_semantics = [#tpu.dimension_semantics<core_parallel>, #tpu.dimension_semantics<subcore_parallel>], iteration_bounds = array<i64: 2, 16>, scalar_prefetch = 0 : i64, scratch_operands = 16 : i64, tpu.core_type = #tpu.core_type<sc_vector_subcore>, window_params = [{transform_indices = #map}, {transform_indices = #map}, {transform_indices = #map1}, {transform_indices = #map1}]} {
    %mul3A = arith.constant 10240 : i32
    %mul3A_0 = arith.muli %arg0, %mul3A : i32
    "tpu.region"() ({
      %run_scoped3A = tpu.sem_alloc : memref<!tpu.dma_semaphore, #tpu.memory_space<semaphore_mem>>
      tpu.enqueue_dma source(%arg3 : memref<10000xf32, #tpu.memory_space<hbm>>) target(%arg6 : memref<10000xf32, #tpu.memory_space<vmem>>) target_semaphore(%run_scoped3A : memref<!tpu.dma_semaphore, #tpu.memory_space<semaphore_mem>>)
      tpu.wait_dma2 semaphore(%run_scoped3A : memref<!tpu.dma_semaphore, #tpu.memory_space<semaphore_mem>>) src(%arg3 : memref<10000xf32, #tpu.memory_space<hbm>>) dst(%arg6 : memref<10000xf32, #tpu.memory_space<vmem>>)
      tpu.yield
    }) : () -> ()
    %scan3A = arith.constant 0 : i32
    %scan3A_1 = arith.constant 0 : i32
    %scan3A_2 = arith.constant 128 : i32
    %scan3A_3 = arith.addi %scan3A_1, %scan3A_2 : i32
    %scan3A_4 = arith.constant 1 : i32
    scf.for %scan3A_51 = %scan3A_1 to %scan3A_3 step %scan3A_4  : i32 {
      %broadcast_in_dim3A = arith.constant 0.000000e+00 : f32
      %broadcast_in_dim3A_52 = vector.broadcast %broadcast_in_dim3A : f32 to vector<16xf32>
      %swap3A = arith.index_cast %scan3A_51 : i32 to index
      %swap3A_53 = arith.constant 0 : index
      %swap3A_54 = tpu.vector_load %arg15[%swap3A, %swap3A_53] {strides = array<i32>} : memref<128x128xf32, #tpu.memory_space<vmem>>, vector<16xf32>,
      tpu.vector_store %arg15[%swap3A, %swap3A_53], %broadcast_in_dim3A_52 {strides = array<i32>} : memref<128x128xf32, #tpu.memory_space<vmem>>, vector<16xf32>,
      %broadcast_in_dim3A_55 = arith.constant 0.000000e+00 : f32
      %broadcast_in_dim3A_56 = vector.broadcast %broadcast_in_dim3A_55 : f32 to vector<16xf32>
      %swap3A_57 = arith.index_cast %scan3A_51 : i32 to index
      %swap3A_58 = arith.constant 16 : index
      %swap3A_59 = tpu.vector_load %arg15[%swap3A_57, %swap3A_58] {strides = array<i32>} : memref<128x128xf32, #tpu.memory_space<vmem>>, vector<16xf32>,
      tpu.vector_store %arg15[%swap3A_57, %swap3A_58], %broadcast_in_dim3A_56 {strides = array<i32>} : memref<128x128xf32, #tpu.memory_space<vmem>>, vector<16xf32>,
      %broadcast_in_dim3A_60 = arith.constant 0.000000e+00 : f32
      %broadcast_in_dim3A_61 = vector.broadcast %broadcast_in_dim3A_60 : f32 to vector<16xf32>
      %swap3A_62 = arith.index_cast %scan3A_51 : i32 to index
      %swap3A_63 = arith.constant 32 : index
      %swap3A_64 = tpu.vector_load %arg15[%swap3A_62, %swap3A_63] {strides = array<i32>} : memref<128x128xf32, #tpu.memory_space<vmem>>, vector<16xf32>,
      tpu.vector_store %arg15[%swap3A_62, %swap3A_63], %broadcast_in_dim3A_61 {strides = array<i32>} : memref<128x128xf32, #tpu.memory_space<vmem>>, vector<16xf32>,
      %broadcast_in_dim3A_65 = arith.constant 0.000000e+00 : f32
      %broadcast_in_dim3A_66 = vector.broadcast %broadcast_in_dim3A_65 : f32 to vector<16xf32>
      %swap3A_67 = arith.index_cast %scan3A_51 : i32 to index
      %swap3A_68 = arith.constant 48 : index
      %swap3A_69 = tpu.vector_load %arg15[%swap3A_67, %swap3A_68] {strides = array<i32>} : memref<128x128xf32, #tpu.memory_space<vmem>>, vector<16xf32>,
      tpu.vector_store %arg15[%swap3A_67, %swap3A_68], %broadcast_in_dim3A_66 {strides = array<i32>} : memref<128x128xf32, #tpu.memory_space<vmem>>, vector<16xf32>,
      %broadcast_in_dim3A_70 = arith.constant 0.000000e+00 : f32
      %broadcast_in_dim3A_71 = vector.broadcast %broadcast_in_dim3A_70 : f32 to vector<16xf32>
      %swap3A_72 = arith.index_cast %scan3A_51 : i32 to index
      %swap3A_73 = arith.constant 64 : index
      %swap3A_74 = tpu.vector_load %arg15[%swap3A_72, %swap3A_73] {strides = array<i32>} : memref<128x128xf32, #tpu.memory_space<vmem>>, vector<16xf32>,
      tpu.vector_store %arg15[%swap3A_72, %swap3A_73], %broadcast_in_dim3A_71 {strides = array<i32>} : memref<128x128xf32, #tpu.memory_space<vmem>>, vector<16xf32>,
      %broadcast_in_dim3A_75 = arith.constant 0.000000e+00 : f32
      %broadcast_in_dim3A_76 = vector.broadcast %broadcast_in_dim3A_75 : f32 to vector<16xf32>
      %swap3A_77 = arith.index_cast %scan3A_51 : i32 to index
      %swap3A_78 = arith.constant 80 : index
      %swap3A_79 = tpu.vector_load %arg15[%swap3A_77, %swap3A_78] {strides = array<i32>} : memref<128x128xf32, #tpu.memory_space<vmem>>, vector<16xf32>,
      tpu.vector_store %arg15[%swap3A_77, %swap3A_78], %broadcast_in_dim3A_76 {strides = array<i32>} : memref<128x128xf32, #tpu.memory_space<vmem>>, vector<16xf32>,
      %broadcast_in_dim3A_80 = arith.constant 0.000000e+00 : f32
      %broadcast_in_dim3A_81 = vector.broadcast %broadcast_in_dim3A_80 : f32 to vector<16xf32>
      %swap3A_82 = arith.index_cast %scan3A_51 : i32 to index
      %swap3A_83 = arith.constant 96 : index
      %swap3A_84 = tpu.vector_load %arg15[%swap3A_82, %swap3A_83] {strides = array<i32>} : memref<128x128xf32, #tpu.memory_space<vmem>>, vector<16xf32>,
      tpu.vector_store %arg15[%swap3A_82, %swap3A_83], %broadcast_in_dim3A_81 {strides = array<i32>} : memref<128x128xf32, #tpu.memory_space<vmem>>, vector<16xf32>,
      %broadcast_in_dim3A_85 = arith.constant 0.000000e+00 : f32
      %broadcast_in_dim3A_86 = vector.broadcast %broadcast_in_dim3A_85 : f32 to vector<16xf32>
      %swap3A_87 = arith.index_cast %scan3A_51 : i32 to index
      %swap3A_88 = arith.constant 112 : index
      %swap3A_89 = tpu.vector_load %arg15[%swap3A_87, %swap3A_88] {strides = array<i32>} : memref<128x128xf32, #tpu.memory_space<vmem>>, vector<16xf32>,
      tpu.vector_store %arg15[%swap3A_87, %swap3A_88], %broadcast_in_dim3A_86 {strides = array<i32>} : memref<128x128xf32, #tpu.memory_space<vmem>>, vector<16xf32>,
    }
    %scan3A_5 = arith.constant 128 : i32
    %mul3A_6 = arith.constant 640 : i32
    %mul3A_7 = arith.muli %arg1, %mul3A_6 : i32
    %add3A = arith.constant 0 : i32
    %add3A_8 = arith.addi %mul3A_7, %add3A : i32
    "tpu.region"() ({
      %run_scoped3A = tpu.sem_alloc : memref<!tpu.dma_semaphore, #tpu.memory_space<semaphore_mem>>
      %dma_start3A = arith.constant 0 : i32
      %dma_start3A_51 = tpu.memref_slice %arg17[%add3A_8, %dma_start3A] : memref<10240x128xf32, #tpu.memory_space<vmem_shared>> -> memref<128x128xf32, #tpu.memory_space<vmem_shared>>
      %dma_start3A_52 = arith.constant 0 : i32
      %dma_start3A_53 = tpu.memref_slice %arg17[%add3A_8, %dma_start3A_52] : memref<10240x128xf32, #tpu.memory_space<vmem_shared>> -> memref<128x128xf32, #tpu.memory_space<vmem_shared>>
      tpu.enqueue_dma source(%arg15 : memref<128x128xf32, #tpu.memory_space<vmem>>) target(%dma_start3A_53 : memref<128x128xf32, #tpu.memory_space<vmem_shared>>) target_semaphore(%run_scoped3A : memref<!tpu.dma_semaphore, #tpu.memory_space<semaphore_mem>>)
      %dma_wait3A = arith.constant 0 : i32
      %dma_wait3A_54 = tpu.memref_slice %arg17[%add3A_8, %dma_wait3A] : memref<10240x128xf32, #tpu.memory_space<vmem_shared>> -> memref<128x128xf32, #tpu.memory_space<vmem_shared>>
      %dma_wait3A_55 = arith.constant 0 : i32
      %dma_wait3A_56 = tpu.memref_slice %arg17[%add3A_8, %dma_wait3A_55] : memref<10240x128xf32, #tpu.memory_space<vmem_shared>> -> memref<128x128xf32, #tpu.memory_space<vmem_shared>>
      tpu.wait_dma2 semaphore(%run_scoped3A : memref<!tpu.dma_semaphore, #tpu.memory_space<semaphore_mem>>) src(%arg15 : memref<128x128xf32, #tpu.memory_space<vmem>>) dst(%dma_wait3A_56 : memref<128x128xf32, #tpu.memory_space<vmem_shared>>)
      tpu.yield
    }) : () -> ()
    %add3A_9 = arith.constant 128 : i32
    %add3A_10 = arith.addi %mul3A_7, %add3A_9 : i32
    "tpu.region"() ({
      %run_scoped3A = tpu.sem_alloc : memref<!tpu.dma_semaphore, #tpu.memory_space<semaphore_mem>>
      %dma_start3A = arith.constant 0 : i32
      %dma_start3A_51 = tpu.memref_slice %arg17[%add3A_10, %dma_start3A] : memref<10240x128xf32, #tpu.memory_space<vmem_shared>> -> memref<128x128xf32, #tpu.memory_space<vmem_shared>>
      %dma_start3A_52 = arith.constant 0 : i32
      %dma_start3A_53 = tpu.memref_slice %arg17[%add3A_10, %dma_start3A_52] : memref<10240x128xf32, #tpu.memory_space<vmem_shared>> -> memref<128x128xf32, #tpu.memory_space<vmem_shared>>
      tpu.enqueue_dma source(%arg15 : memref<128x128xf32, #tpu.memory_space<vmem>>) target(%dma_start3A_53 : memref<128x128xf32, #tpu.memory_space<vmem_shared>>) target_semaphore(%run_scoped3A : memref<!tpu.dma_semaphore, #tpu.memory_space<semaphore_mem>>)
      %dma_wait3A = arith.constant 0 : i32
      %dma_wait3A_54 = tpu.memref_slice %arg17[%add3A_10, %dma_wait3A] : memref<10240x128xf32, #tpu.memory_space<vmem_shared>> -> memref<128x128xf32, #tpu.memory_space<vmem_shared>>
      %dma_wait3A_55 = arith.constant 0 : i32
      %dma_wait3A_56 = tpu.memref_slice %arg17[%add3A_10, %dma_wait3A_55] : memref<10240x128xf32, #tpu.memory_space<vmem_shared>> -> memref<128x128xf32, #tpu.memory_space<vmem_shared>>
      tpu.wait_dma2 semaphore(%run_scoped3A : memref<!tpu.dma_semaphore, #tpu.memory_space<semaphore_mem>>) src(%arg15 : memref<128x128xf32, #tpu.memory_space<vmem>>) dst(%dma_wait3A_56 : memref<128x128xf32, #tpu.memory_space<vmem_shared>>)
      tpu.yield
    }) : () -> ()
    %add3A_11 = arith.constant 256 : i32
    %add3A_12 = arith.addi %mul3A_7, %add3A_11 : i32
    "tpu.region"() ({
      %run_scoped3A = tpu.sem_alloc : memref<!tpu.dma_semaphore, #tpu.memory_space<semaphore_mem>>
      %dma_start3A = arith.constant 0 : i32
      %dma_start3A_51 = tpu.memref_slice %arg17[%add3A_12, %dma_start3A] : memref<10240x128xf32, #tpu.memory_space<vmem_shared>> -> memref<128x128xf32, #tpu.memory_space<vmem_shared>>
      %dma_start3A_52 = arith.constant 0 : i32
      %dma_start3A_53 = tpu.memref_slice %arg17[%add3A_12, %dma_start3A_52] : memref<10240x128xf32, #tpu.memory_space<vmem_shared>> -> memref<128x128xf32, #tpu.memory_space<vmem_shared>>
      tpu.enqueue_dma source(%arg15 : memref<128x128xf32, #tpu.memory_space<vmem>>) target(%dma_start3A_53 : memref<128x128xf32, #tpu.memory_space<vmem_shared>>) target_semaphore(%run_scoped3A : memref<!tpu.dma_semaphore, #tpu.memory_space<semaphore_mem>>)
      %dma_wait3A = arith.constant 0 : i32
      %dma_wait3A_54 = tpu.memref_slice %arg17[%add3A_12, %dma_wait3A] : memref<10240x128xf32, #tpu.memory_space<vmem_shared>> -> memref<128x128xf32, #tpu.memory_space<vmem_shared>>
      %dma_wait3A_55 = arith.constant 0 : i32
      %dma_wait3A_56 = tpu.memref_slice %arg17[%add3A_12, %dma_wait3A_55] : memref<10240x128xf32, #tpu.memory_space<vmem_shared>> -> memref<128x128xf32, #tpu.memory_space<vmem_shared>>
      tpu.wait_dma2 semaphore(%run_scoped3A : memref<!tpu.dma_semaphore, #tpu.memory_space<semaphore_mem>>) src(%arg15 : memref<128x128xf32, #tpu.memory_space<vmem>>) dst(%dma_wait3A_56 : memref<128x128xf32, #tpu.memory_space<vmem_shared>>)
      tpu.yield
    }) : () -> ()
    %add3A_13 = arith.constant 384 : i32
    %add3A_14 = arith.addi %mul3A_7, %add3A_13 : i32
    "tpu.region"() ({
      %run_scoped3A = tpu.sem_alloc : memref<!tpu.dma_semaphore, #tpu.memory_space<semaphore_mem>>
      %dma_start3A = arith.constant 0 : i32
      %dma_start3A_51 = tpu.memref_slice %arg17[%add3A_14, %dma_start3A] : memref<10240x128xf32, #tpu.memory_space<vmem_shared>> -> memref<128x128xf32, #tpu.memory_space<vmem_shared>>
      %dma_start3A_52 = arith.constant 0 : i32
      %dma_start3A_53 = tpu.memref_slice %arg17[%add3A_14, %dma_start3A_52] : memref<10240x128xf32, #tpu.memory_space<vmem_shared>> -> memref<128x128xf32, #tpu.memory_space<vmem_shared>>
      tpu.enqueue_dma source(%arg15 : memref<128x128xf32, #tpu.memory_space<vmem>>) target(%dma_start3A_53 : memref<128x128xf32, #tpu.memory_space<vmem_shared>>) target_semaphore(%run_scoped3A : memref<!tpu.dma_semaphore, #tpu.memory_space<semaphore_mem>>)
      %dma_wait3A = arith.constant 0 : i32
      %dma_wait3A_54 = tpu.memref_slice %arg17[%add3A_14, %dma_wait3A] : memref<10240x128xf32, #tpu.memory_space<vmem_shared>> -> memref<128x128xf32, #tpu.memory_space<vmem_shared>>
      %dma_wait3A_55 = arith.constant 0 : i32
      %dma_wait3A_56 = tpu.memref_slice %arg17[%add3A_14, %dma_wait3A_55] : memref<10240x128xf32, #tpu.memory_space<vmem_shared>> -> memref<128x128xf32, #tpu.memory_space<vmem_shared>>
      tpu.wait_dma2 semaphore(%run_scoped3A : memref<!tpu.dma_semaphore, #tpu.memory_space<semaphore_mem>>) src(%arg15 : memref<128x128xf32, #tpu.memory_space<vmem>>) dst(%dma_wait3A_56 : memref<128x128xf32, #tpu.memory_space<vmem_shared>>)
      tpu.yield
    }) : () -> ()
    %add3A_15 = arith.constant 512 : i32
    %add3A_16 = arith.addi %mul3A_7, %add3A_15 : i32
    "tpu.region"() ({
      %run_scoped3A = tpu.sem_alloc : memref<!tpu.dma_semaphore, #tpu.memory_space<semaphore_mem>>
      %dma_start3A = arith.constant 0 : i32
      %dma_start3A_51 = tpu.memref_slice %arg17[%add3A_16, %dma_start3A] : memref<10240x128xf32, #tpu.memory_space<vmem_shared>> -> memref<128x128xf32, #tpu.memory_space<vmem_shared>>
      %dma_start3A_52 = arith.constant 0 : i32
      %dma_start3A_53 = tpu.memref_slice %arg17[%add3A_16, %dma_start3A_52] : memref<10240x128xf32, #tpu.memory_space<vmem_shared>> -> memref<128x128xf32, #tpu.memory_space<vmem_shared>>
      tpu.enqueue_dma source(%arg15 : memref<128x128xf32, #tpu.memory_space<vmem>>) target(%dma_start3A_53 : memref<128x128xf32, #tpu.memory_space<vmem_shared>>) target_semaphore(%run_scoped3A : memref<!tpu.dma_semaphore, #tpu.memory_space<semaphore_mem>>)
      %dma_wait3A = arith.constant 0 : i32
      %dma_wait3A_54 = tpu.memref_slice %arg17[%add3A_16, %dma_wait3A] : memref<10240x128xf32, #tpu.memory_space<vmem_shared>> -> memref<128x128xf32, #tpu.memory_space<vmem_shared>>
      %dma_wait3A_55 = arith.constant 0 : i32
      %dma_wait3A_56 = tpu.memref_slice %arg17[%add3A_16, %dma_wait3A_55] : memref<10240x128xf32, #tpu.memory_space<vmem_shared>> -> memref<128x128xf32, #tpu.memory_space<vmem_shared>>
      tpu.wait_dma2 semaphore(%run_scoped3A : memref<!tpu.dma_semaphore, #tpu.memory_space<semaphore_mem>>) src(%arg15 : memref<128x128xf32, #tpu.memory_space<vmem>>) dst(%dma_wait3A_56 : memref<128x128xf32, #tpu.memory_space<vmem_shared>>)
      tpu.yield
    }) : () -> ()
    %barrier3A = arith.constant 0 : index
    tpu.barrier barrier_id(%barrier3A)
    %mul3A_17 = arith.constant 9472 : i32
    %mul3A_18 = arith.muli %arg1, %mul3A_17 : i32
    %scan3A_19 = arith.constant 0 : i32
    %scan3A_20 = arith.constant 0 : i32
    %scan3A_21 = arith.constant 37 : i32
    %scan3A_22 = arith.addi %scan3A_20, %scan3A_21 : i32
    %scan3A_23 = arith.constant 1 : i32
    scf.for %scan3A_51 = %scan3A_20 to %scan3A_22 step %scan3A_23  : i32 {
      %mul3A_52 = arith.constant 2 : i32
      %mul3A_53 = arith.muli %scan3A_51, %mul3A_52 : i32
      %mul3A_54 = arith.constant 128 : i32
      %mul3A_55 = arith.muli %mul3A_53, %mul3A_54 : i32
      %add3A_56 = arith.addi %mul3A_18, %mul3A_55 : i32
      %mul3A_57 = arith.constant 3 : i32
      %mul3A_58 = arith.muli %add3A_56, %mul3A_57 : i32
      "tpu.region"() ({
        %run_scoped3A = tpu.sem_alloc : memref<!tpu.dma_semaphore, #tpu.memory_space<semaphore_mem>>
        %dma_start3A_400 = tpu.memref_slice %arg2[%mul3A_58] : memref<454656xi32, #tpu.memory_space<hbm>> -> memref<384xi32, #tpu.memory_space<hbm>>
        %dma_start3A_401 = tpu.memref_slice %arg2[%mul3A_58] : memref<454656xi32, #tpu.memory_space<hbm>> -> memref<384xi32, #tpu.memory_space<hbm>>
        tpu.enqueue_dma source(%dma_start3A_401 : memref<384xi32, #tpu.memory_space<hbm>>) target(%arg7 : memref<384xi32, #tpu.memory_space<vmem>>) target_semaphore(%run_scoped3A : memref<!tpu.dma_semaphore, #tpu.memory_space<semaphore_mem>>)
        %dma_wait3A_402 = tpu.memref_slice %arg2[%mul3A_58] : memref<454656xi32, #tpu.memory_space<hbm>> -> memref<384xi32, #tpu.memory_space<hbm>>
        %dma_wait3A_403 = tpu.memref_slice %arg2[%mul3A_58] : memref<454656xi32, #tpu.memory_space<hbm>> -> memref<384xi32, #tpu.memory_space<hbm>>
        tpu.wait_dma2 semaphore(%run_scoped3A : memref<!tpu.dma_semaphore, #tpu.memory_space<semaphore_mem>>) src(%dma_wait3A_403 : memref<384xi32, #tpu.memory_space<hbm>>) dst(%arg7 : memref<384xi32, #tpu.memory_space<vmem>>)
        tpu.yield
      }) : () -> ()
      %get3A = arith.constant 0 : index
      %get3A_59 = tpu.vector_load %arg7[%get3A] {strides = array<i32>} : memref<384xi32, #tpu.memory_space<vmem>>, vector<16xi32>,
      %get3A_60 = arith.constant 128 : index
      %get3A_61 = tpu.vector_load %arg7[%get3A_60] {strides = array<i32>} : memref<384xi32, #tpu.memory_space<vmem>>, vector<16xi32>,
      %get3A_62 = arith.constant 256 : index
      %get3A_63 = tpu.vector_load %arg7[%get3A_62] {strides = array<i32>} : memref<384xi32, #tpu.memory_space<vmem>>, vector<16xi32>,
      %bitcast3A = vector.bitcast %get3A_63 : vector<16xi32> to vector<16xf32>
      %add3A_64 = vector.broadcast %mul3A_0 : i32 to vector<16xi32>
      %add3A_65 = arith.addi %get3A_59, %add3A_64 : vector<16xi32>
      %swap3A = arith.constant 0 : index
      %swap3A_66 = tpu.vector_load %arg11[%swap3A] {strides = array<i32>} : memref<128xi32, #tpu.memory_space<vmem>>, vector<16xi32>,
      tpu.vector_store %arg11[%swap3A], %add3A_65 {strides = array<i32>} : memref<128xi32, #tpu.memory_space<vmem>>, vector<16xi32>,
      %swap3A_67 = arith.constant 0 : index
      %swap3A_68 = tpu.vector_load %arg9[%swap3A_67] {strides = array<i32>} : memref<128xi32, #tpu.memory_space<vmem>>, vector<16xi32>,
      tpu.vector_store %arg9[%swap3A_67], %get3A_61 {strides = array<i32>} : memref<128xi32, #tpu.memory_space<vmem>>, vector<16xi32>,
      %gather3A = tpu.vector_load_idx %arg6[%get3A_59] : memref<10000xf32, #tpu.memory_space<vmem>>[vector<16xi32>], vector<16xf32>,
      %mul3A_69 = arith.mulf %gather3A, %bitcast3A : vector<16xf32>
      %gather3A_70 = tpu.vector_load_idx %arg6[%get3A_61] : memref<10000xf32, #tpu.memory_space<vmem>>[vector<16xi32>], vector<16xf32>,
      %mul3A_71 = arith.mulf %mul3A_69, %gather3A_70 : vector<16xf32>
      %swap3A_72 = arith.constant 0 : index
      %swap3A_73 = tpu.vector_load %arg13[%swap3A_72] {strides = array<i32>} : memref<128xf32, #tpu.memory_space<vmem>>, vector<16xf32>,
      tpu.vector_store %arg13[%swap3A_72], %mul3A_71 {strides = array<i32>} : memref<128xf32, #tpu.memory_space<vmem>>, vector<16xf32>,
      %get3A_74 = arith.constant 16 : index
      %get3A_75 = tpu.vector_load %arg7[%get3A_74] {strides = array<i32>} : memref<384xi32, #tpu.memory_space<vmem>>, vector<16xi32>,
      %get3A_76 = arith.constant 144 : index
      %get3A_77 = tpu.vector_load %arg7[%get3A_76] {strides = array<i32>} : memref<384xi32, #tpu.memory_space<vmem>>, vector<16xi32>,
      %get3A_78 = arith.constant 272 : index
      %get3A_79 = tpu.vector_load %arg7[%get3A_78] {strides = array<i32>} : memref<384xi32, #tpu.memory_space<vmem>>, vector<16xi32>,
      %bitcast3A_80 = vector.bitcast %get3A_79 : vector<16xi32> to vector<16xf32>
      %add3A_81 = vector.broadcast %mul3A_0 : i32 to vector<16xi32>
      %add3A_82 = arith.addi %get3A_75, %add3A_81 : vector<16xi32>
      %swap3A_83 = arith.constant 16 : index
      %swap3A_84 = tpu.vector_load %arg11[%swap3A_83] {strides = array<i32>} : memref<128xi32, #tpu.memory_space<vmem>>, vector<16xi32>,
      tpu.vector_store %arg11[%swap3A_83], %add3A_82 {strides = array<i32>} : memref<128xi32, #tpu.memory_space<vmem>>, vector<16xi32>,
      %swap3A_85 = arith.constant 16 : index
      %swap3A_86 = tpu.vector_load %arg9[%swap3A_85] {strides = array<i32>} : memref<128xi32, #tpu.memory_space<vmem>>, vector<16xi32>,
      tpu.vector_store %arg9[%swap3A_85], %get3A_77 {strides = array<i32>} : memref<128xi32, #tpu.memory_space<vmem>>, vector<16xi32>,
      %gather3A_87 = tpu.vector_load_idx %arg6[%get3A_75] : memref<10000xf32, #tpu.memory_space<vmem>>[vector<16xi32>], vector<16xf32>,
      %mul3A_88 = arith.mulf %gather3A_87, %bitcast3A_80 : vector<16xf32>
      %gather3A_89 = tpu.vector_load_idx %arg6[%get3A_77] : memref<10000xf32, #tpu.memory_space<vmem>>[vector<16xi32>], vector<16xf32>,
      %mul3A_90 = arith.mulf %mul3A_88, %gather3A_89 : vector<16xf32>
      %swap3A_91 = arith.constant 16 : index
      %swap3A_92 = tpu.vector_load %arg13[%swap3A_91] {strides = array<i32>} : memref<128xf32, #tpu.memory_space<vmem>>, vector<16xf32>,
      tpu.vector_store %arg13[%swap3A_91], %mul3A_90 {strides = array<i32>} : memref<128xf32, #tpu.memory_space<vmem>>, vector<16xf32>,
      %get3A_93 = arith.constant 32 : index
      %get3A_94 = tpu.vector_load %arg7[%get3A_93] {strides = array<i32>} : memref<384xi32, #tpu.memory_space<vmem>>, vector<16xi32>,
      %get3A_95 = arith.constant 160 : index
      %get3A_96 = tpu.vector_load %arg7[%get3A_95] {strides = array<i32>} : memref<384xi32, #tpu.memory_space<vmem>>, vector<16xi32>,
      %get3A_97 = arith.constant 288 : index
      %get3A_98 = tpu.vector_load %arg7[%get3A_97] {strides = array<i32>} : memref<384xi32, #tpu.memory_space<vmem>>, vector<16xi32>,
      %bitcast3A_99 = vector.bitcast %get3A_98 : vector<16xi32> to vector<16xf32>
      %add3A_100 = vector.broadcast %mul3A_0 : i32 to vector<16xi32>
      %add3A_101 = arith.addi %get3A_94, %add3A_100 : vector<16xi32>
      %swap3A_102 = arith.constant 32 : index
      %swap3A_103 = tpu.vector_load %arg11[%swap3A_102] {strides = array<i32>} : memref<128xi32, #tpu.memory_space<vmem>>, vector<16xi32>,
      tpu.vector_store %arg11[%swap3A_102], %add3A_101 {strides = array<i32>} : memref<128xi32, #tpu.memory_space<vmem>>, vector<16xi32>,
      %swap3A_104 = arith.constant 32 : index
      %swap3A_105 = tpu.vector_load %arg9[%swap3A_104] {strides = array<i32>} : memref<128xi32, #tpu.memory_space<vmem>>, vector<16xi32>,
      tpu.vector_store %arg9[%swap3A_104], %get3A_96 {strides = array<i32>} : memref<128xi32, #tpu.memory_space<vmem>>, vector<16xi32>,
      %gather3A_106 = tpu.vector_load_idx %arg6[%get3A_94] : memref<10000xf32, #tpu.memory_space<vmem>>[vector<16xi32>], vector<16xf32>,
      %mul3A_107 = arith.mulf %gather3A_106, %bitcast3A_99 : vector<16xf32>
      %gather3A_108 = tpu.vector_load_idx %arg6[%get3A_96] : memref<10000xf32, #tpu.memory_space<vmem>>[vector<16xi32>], vector<16xf32>,
      %mul3A_109 = arith.mulf %mul3A_107, %gather3A_108 : vector<16xf32>
      %swap3A_110 = arith.constant 32 : index
      %swap3A_111 = tpu.vector_load %arg13[%swap3A_110] {strides = array<i32>} : memref<128xf32, #tpu.memory_space<vmem>>, vector<16xf32>,
      tpu.vector_store %arg13[%swap3A_110], %mul3A_109 {strides = array<i32>} : memref<128xf32, #tpu.memory_space<vmem>>, vector<16xf32>,
      %get3A_112 = arith.constant 48 : index
      %get3A_113 = tpu.vector_load %arg7[%get3A_112] {strides = array<i32>} : memref<384xi32, #tpu.memory_space<vmem>>, vector<16xi32>,
      %get3A_114 = arith.constant 176 : index
      %get3A_115 = tpu.vector_load %arg7[%get3A_114] {strides = array<i32>} : memref<384xi32, #tpu.memory_space<vmem>>, vector<16xi32>,
      %get3A_116 = arith.constant 304 : index
      %get3A_117 = tpu.vector_load %arg7[%get3A_116] {strides = array<i32>} : memref<384xi32, #tpu.memory_space<vmem>>, vector<16xi32>,
      %bitcast3A_118 = vector.bitcast %get3A_117 : vector<16xi32> to vector<16xf32>
      %add3A_119 = vector.broadcast %mul3A_0 : i32 to vector<16xi32>
      %add3A_120 = arith.addi %get3A_113, %add3A_119 : vector<16xi32>
      %swap3A_121 = arith.constant 48 : index
      %swap3A_122 = tpu.vector_load %arg11[%swap3A_121] {strides = array<i32>} : memref<128xi32, #tpu.memory_space<vmem>>, vector<16xi32>,
      tpu.vector_store %arg11[%swap3A_121], %add3A_120 {strides = array<i32>} : memref<128xi32, #tpu.memory_space<vmem>>, vector<16xi32>,
      %swap3A_123 = arith.constant 48 : index
      %swap3A_124 = tpu.vector_load %arg9[%swap3A_123] {strides = array<i32>} : memref<128xi32, #tpu.memory_space<vmem>>, vector<16xi32>,
      tpu.vector_store %arg9[%swap3A_123], %get3A_115 {strides = array<i32>} : memref<128xi32, #tpu.memory_space<vmem>>, vector<16xi32>,
      %gather3A_125 = tpu.vector_load_idx %arg6[%get3A_113] : memref<10000xf32, #tpu.memory_space<vmem>>[vector<16xi32>], vector<16xf32>,
      %mul3A_126 = arith.mulf %gather3A_125, %bitcast3A_118 : vector<16xf32>
      %gather3A_127 = tpu.vector_load_idx %arg6[%get3A_115] : memref<10000xf32, #tpu.memory_space<vmem>>[vector<16xi32>], vector<16xf32>,
      %mul3A_128 = arith.mulf %mul3A_126, %gather3A_127 : vector<16xf32>
      %swap3A_129 = arith.constant 48 : index
      %swap3A_130 = tpu.vector_load %arg13[%swap3A_129] {strides = array<i32>} : memref<128xf32, #tpu.memory_space<vmem>>, vector<16xf32>,
      tpu.vector_store %arg13[%swap3A_129], %mul3A_128 {strides = array<i32>} : memref<128xf32, #tpu.memory_space<vmem>>, vector<16xf32>,
      %get3A_131 = arith.constant 64 : index
      %get3A_132 = tpu.vector_load %arg7[%get3A_131] {strides = array<i32>} : memref<384xi32, #tpu.memory_space<vmem>>, vector<16xi32>,
      %get3A_133 = arith.constant 192 : index
      %get3A_134 = tpu.vector_load %arg7[%get3A_133] {strides = array<i32>} : memref<384xi32, #tpu.memory_space<vmem>>, vector<16xi32>,
      %get3A_135 = arith.constant 320 : index
      %get3A_136 = tpu.vector_load %arg7[%get3A_135] {strides = array<i32>} : memref<384xi32, #tpu.memory_space<vmem>>, vector<16xi32>,
      %bitcast3A_137 = vector.bitcast %get3A_136 : vector<16xi32> to vector<16xf32>
      %add3A_138 = vector.broadcast %mul3A_0 : i32 to vector<16xi32>
      %add3A_139 = arith.addi %get3A_132, %add3A_138 : vector<16xi32>
      %swap3A_140 = arith.constant 64 : index
      %swap3A_141 = tpu.vector_load %arg11[%swap3A_140] {strides = array<i32>} : memref<128xi32, #tpu.memory_space<vmem>>, vector<16xi32>,
      tpu.vector_store %arg11[%swap3A_140], %add3A_139 {strides = array<i32>} : memref<128xi32, #tpu.memory_space<vmem>>, vector<16xi32>,
      %swap3A_142 = arith.constant 64 : index
      %swap3A_143 = tpu.vector_load %arg9[%swap3A_142] {strides = array<i32>} : memref<128xi32, #tpu.memory_space<vmem>>, vector<16xi32>,
      tpu.vector_store %arg9[%swap3A_142], %get3A_134 {strides = array<i32>} : memref<128xi32, #tpu.memory_space<vmem>>, vector<16xi32>,
      %gather3A_144 = tpu.vector_load_idx %arg6[%get3A_132] : memref<10000xf32, #tpu.memory_space<vmem>>[vector<16xi32>], vector<16xf32>,
      %mul3A_145 = arith.mulf %gather3A_144, %bitcast3A_137 : vector<16xf32>
      %gather3A_146 = tpu.vector_load_idx %arg6[%get3A_134] : memref<10000xf32, #tpu.memory_space<vmem>>[vector<16xi32>], vector<16xf32>,
      %mul3A_147 = arith.mulf %mul3A_145, %gather3A_146 : vector<16xf32>
      %swap3A_148 = arith.constant 64 : index
      %swap3A_149 = tpu.vector_load %arg13[%swap3A_148] {strides = array<i32>} : memref<128xf32, #tpu.memory_space<vmem>>, vector<16xf32>,
      tpu.vector_store %arg13[%swap3A_148], %mul3A_147 {strides = array<i32>} : memref<128xf32, #tpu.memory_space<vmem>>, vector<16xf32>,
      %get3A_150 = arith.constant 80 : index
      %get3A_151 = tpu.vector_load %arg7[%get3A_150] {strides = array<i32>} : memref<384xi32, #tpu.memory_space<vmem>>, vector<16xi32>,
      %get3A_152 = arith.constant 208 : index
      %get3A_153 = tpu.vector_load %arg7[%get3A_152] {strides = array<i32>} : memref<384xi32, #tpu.memory_space<vmem>>, vector<16xi32>,
      %get3A_154 = arith.constant 336 : index
      %get3A_155 = tpu.vector_load %arg7[%get3A_154] {strides = array<i32>} : memref<384xi32, #tpu.memory_space<vmem>>, vector<16xi32>,
      %bitcast3A_156 = vector.bitcast %get3A_155 : vector<16xi32> to vector<16xf32>
      %add3A_157 = vector.broadcast %mul3A_0 : i32 to vector<16xi32>
      %add3A_158 = arith.addi %get3A_151, %add3A_157 : vector<16xi32>
      %swap3A_159 = arith.constant 80 : index
      %swap3A_160 = tpu.vector_load %arg11[%swap3A_159] {strides = array<i32>} : memref<128xi32, #tpu.memory_space<vmem>>, vector<16xi32>,
      tpu.vector_store %arg11[%swap3A_159], %add3A_158 {strides = array<i32>} : memref<128xi32, #tpu.memory_space<vmem>>, vector<16xi32>,
      %swap3A_161 = arith.constant 80 : index
      %swap3A_162 = tpu.vector_load %arg9[%swap3A_161] {strides = array<i32>} : memref<128xi32, #tpu.memory_space<vmem>>, vector<16xi32>,
      tpu.vector_store %arg9[%swap3A_161], %get3A_153 {strides = array<i32>} : memref<128xi32, #tpu.memory_space<vmem>>, vector<16xi32>,
      %gather3A_163 = tpu.vector_load_idx %arg6[%get3A_151] : memref<10000xf32, #tpu.memory_space<vmem>>[vector<16xi32>], vector<16xf32>,
      %mul3A_164 = arith.mulf %gather3A_163, %bitcast3A_156 : vector<16xf32>
      %gather3A_165 = tpu.vector_load_idx %arg6[%get3A_153] : memref<10000xf32, #tpu.memory_space<vmem>>[vector<16xi32>], vector<16xf32>,
      %mul3A_166 = arith.mulf %mul3A_164, %gather3A_165 : vector<16xf32>
      %swap3A_167 = arith.constant 80 : index
      %swap3A_168 = tpu.vector_load %arg13[%swap3A_167] {strides = array<i32>} : memref<128xf32, #tpu.memory_space<vmem>>, vector<16xf32>,
      tpu.vector_store %arg13[%swap3A_167], %mul3A_166 {strides = array<i32>} : memref<128xf32, #tpu.memory_space<vmem>>, vector<16xf32>,
      %get3A_169 = arith.constant 96 : index
      %get3A_170 = tpu.vector_load %arg7[%get3A_169] {strides = array<i32>} : memref<384xi32, #tpu.memory_space<vmem>>, vector<16xi32>,
      %get3A_171 = arith.constant 224 : index
      %get3A_172 = tpu.vector_load %arg7[%get3A_171] {strides = array<i32>} : memref<384xi32, #tpu.memory_space<vmem>>, vector<16xi32>,
      %get3A_173 = arith.constant 352 : index
      %get3A_174 = tpu.vector_load %arg7[%get3A_173] {strides = array<i32>} : memref<384xi32, #tpu.memory_space<vmem>>, vector<16xi32>,
      %bitcast3A_175 = vector.bitcast %get3A_174 : vector<16xi32> to vector<16xf32>
      %add3A_176 = vector.broadcast %mul3A_0 : i32 to vector<16xi32>
      %add3A_177 = arith.addi %get3A_170, %add3A_176 : vector<16xi32>
      %swap3A_178 = arith.constant 96 : index
      %swap3A_179 = tpu.vector_load %arg11[%swap3A_178] {strides = array<i32>} : memref<128xi32, #tpu.memory_space<vmem>>, vector<16xi32>,
      tpu.vector_store %arg11[%swap3A_178], %add3A_177 {strides = array<i32>} : memref<128xi32, #tpu.memory_space<vmem>>, vector<16xi32>,
      %swap3A_180 = arith.constant 96 : index
      %swap3A_181 = tpu.vector_load %arg9[%swap3A_180] {strides = array<i32>} : memref<128xi32, #tpu.memory_space<vmem>>, vector<16xi32>,
      tpu.vector_store %arg9[%swap3A_180], %get3A_172 {strides = array<i32>} : memref<128xi32, #tpu.memory_space<vmem>>, vector<16xi32>,
      %gather3A_182 = tpu.vector_load_idx %arg6[%get3A_170] : memref<10000xf32, #tpu.memory_space<vmem>>[vector<16xi32>], vector<16xf32>,
      %mul3A_183 = arith.mulf %gather3A_182, %bitcast3A_175 : vector<16xf32>
      %gather3A_184 = tpu.vector_load_idx %arg6[%get3A_172] : memref<10000xf32, #tpu.memory_space<vmem>>[vector<16xi32>], vector<16xf32>,
      %mul3A_185 = arith.mulf %mul3A_183, %gather3A_184 : vector<16xf32>
      %swap3A_186 = arith.constant 96 : index
      %swap3A_187 = tpu.vector_load %arg13[%swap3A_186] {strides = array<i32>} : memref<128xf32, #tpu.memory_space<vmem>>, vector<16xf32>,
      tpu.vector_store %arg13[%swap3A_186], %mul3A_185 {strides = array<i32>} : memref<128xf32, #tpu.memory_space<vmem>>, vector<16xf32>,
      %get3A_188 = arith.constant 112 : index
      %get3A_189 = tpu.vector_load %arg7[%get3A_188] {strides = array<i32>} : memref<384xi32, #tpu.memory_space<vmem>>, vector<16xi32>,
      %get3A_190 = arith.constant 240 : index
      %get3A_191 = tpu.vector_load %arg7[%get3A_190] {strides = array<i32>} : memref<384xi32, #tpu.memory_space<vmem>>, vector<16xi32>,
      %get3A_192 = arith.constant 368 : index
      %get3A_193 = tpu.vector_load %arg7[%get3A_192] {strides = array<i32>} : memref<384xi32, #tpu.memory_space<vmem>>, vector<16xi32>,
      %bitcast3A_194 = vector.bitcast %get3A_193 : vector<16xi32> to vector<16xf32>
      %add3A_195 = vector.broadcast %mul3A_0 : i32 to vector<16xi32>
      %add3A_196 = arith.addi %get3A_189, %add3A_195 : vector<16xi32>
      %swap3A_197 = arith.constant 112 : index
      %swap3A_198 = tpu.vector_load %arg11[%swap3A_197] {strides = array<i32>} : memref<128xi32, #tpu.memory_space<vmem>>, vector<16xi32>,
      tpu.vector_store %arg11[%swap3A_197], %add3A_196 {strides = array<i32>} : memref<128xi32, #tpu.memory_space<vmem>>, vector<16xi32>,
      %swap3A_199 = arith.constant 112 : index
      %swap3A_200 = tpu.vector_load %arg9[%swap3A_199] {strides = array<i32>} : memref<128xi32, #tpu.memory_space<vmem>>, vector<16xi32>,
      tpu.vector_store %arg9[%swap3A_199], %get3A_191 {strides = array<i32>} : memref<128xi32, #tpu.memory_space<vmem>>, vector<16xi32>,
      %gather3A_201 = tpu.vector_load_idx %arg6[%get3A_189] : memref<10000xf32, #tpu.memory_space<vmem>>[vector<16xi32>], vector<16xf32>,
      %mul3A_202 = arith.mulf %gather3A_201, %bitcast3A_194 : vector<16xf32>
      %gather3A_203 = tpu.vector_load_idx %arg6[%get3A_191] : memref<10000xf32, #tpu.memory_space<vmem>>[vector<16xi32>], vector<16xf32>,
      %mul3A_204 = arith.mulf %mul3A_202, %gather3A_203 : vector<16xf32>
      %swap3A_205 = arith.constant 112 : index
      %swap3A_206 = tpu.vector_load %arg13[%swap3A_205] {strides = array<i32>} : memref<128xf32, #tpu.memory_space<vmem>>, vector<16xf32>,
      tpu.vector_store %arg13[%swap3A_205], %mul3A_204 {strides = array<i32>} : memref<128xf32, #tpu.memory_space<vmem>>, vector<16xf32>,
      %dma_start3A = arith.constant 0 : i32
      %dma_start3A_207 = arith.constant 0 : i32
      %dma_start3A_208 = tpu.memref_slice %arg4[%dma_start3A, %dma_start3A_207] : memref<20480x128xf32, #tpu.memory_space<hbm>> -> memref<20480x128xf32, #tpu.memory_space<hbm>>
      tpu.enqueue_indirect_dma source(%dma_start3A_208 : memref<20480x128xf32, #tpu.memory_space<hbm>>) target(%arg15 : memref<128x128xf32, #tpu.memory_space<vmem>>) offsets(%arg11 : memref<128xi32, #tpu.memory_space<vmem>>) semaphore(%arg18 : memref<!tpu.dma_semaphore, #tpu.memory_space<semaphore_mem>>)
      %add3A_209 = arith.constant 1 : i32
      %add3A_210 = arith.addi %mul3A_53, %add3A_209 : i32
      %mul3A_211 = arith.constant 128 : i32
      %mul3A_212 = arith.muli %add3A_210, %mul3A_211 : i32
      %add3A_213 = arith.addi %mul3A_18, %mul3A_212 : i32
      %mul3A_214 = arith.constant 3 : i32
      %mul3A_215 = arith.muli %add3A_213, %mul3A_214 : i32
      "tpu.region"() ({
        %run_scoped3A = tpu.sem_alloc : memref<!tpu.dma_semaphore, #tpu.memory_space<semaphore_mem>>
        %dma_start3A_400 = tpu.memref_slice %arg2[%mul3A_215] : memref<454656xi32, #tpu.memory_space<hbm>> -> memref<384xi32, #tpu.memory_space<hbm>>
        %dma_start3A_401 = tpu.memref_slice %arg2[%mul3A_215] : memref<454656xi32, #tpu.memory_space<hbm>> -> memref<384xi32, #tpu.memory_space<hbm>>
        tpu.enqueue_dma source(%dma_start3A_401 : memref<384xi32, #tpu.memory_space<hbm>>) target(%arg8 : memref<384xi32, #tpu.memory_space<vmem>>) target_semaphore(%run_scoped3A : memref<!tpu.dma_semaphore, #tpu.memory_space<semaphore_mem>>)
        %dma_wait3A_402 = tpu.memref_slice %arg2[%mul3A_215] : memref<454656xi32, #tpu.memory_space<hbm>> -> memref<384xi32, #tpu.memory_space<hbm>>
        %dma_wait3A_403 = tpu.memref_slice %arg2[%mul3A_215] : memref<454656xi32, #tpu.memory_space<hbm>> -> memref<384xi32, #tpu.memory_space<hbm>>
        tpu.wait_dma2 semaphore(%run_scoped3A : memref<!tpu.dma_semaphore, #tpu.memory_space<semaphore_mem>>) src(%dma_wait3A_403 : memref<384xi32, #tpu.memory_space<hbm>>) dst(%arg8 : memref<384xi32, #tpu.memory_space<vmem>>)
        tpu.yield
      }) : () -> ()
      %get3A_216 = arith.constant 0 : index
      %get3A_217 = tpu.vector_load %arg8[%get3A_216] {strides = array<i32>} : memref<384xi32, #tpu.memory_space<vmem>>, vector<16xi32>,
      %get3A_218 = arith.constant 128 : index
      %get3A_219 = tpu.vector_load %arg8[%get3A_218] {strides = array<i32>} : memref<384xi32, #tpu.memory_space<vmem>>, vector<16xi32>,
      %get3A_220 = arith.constant 256 : index
      %get3A_221 = tpu.vector_load %arg8[%get3A_220] {strides = array<i32>} : memref<384xi32, #tpu.memory_space<vmem>>, vector<16xi32>,
      %bitcast3A_222 = vector.bitcast %get3A_221 : vector<16xi32> to vector<16xf32>
      %add3A_223 = vector.broadcast %mul3A_0 : i32 to vector<16xi32>
      %add3A_224 = arith.addi %get3A_217, %add3A_223 : vector<16xi32>
      %swap3A_225 = arith.constant 0 : index
      %swap3A_226 = tpu.vector_load %arg12[%swap3A_225] {strides = array<i32>} : memref<128xi32, #tpu.memory_space<vmem>>, vector<16xi32>,
      tpu.vector_store %arg12[%swap3A_225], %add3A_224 {strides = array<i32>} : memref<128xi32, #tpu.memory_space<vmem>>, vector<16xi32>,
      %swap3A_227 = arith.constant 0 : index
      %swap3A_228 = tpu.vector_load %arg10[%swap3A_227] {strides = array<i32>} : memref<128xi32, #tpu.memory_space<vmem>>, vector<16xi32>,
      tpu.vector_store %arg10[%swap3A_227], %get3A_219 {strides = array<i32>} : memref<128xi32, #tpu.memory_space<vmem>>, vector<16xi32>,
      %gather3A_229 = tpu.vector_load_idx %arg6[%get3A_217] : memref<10000xf32, #tpu.memory_space<vmem>>[vector<16xi32>], vector<16xf32>,
      %mul3A_230 = arith.mulf %gather3A_229, %bitcast3A_222 : vector<16xf32>
      %gather3A_231 = tpu.vector_load_idx %arg6[%get3A_219] : memref<10000xf32, #tpu.memory_space<vmem>>[vector<16xi32>], vector<16xf32>,
      %mul3A_232 = arith.mulf %mul3A_230, %gather3A_231 : vector<16xf32>
      %swap3A_233 = arith.constant 0 : index
      %swap3A_234 = tpu.vector_load %arg14[%swap3A_233] {strides = array<i32>} : memref<128xf32, #tpu.memory_space<vmem>>, vector<16xf32>,
      tpu.vector_store %arg14[%swap3A_233], %mul3A_232 {strides = array<i32>} : memref<128xf32, #tpu.memory_space<vmem>>, vector<16xf32>,
      %get3A_235 = arith.constant 16 : index
      %get3A_236 = tpu.vector_load %arg8[%get3A_235] {strides = array<i32>} : memref<384xi32, #tpu.memory_space<vmem>>, vector<16xi32>,
      %get3A_237 = arith.constant 144 : index
      %get3A_238 = tpu.vector_load %arg8[%get3A_237] {strides = array<i32>} : memref<384xi32, #tpu.memory_space<vmem>>, vector<16xi32>,
      %get3A_239 = arith.constant 272 : index
      %get3A_240 = tpu.vector_load %arg8[%get3A_239] {strides = array<i32>} : memref<384xi32, #tpu.memory_space<vmem>>, vector<16xi32>,
      %bitcast3A_241 = vector.bitcast %get3A_240 : vector<16xi32> to vector<16xf32>
      %add3A_242 = vector.broadcast %mul3A_0 : i32 to vector<16xi32>
      %add3A_243 = arith.addi %get3A_236, %add3A_242 : vector<16xi32>
      %swap3A_244 = arith.constant 16 : index
      %swap3A_245 = tpu.vector_load %arg12[%swap3A_244] {strides = array<i32>} : memref<128xi32, #tpu.memory_space<vmem>>, vector<16xi32>,
      tpu.vector_store %arg12[%swap3A_244], %add3A_243 {strides = array<i32>} : memref<128xi32, #tpu.memory_space<vmem>>, vector<16xi32>,
      %swap3A_246 = arith.constant 16 : index
      %swap3A_247 = tpu.vector_load %arg10[%swap3A_246] {strides = array<i32>} : memref<128xi32, #tpu.memory_space<vmem>>, vector<16xi32>,
      tpu.vector_store %arg10[%swap3A_246], %get3A_238 {strides = array<i32>} : memref<128xi32, #tpu.memory_space<vmem>>, vector<16xi32>,
      %gather3A_248 = tpu.vector_load_idx %arg6[%get3A_236] : memref<10000xf32, #tpu.memory_space<vmem>>[vector<16xi32>], vector<16xf32>,
      %mul3A_249 = arith.mulf %gather3A_248, %bitcast3A_241 : vector<16xf32>
      %gather3A_250 = tpu.vector_load_idx %arg6[%get3A_238] : memref<10000xf32, #tpu.memory_space<vmem>>[vector<16xi32>], vector<16xf32>,
      %mul3A_251 = arith.mulf %mul3A_249, %gather3A_250 : vector<16xf32>
      %swap3A_252 = arith.constant 16 : index
      %swap3A_253 = tpu.vector_load %arg14[%swap3A_252] {strides = array<i32>} : memref<128xf32, #tpu.memory_space<vmem>>, vector<16xf32>,
      tpu.vector_store %arg14[%swap3A_252], %mul3A_251 {strides = array<i32>} : memref<128xf32, #tpu.memory_space<vmem>>, vector<16xf32>,
      %get3A_254 = arith.constant 32 : index
      %get3A_255 = tpu.vector_load %arg8[%get3A_254] {strides = array<i32>} : memref<384xi32, #tpu.memory_space<vmem>>, vector<16xi32>,
      %get3A_256 = arith.constant 160 : index
      %get3A_257 = tpu.vector_load %arg8[%get3A_256] {strides = array<i32>} : memref<384xi32, #tpu.memory_space<vmem>>, vector<16xi32>,
      %get3A_258 = arith.constant 288 : index
      %get3A_259 = tpu.vector_load %arg8[%get3A_258] {strides = array<i32>} : memref<384xi32, #tpu.memory_space<vmem>>, vector<16xi32>,
      %bitcast3A_260 = vector.bitcast %get3A_259 : vector<16xi32> to vector<16xf32>
      %add3A_261 = vector.broadcast %mul3A_0 : i32 to vector<16xi32>
      %add3A_262 = arith.addi %get3A_255, %add3A_261 : vector<16xi32>
      %swap3A_263 = arith.constant 32 : index
      %swap3A_264 = tpu.vector_load %arg12[%swap3A_263] {strides = array<i32>} : memref<128xi32, #tpu.memory_space<vmem>>, vector<16xi32>,
      tpu.vector_store %arg12[%swap3A_263], %add3A_262 {strides = array<i32>} : memref<128xi32, #tpu.memory_space<vmem>>, vector<16xi32>,
      %swap3A_265 = arith.constant 32 : index
      %swap3A_266 = tpu.vector_load %arg10[%swap3A_265] {strides = array<i32>} : memref<128xi32, #tpu.memory_space<vmem>>, vector<16xi32>,
      tpu.vector_store %arg10[%swap3A_265], %get3A_257 {strides = array<i32>} : memref<128xi32, #tpu.memory_space<vmem>>, vector<16xi32>,
      %gather3A_267 = tpu.vector_load_idx %arg6[%get3A_255] : memref<10000xf32, #tpu.memory_space<vmem>>[vector<16xi32>], vector<16xf32>,
      %mul3A_268 = arith.mulf %gather3A_267, %bitcast3A_260 : vector<16xf32>
      %gather3A_269 = tpu.vector_load_idx %arg6[%get3A_257] : memref<10000xf32, #tpu.memory_space<vmem>>[vector<16xi32>], vector<16xf32>,
      %mul3A_270 = arith.mulf %mul3A_268, %gather3A_269 : vector<16xf32>
      %swap3A_271 = arith.constant 32 : index
      %swap3A_272 = tpu.vector_load %arg14[%swap3A_271] {strides = array<i32>} : memref<128xf32, #tpu.memory_space<vmem>>, vector<16xf32>,
      tpu.vector_store %arg14[%swap3A_271], %mul3A_270 {strides = array<i32>} : memref<128xf32, #tpu.memory_space<vmem>>, vector<16xf32>,
      %get3A_273 = arith.constant 48 : index
      %get3A_274 = tpu.vector_load %arg8[%get3A_273] {strides = array<i32>} : memref<384xi32, #tpu.memory_space<vmem>>, vector<16xi32>,
      %get3A_275 = arith.constant 176 : index
      %get3A_276 = tpu.vector_load %arg8[%get3A_275] {strides = array<i32>} : memref<384xi32, #tpu.memory_space<vmem>>, vector<16xi32>,
      %get3A_277 = arith.constant 304 : index
      %get3A_278 = tpu.vector_load %arg8[%get3A_277] {strides = array<i32>} : memref<384xi32, #tpu.memory_space<vmem>>, vector<16xi32>,
      %bitcast3A_279 = vector.bitcast %get3A_278 : vector<16xi32> to vector<16xf32>
      %add3A_280 = vector.broadcast %mul3A_0 : i32 to vector<16xi32>
      %add3A_281 = arith.addi %get3A_274, %add3A_280 : vector<16xi32>
      %swap3A_282 = arith.constant 48 : index
      %swap3A_283 = tpu.vector_load %arg12[%swap3A_282] {strides = array<i32>} : memref<128xi32, #tpu.memory_space<vmem>>, vector<16xi32>,
      tpu.vector_store %arg12[%swap3A_282], %add3A_281 {strides = array<i32>} : memref<128xi32, #tpu.memory_space<vmem>>, vector<16xi32>,
      %swap3A_284 = arith.constant 48 : index
      %swap3A_285 = tpu.vector_load %arg10[%swap3A_284] {strides = array<i32>} : memref<128xi32, #tpu.memory_space<vmem>>, vector<16xi32>,
      tpu.vector_store %arg10[%swap3A_284], %get3A_276 {strides = array<i32>} : memref<128xi32, #tpu.memory_space<vmem>>, vector<16xi32>,
      %gather3A_286 = tpu.vector_load_idx %arg6[%get3A_274] : memref<10000xf32, #tpu.memory_space<vmem>>[vector<16xi32>], vector<16xf32>,
      %mul3A_287 = arith.mulf %gather3A_286, %bitcast3A_279 : vector<16xf32>
      %gather3A_288 = tpu.vector_load_idx %arg6[%get3A_276] : memref<10000xf32, #tpu.memory_space<vmem>>[vector<16xi32>], vector<16xf32>,
      %mul3A_289 = arith.mulf %mul3A_287, %gather3A_288 : vector<16xf32>
      %swap3A_290 = arith.constant 48 : index
      %swap3A_291 = tpu.vector_load %arg14[%swap3A_290] {strides = array<i32>} : memref<128xf32, #tpu.memory_space<vmem>>, vector<16xf32>,
      tpu.vector_store %arg14[%swap3A_290], %mul3A_289 {strides = array<i32>} : memref<128xf32, #tpu.memory_space<vmem>>, vector<16xf32>,
      %get3A_292 = arith.constant 64 : index
      %get3A_293 = tpu.vector_load %arg8[%get3A_292] {strides = array<i32>} : memref<384xi32, #tpu.memory_space<vmem>>, vector<16xi32>,
      %get3A_294 = arith.constant 192 : index
      %get3A_295 = tpu.vector_load %arg8[%get3A_294] {strides = array<i32>} : memref<384xi32, #tpu.memory_space<vmem>>, vector<16xi32>,
      %get3A_296 = arith.constant 320 : index
      %get3A_297 = tpu.vector_load %arg8[%get3A_296] {strides = array<i32>} : memref<384xi32, #tpu.memory_space<vmem>>, vector<16xi32>,
      %bitcast3A_298 = vector.bitcast %get3A_297 : vector<16xi32> to vector<16xf32>
      %add3A_299 = vector.broadcast %mul3A_0 : i32 to vector<16xi32>
      %add3A_300 = arith.addi %get3A_293, %add3A_299 : vector<16xi32>
      %swap3A_301 = arith.constant 64 : index
      %swap3A_302 = tpu.vector_load %arg12[%swap3A_301] {strides = array<i32>} : memref<128xi32, #tpu.memory_space<vmem>>, vector<16xi32>,
      tpu.vector_store %arg12[%swap3A_301], %add3A_300 {strides = array<i32>} : memref<128xi32, #tpu.memory_space<vmem>>, vector<16xi32>,
      %swap3A_303 = arith.constant 64 : index
      %swap3A_304 = tpu.vector_load %arg10[%swap3A_303] {strides = array<i32>} : memref<128xi32, #tpu.memory_space<vmem>>, vector<16xi32>,
      tpu.vector_store %arg10[%swap3A_303], %get3A_295 {strides = array<i32>} : memref<128xi32, #tpu.memory_space<vmem>>, vector<16xi32>,
      %gather3A_305 = tpu.vector_load_idx %arg6[%get3A_293] : memref<10000xf32, #tpu.memory_space<vmem>>[vector<16xi32>], vector<16xf32>,
      %mul3A_306 = arith.mulf %gather3A_305, %bitcast3A_298 : vector<16xf32>
      %gather3A_307 = tpu.vector_load_idx %arg6[%get3A_295] : memref<10000xf32, #tpu.memory_space<vmem>>[vector<16xi32>], vector<16xf32>,
      %mul3A_308 = arith.mulf %mul3A_306, %gather3A_307 : vector<16xf32>
      %swap3A_309 = arith.constant 64 : index
      %swap3A_310 = tpu.vector_load %arg14[%swap3A_309] {strides = array<i32>} : memref<128xf32, #tpu.memory_space<vmem>>, vector<16xf32>,
      tpu.vector_store %arg14[%swap3A_309], %mul3A_308 {strides = array<i32>} : memref<128xf32, #tpu.memory_space<vmem>>, vector<16xf32>,
      %get3A_311 = arith.constant 80 : index
      %get3A_312 = tpu.vector_load %arg8[%get3A_311] {strides = array<i32>} : memref<384xi32, #tpu.memory_space<vmem>>, vector<16xi32>,
      %get3A_313 = arith.constant 208 : index
      %get3A_314 = tpu.vector_load %arg8[%get3A_313] {strides = array<i32>} : memref<384xi32, #tpu.memory_space<vmem>>, vector<16xi32>,
      %get3A_315 = arith.constant 336 : index
      %get3A_316 = tpu.vector_load %arg8[%get3A_315] {strides = array<i32>} : memref<384xi32, #tpu.memory_space<vmem>>, vector<16xi32>,
      %bitcast3A_317 = vector.bitcast %get3A_316 : vector<16xi32> to vector<16xf32>
      %add3A_318 = vector.broadcast %mul3A_0 : i32 to vector<16xi32>
      %add3A_319 = arith.addi %get3A_312, %add3A_318 : vector<16xi32>
      %swap3A_320 = arith.constant 80 : index
      %swap3A_321 = tpu.vector_load %arg12[%swap3A_320] {strides = array<i32>} : memref<128xi32, #tpu.memory_space<vmem>>, vector<16xi32>,
      tpu.vector_store %arg12[%swap3A_320], %add3A_319 {strides = array<i32>} : memref<128xi32, #tpu.memory_space<vmem>>, vector<16xi32>,
      %swap3A_322 = arith.constant 80 : index
      %swap3A_323 = tpu.vector_load %arg10[%swap3A_322] {strides = array<i32>} : memref<128xi32, #tpu.memory_space<vmem>>, vector<16xi32>,
      tpu.vector_store %arg10[%swap3A_322], %get3A_314 {strides = array<i32>} : memref<128xi32, #tpu.memory_space<vmem>>, vector<16xi32>,
      %gather3A_324 = tpu.vector_load_idx %arg6[%get3A_312] : memref<10000xf32, #tpu.memory_space<vmem>>[vector<16xi32>], vector<16xf32>,
      %mul3A_325 = arith.mulf %gather3A_324, %bitcast3A_317 : vector<16xf32>
      %gather3A_326 = tpu.vector_load_idx %arg6[%get3A_314] : memref<10000xf32, #tpu.memory_space<vmem>>[vector<16xi32>], vector<16xf32>,
      %mul3A_327 = arith.mulf %mul3A_325, %gather3A_326 : vector<16xf32>
      %swap3A_328 = arith.constant 80 : index
      %swap3A_329 = tpu.vector_load %arg14[%swap3A_328] {strides = array<i32>} : memref<128xf32, #tpu.memory_space<vmem>>, vector<16xf32>,
      tpu.vector_store %arg14[%swap3A_328], %mul3A_327 {strides = array<i32>} : memref<128xf32, #tpu.memory_space<vmem>>, vector<16xf32>,
      %get3A_330 = arith.constant 96 : index
      %get3A_331 = tpu.vector_load %arg8[%get3A_330] {strides = array<i32>} : memref<384xi32, #tpu.memory_space<vmem>>, vector<16xi32>,
      %get3A_332 = arith.constant 224 : index
      %get3A_333 = tpu.vector_load %arg8[%get3A_332] {strides = array<i32>} : memref<384xi32, #tpu.memory_space<vmem>>, vector<16xi32>,
      %get3A_334 = arith.constant 352 : index
      %get3A_335 = tpu.vector_load %arg8[%get3A_334] {strides = array<i32>} : memref<384xi32, #tpu.memory_space<vmem>>, vector<16xi32>,
      %bitcast3A_336 = vector.bitcast %get3A_335 : vector<16xi32> to vector<16xf32>
      %add3A_337 = vector.broadcast %mul3A_0 : i32 to vector<16xi32>
      %add3A_338 = arith.addi %get3A_331, %add3A_337 : vector<16xi32>
      %swap3A_339 = arith.constant 96 : index
      %swap3A_340 = tpu.vector_load %arg12[%swap3A_339] {strides = array<i32>} : memref<128xi32, #tpu.memory_space<vmem>>, vector<16xi32>,
      tpu.vector_store %arg12[%swap3A_339], %add3A_338 {strides = array<i32>} : memref<128xi32, #tpu.memory_space<vmem>>, vector<16xi32>,
      %swap3A_341 = arith.constant 96 : index
      %swap3A_342 = tpu.vector_load %arg10[%swap3A_341] {strides = array<i32>} : memref<128xi32, #tpu.memory_space<vmem>>, vector<16xi32>,
      tpu.vector_store %arg10[%swap3A_341], %get3A_333 {strides = array<i32>} : memref<128xi32, #tpu.memory_space<vmem>>, vector<16xi32>,
      %gather3A_343 = tpu.vector_load_idx %arg6[%get3A_331] : memref<10000xf32, #tpu.memory_space<vmem>>[vector<16xi32>], vector<16xf32>,
      %mul3A_344 = arith.mulf %gather3A_343, %bitcast3A_336 : vector<16xf32>
      %gather3A_345 = tpu.vector_load_idx %arg6[%get3A_333] : memref<10000xf32, #tpu.memory_space<vmem>>[vector<16xi32>], vector<16xf32>,
      %mul3A_346 = arith.mulf %mul3A_344, %gather3A_345 : vector<16xf32>
      %swap3A_347 = arith.constant 96 : index
      %swap3A_348 = tpu.vector_load %arg14[%swap3A_347] {strides = array<i32>} : memref<128xf32, #tpu.memory_space<vmem>>, vector<16xf32>,
      tpu.vector_store %arg14[%swap3A_347], %mul3A_346 {strides = array<i32>} : memref<128xf32, #tpu.memory_space<vmem>>, vector<16xf32>,
      %get3A_349 = arith.constant 112 : index
      %get3A_350 = tpu.vector_load %arg8[%get3A_349] {strides = array<i32>} : memref<384xi32, #tpu.memory_space<vmem>>, vector<16xi32>,
      %get3A_351 = arith.constant 240 : index
      %get3A_352 = tpu.vector_load %arg8[%get3A_351] {strides = array<i32>} : memref<384xi32, #tpu.memory_space<vmem>>, vector<16xi32>,
      %get3A_353 = arith.constant 368 : index
      %get3A_354 = tpu.vector_load %arg8[%get3A_353] {strides = array<i32>} : memref<384xi32, #tpu.memory_space<vmem>>, vector<16xi32>,
      %bitcast3A_355 = vector.bitcast %get3A_354 : vector<16xi32> to vector<16xf32>
      %add3A_356 = vector.broadcast %mul3A_0 : i32 to vector<16xi32>
      %add3A_357 = arith.addi %get3A_350, %add3A_356 : vector<16xi32>
      %swap3A_358 = arith.constant 112 : index
      %swap3A_359 = tpu.vector_load %arg12[%swap3A_358] {strides = array<i32>} : memref<128xi32, #tpu.memory_space<vmem>>, vector<16xi32>,
      tpu.vector_store %arg12[%swap3A_358], %add3A_357 {strides = array<i32>} : memref<128xi32, #tpu.memory_space<vmem>>, vector<16xi32>,
      %swap3A_360 = arith.constant 112 : index
      %swap3A_361 = tpu.vector_load %arg10[%swap3A_360] {strides = array<i32>} : memref<128xi32, #tpu.memory_space<vmem>>, vector<16xi32>,
      tpu.vector_store %arg10[%swap3A_360], %get3A_352 {strides = array<i32>} : memref<128xi32, #tpu.memory_space<vmem>>, vector<16xi32>,
      %gather3A_362 = tpu.vector_load_idx %arg6[%get3A_350] : memref<10000xf32, #tpu.memory_space<vmem>>[vector<16xi32>], vector<16xf32>,
      %mul3A_363 = arith.mulf %gather3A_362, %bitcast3A_355 : vector<16xf32>
      %gather3A_364 = tpu.vector_load_idx %arg6[%get3A_352] : memref<10000xf32, #tpu.memory_space<vmem>>[vector<16xi32>], vector<16xf32>,
      %mul3A_365 = arith.mulf %mul3A_363, %gather3A_364 : vector<16xf32>
      %swap3A_366 = arith.constant 112 : index
      %swap3A_367 = tpu.vector_load %arg14[%swap3A_366] {strides = array<i32>} : memref<128xf32, #tpu.memory_space<vmem>>, vector<16xf32>,
      tpu.vector_store %arg14[%swap3A_366], %mul3A_365 {strides = array<i32>} : memref<128xf32, #tpu.memory_space<vmem>>, vector<16xf32>,
      %dma_start3A_368 = arith.constant 0 : i32
      %dma_start3A_369 = arith.constant 0 : i32
      %dma_start3A_370 = tpu.memref_slice %arg4[%dma_start3A_368, %dma_start3A_369] : memref<20480x128xf32, #tpu.memory_space<hbm>> -> memref<20480x128xf32, #tpu.memory_space<hbm>>
      tpu.enqueue_indirect_dma source(%dma_start3A_370 : memref<20480x128xf32, #tpu.memory_space<hbm>>) target(%arg16 : memref<128x128xf32, #tpu.memory_space<vmem>>) offsets(%arg12 : memref<128xi32, #tpu.memory_space<vmem>>) semaphore(%arg19 : memref<!tpu.dma_semaphore, #tpu.memory_space<semaphore_mem>>)
      %dma_wait3A = arith.constant 0 : i32
      %dma_wait3A_371 = arith.constant 0 : i32
      %dma_wait3A_372 = tpu.memref_slice %arg4[%dma_wait3A, %dma_wait3A_371] : memref<20480x128xf32, #tpu.memory_space<hbm>> -> memref<20480x128xf32, #tpu.memory_space<hbm>>
      tpu.wait_indirect_dma semaphore(%arg18 : memref<!tpu.dma_semaphore, #tpu.memory_space<semaphore_mem>>) src(%dma_wait3A_372 : memref<20480x128xf32, #tpu.memory_space<hbm>>) dst(%arg15 : memref<128x128xf32, #tpu.memory_space<vmem>>)
      %scan3A_373 = arith.constant 0 : i32
      %scan3A_374 = arith.constant 0 : i32
      %scan3A_375 = arith.constant 128 : i32
      %scan3A_376 = arith.addi %scan3A_374, %scan3A_375 : i32
      %scan3A_377 = arith.constant 1 : i32
      scf.for %scan3A_400 = %scan3A_374 to %scan3A_376 step %scan3A_377  : i32 {
        %broadcast_in_dim3A = vector.broadcast %scan3A_400 : i32 to vector<16xi32>
        %gather3A_401 = tpu.vector_load_idx %arg13[%broadcast_in_dim3A] : memref<128xf32, #tpu.memory_space<vmem>>[vector<16xi32>], vector<16xf32>,
        %get3A_402 = arith.index_cast %scan3A_400 : i32 to index
        %get3A_403 = arith.constant 0 : index
        %get3A_404 = tpu.vector_load %arg15[%get3A_402, %get3A_403] {strides = array<i32>} : memref<128x128xf32, #tpu.memory_space<vmem>>, vector<16xf32>,
        %mul3A_405 = arith.mulf %get3A_404, %gather3A_401 : vector<16xf32>
        %swap3A_406 = arith.index_cast %scan3A_400 : i32 to index
        %swap3A_407 = arith.constant 0 : index
        %swap3A_408 = tpu.vector_load %arg15[%swap3A_406, %swap3A_407] {strides = array<i32>} : memref<128x128xf32, #tpu.memory_space<vmem>>, vector<16xf32>,
        tpu.vector_store %arg15[%swap3A_406, %swap3A_407], %mul3A_405 {strides = array<i32>} : memref<128x128xf32, #tpu.memory_space<vmem>>, vector<16xf32>,
        %get3A_409 = arith.index_cast %scan3A_400 : i32 to index
        %get3A_410 = arith.constant 16 : index
        %get3A_411 = tpu.vector_load %arg15[%get3A_409, %get3A_410] {strides = array<i32>} : memref<128x128xf32, #tpu.memory_space<vmem>>, vector<16xf32>,
        %mul3A_412 = arith.mulf %get3A_411, %gather3A_401 : vector<16xf32>
        %swap3A_413 = arith.index_cast %scan3A_400 : i32 to index
        %swap3A_414 = arith.constant 16 : index
        %swap3A_415 = tpu.vector_load %arg15[%swap3A_413, %swap3A_414] {strides = array<i32>} : memref<128x128xf32, #tpu.memory_space<vmem>>, vector<16xf32>,
        tpu.vector_store %arg15[%swap3A_413, %swap3A_414], %mul3A_412 {strides = array<i32>} : memref<128x128xf32, #tpu.memory_space<vmem>>, vector<16xf32>,
        %get3A_416 = arith.index_cast %scan3A_400 : i32 to index
        %get3A_417 = arith.constant 32 : index
        %get3A_418 = tpu.vector_load %arg15[%get3A_416, %get3A_417] {strides = array<i32>} : memref<128x128xf32, #tpu.memory_space<vmem>>, vector<16xf32>,
        %mul3A_419 = arith.mulf %get3A_418, %gather3A_401 : vector<16xf32>
        %swap3A_420 = arith.index_cast %scan3A_400 : i32 to index
        %swap3A_421 = arith.constant 32 : index
        %swap3A_422 = tpu.vector_load %arg15[%swap3A_420, %swap3A_421] {strides = array<i32>} : memref<128x128xf32, #tpu.memory_space<vmem>>, vector<16xf32>,
        tpu.vector_store %arg15[%swap3A_420, %swap3A_421], %mul3A_419 {strides = array<i32>} : memref<128x128xf32, #tpu.memory_space<vmem>>, vector<16xf32>,
        %get3A_423 = arith.index_cast %scan3A_400 : i32 to index
        %get3A_424 = arith.constant 48 : index
        %get3A_425 = tpu.vector_load %arg15[%get3A_423, %get3A_424] {strides = array<i32>} : memref<128x128xf32, #tpu.memory_space<vmem>>, vector<16xf32>,
        %mul3A_426 = arith.mulf %get3A_425, %gather3A_401 : vector<16xf32>
        %swap3A_427 = arith.index_cast %scan3A_400 : i32 to index
        %swap3A_428 = arith.constant 48 : index
        %swap3A_429 = tpu.vector_load %arg15[%swap3A_427, %swap3A_428] {strides = array<i32>} : memref<128x128xf32, #tpu.memory_space<vmem>>, vector<16xf32>,
        tpu.vector_store %arg15[%swap3A_427, %swap3A_428], %mul3A_426 {strides = array<i32>} : memref<128x128xf32, #tpu.memory_space<vmem>>, vector<16xf32>,
        %get3A_430 = arith.index_cast %scan3A_400 : i32 to index
        %get3A_431 = arith.constant 64 : index
        %get3A_432 = tpu.vector_load %arg15[%get3A_430, %get3A_431] {strides = array<i32>} : memref<128x128xf32, #tpu.memory_space<vmem>>, vector<16xf32>,
        %mul3A_433 = arith.mulf %get3A_432, %gather3A_401 : vector<16xf32>
        %swap3A_434 = arith.index_cast %scan3A_400 : i32 to index
        %swap3A_435 = arith.constant 64 : index
        %swap3A_436 = tpu.vector_load %arg15[%swap3A_434, %swap3A_435] {strides = array<i32>} : memref<128x128xf32, #tpu.memory_space<vmem>>, vector<16xf32>,
        tpu.vector_store %arg15[%swap3A_434, %swap3A_435], %mul3A_433 {strides = array<i32>} : memref<128x128xf32, #tpu.memory_space<vmem>>, vector<16xf32>,
        %get3A_437 = arith.index_cast %scan3A_400 : i32 to index
        %get3A_438 = arith.constant 80 : index
        %get3A_439 = tpu.vector_load %arg15[%get3A_437, %get3A_438] {strides = array<i32>} : memref<128x128xf32, #tpu.memory_space<vmem>>, vector<16xf32>,
        %mul3A_440 = arith.mulf %get3A_439, %gather3A_401 : vector<16xf32>
        %swap3A_441 = arith.index_cast %scan3A_400 : i32 to index
        %swap3A_442 = arith.constant 80 : index
        %swap3A_443 = tpu.vector_load %arg15[%swap3A_441, %swap3A_442] {strides = array<i32>} : memref<128x128xf32, #tpu.memory_space<vmem>>, vector<16xf32>,
        tpu.vector_store %arg15[%swap3A_441, %swap3A_442], %mul3A_440 {strides = array<i32>} : memref<128x128xf32, #tpu.memory_space<vmem>>, vector<16xf32>,
        %get3A_444 = arith.index_cast %scan3A_400 : i32 to index
        %get3A_445 = arith.constant 96 : index
        %get3A_446 = tpu.vector_load %arg15[%get3A_444, %get3A_445] {strides = array<i32>} : memref<128x128xf32, #tpu.memory_space<vmem>>, vector<16xf32>,
        %mul3A_447 = arith.mulf %get3A_446, %gather3A_401 : vector<16xf32>
        %swap3A_448 = arith.index_cast %scan3A_400 : i32 to index
        %swap3A_449 = arith.constant 96 : index
        %swap3A_450 = tpu.vector_load %arg15[%swap3A_448, %swap3A_449] {strides = array<i32>} : memref<128x128xf32, #tpu.memory_space<vmem>>, vector<16xf32>,
        tpu.vector_store %arg15[%swap3A_448, %swap3A_449], %mul3A_447 {strides = array<i32>} : memref<128x128xf32, #tpu.memory_space<vmem>>, vector<16xf32>,
        %get3A_451 = arith.index_cast %scan3A_400 : i32 to index
        %get3A_452 = arith.constant 112 : index
        %get3A_453 = tpu.vector_load %arg15[%get3A_451, %get3A_452] {strides = array<i32>} : memref<128x128xf32, #tpu.memory_space<vmem>>, vector<16xf32>,
        %mul3A_454 = arith.mulf %get3A_453, %gather3A_401 : vector<16xf32>
        %swap3A_455 = arith.index_cast %scan3A_400 : i32 to index
        %swap3A_456 = arith.constant 112 : index
        %swap3A_457 = tpu.vector_load %arg15[%swap3A_455, %swap3A_456] {strides = array<i32>} : memref<128x128xf32, #tpu.memory_space<vmem>>, vector<16xf32>,
        tpu.vector_store %arg15[%swap3A_455, %swap3A_456], %mul3A_454 {strides = array<i32>} : memref<128x128xf32, #tpu.memory_space<vmem>>, vector<16xf32>,
      }
      %scan3A_378 = arith.constant 128 : i32
      %dma_start3A_379 = arith.constant 0 : i32
      %dma_start3A_380 = arith.constant 0 : i32
      %dma_start3A_381 = tpu.memref_slice %arg17[%dma_start3A_379, %dma_start3A_380] : memref<10240x128xf32, #tpu.memory_space<vmem_shared>> -> memref<10240x128xf32, #tpu.memory_space<vmem_shared>>
      tpu.enqueue_indirect_dma source(%arg15 : memref<128x128xf32, #tpu.memory_space<vmem>>) target(%dma_start3A_381 : memref<10240x128xf32, #tpu.memory_space<vmem_shared>>) offsets(%arg9 : memref<128xi32, #tpu.memory_space<vmem>>) semaphore(%arg20 : memref<!tpu.dma_semaphore, #tpu.memory_space<semaphore_mem>>) {add = true}
      %dma_wait3A_382 = arith.constant 0 : i32
      %dma_wait3A_383 = arith.constant 0 : i32
      %dma_wait3A_384 = tpu.memref_slice %arg4[%dma_wait3A_382, %dma_wait3A_383] : memref<20480x128xf32, #tpu.memory_space<hbm>> -> memref<20480x128xf32, #tpu.memory_space<hbm>>
      tpu.wait_indirect_dma semaphore(%arg19 : memref<!tpu.dma_semaphore, #tpu.memory_space<semaphore_mem>>) src(%dma_wait3A_384 : memref<20480x128xf32, #tpu.memory_space<hbm>>) dst(%arg16 : memref<128x128xf32, #tpu.memory_space<vmem>>)
      %scan3A_385 = arith.constant 0 : i32
      %scan3A_386 = arith.constant 0 : i32
      %scan3A_387 = arith.constant 128 : i32
      %scan3A_388 = arith.addi %scan3A_386, %scan3A_387 : i32
      %scan3A_389 = arith.constant 1 : i32
      scf.for %scan3A_400 = %scan3A_386 to %scan3A_388 step %scan3A_389  : i32 {
        %broadcast_in_dim3A = vector.broadcast %scan3A_400 : i32 to vector<16xi32>
        %gather3A_401 = tpu.vector_load_idx %arg14[%broadcast_in_dim3A] : memref<128xf32, #tpu.memory_space<vmem>>[vector<16xi32>], vector<16xf32>,
        %get3A_402 = arith.index_cast %scan3A_400 : i32 to index
        %get3A_403 = arith.constant 0 : index
        %get3A_404 = tpu.vector_load %arg16[%get3A_402, %get3A_403] {strides = array<i32>} : memref<128x128xf32, #tpu.memory_space<vmem>>, vector<16xf32>,
        %mul3A_405 = arith.mulf %get3A_404, %gather3A_401 : vector<16xf32>
        %swap3A_406 = arith.index_cast %scan3A_400 : i32 to index
        %swap3A_407 = arith.constant 0 : index
        %swap3A_408 = tpu.vector_load %arg16[%swap3A_406, %swap3A_407] {strides = array<i32>} : memref<128x128xf32, #tpu.memory_space<vmem>>, vector<16xf32>,
        tpu.vector_store %arg16[%swap3A_406, %swap3A_407], %mul3A_405 {strides = array<i32>} : memref<128x128xf32, #tpu.memory_space<vmem>>, vector<16xf32>,
        %get3A_409 = arith.index_cast %scan3A_400 : i32 to index
        %get3A_410 = arith.constant 16 : index
        %get3A_411 = tpu.vector_load %arg16[%get3A_409, %get3A_410] {strides = array<i32>} : memref<128x128xf32, #tpu.memory_space<vmem>>, vector<16xf32>,
        %mul3A_412 = arith.mulf %get3A_411, %gather3A_401 : vector<16xf32>
        %swap3A_413 = arith.index_cast %scan3A_400 : i32 to index
        %swap3A_414 = arith.constant 16 : index
        %swap3A_415 = tpu.vector_load %arg16[%swap3A_413, %swap3A_414] {strides = array<i32>} : memref<128x128xf32, #tpu.memory_space<vmem>>, vector<16xf32>,
        tpu.vector_store %arg16[%swap3A_413, %swap3A_414], %mul3A_412 {strides = array<i32>} : memref<128x128xf32, #tpu.memory_space<vmem>>, vector<16xf32>,
        %get3A_416 = arith.index_cast %scan3A_400 : i32 to index
        %get3A_417 = arith.constant 32 : index
        %get3A_418 = tpu.vector_load %arg16[%get3A_416, %get3A_417] {strides = array<i32>} : memref<128x128xf32, #tpu.memory_space<vmem>>, vector<16xf32>,
        %mul3A_419 = arith.mulf %get3A_418, %gather3A_401 : vector<16xf32>
        %swap3A_420 = arith.index_cast %scan3A_400 : i32 to index
        %swap3A_421 = arith.constant 32 : index
        %swap3A_422 = tpu.vector_load %arg16[%swap3A_420, %swap3A_421] {strides = array<i32>} : memref<128x128xf32, #tpu.memory_space<vmem>>, vector<16xf32>,
        tpu.vector_store %arg16[%swap3A_420, %swap3A_421], %mul3A_419 {strides = array<i32>} : memref<128x128xf32, #tpu.memory_space<vmem>>, vector<16xf32>,
        %get3A_423 = arith.index_cast %scan3A_400 : i32 to index
        %get3A_424 = arith.constant 48 : index
        %get3A_425 = tpu.vector_load %arg16[%get3A_423, %get3A_424] {strides = array<i32>} : memref<128x128xf32, #tpu.memory_space<vmem>>, vector<16xf32>,
        %mul3A_426 = arith.mulf %get3A_425, %gather3A_401 : vector<16xf32>
        %swap3A_427 = arith.index_cast %scan3A_400 : i32 to index
        %swap3A_428 = arith.constant 48 : index
        %swap3A_429 = tpu.vector_load %arg16[%swap3A_427, %swap3A_428] {strides = array<i32>} : memref<128x128xf32, #tpu.memory_space<vmem>>, vector<16xf32>,
        tpu.vector_store %arg16[%swap3A_427, %swap3A_428], %mul3A_426 {strides = array<i32>} : memref<128x128xf32, #tpu.memory_space<vmem>>, vector<16xf32>,
        %get3A_430 = arith.index_cast %scan3A_400 : i32 to index
        %get3A_431 = arith.constant 64 : index
        %get3A_432 = tpu.vector_load %arg16[%get3A_430, %get3A_431] {strides = array<i32>} : memref<128x128xf32, #tpu.memory_space<vmem>>, vector<16xf32>,
        %mul3A_433 = arith.mulf %get3A_432, %gather3A_401 : vector<16xf32>
        %swap3A_434 = arith.index_cast %scan3A_400 : i32 to index
        %swap3A_435 = arith.constant 64 : index
        %swap3A_436 = tpu.vector_load %arg16[%swap3A_434, %swap3A_435] {strides = array<i32>} : memref<128x128xf32, #tpu.memory_space<vmem>>, vector<16xf32>,
        tpu.vector_store %arg16[%swap3A_434, %swap3A_435], %mul3A_433 {strides = array<i32>} : memref<128x128xf32, #tpu.memory_space<vmem>>, vector<16xf32>,
        %get3A_437 = arith.index_cast %scan3A_400 : i32 to index
        %get3A_438 = arith.constant 80 : index
        %get3A_439 = tpu.vector_load %arg16[%get3A_437, %get3A_438] {strides = array<i32>} : memref<128x128xf32, #tpu.memory_space<vmem>>, vector<16xf32>,
        %mul3A_440 = arith.mulf %get3A_439, %gather3A_401 : vector<16xf32>
        %swap3A_441 = arith.index_cast %scan3A_400 : i32 to index
        %swap3A_442 = arith.constant 80 : index
        %swap3A_443 = tpu.vector_load %arg16[%swap3A_441, %swap3A_442] {strides = array<i32>} : memref<128x128xf32, #tpu.memory_space<vmem>>, vector<16xf32>,
        tpu.vector_store %arg16[%swap3A_441, %swap3A_442], %mul3A_440 {strides = array<i32>} : memref<128x128xf32, #tpu.memory_space<vmem>>, vector<16xf32>,
        %get3A_444 = arith.index_cast %scan3A_400 : i32 to index
        %get3A_445 = arith.constant 96 : index
        %get3A_446 = tpu.vector_load %arg16[%get3A_444, %get3A_445] {strides = array<i32>} : memref<128x128xf32, #tpu.memory_space<vmem>>, vector<16xf32>,
        %mul3A_447 = arith.mulf %get3A_446, %gather3A_401 : vector<16xf32>
        %swap3A_448 = arith.index_cast %scan3A_400 : i32 to index
        %swap3A_449 = arith.constant 96 : index
        %swap3A_450 = tpu.vector_load %arg16[%swap3A_448, %swap3A_449] {strides = array<i32>} : memref<128x128xf32, #tpu.memory_space<vmem>>, vector<16xf32>,
        tpu.vector_store %arg16[%swap3A_448, %swap3A_449], %mul3A_447 {strides = array<i32>} : memref<128x128xf32, #tpu.memory_space<vmem>>, vector<16xf32>,
        %get3A_451 = arith.index_cast %scan3A_400 : i32 to index
        %get3A_452 = arith.constant 112 : index
        %get3A_453 = tpu.vector_load %arg16[%get3A_451, %get3A_452] {strides = array<i32>} : memref<128x128xf32, #tpu.memory_space<vmem>>, vector<16xf32>,
        %mul3A_454 = arith.mulf %get3A_453, %gather3A_401 : vector<16xf32>
        %swap3A_455 = arith.index_cast %scan3A_400 : i32 to index
        %swap3A_456 = arith.constant 112 : index
        %swap3A_457 = tpu.vector_load %arg16[%swap3A_455, %swap3A_456] {strides = array<i32>} : memref<128x128xf32, #tpu.memory_space<vmem>>, vector<16xf32>,
        tpu.vector_store %arg16[%swap3A_455, %swap3A_456], %mul3A_454 {strides = array<i32>} : memref<128x128xf32, #tpu.memory_space<vmem>>, vector<16xf32>,
      }
      %scan3A_390 = arith.constant 128 : i32
      %dma_start3A_391 = arith.constant 0 : i32
      %dma_start3A_392 = arith.constant 0 : i32
      %dma_start3A_393 = tpu.memref_slice %arg17[%dma_start3A_391, %dma_start3A_392] : memref<10240x128xf32, #tpu.memory_space<vmem_shared>> -> memref<10240x128xf32, #tpu.memory_space<vmem_shared>>
      tpu.enqueue_indirect_dma source(%arg16 : memref<128x128xf32, #tpu.memory_space<vmem>>) target(%dma_start3A_393 : memref<10240x128xf32, #tpu.memory_space<vmem_shared>>) offsets(%arg10 : memref<128xi32, #tpu.memory_space<vmem>>) semaphore(%arg21 : memref<!tpu.dma_semaphore, #tpu.memory_space<semaphore_mem>>) {add = true}
      %dma_wait3A_394 = arith.constant 0 : i32
      %dma_wait3A_395 = arith.constant 0 : i32
      %dma_wait3A_396 = tpu.memref_slice %arg17[%dma_wait3A_394, %dma_wait3A_395] : memref<10240x128xf32, #tpu.memory_space<vmem_shared>> -> memref<10240x128xf32, #tpu.memory_space<vmem_shared>>
      tpu.wait_indirect_dma semaphore(%arg20 : memref<!tpu.dma_semaphore, #tpu.memory_space<semaphore_mem>>) src(%arg15 : memref<128x128xf32, #tpu.memory_space<vmem>>) dst(%dma_wait3A_396 : memref<10240x128xf32, #tpu.memory_space<vmem_shared>>)
      %dma_wait3A_397 = arith.constant 0 : i32
      %dma_wait3A_398 = arith.constant 0 : i32
      %dma_wait3A_399 = tpu.memref_slice %arg17[%dma_wait3A_397, %dma_wait3A_398] : memref<10240x128xf32, #tpu.memory_space<vmem_shared>> -> memref<10240x128xf32, #tpu.memory_space<vmem_shared>>
      tpu.wait_indirect_dma semaphore(%arg21 : memref<!tpu.dma_semaphore, #tpu.memory_space<semaphore_mem>>) src(%arg16 : memref<128x128xf32, #tpu.memory_space<vmem>>) dst(%dma_wait3A_399 : memref<10240x128xf32, #tpu.memory_space<vmem_shared>>)
    }
    %scan3A_24 = arith.constant 37 : i32
    %barrier3A_25 = arith.constant 0 : index
    tpu.barrier barrier_id(%barrier3A_25)
    %add3A_26 = arith.constant 0 : i32
    %add3A_27 = arith.addi %mul3A_7, %add3A_26 : i32
    "tpu.region"() ({
      %run_scoped3A = tpu.sem_alloc : memref<!tpu.dma_semaphore, #tpu.memory_space<semaphore_mem>>
      %dma_start3A = arith.constant 0 : i32
      %dma_start3A_51 = tpu.memref_slice %arg17[%add3A_27, %dma_start3A] : memref<10240x128xf32, #tpu.memory_space<vmem_shared>> -> memref<128x128xf32, #tpu.memory_space<vmem_shared>>
      %dma_start3A_52 = arith.constant 0 : i32
      %dma_start3A_53 = tpu.memref_slice %arg17[%add3A_27, %dma_start3A_52] : memref<10240x128xf32, #tpu.memory_space<vmem_shared>> -> memref<128x128xf32, #tpu.memory_space<vmem_shared>>
      tpu.enqueue_dma source(%dma_start3A_53 : memref<128x128xf32, #tpu.memory_space<vmem_shared>>) target(%arg15 : memref<128x128xf32, #tpu.memory_space<vmem>>) target_semaphore(%run_scoped3A : memref<!tpu.dma_semaphore, #tpu.memory_space<semaphore_mem>>)
      %dma_wait3A = arith.constant 0 : i32
      %dma_wait3A_54 = tpu.memref_slice %arg17[%add3A_27, %dma_wait3A] : memref<10240x128xf32, #tpu.memory_space<vmem_shared>> -> memref<128x128xf32, #tpu.memory_space<vmem_shared>>
      %dma_wait3A_55 = arith.constant 0 : i32
      %dma_wait3A_56 = tpu.memref_slice %arg17[%add3A_27, %dma_wait3A_55] : memref<10240x128xf32, #tpu.memory_space<vmem_shared>> -> memref<128x128xf32, #tpu.memory_space<vmem_shared>>
      tpu.wait_dma2 semaphore(%run_scoped3A : memref<!tpu.dma_semaphore, #tpu.memory_space<semaphore_mem>>) src(%dma_wait3A_56 : memref<128x128xf32, #tpu.memory_space<vmem_shared>>) dst(%arg15 : memref<128x128xf32, #tpu.memory_space<vmem>>)
      tpu.yield
    }) : () -> ()
    %add3A_28 = arith.addi %mul3A_0, %mul3A_7 : i32
    %add3A_29 = arith.constant 0 : i32
    %add3A_30 = arith.addi %add3A_28, %add3A_29 : i32
    "tpu.region"() ({
      %run_scoped3A = tpu.sem_alloc : memref<!tpu.dma_semaphore, #tpu.memory_space<semaphore_mem>>
      %dma_start3A = arith.constant 0 : i32
      %dma_start3A_51 = tpu.memref_slice %arg5[%add3A_30, %dma_start3A] : memref<20480x128xf32, #tpu.memory_space<hbm>> -> memref<128x128xf32, #tpu.memory_space<hbm>>
      %dma_start3A_52 = arith.constant 0 : i32
      %dma_start3A_53 = tpu.memref_slice %arg5[%add3A_30, %dma_start3A_52] : memref<20480x128xf32, #tpu.memory_space<hbm>> -> memref<128x128xf32, #tpu.memory_space<hbm>>
      tpu.enqueue_dma source(%arg15 : memref<128x128xf32, #tpu.memory_space<vmem>>) target(%dma_start3A_53 : memref<128x128xf32, #tpu.memory_space<hbm>>) target_semaphore(%run_scoped3A : memref<!tpu.dma_semaphore, #tpu.memory_space<semaphore_mem>>)
      %dma_wait3A = arith.constant 0 : i32
      %dma_wait3A_54 = tpu.memref_slice %arg5[%add3A_30, %dma_wait3A] : memref<20480x128xf32, #tpu.memory_space<hbm>> -> memref<128x128xf32, #tpu.memory_space<hbm>>
      %dma_wait3A_55 = arith.constant 0 : i32
      %dma_wait3A_56 = tpu.memref_slice %arg5[%add3A_30, %dma_wait3A_55] : memref<20480x128xf32, #tpu.memory_space<hbm>> -> memref<128x128xf32, #tpu.memory_space<hbm>>
      tpu.wait_dma2 semaphore(%run_scoped3A : memref<!tpu.dma_semaphore, #tpu.memory_space<semaphore_mem>>) src(%arg15 : memref<128x128xf32, #tpu.memory_space<vmem>>) dst(%dma_wait3A_56 : memref<128x128xf32, #tpu.memory_space<hbm>>)
      tpu.yield
    }) : () -> ()
    %add3A_31 = arith.constant 128 : i32
    %add3A_32 = arith.addi %mul3A_7, %add3A_31 : i32
    "tpu.region"() ({
      %run_scoped3A = tpu.sem_alloc : memref<!tpu.dma_semaphore, #tpu.memory_space<semaphore_mem>>
      %dma_start3A = arith.constant 0 : i32
      %dma_start3A_51 = tpu.memref_slice %arg17[%add3A_32, %dma_start3A] : memref<10240x128xf32, #tpu.memory_space<vmem_shared>> -> memref<128x128xf32, #tpu.memory_space<vmem_shared>>
      %dma_start3A_52 = arith.constant 0 : i32
      %dma_start3A_53 = tpu.memref_slice %arg17[%add3A_32, %dma_start3A_52] : memref<10240x128xf32, #tpu.memory_space<vmem_shared>> -> memref<128x128xf32, #tpu.memory_space<vmem_shared>>
      tpu.enqueue_dma source(%dma_start3A_53 : memref<128x128xf32, #tpu.memory_space<vmem_shared>>) target(%arg15 : memref<128x128xf32, #tpu.memory_space<vmem>>) target_semaphore(%run_scoped3A : memref<!tpu.dma_semaphore, #tpu.memory_space<semaphore_mem>>)
      %dma_wait3A = arith.constant 0 : i32
      %dma_wait3A_54 = tpu.memref_slice %arg17[%add3A_32, %dma_wait3A] : memref<10240x128xf32, #tpu.memory_space<vmem_shared>> -> memref<128x128xf32, #tpu.memory_space<vmem_shared>>
      %dma_wait3A_55 = arith.constant 0 : i32
      %dma_wait3A_56 = tpu.memref_slice %arg17[%add3A_32, %dma_wait3A_55] : memref<10240x128xf32, #tpu.memory_space<vmem_shared>> -> memref<128x128xf32, #tpu.memory_space<vmem_shared>>
      tpu.wait_dma2 semaphore(%run_scoped3A : memref<!tpu.dma_semaphore, #tpu.memory_space<semaphore_mem>>) src(%dma_wait3A_56 : memref<128x128xf32, #tpu.memory_space<vmem_shared>>) dst(%arg15 : memref<128x128xf32, #tpu.memory_space<vmem>>)
      tpu.yield
    }) : () -> ()
    %add3A_33 = arith.addi %mul3A_0, %mul3A_7 : i32
    %add3A_34 = arith.constant 128 : i32
    %add3A_35 = arith.addi %add3A_33, %add3A_34 : i32
    "tpu.region"() ({
      %run_scoped3A = tpu.sem_alloc : memref<!tpu.dma_semaphore, #tpu.memory_space<semaphore_mem>>
      %dma_start3A = arith.constant 0 : i32
      %dma_start3A_51 = tpu.memref_slice %arg5[%add3A_35, %dma_start3A] : memref<20480x128xf32, #tpu.memory_space<hbm>> -> memref<128x128xf32, #tpu.memory_space<hbm>>
      %dma_start3A_52 = arith.constant 0 : i32
      %dma_start3A_53 = tpu.memref_slice %arg5[%add3A_35, %dma_start3A_52] : memref<20480x128xf32, #tpu.memory_space<hbm>> -> memref<128x128xf32, #tpu.memory_space<hbm>>
      tpu.enqueue_dma source(%arg15 : memref<128x128xf32, #tpu.memory_space<vmem>>) target(%dma_start3A_53 : memref<128x128xf32, #tpu.memory_space<hbm>>) target_semaphore(%run_scoped3A : memref<!tpu.dma_semaphore, #tpu.memory_space<semaphore_mem>>)
      %dma_wait3A = arith.constant 0 : i32
      %dma_wait3A_54 = tpu.memref_slice %arg5[%add3A_35, %dma_wait3A] : memref<20480x128xf32, #tpu.memory_space<hbm>> -> memref<128x128xf32, #tpu.memory_space<hbm>>
      %dma_wait3A_55 = arith.constant 0 : i32
      %dma_wait3A_56 = tpu.memref_slice %arg5[%add3A_35, %dma_wait3A_55] : memref<20480x128xf32, #tpu.memory_space<hbm>> -> memref<128x128xf32, #tpu.memory_space<hbm>>
      tpu.wait_dma2 semaphore(%run_scoped3A : memref<!tpu.dma_semaphore, #tpu.memory_space<semaphore_mem>>) src(%arg15 : memref<128x128xf32, #tpu.memory_space<vmem>>) dst(%dma_wait3A_56 : memref<128x128xf32, #tpu.memory_space<hbm>>)
      tpu.yield
    }) : () -> ()
    %add3A_36 = arith.constant 256 : i32
    %add3A_37 = arith.addi %mul3A_7, %add3A_36 : i32
    "tpu.region"() ({
      %run_scoped3A = tpu.sem_alloc : memref<!tpu.dma_semaphore, #tpu.memory_space<semaphore_mem>>
      %dma_start3A = arith.constant 0 : i32
      %dma_start3A_51 = tpu.memref_slice %arg17[%add3A_37, %dma_start3A] : memref<10240x128xf32, #tpu.memory_space<vmem_shared>> -> memref<128x128xf32, #tpu.memory_space<vmem_shared>>
      %dma_start3A_52 = arith.constant 0 : i32
      %dma_start3A_53 = tpu.memref_slice %arg17[%add3A_37, %dma_start3A_52] : memref<10240x128xf32, #tpu.memory_space<vmem_shared>> -> memref<128x128xf32, #tpu.memory_space<vmem_shared>>
      tpu.enqueue_dma source(%dma_start3A_53 : memref<128x128xf32, #tpu.memory_space<vmem_shared>>) target(%arg15 : memref<128x128xf32, #tpu.memory_space<vmem>>) target_semaphore(%run_scoped3A : memref<!tpu.dma_semaphore, #tpu.memory_space<semaphore_mem>>)
      %dma_wait3A = arith.constant 0 : i32
      %dma_wait3A_54 = tpu.memref_slice %arg17[%add3A_37, %dma_wait3A] : memref<10240x128xf32, #tpu.memory_space<vmem_shared>> -> memref<128x128xf32, #tpu.memory_space<vmem_shared>>
      %dma_wait3A_55 = arith.constant 0 : i32
      %dma_wait3A_56 = tpu.memref_slice %arg17[%add3A_37, %dma_wait3A_55] : memref<10240x128xf32, #tpu.memory_space<vmem_shared>> -> memref<128x128xf32, #tpu.memory_space<vmem_shared>>
      tpu.wait_dma2 semaphore(%run_scoped3A : memref<!tpu.dma_semaphore, #tpu.memory_space<semaphore_mem>>) src(%dma_wait3A_56 : memref<128x128xf32, #tpu.memory_space<vmem_shared>>) dst(%arg15 : memref<128x128xf32, #tpu.memory_space<vmem>>)
      tpu.yield
    }) : () -> ()
    %add3A_38 = arith.addi %mul3A_0, %mul3A_7 : i32
    %add3A_39 = arith.constant 256 : i32
    %add3A_40 = arith.addi %add3A_38, %add3A_39 : i32
    "tpu.region"() ({
      %run_scoped3A = tpu.sem_alloc : memref<!tpu.dma_semaphore, #tpu.memory_space<semaphore_mem>>
      %dma_start3A = arith.constant 0 : i32
      %dma_start3A_51 = tpu.memref_slice %arg5[%add3A_40, %dma_start3A] : memref<20480x128xf32, #tpu.memory_space<hbm>> -> memref<128x128xf32, #tpu.memory_space<hbm>>
      %dma_start3A_52 = arith.constant 0 : i32
      %dma_start3A_53 = tpu.memref_slice %arg5[%add3A_40, %dma_start3A_52] : memref<20480x128xf32, #tpu.memory_space<hbm>> -> memref<128x128xf32, #tpu.memory_space<hbm>>
      tpu.enqueue_dma source(%arg15 : memref<128x128xf32, #tpu.memory_space<vmem>>) target(%dma_start3A_53 : memref<128x128xf32, #tpu.memory_space<hbm>>) target_semaphore(%run_scoped3A : memref<!tpu.dma_semaphore, #tpu.memory_space<semaphore_mem>>)
      %dma_wait3A = arith.constant 0 : i32
      %dma_wait3A_54 = tpu.memref_slice %arg5[%add3A_40, %dma_wait3A] : memref<20480x128xf32, #tpu.memory_space<hbm>> -> memref<128x128xf32, #tpu.memory_space<hbm>>
      %dma_wait3A_55 = arith.constant 0 : i32
      %dma_wait3A_56 = tpu.memref_slice %arg5[%add3A_40, %dma_wait3A_55] : memref<20480x128xf32, #tpu.memory_space<hbm>> -> memref<128x128xf32, #tpu.memory_space<hbm>>
      tpu.wait_dma2 semaphore(%run_scoped3A : memref<!tpu.dma_semaphore, #tpu.memory_space<semaphore_mem>>) src(%arg15 : memref<128x128xf32, #tpu.memory_space<vmem>>) dst(%dma_wait3A_56 : memref<128x128xf32, #tpu.memory_space<hbm>>)
      tpu.yield
    }) : () -> ()
    %add3A_41 = arith.constant 384 : i32
    %add3A_42 = arith.addi %mul3A_7, %add3A_41 : i32
    "tpu.region"() ({
      %run_scoped3A = tpu.sem_alloc : memref<!tpu.dma_semaphore, #tpu.memory_space<semaphore_mem>>
      %dma_start3A = arith.constant 0 : i32
      %dma_start3A_51 = tpu.memref_slice %arg17[%add3A_42, %dma_start3A] : memref<10240x128xf32, #tpu.memory_space<vmem_shared>> -> memref<128x128xf32, #tpu.memory_space<vmem_shared>>
      %dma_start3A_52 = arith.constant 0 : i32
      %dma_start3A_53 = tpu.memref_slice %arg17[%add3A_42, %dma_start3A_52] : memref<10240x128xf32, #tpu.memory_space<vmem_shared>> -> memref<128x128xf32, #tpu.memory_space<vmem_shared>>
      tpu.enqueue_dma source(%dma_start3A_53 : memref<128x128xf32, #tpu.memory_space<vmem_shared>>) target(%arg15 : memref<128x128xf32, #tpu.memory_space<vmem>>) target_semaphore(%run_scoped3A : memref<!tpu.dma_semaphore, #tpu.memory_space<semaphore_mem>>)
      %dma_wait3A = arith.constant 0 : i32
      %dma_wait3A_54 = tpu.memref_slice %arg17[%add3A_42, %dma_wait3A] : memref<10240x128xf32, #tpu.memory_space<vmem_shared>> -> memref<128x128xf32, #tpu.memory_space<vmem_shared>>
      %dma_wait3A_55 = arith.constant 0 : i32
      %dma_wait3A_56 = tpu.memref_slice %arg17[%add3A_42, %dma_wait3A_55] : memref<10240x128xf32, #tpu.memory_space<vmem_shared>> -> memref<128x128xf32, #tpu.memory_space<vmem_shared>>
      tpu.wait_dma2 semaphore(%run_scoped3A : memref<!tpu.dma_semaphore, #tpu.memory_space<semaphore_mem>>) src(%dma_wait3A_56 : memref<128x128xf32, #tpu.memory_space<vmem_shared>>) dst(%arg15 : memref<128x128xf32, #tpu.memory_space<vmem>>)
      tpu.yield
    }) : () -> ()
    %add3A_43 = arith.addi %mul3A_0, %mul3A_7 : i32
    %add3A_44 = arith.constant 384 : i32
    %add3A_45 = arith.addi %add3A_43, %add3A_44 : i32
    "tpu.region"() ({
      %run_scoped3A = tpu.sem_alloc : memref<!tpu.dma_semaphore, #tpu.memory_space<semaphore_mem>>
      %dma_start3A = arith.constant 0 : i32
      %dma_start3A_51 = tpu.memref_slice %arg5[%add3A_45, %dma_start3A] : memref<20480x128xf32, #tpu.memory_space<hbm>> -> memref<128x128xf32, #tpu.memory_space<hbm>>
      %dma_start3A_52 = arith.constant 0 : i32
      %dma_start3A_53 = tpu.memref_slice %arg5[%add3A_45, %dma_start3A_52] : memref<20480x128xf32, #tpu.memory_space<hbm>> -> memref<128x128xf32, #tpu.memory_space<hbm>>
      tpu.enqueue_dma source(%arg15 : memref<128x128xf32, #tpu.memory_space<vmem>>) target(%dma_start3A_53 : memref<128x128xf32, #tpu.memory_space<hbm>>) target_semaphore(%run_scoped3A : memref<!tpu.dma_semaphore, #tpu.memory_space<semaphore_mem>>)
      %dma_wait3A = arith.constant 0 : i32
      %dma_wait3A_54 = tpu.memref_slice %arg5[%add3A_45, %dma_wait3A] : memref<20480x128xf32, #tpu.memory_space<hbm>> -> memref<128x128xf32, #tpu.memory_space<hbm>>
      %dma_wait3A_55 = arith.constant 0 : i32
      %dma_wait3A_56 = tpu.memref_slice %arg5[%add3A_45, %dma_wait3A_55] : memref<20480x128xf32, #tpu.memory_space<hbm>> -> memref<128x128xf32, #tpu.memory_space<hbm>>
      tpu.wait_dma2 semaphore(%run_scoped3A : memref<!tpu.dma_semaphore, #tpu.memory_space<semaphore_mem>>) src(%arg15 : memref<128x128xf32, #tpu.memory_space<vmem>>) dst(%dma_wait3A_56 : memref<128x128xf32, #tpu.memory_space<hbm>>)
      tpu.yield
    }) : () -> ()
    %add3A_46 = arith.constant 512 : i32
    %add3A_47 = arith.addi %mul3A_7, %add3A_46 : i32
    "tpu.region"() ({
      %run_scoped3A = tpu.sem_alloc : memref<!tpu.dma_semaphore, #tpu.memory_space<semaphore_mem>>
      %dma_start3A = arith.constant 0 : i32
      %dma_start3A_51 = tpu.memref_slice %arg17[%add3A_47, %dma_start3A] : memref<10240x128xf32, #tpu.memory_space<vmem_shared>> -> memref<128x128xf32, #tpu.memory_space<vmem_shared>>
      %dma_start3A_52 = arith.constant 0 : i32
      %dma_start3A_53 = tpu.memref_slice %arg17[%add3A_47, %dma_start3A_52] : memref<10240x128xf32, #tpu.memory_space<vmem_shared>> -> memref<128x128xf32, #tpu.memory_space<vmem_shared>>
      tpu.enqueue_dma source(%dma_start3A_53 : memref<128x128xf32, #tpu.memory_space<vmem_shared>>) target(%arg15 : memref<128x128xf32, #tpu.memory_space<vmem>>) target_semaphore(%run_scoped3A : memref<!tpu.dma_semaphore, #tpu.memory_space<semaphore_mem>>)
      %dma_wait3A = arith.constant 0 : i32
      %dma_wait3A_54 = tpu.memref_slice %arg17[%add3A_47, %dma_wait3A] : memref<10240x128xf32, #tpu.memory_space<vmem_shared>> -> memref<128x128xf32, #tpu.memory_space<vmem_shared>>
      %dma_wait3A_55 = arith.constant 0 : i32
      %dma_wait3A_56 = tpu.memref_slice %arg17[%add3A_47, %dma_wait3A_55] : memref<10240x128xf32, #tpu.memory_space<vmem_shared>> -> memref<128x128xf32, #tpu.memory_space<vmem_shared>>
      tpu.wait_dma2 semaphore(%run_scoped3A : memref<!tpu.dma_semaphore, #tpu.memory_space<semaphore_mem>>) src(%dma_wait3A_56 : memref<128x128xf32, #tpu.memory_space<vmem_shared>>) dst(%arg15 : memref<128x128xf32, #tpu.memory_space<vmem>>)
      tpu.yield
    }) : () -> ()
    %add3A_48 = arith.addi %mul3A_0, %mul3A_7 : i32
    %add3A_49 = arith.constant 512 : i32
    %add3A_50 = arith.addi %add3A_48, %add3A_49 : i32
    "tpu.region"() ({
      %run_scoped3A = tpu.sem_alloc : memref<!tpu.dma_semaphore, #tpu.memory_space<semaphore_mem>>
      %dma_start3A = arith.constant 0 : i32
      %dma_start3A_51 = tpu.memref_slice %arg5[%add3A_50, %dma_start3A] : memref<20480x128xf32, #tpu.memory_space<hbm>> -> memref<128x128xf32, #tpu.memory_space<hbm>>
      %dma_start3A_52 = arith.constant 0 : i32
      %dma_start3A_53 = tpu.memref_slice %arg5[%add3A_50, %dma_start3A_52] : memref<20480x128xf32, #tpu.memory_space<hbm>> -> memref<128x128xf32, #tpu.memory_space<hbm>>
      tpu.enqueue_dma source(%arg15 : memref<128x128xf32, #tpu.memory_space<vmem>>) target(%dma_start3A_53 : memref<128x128xf32, #tpu.memory_space<hbm>>) target_semaphore(%run_scoped3A : memref<!tpu.dma_semaphore, #tpu.memory_space<semaphore_mem>>)
      %dma_wait3A = arith.constant 0 : i32
      %dma_wait3A_54 = tpu.memref_slice %arg5[%add3A_50, %dma_wait3A] : memref<20480x128xf32, #tpu.memory_space<hbm>> -> memref<128x128xf32, #tpu.memory_space<hbm>>
      %dma_wait3A_55 = arith.constant 0 : i32
      %dma_wait3A_56 = tpu.memref_slice %arg5[%add3A_50, %dma_wait3A_55] : memref<20480x128xf32, #tpu.memory_space<hbm>> -> memref<128x128xf32, #tpu.memory_space<hbm>>
      tpu.wait_dma2 semaphore(%run_scoped3A : memref<!tpu.dma_semaphore, #tpu.memory_space<semaphore_mem>>) src(%arg15 : memref<128x128xf32, #tpu.memory_space<vmem>>) dst(%dma_wait3A_56 : memref<128x128xf32, #tpu.memory_space<hbm>>)
      tpu.yield
    }) : () -> ()
    return
  }
}

#map = affine_map<(d0, d1) -> (0)>
module attributes {stable_mosaic.version = 14 : i64} {
  func.func @sc_affinity2(%arg0: i32, %arg1: i32, %arg2: memref<151552xi32, #tpu.memory_space<hbm>>, %arg3: memref<151552xi32, #tpu.memory_space<hbm>>, %arg4: memref<20480xf32, #tpu.memory_space<hbm>>, %arg5: memref<151552xf32, #tpu.memory_space<hbm>>, %arg6: memref<320000xf32, #tpu.memory_space<hbm>>, %arg7: memref<4736xi32, #tpu.memory_space<vmem>>, %arg8: memref<4736xi32, #tpu.memory_space<vmem>>, %arg9: memref<20480xf32, #tpu.memory_space<vmem>>, %arg10: memref<10000xf32, #tpu.memory_space<vmem>>, %arg11: memref<4736xf32, #tpu.memory_space<vmem>>) attributes {dimension_semantics = [#tpu.dimension_semantics<core_parallel>, #tpu.dimension_semantics<subcore_parallel>], iteration_bounds = array<i64: 2, 16>, scalar_prefetch = 0 : i64, scratch_operands = 5 : i64, tpu.core_type = #tpu.core_type<sc_vector_subcore>, window_params = [{transform_indices = #map}, {transform_indices = #map}, {transform_indices = #map}, {transform_indices = #map}, {transform_indices = #map}]} {
    %mul3A = arith.constant 2 : i32
    %mul3A_0 = arith.muli %arg1, %mul3A : i32
    %add3A = arith.addi %mul3A_0, %arg0 : i32
    %mul3A_1 = arith.constant 4736 : i32
    %mul3A_2 = arith.muli %add3A, %mul3A_1 : i32
    "tpu.region"() ({
      %run_scoped3A = tpu.sem_alloc : memref<!tpu.dma_semaphore, #tpu.memory_space<semaphore_mem>>
      %dma_start3A = tpu.memref_slice %arg2[%mul3A_2] : memref<151552xi32, #tpu.memory_space<hbm>> -> memref<4736xi32, #tpu.memory_space<hbm>>
      %dma_start3A_16 = tpu.memref_slice %arg2[%mul3A_2] : memref<151552xi32, #tpu.memory_space<hbm>> -> memref<4736xi32, #tpu.memory_space<hbm>>
      tpu.enqueue_dma source(%dma_start3A_16 : memref<4736xi32, #tpu.memory_space<hbm>>) target(%arg7 : memref<4736xi32, #tpu.memory_space<vmem>>) target_semaphore(%run_scoped3A : memref<!tpu.dma_semaphore, #tpu.memory_space<semaphore_mem>>)
      %dma_wait3A = tpu.memref_slice %arg2[%mul3A_2] : memref<151552xi32, #tpu.memory_space<hbm>> -> memref<4736xi32, #tpu.memory_space<hbm>>
      %dma_wait3A_17 = tpu.memref_slice %arg2[%mul3A_2] : memref<151552xi32, #tpu.memory_space<hbm>> -> memref<4736xi32, #tpu.memory_space<hbm>>
      tpu.wait_dma2 semaphore(%run_scoped3A : memref<!tpu.dma_semaphore, #tpu.memory_space<semaphore_mem>>) src(%dma_wait3A_17 : memref<4736xi32, #tpu.memory_space<hbm>>) dst(%arg7 : memref<4736xi32, #tpu.memory_space<vmem>>)
      tpu.yield
    }) : () -> ()
    "tpu.region"() ({
      %run_scoped3A = tpu.sem_alloc : memref<!tpu.dma_semaphore, #tpu.memory_space<semaphore_mem>>
      %dma_start3A = tpu.memref_slice %arg3[%mul3A_2] : memref<151552xi32, #tpu.memory_space<hbm>> -> memref<4736xi32, #tpu.memory_space<hbm>>
      %dma_start3A_16 = tpu.memref_slice %arg3[%mul3A_2] : memref<151552xi32, #tpu.memory_space<hbm>> -> memref<4736xi32, #tpu.memory_space<hbm>>
      tpu.enqueue_dma source(%dma_start3A_16 : memref<4736xi32, #tpu.memory_space<hbm>>) target(%arg8 : memref<4736xi32, #tpu.memory_space<vmem>>) target_semaphore(%run_scoped3A : memref<!tpu.dma_semaphore, #tpu.memory_space<semaphore_mem>>)
      %dma_wait3A = tpu.memref_slice %arg3[%mul3A_2] : memref<151552xi32, #tpu.memory_space<hbm>> -> memref<4736xi32, #tpu.memory_space<hbm>>
      %dma_wait3A_17 = tpu.memref_slice %arg3[%mul3A_2] : memref<151552xi32, #tpu.memory_space<hbm>> -> memref<4736xi32, #tpu.memory_space<hbm>>
      tpu.wait_dma2 semaphore(%run_scoped3A : memref<!tpu.dma_semaphore, #tpu.memory_space<semaphore_mem>>) src(%dma_wait3A_17 : memref<4736xi32, #tpu.memory_space<hbm>>) dst(%arg8 : memref<4736xi32, #tpu.memory_space<vmem>>)
      tpu.yield
    }) : () -> ()
    "tpu.region"() ({
      %run_scoped3A = tpu.sem_alloc : memref<!tpu.dma_semaphore, #tpu.memory_space<semaphore_mem>>
      tpu.enqueue_dma source(%arg4 : memref<20480xf32, #tpu.memory_space<hbm>>) target(%arg9 : memref<20480xf32, #tpu.memory_space<vmem>>) target_semaphore(%run_scoped3A : memref<!tpu.dma_semaphore, #tpu.memory_space<semaphore_mem>>)
      tpu.wait_dma2 semaphore(%run_scoped3A : memref<!tpu.dma_semaphore, #tpu.memory_space<semaphore_mem>>) src(%arg4 : memref<20480xf32, #tpu.memory_space<hbm>>) dst(%arg9 : memref<20480xf32, #tpu.memory_space<vmem>>)
      tpu.yield
    }) : () -> ()
    %scan3A = arith.constant 0 : i32
    %scan3A_3 = arith.constant 0 : i32
    %scan3A_4 = arith.constant 625 : i32
    %scan3A_5 = arith.addi %scan3A_3, %scan3A_4 : i32
    %scan3A_6 = arith.constant 1 : i32
    scf.for %scan3A_16 = %scan3A_3 to %scan3A_5 step %scan3A_6  : i32 {
      %broadcast_in_dim3A = arith.constant 0.000000e+00 : f32
      %broadcast_in_dim3A_17 = vector.broadcast %broadcast_in_dim3A : f32 to vector<16xf32>
      %mul3A_18 = arith.constant 16 : i32
      %mul3A_19 = arith.muli %scan3A_16, %mul3A_18 : i32
      %swap3A = arith.index_cast %mul3A_19 : i32 to index
      %swap3A_20 = tpu.vector_load %arg10[%swap3A] {strides = array<i32>} : memref<10000xf32, #tpu.memory_space<vmem>>, vector<16xf32>,
      tpu.vector_store %arg10[%swap3A], %broadcast_in_dim3A_17 {strides = array<i32>} : memref<10000xf32, #tpu.memory_space<vmem>>, vector<16xf32>,
    }
    %scan3A_7 = arith.constant 625 : i32
    %iota3A = tpu.iota {dimensions = array<i32: 0>} : vector<16xi32>
    %scan3A_8 = arith.constant 0 : i32
    %scan3A_9 = arith.constant 0 : i32
    %scan3A_10 = arith.constant 296 : i32
    %scan3A_11 = arith.addi %scan3A_9, %scan3A_10 : i32
    %scan3A_12 = arith.constant 1 : i32
    scf.for %scan3A_16 = %scan3A_9 to %scan3A_11 step %scan3A_12  : i32 {
      %mul3A_17 = arith.constant 16 : i32
      %mul3A_18 = arith.muli %scan3A_16, %mul3A_17 : i32
      %get3A = arith.index_cast %mul3A_18 : i32 to index
      %get3A_19 = tpu.vector_load %arg7[%get3A] {strides = array<i32>} : memref<4736xi32, #tpu.memory_space<vmem>>, vector<16xi32>,
      %get3A_20 = arith.index_cast %mul3A_18 : i32 to index
      %get3A_21 = tpu.vector_load %arg8[%get3A_20] {strides = array<i32>} : memref<4736xi32, #tpu.memory_space<vmem>>, vector<16xi32>,
      %mul3A_22 = arith.constant 2 : i32
      %mul3A_23 = vector.broadcast %mul3A_22 : i32 to vector<16xi32>
      %mul3A_24 = arith.muli %get3A_19, %mul3A_23 : vector<16xi32>
      %gather3A = tpu.vector_load_idx %arg9[%mul3A_24] : memref<20480xf32, #tpu.memory_space<vmem>>[vector<16xi32>], vector<16xf32>,
      %mul3A_25 = arith.constant 2 : i32
      %mul3A_26 = vector.broadcast %mul3A_25 : i32 to vector<16xi32>
      %mul3A_27 = arith.muli %get3A_21, %mul3A_26 : vector<16xi32>
      %add3A_28 = arith.constant 1 : i32
      %add3A_29 = vector.broadcast %add3A_28 : i32 to vector<16xi32>
      %add3A_30 = arith.addi %mul3A_27, %add3A_29 : vector<16xi32>
      %gather3A_31 = tpu.vector_load_idx %arg9[%add3A_30] : memref<20480xf32, #tpu.memory_space<vmem>>[vector<16xi32>], vector<16xf32>,
      %add3A_32 = arith.addf %gather3A, %gather3A_31 : vector<16xf32>
      %max3A = arith.constant 0.000000e+00 : f32
      %max3A_33 = vector.broadcast %max3A : f32 to vector<16xf32>
      %max3A_34 = arith.maximumf %add3A_32, %max3A_33 : vector<16xf32>
      %add3A_35 = arith.addi %mul3A_2, %mul3A_18 : i32
      %add3A_36 = vector.broadcast %add3A_35 : i32 to vector<16xi32>
      %add3A_37 = arith.addi %add3A_36, %iota3A : vector<16xi32>
      %lt3A = arith.constant 150000 : i32
      %lt3A_38 = vector.broadcast %lt3A : i32 to vector<16xi32>
      %lt3A_39 = arith.cmpi slt, %add3A_37, %lt3A_38 : vector<16xi32>
      %jit3A = arith.constant 0.000000e+00 : f32
      %broadcast_in_dim3A = vector.broadcast %jit3A : f32 to vector<16xf32>
      %select_n3A = arith.select %lt3A_39, %max3A_34, %broadcast_in_dim3A : vector<16xi1>, vector<16xf32>
      %swap3A = arith.index_cast %mul3A_18 : i32 to index
      %swap3A_40 = tpu.vector_load %arg11[%swap3A] {strides = array<i32>} : memref<4736xf32, #tpu.memory_space<vmem>>, vector<16xf32>,
      tpu.vector_store %arg11[%swap3A], %select_n3A {strides = array<i32>} : memref<4736xf32, #tpu.memory_space<vmem>>, vector<16xf32>,
      tpu.vector_store_idx %arg10[%get3A_21], %select_n3A {add = true} : memref<10000xf32, #tpu.memory_space<vmem>>[vector<16xi32>], vector<16xf32>,
    }
    %scan3A_13 = arith.constant 296 : i32
    "tpu.region"() ({
      %run_scoped3A = tpu.sem_alloc : memref<!tpu.dma_semaphore, #tpu.memory_space<semaphore_mem>>
      %dma_start3A = tpu.memref_slice %arg5[%mul3A_2] : memref<151552xf32, #tpu.memory_space<hbm>> -> memref<4736xf32, #tpu.memory_space<hbm>>
      %dma_start3A_16 = tpu.memref_slice %arg5[%mul3A_2] : memref<151552xf32, #tpu.memory_space<hbm>> -> memref<4736xf32, #tpu.memory_space<hbm>>
      tpu.enqueue_dma source(%arg11 : memref<4736xf32, #tpu.memory_space<vmem>>) target(%dma_start3A_16 : memref<4736xf32, #tpu.memory_space<hbm>>) target_semaphore(%run_scoped3A : memref<!tpu.dma_semaphore, #tpu.memory_space<semaphore_mem>>)
      %dma_wait3A = tpu.memref_slice %arg5[%mul3A_2] : memref<151552xf32, #tpu.memory_space<hbm>> -> memref<4736xf32, #tpu.memory_space<hbm>>
      %dma_wait3A_17 = tpu.memref_slice %arg5[%mul3A_2] : memref<151552xf32, #tpu.memory_space<hbm>> -> memref<4736xf32, #tpu.memory_space<hbm>>
      tpu.wait_dma2 semaphore(%run_scoped3A : memref<!tpu.dma_semaphore, #tpu.memory_space<semaphore_mem>>) src(%arg11 : memref<4736xf32, #tpu.memory_space<vmem>>) dst(%dma_wait3A_17 : memref<4736xf32, #tpu.memory_space<hbm>>)
      tpu.yield
    }) : () -> ()
    %mul3A_14 = arith.constant 10000 : i32
    %mul3A_15 = arith.muli %add3A, %mul3A_14 : i32
    "tpu.region"() ({
      %run_scoped3A = tpu.sem_alloc : memref<!tpu.dma_semaphore, #tpu.memory_space<semaphore_mem>>
      %dma_start3A = tpu.memref_slice %arg6[%mul3A_15] : memref<320000xf32, #tpu.memory_space<hbm>> -> memref<10000xf32, #tpu.memory_space<hbm>>
      %dma_start3A_16 = tpu.memref_slice %arg6[%mul3A_15] : memref<320000xf32, #tpu.memory_space<hbm>> -> memref<10000xf32, #tpu.memory_space<hbm>>
      tpu.enqueue_dma source(%arg10 : memref<10000xf32, #tpu.memory_space<vmem>>) target(%dma_start3A_16 : memref<10000xf32, #tpu.memory_space<hbm>>) target_semaphore(%run_scoped3A : memref<!tpu.dma_semaphore, #tpu.memory_space<semaphore_mem>>)
      %dma_wait3A = tpu.memref_slice %arg6[%mul3A_15] : memref<320000xf32, #tpu.memory_space<hbm>> -> memref<10000xf32, #tpu.memory_space<hbm>>
      %dma_wait3A_17 = tpu.memref_slice %arg6[%mul3A_15] : memref<320000xf32, #tpu.memory_space<hbm>> -> memref<10000xf32, #tpu.memory_space<hbm>>
      tpu.wait_dma2 semaphore(%run_scoped3A : memref<!tpu.dma_semaphore, #tpu.memory_space<semaphore_mem>>) src(%arg10 : memref<10000xf32, #tpu.memory_space<vmem>>) dst(%dma_wait3A_17 : memref<10000xf32, #tpu.memory_space<hbm>>)
      tpu.yield
    }) : () -> ()
    return
  }
}

#map = affine_map<(d0, d1) -> (0)>
module attributes {stable_mosaic.version = 14 : i64} {
  func.func @sc_affinity(%arg0: i32, %arg1: i32, %arg2: memref<151552xi32, #tpu.memory_space<hbm>>, %arg3: memref<151552xi32, #tpu.memory_space<hbm>>, %arg4: memref<40000xf32, #tpu.memory_space<hbm>>, %arg5: memref<48xf32, #tpu.memory_space<hbm>>, %arg6: memref<151552xf32, #tpu.memory_space<hbm>>, %arg7: memref<320000xf32, #tpu.memory_space<hbm>>, %arg8: memref<4736xi32, #tpu.memory_space<vmem>>, %arg9: memref<4736xi32, #tpu.memory_space<vmem>>, %arg10: memref<10000xf32, #tpu.memory_space<vmem>>, %arg11: memref<10000xf32, #tpu.memory_space<vmem>>, %arg12: memref<10000xf32, #tpu.memory_space<vmem>>, %arg13: memref<10000xf32, #tpu.memory_space<vmem>>, %arg14: memref<10000xf32, #tpu.memory_space<vmem>>, %arg15: memref<4736xf32, #tpu.memory_space<vmem>>, %arg16: memref<48xf32, #tpu.memory_space<vmem>>) attributes {dimension_semantics = [#tpu.dimension_semantics<core_parallel>, #tpu.dimension_semantics<subcore_parallel>], iteration_bounds = array<i64: 2, 16>, scalar_prefetch = 0 : i64, scratch_operands = 9 : i64, tpu.core_type = #tpu.core_type<sc_vector_subcore>, window_params = [{transform_indices = #map}, {transform_indices = #map}, {transform_indices = #map}, {transform_indices = #map}, {transform_indices = #map}, {transform_indices = #map}]} {
    %mul3A = arith.constant 2 : i32
    %mul3A_0 = arith.muli %arg1, %mul3A : i32
    %add3A = arith.addi %mul3A_0, %arg0 : i32
    %mul3A_1 = arith.constant 4736 : i32
    %mul3A_2 = arith.muli %add3A, %mul3A_1 : i32
    "tpu.region"() ({
      %run_scoped3A = tpu.sem_alloc : memref<!tpu.dma_semaphore, #tpu.memory_space<semaphore_mem>>
      %dma_start3A = tpu.memref_slice %arg2[%mul3A_2] : memref<151552xi32, #tpu.memory_space<hbm>> -> memref<4736xi32, #tpu.memory_space<hbm>>
      %dma_start3A_21 = tpu.memref_slice %arg2[%mul3A_2] : memref<151552xi32, #tpu.memory_space<hbm>> -> memref<4736xi32, #tpu.memory_space<hbm>>
      tpu.enqueue_dma source(%dma_start3A_21 : memref<4736xi32, #tpu.memory_space<hbm>>) target(%arg8 : memref<4736xi32, #tpu.memory_space<vmem>>) target_semaphore(%run_scoped3A : memref<!tpu.dma_semaphore, #tpu.memory_space<semaphore_mem>>)
      %dma_wait3A = tpu.memref_slice %arg2[%mul3A_2] : memref<151552xi32, #tpu.memory_space<hbm>> -> memref<4736xi32, #tpu.memory_space<hbm>>
      %dma_wait3A_22 = tpu.memref_slice %arg2[%mul3A_2] : memref<151552xi32, #tpu.memory_space<hbm>> -> memref<4736xi32, #tpu.memory_space<hbm>>
      tpu.wait_dma2 semaphore(%run_scoped3A : memref<!tpu.dma_semaphore, #tpu.memory_space<semaphore_mem>>) src(%dma_wait3A_22 : memref<4736xi32, #tpu.memory_space<hbm>>) dst(%arg8 : memref<4736xi32, #tpu.memory_space<vmem>>)
      tpu.yield
    }) : () -> ()
    "tpu.region"() ({
      %run_scoped3A = tpu.sem_alloc : memref<!tpu.dma_semaphore, #tpu.memory_space<semaphore_mem>>
      %dma_start3A = tpu.memref_slice %arg3[%mul3A_2] : memref<151552xi32, #tpu.memory_space<hbm>> -> memref<4736xi32, #tpu.memory_space<hbm>>
      %dma_start3A_21 = tpu.memref_slice %arg3[%mul3A_2] : memref<151552xi32, #tpu.memory_space<hbm>> -> memref<4736xi32, #tpu.memory_space<hbm>>
      tpu.enqueue_dma source(%dma_start3A_21 : memref<4736xi32, #tpu.memory_space<hbm>>) target(%arg9 : memref<4736xi32, #tpu.memory_space<vmem>>) target_semaphore(%run_scoped3A : memref<!tpu.dma_semaphore, #tpu.memory_space<semaphore_mem>>)
      %dma_wait3A = tpu.memref_slice %arg3[%mul3A_2] : memref<151552xi32, #tpu.memory_space<hbm>> -> memref<4736xi32, #tpu.memory_space<hbm>>
      %dma_wait3A_22 = tpu.memref_slice %arg3[%mul3A_2] : memref<151552xi32, #tpu.memory_space<hbm>> -> memref<4736xi32, #tpu.memory_space<hbm>>
      tpu.wait_dma2 semaphore(%run_scoped3A : memref<!tpu.dma_semaphore, #tpu.memory_space<semaphore_mem>>) src(%dma_wait3A_22 : memref<4736xi32, #tpu.memory_space<hbm>>) dst(%arg9 : memref<4736xi32, #tpu.memory_space<vmem>>)
      tpu.yield
    }) : () -> ()
    "tpu.region"() ({
      %run_scoped3A = tpu.sem_alloc : memref<!tpu.dma_semaphore, #tpu.memory_space<semaphore_mem>>
      %dma_start3A = arith.constant 0 : i32
      %dma_start3A_21 = tpu.memref_slice %arg4[%dma_start3A] : memref<40000xf32, #tpu.memory_space<hbm>> -> memref<10000xf32, #tpu.memory_space<hbm>>
      %dma_start3A_22 = arith.constant 0 : i32
      %dma_start3A_23 = tpu.memref_slice %arg4[%dma_start3A_22] : memref<40000xf32, #tpu.memory_space<hbm>> -> memref<10000xf32, #tpu.memory_space<hbm>>
      tpu.enqueue_dma source(%dma_start3A_23 : memref<10000xf32, #tpu.memory_space<hbm>>) target(%arg10 : memref<10000xf32, #tpu.memory_space<vmem>>) target_semaphore(%run_scoped3A : memref<!tpu.dma_semaphore, #tpu.memory_space<semaphore_mem>>)
      %dma_wait3A = arith.constant 0 : i32
      %dma_wait3A_24 = tpu.memref_slice %arg4[%dma_wait3A] : memref<40000xf32, #tpu.memory_space<hbm>> -> memref<10000xf32, #tpu.memory_space<hbm>>
      %dma_wait3A_25 = arith.constant 0 : i32
      %dma_wait3A_26 = tpu.memref_slice %arg4[%dma_wait3A_25] : memref<40000xf32, #tpu.memory_space<hbm>> -> memref<10000xf32, #tpu.memory_space<hbm>>
      tpu.wait_dma2 semaphore(%run_scoped3A : memref<!tpu.dma_semaphore, #tpu.memory_space<semaphore_mem>>) src(%dma_wait3A_26 : memref<10000xf32, #tpu.memory_space<hbm>>) dst(%arg10 : memref<10000xf32, #tpu.memory_space<vmem>>)
      tpu.yield
    }) : () -> ()
    "tpu.region"() ({
      %run_scoped3A = tpu.sem_alloc : memref<!tpu.dma_semaphore, #tpu.memory_space<semaphore_mem>>
      %dma_start3A = arith.constant 10000 : i32
      %dma_start3A_21 = tpu.memref_slice %arg4[%dma_start3A] : memref<40000xf32, #tpu.memory_space<hbm>> -> memref<10000xf32, #tpu.memory_space<hbm>>
      %dma_start3A_22 = arith.constant 10000 : i32
      %dma_start3A_23 = tpu.memref_slice %arg4[%dma_start3A_22] : memref<40000xf32, #tpu.memory_space<hbm>> -> memref<10000xf32, #tpu.memory_space<hbm>>
      tpu.enqueue_dma source(%dma_start3A_23 : memref<10000xf32, #tpu.memory_space<hbm>>) target(%arg11 : memref<10000xf32, #tpu.memory_space<vmem>>) target_semaphore(%run_scoped3A : memref<!tpu.dma_semaphore, #tpu.memory_space<semaphore_mem>>)
      %dma_wait3A = arith.constant 10000 : i32
      %dma_wait3A_24 = tpu.memref_slice %arg4[%dma_wait3A] : memref<40000xf32, #tpu.memory_space<hbm>> -> memref<10000xf32, #tpu.memory_space<hbm>>
      %dma_wait3A_25 = arith.constant 10000 : i32
      %dma_wait3A_26 = tpu.memref_slice %arg4[%dma_wait3A_25] : memref<40000xf32, #tpu.memory_space<hbm>> -> memref<10000xf32, #tpu.memory_space<hbm>>
      tpu.wait_dma2 semaphore(%run_scoped3A : memref<!tpu.dma_semaphore, #tpu.memory_space<semaphore_mem>>) src(%dma_wait3A_26 : memref<10000xf32, #tpu.memory_space<hbm>>) dst(%arg11 : memref<10000xf32, #tpu.memory_space<vmem>>)
      tpu.yield
    }) : () -> ()
    "tpu.region"() ({
      %run_scoped3A = tpu.sem_alloc : memref<!tpu.dma_semaphore, #tpu.memory_space<semaphore_mem>>
      %dma_start3A = arith.constant 20000 : i32
      %dma_start3A_21 = tpu.memref_slice %arg4[%dma_start3A] : memref<40000xf32, #tpu.memory_space<hbm>> -> memref<10000xf32, #tpu.memory_space<hbm>>
      %dma_start3A_22 = arith.constant 20000 : i32
      %dma_start3A_23 = tpu.memref_slice %arg4[%dma_start3A_22] : memref<40000xf32, #tpu.memory_space<hbm>> -> memref<10000xf32, #tpu.memory_space<hbm>>
      tpu.enqueue_dma source(%dma_start3A_23 : memref<10000xf32, #tpu.memory_space<hbm>>) target(%arg12 : memref<10000xf32, #tpu.memory_space<vmem>>) target_semaphore(%run_scoped3A : memref<!tpu.dma_semaphore, #tpu.memory_space<semaphore_mem>>)
      %dma_wait3A = arith.constant 20000 : i32
      %dma_wait3A_24 = tpu.memref_slice %arg4[%dma_wait3A] : memref<40000xf32, #tpu.memory_space<hbm>> -> memref<10000xf32, #tpu.memory_space<hbm>>
      %dma_wait3A_25 = arith.constant 20000 : i32
      %dma_wait3A_26 = tpu.memref_slice %arg4[%dma_wait3A_25] : memref<40000xf32, #tpu.memory_space<hbm>> -> memref<10000xf32, #tpu.memory_space<hbm>>
      tpu.wait_dma2 semaphore(%run_scoped3A : memref<!tpu.dma_semaphore, #tpu.memory_space<semaphore_mem>>) src(%dma_wait3A_26 : memref<10000xf32, #tpu.memory_space<hbm>>) dst(%arg12 : memref<10000xf32, #tpu.memory_space<vmem>>)
      tpu.yield
    }) : () -> ()
    "tpu.region"() ({
      %run_scoped3A = tpu.sem_alloc : memref<!tpu.dma_semaphore, #tpu.memory_space<semaphore_mem>>
      %dma_start3A = arith.constant 30000 : i32
      %dma_start3A_21 = tpu.memref_slice %arg4[%dma_start3A] : memref<40000xf32, #tpu.memory_space<hbm>> -> memref<10000xf32, #tpu.memory_space<hbm>>
      %dma_start3A_22 = arith.constant 30000 : i32
      %dma_start3A_23 = tpu.memref_slice %arg4[%dma_start3A_22] : memref<40000xf32, #tpu.memory_space<hbm>> -> memref<10000xf32, #tpu.memory_space<hbm>>
      tpu.enqueue_dma source(%dma_start3A_23 : memref<10000xf32, #tpu.memory_space<hbm>>) target(%arg13 : memref<10000xf32, #tpu.memory_space<vmem>>) target_semaphore(%run_scoped3A : memref<!tpu.dma_semaphore, #tpu.memory_space<semaphore_mem>>)
      %dma_wait3A = arith.constant 30000 : i32
      %dma_wait3A_24 = tpu.memref_slice %arg4[%dma_wait3A] : memref<40000xf32, #tpu.memory_space<hbm>> -> memref<10000xf32, #tpu.memory_space<hbm>>
      %dma_wait3A_25 = arith.constant 30000 : i32
      %dma_wait3A_26 = tpu.memref_slice %arg4[%dma_wait3A_25] : memref<40000xf32, #tpu.memory_space<hbm>> -> memref<10000xf32, #tpu.memory_space<hbm>>
      tpu.wait_dma2 semaphore(%run_scoped3A : memref<!tpu.dma_semaphore, #tpu.memory_space<semaphore_mem>>) src(%dma_wait3A_26 : memref<10000xf32, #tpu.memory_space<hbm>>) dst(%arg13 : memref<10000xf32, #tpu.memory_space<vmem>>)
      tpu.yield
    }) : () -> ()
    "tpu.region"() ({
      %run_scoped3A = tpu.sem_alloc : memref<!tpu.dma_semaphore, #tpu.memory_space<semaphore_mem>>
      tpu.enqueue_dma source(%arg5 : memref<48xf32, #tpu.memory_space<hbm>>) target(%arg16 : memref<48xf32, #tpu.memory_space<vmem>>) target_semaphore(%run_scoped3A : memref<!tpu.dma_semaphore, #tpu.memory_space<semaphore_mem>>)
      tpu.wait_dma2 semaphore(%run_scoped3A : memref<!tpu.dma_semaphore, #tpu.memory_space<semaphore_mem>>) src(%arg5 : memref<48xf32, #tpu.memory_space<hbm>>) dst(%arg16 : memref<48xf32, #tpu.memory_space<vmem>>)
      tpu.yield
    }) : () -> ()
    %get3A = arith.constant 0 : index
    %get3A_3 = tpu.vector_load %arg16[%get3A] {strides = array<i32>} : memref<48xf32, #tpu.memory_space<vmem>>, vector<16xf32>,
    %get3A_4 = arith.constant 16 : index
    %get3A_5 = tpu.vector_load %arg16[%get3A_4] {strides = array<i32>} : memref<48xf32, #tpu.memory_space<vmem>>, vector<16xf32>,
    %get3A_6 = arith.constant 32 : index
    %get3A_7 = tpu.vector_load %arg16[%get3A_6] {strides = array<i32>} : memref<48xf32, #tpu.memory_space<vmem>>, vector<16xf32>,
    %scan3A = arith.constant 0 : i32
    %scan3A_8 = arith.constant 0 : i32
    %scan3A_9 = arith.constant 625 : i32
    %scan3A_10 = arith.addi %scan3A_8, %scan3A_9 : i32
    %scan3A_11 = arith.constant 1 : i32
    scf.for %scan3A_21 = %scan3A_8 to %scan3A_10 step %scan3A_11  : i32 {
      %broadcast_in_dim3A = arith.constant 0.000000e+00 : f32
      %broadcast_in_dim3A_22 = vector.broadcast %broadcast_in_dim3A : f32 to vector<16xf32>
      %mul3A_23 = arith.constant 16 : i32
      %mul3A_24 = arith.muli %scan3A_21, %mul3A_23 : i32
      %swap3A = arith.index_cast %mul3A_24 : i32 to index
      %swap3A_25 = tpu.vector_load %arg14[%swap3A] {strides = array<i32>} : memref<10000xf32, #tpu.memory_space<vmem>>, vector<16xf32>,
      tpu.vector_store %arg14[%swap3A], %broadcast_in_dim3A_22 {strides = array<i32>} : memref<10000xf32, #tpu.memory_space<vmem>>, vector<16xf32>,
    }
    %scan3A_12 = arith.constant 625 : i32
    %iota3A = tpu.iota {dimensions = array<i32: 0>} : vector<16xi32>
    %scan3A_13 = arith.constant 0 : i32
    %scan3A_14 = arith.constant 0 : i32
    %scan3A_15 = arith.constant 296 : i32
    %scan3A_16 = arith.addi %scan3A_14, %scan3A_15 : i32
    %scan3A_17 = arith.constant 1 : i32
    scf.for %scan3A_21 = %scan3A_14 to %scan3A_16 step %scan3A_17  : i32 {
      %mul3A_22 = arith.constant 16 : i32
      %mul3A_23 = arith.muli %scan3A_21, %mul3A_22 : i32
      %get3A_24 = arith.index_cast %mul3A_23 : i32 to index
      %get3A_25 = tpu.vector_load %arg8[%get3A_24] {strides = array<i32>} : memref<4736xi32, #tpu.memory_space<vmem>>, vector<16xi32>,
      %get3A_26 = arith.index_cast %mul3A_23 : i32 to index
      %get3A_27 = tpu.vector_load %arg9[%get3A_26] {strides = array<i32>} : memref<4736xi32, #tpu.memory_space<vmem>>, vector<16xi32>,
      %gather3A = tpu.vector_load_idx %arg10[%get3A_25] : memref<10000xf32, #tpu.memory_space<vmem>>[vector<16xi32>], vector<16xf32>,
      %gather3A_28 = tpu.vector_load_idx %arg11[%get3A_27] : memref<10000xf32, #tpu.memory_space<vmem>>[vector<16xi32>], vector<16xf32>,
      %add3A_29 = arith.addf %gather3A, %gather3A_28 : vector<16xf32>
      %max3A = arith.constant 0.000000e+00 : f32
      %max3A_30 = vector.broadcast %max3A : f32 to vector<16xf32>
      %max3A_31 = arith.maximumf %add3A_29, %max3A_30 : vector<16xf32>
      %gather3A_32 = tpu.vector_load_idx %arg12[%get3A_25] : memref<10000xf32, #tpu.memory_space<vmem>>[vector<16xi32>], vector<16xf32>,
      %gather3A_33 = tpu.vector_load_idx %arg13[%get3A_27] : memref<10000xf32, #tpu.memory_space<vmem>>[vector<16xi32>], vector<16xf32>,
      %add3A_34 = arith.addf %gather3A_32, %gather3A_33 : vector<16xf32>
      %max3A_35 = arith.constant 0.000000e+00 : f32
      %max3A_36 = vector.broadcast %max3A_35 : f32 to vector<16xf32>
      %max3A_37 = arith.maximumf %add3A_34, %max3A_36 : vector<16xf32>
      %mul3A_38 = arith.mulf %get3A_3, %max3A_31 : vector<16xf32>
      %mul3A_39 = arith.mulf %get3A_5, %max3A_37 : vector<16xf32>
      %add3A_40 = arith.addf %mul3A_38, %mul3A_39 : vector<16xf32>
      %add3A_41 = arith.addf %add3A_40, %get3A_7 : vector<16xf32>
      %max3A_42 = arith.constant 0.000000e+00 : f32
      %max3A_43 = vector.broadcast %max3A_42 : f32 to vector<16xf32>
      %max3A_44 = arith.maximumf %add3A_41, %max3A_43 : vector<16xf32>
      %add3A_45 = arith.addi %mul3A_2, %mul3A_23 : i32
      %add3A_46 = vector.broadcast %add3A_45 : i32 to vector<16xi32>
      %add3A_47 = arith.addi %add3A_46, %iota3A : vector<16xi32>
      %lt3A = arith.constant 150000 : i32
      %lt3A_48 = vector.broadcast %lt3A : i32 to vector<16xi32>
      %lt3A_49 = arith.cmpi slt, %add3A_47, %lt3A_48 : vector<16xi32>
      %jit3A = arith.constant 0.000000e+00 : f32
      %broadcast_in_dim3A = vector.broadcast %jit3A : f32 to vector<16xf32>
      %select_n3A = arith.select %lt3A_49, %max3A_44, %broadcast_in_dim3A : vector<16xi1>, vector<16xf32>
      %swap3A = arith.index_cast %mul3A_23 : i32 to index
      %swap3A_50 = tpu.vector_load %arg15[%swap3A] {strides = array<i32>} : memref<4736xf32, #tpu.memory_space<vmem>>, vector<16xf32>,
      tpu.vector_store %arg15[%swap3A], %select_n3A {strides = array<i32>} : memref<4736xf32, #tpu.memory_space<vmem>>, vector<16xf32>,
      tpu.vector_store_idx %arg14[%get3A_27], %select_n3A {add = true} : memref<10000xf32, #tpu.memory_space<vmem>>[vector<16xi32>], vector<16xf32>,
    }
    %scan3A_18 = arith.constant 296 : i32
    "tpu.region"() ({
      %run_scoped3A = tpu.sem_alloc : memref<!tpu.dma_semaphore, #tpu.memory_space<semaphore_mem>>
      %dma_start3A = tpu.memref_slice %arg6[%mul3A_2] : memref<151552xf32, #tpu.memory_space<hbm>> -> memref<4736xf32, #tpu.memory_space<hbm>>
      %dma_start3A_21 = tpu.memref_slice %arg6[%mul3A_2] : memref<151552xf32, #tpu.memory_space<hbm>> -> memref<4736xf32, #tpu.memory_space<hbm>>
      tpu.enqueue_dma source(%arg15 : memref<4736xf32, #tpu.memory_space<vmem>>) target(%dma_start3A_21 : memref<4736xf32, #tpu.memory_space<hbm>>) target_semaphore(%run_scoped3A : memref<!tpu.dma_semaphore, #tpu.memory_space<semaphore_mem>>)
      %dma_wait3A = tpu.memref_slice %arg6[%mul3A_2] : memref<151552xf32, #tpu.memory_space<hbm>> -> memref<4736xf32, #tpu.memory_space<hbm>>
      %dma_wait3A_22 = tpu.memref_slice %arg6[%mul3A_2] : memref<151552xf32, #tpu.memory_space<hbm>> -> memref<4736xf32, #tpu.memory_space<hbm>>
      tpu.wait_dma2 semaphore(%run_scoped3A : memref<!tpu.dma_semaphore, #tpu.memory_space<semaphore_mem>>) src(%arg15 : memref<4736xf32, #tpu.memory_space<vmem>>) dst(%dma_wait3A_22 : memref<4736xf32, #tpu.memory_space<hbm>>)
      tpu.yield
    }) : () -> ()
    %mul3A_19 = arith.constant 10000 : i32
    %mul3A_20 = arith.muli %add3A, %mul3A_19 : i32
    "tpu.region"() ({
      %run_scoped3A = tpu.sem_alloc : memref<!tpu.dma_semaphore, #tpu.memory_space<semaphore_mem>>
      %dma_start3A = tpu.memref_slice %arg7[%mul3A_20] : memref<320000xf32, #tpu.memory_space<hbm>> -> memref<10000xf32, #tpu.memory_space<hbm>>
      %dma_start3A_21 = tpu.memref_slice %arg7[%mul3A_20] : memref<320000xf32, #tpu.memory_space<hbm>> -> memref<10000xf32, #tpu.memory_space<hbm>>
      tpu.enqueue_dma source(%arg14 : memref<10000xf32, #tpu.memory_space<vmem>>) target(%dma_start3A_21 : memref<10000xf32, #tpu.memory_space<hbm>>) target_semaphore(%run_scoped3A : memref<!tpu.dma_semaphore, #tpu.memory_space<semaphore_mem>>)
      %dma_wait3A = tpu.memref_slice %arg7[%mul3A_20] : memref<320000xf32, #tpu.memory_space<hbm>> -> memref<10000xf32, #tpu.memory_space<hbm>>
      %dma_wait3A_22 = tpu.memref_slice %arg7[%mul3A_20] : memref<320000xf32, #tpu.memory_space<hbm>> -> memref<10000xf32, #tpu.memory_space<hbm>>
      tpu.wait_dma2 semaphore(%run_scoped3A : memref<!tpu.dma_semaphore, #tpu.memory_space<semaphore_mem>>) src(%arg14 : memref<10000xf32, #tpu.memory_space<vmem>>) dst(%dma_wait3A_22 : memref<10000xf32, #tpu.memory_space<hbm>>)
      tpu.yield
    }) : () -> ()
    return
  }
}

#map = affine_map<(d0, d1) -> (0)>
#map1 = affine_map<(d0, d1) -> (0, 0)>
module attributes {stable_mosaic.version = 14 : i64} {
  func.func @sc_conv_edge(%arg0: i32, %arg1: i32, %arg2: memref<454656xi32, #tpu.memory_space<hbm>>, %arg3: memref<10000xf32, #tpu.memory_space<hbm>>, %arg4: memref<10240x128xf32, #tpu.memory_space<hbm>>, %arg5: memref<20480x128xf32, #tpu.memory_space<hbm>>, %arg6: memref<10000xf32, #tpu.memory_space<vmem>>, %arg7: memref<384xi32, #tpu.memory_space<vmem>>, %arg8: memref<384xi32, #tpu.memory_space<vmem>>, %arg9: memref<128xi32, #tpu.memory_space<vmem>>, %arg10: memref<128xi32, #tpu.memory_space<vmem>>, %arg11: memref<128xi32, #tpu.memory_space<vmem>>, %arg12: memref<128xi32, #tpu.memory_space<vmem>>, %arg13: memref<128xf32, #tpu.memory_space<vmem>>, %arg14: memref<128xf32, #tpu.memory_space<vmem>>, %arg15: memref<128x128xf32, #tpu.memory_space<vmem>>, %arg16: memref<128x128xf32, #tpu.memory_space<vmem>>, %arg17: memref<10240x128xf32, #tpu.memory_space<vmem_shared>>, %arg18: memref<!tpu.dma_semaphore, #tpu.memory_space<semaphore_mem>>, %arg19: memref<!tpu.dma_semaphore, #tpu.memory_space<semaphore_mem>>, %arg20: memref<!tpu.dma_semaphore, #tpu.memory_space<semaphore_mem>>, %arg21: memref<!tpu.dma_semaphore, #tpu.memory_space<semaphore_mem>>) attributes {dimension_semantics = [#tpu.dimension_semantics<core_parallel>, #tpu.dimension_semantics<subcore_parallel>], iteration_bounds = array<i64: 2, 16>, scalar_prefetch = 0 : i64, scratch_operands = 16 : i64, tpu.core_type = #tpu.core_type<sc_vector_subcore>, window_params = [{transform_indices = #map}, {transform_indices = #map}, {transform_indices = #map1}, {transform_indices = #map1}]} {
    %mul3A = arith.constant 10240 : i32
    %mul3A_0 = arith.muli %arg0, %mul3A : i32
    "tpu.region"() ({
      %run_scoped3A = tpu.sem_alloc : memref<!tpu.dma_semaphore, #tpu.memory_space<semaphore_mem>>
      tpu.enqueue_dma source(%arg3 : memref<10000xf32, #tpu.memory_space<hbm>>) target(%arg6 : memref<10000xf32, #tpu.memory_space<vmem>>) target_semaphore(%run_scoped3A : memref<!tpu.dma_semaphore, #tpu.memory_space<semaphore_mem>>)
      tpu.wait_dma2 semaphore(%run_scoped3A : memref<!tpu.dma_semaphore, #tpu.memory_space<semaphore_mem>>) src(%arg3 : memref<10000xf32, #tpu.memory_space<hbm>>) dst(%arg6 : memref<10000xf32, #tpu.memory_space<vmem>>)
      tpu.yield
    }) : () -> ()
    %scan3A = arith.constant 0 : i32
    %scan3A_1 = arith.constant 0 : i32
    %scan3A_2 = arith.constant 128 : i32
    %scan3A_3 = arith.addi %scan3A_1, %scan3A_2 : i32
    %scan3A_4 = arith.constant 1 : i32
    scf.for %scan3A_200 = %scan3A_1 to %scan3A_3 step %scan3A_4  : i32 {
      %broadcast_in_dim3A = arith.constant 0.000000e+00 : f32
      %broadcast_in_dim3A_201 = vector.broadcast %broadcast_in_dim3A : f32 to vector<16xf32>
      %swap3A_202 = arith.index_cast %scan3A_200 : i32 to index
      %swap3A_203 = arith.constant 0 : index
      %swap3A_204 = tpu.vector_load %arg15[%swap3A_202, %swap3A_203] {strides = array<i32>} : memref<128x128xf32, #tpu.memory_space<vmem>>, vector<16xf32>,
      tpu.vector_store %arg15[%swap3A_202, %swap3A_203], %broadcast_in_dim3A_201 {strides = array<i32>} : memref<128x128xf32, #tpu.memory_space<vmem>>, vector<16xf32>,
      %broadcast_in_dim3A_205 = arith.constant 0.000000e+00 : f32
      %broadcast_in_dim3A_206 = vector.broadcast %broadcast_in_dim3A_205 : f32 to vector<16xf32>
      %swap3A_207 = arith.index_cast %scan3A_200 : i32 to index
      %swap3A_208 = arith.constant 16 : index
      %swap3A_209 = tpu.vector_load %arg15[%swap3A_207, %swap3A_208] {strides = array<i32>} : memref<128x128xf32, #tpu.memory_space<vmem>>, vector<16xf32>,
      tpu.vector_store %arg15[%swap3A_207, %swap3A_208], %broadcast_in_dim3A_206 {strides = array<i32>} : memref<128x128xf32, #tpu.memory_space<vmem>>, vector<16xf32>,
      %broadcast_in_dim3A_210 = arith.constant 0.000000e+00 : f32
      %broadcast_in_dim3A_211 = vector.broadcast %broadcast_in_dim3A_210 : f32 to vector<16xf32>
      %swap3A_212 = arith.index_cast %scan3A_200 : i32 to index
      %swap3A_213 = arith.constant 32 : index
      %swap3A_214 = tpu.vector_load %arg15[%swap3A_212, %swap3A_213] {strides = array<i32>} : memref<128x128xf32, #tpu.memory_space<vmem>>, vector<16xf32>,
      tpu.vector_store %arg15[%swap3A_212, %swap3A_213], %broadcast_in_dim3A_211 {strides = array<i32>} : memref<128x128xf32, #tpu.memory_space<vmem>>, vector<16xf32>,
      %broadcast_in_dim3A_215 = arith.constant 0.000000e+00 : f32
      %broadcast_in_dim3A_216 = vector.broadcast %broadcast_in_dim3A_215 : f32 to vector<16xf32>
      %swap3A_217 = arith.index_cast %scan3A_200 : i32 to index
      %swap3A_218 = arith.constant 48 : index
      %swap3A_219 = tpu.vector_load %arg15[%swap3A_217, %swap3A_218] {strides = array<i32>} : memref<128x128xf32, #tpu.memory_space<vmem>>, vector<16xf32>,
      tpu.vector_store %arg15[%swap3A_217, %swap3A_218], %broadcast_in_dim3A_216 {strides = array<i32>} : memref<128x128xf32, #tpu.memory_space<vmem>>, vector<16xf32>,
      %broadcast_in_dim3A_220 = arith.constant 0.000000e+00 : f32
      %broadcast_in_dim3A_221 = vector.broadcast %broadcast_in_dim3A_220 : f32 to vector<16xf32>
      %swap3A_222 = arith.index_cast %scan3A_200 : i32 to index
      %swap3A_223 = arith.constant 64 : index
      %swap3A_224 = tpu.vector_load %arg15[%swap3A_222, %swap3A_223] {strides = array<i32>} : memref<128x128xf32, #tpu.memory_space<vmem>>, vector<16xf32>,
      tpu.vector_store %arg15[%swap3A_222, %swap3A_223], %broadcast_in_dim3A_221 {strides = array<i32>} : memref<128x128xf32, #tpu.memory_space<vmem>>, vector<16xf32>,
      %broadcast_in_dim3A_225 = arith.constant 0.000000e+00 : f32
      %broadcast_in_dim3A_226 = vector.broadcast %broadcast_in_dim3A_225 : f32 to vector<16xf32>
      %swap3A_227 = arith.index_cast %scan3A_200 : i32 to index
      %swap3A_228 = arith.constant 80 : index
      %swap3A_229 = tpu.vector_load %arg15[%swap3A_227, %swap3A_228] {strides = array<i32>} : memref<128x128xf32, #tpu.memory_space<vmem>>, vector<16xf32>,
      tpu.vector_store %arg15[%swap3A_227, %swap3A_228], %broadcast_in_dim3A_226 {strides = array<i32>} : memref<128x128xf32, #tpu.memory_space<vmem>>, vector<16xf32>,
      %broadcast_in_dim3A_230 = arith.constant 0.000000e+00 : f32
      %broadcast_in_dim3A_231 = vector.broadcast %broadcast_in_dim3A_230 : f32 to vector<16xf32>
      %swap3A_232 = arith.index_cast %scan3A_200 : i32 to index
      %swap3A_233 = arith.constant 96 : index
      %swap3A_234 = tpu.vector_load %arg15[%swap3A_232, %swap3A_233] {strides = array<i32>} : memref<128x128xf32, #tpu.memory_space<vmem>>, vector<16xf32>,
      tpu.vector_store %arg15[%swap3A_232, %swap3A_233], %broadcast_in_dim3A_231 {strides = array<i32>} : memref<128x128xf32, #tpu.memory_space<vmem>>, vector<16xf32>,
      %broadcast_in_dim3A_235 = arith.constant 0.000000e+00 : f32
      %broadcast_in_dim3A_236 = vector.broadcast %broadcast_in_dim3A_235 : f32 to vector<16xf32>
      %swap3A_237 = arith.index_cast %scan3A_200 : i32 to index
      %swap3A_238 = arith.constant 112 : index
      %swap3A_239 = tpu.vector_load %arg15[%swap3A_237, %swap3A_238] {strides = array<i32>} : memref<128x128xf32, #tpu.memory_space<vmem>>, vector<16xf32>,
      tpu.vector_store %arg15[%swap3A_237, %swap3A_238], %broadcast_in_dim3A_236 {strides = array<i32>} : memref<128x128xf32, #tpu.memory_space<vmem>>, vector<16xf32>,
    }
    %scan3A_5 = arith.constant 128 : i32
    %mul3A_6 = arith.constant 640 : i32
    %mul3A_7 = arith.muli %arg1, %mul3A_6 : i32
    %add3A = arith.constant 0 : i32
    %add3A_8 = arith.addi %mul3A_7, %add3A : i32
    "tpu.region"() ({
      %run_scoped3A = tpu.sem_alloc : memref<!tpu.dma_semaphore, #tpu.memory_space<semaphore_mem>>
      %dma_start3A_200 = arith.constant 0 : i32
      %dma_start3A_201 = tpu.memref_slice %arg17[%add3A_8, %dma_start3A_200] : memref<10240x128xf32, #tpu.memory_space<vmem_shared>> -> memref<128x128xf32, #tpu.memory_space<vmem_shared>>
      %dma_start3A_202 = arith.constant 0 : i32
      %dma_start3A_203 = tpu.memref_slice %arg17[%add3A_8, %dma_start3A_202] : memref<10240x128xf32, #tpu.memory_space<vmem_shared>> -> memref<128x128xf32, #tpu.memory_space<vmem_shared>>
      tpu.enqueue_dma source(%arg15 : memref<128x128xf32, #tpu.memory_space<vmem>>) target(%dma_start3A_203 : memref<128x128xf32, #tpu.memory_space<vmem_shared>>) target_semaphore(%run_scoped3A : memref<!tpu.dma_semaphore, #tpu.memory_space<semaphore_mem>>)
      %dma_wait3A_204 = arith.constant 0 : i32
      %dma_wait3A_205 = tpu.memref_slice %arg17[%add3A_8, %dma_wait3A_204] : memref<10240x128xf32, #tpu.memory_space<vmem_shared>> -> memref<128x128xf32, #tpu.memory_space<vmem_shared>>
      %dma_wait3A_206 = arith.constant 0 : i32
      %dma_wait3A_207 = tpu.memref_slice %arg17[%add3A_8, %dma_wait3A_206] : memref<10240x128xf32, #tpu.memory_space<vmem_shared>> -> memref<128x128xf32, #tpu.memory_space<vmem_shared>>
      tpu.wait_dma2 semaphore(%run_scoped3A : memref<!tpu.dma_semaphore, #tpu.memory_space<semaphore_mem>>) src(%arg15 : memref<128x128xf32, #tpu.memory_space<vmem>>) dst(%dma_wait3A_207 : memref<128x128xf32, #tpu.memory_space<vmem_shared>>)
      tpu.yield
    }) : () -> ()
    %add3A_9 = arith.constant 128 : i32
    %add3A_10 = arith.addi %mul3A_7, %add3A_9 : i32
    "tpu.region"() ({
      %run_scoped3A = tpu.sem_alloc : memref<!tpu.dma_semaphore, #tpu.memory_space<semaphore_mem>>
      %dma_start3A_200 = arith.constant 0 : i32
      %dma_start3A_201 = tpu.memref_slice %arg17[%add3A_10, %dma_start3A_200] : memref<10240x128xf32, #tpu.memory_space<vmem_shared>> -> memref<128x128xf32, #tpu.memory_space<vmem_shared>>
      %dma_start3A_202 = arith.constant 0 : i32
      %dma_start3A_203 = tpu.memref_slice %arg17[%add3A_10, %dma_start3A_202] : memref<10240x128xf32, #tpu.memory_space<vmem_shared>> -> memref<128x128xf32, #tpu.memory_space<vmem_shared>>
      tpu.enqueue_dma source(%arg15 : memref<128x128xf32, #tpu.memory_space<vmem>>) target(%dma_start3A_203 : memref<128x128xf32, #tpu.memory_space<vmem_shared>>) target_semaphore(%run_scoped3A : memref<!tpu.dma_semaphore, #tpu.memory_space<semaphore_mem>>)
      %dma_wait3A_204 = arith.constant 0 : i32
      %dma_wait3A_205 = tpu.memref_slice %arg17[%add3A_10, %dma_wait3A_204] : memref<10240x128xf32, #tpu.memory_space<vmem_shared>> -> memref<128x128xf32, #tpu.memory_space<vmem_shared>>
      %dma_wait3A_206 = arith.constant 0 : i32
      %dma_wait3A_207 = tpu.memref_slice %arg17[%add3A_10, %dma_wait3A_206] : memref<10240x128xf32, #tpu.memory_space<vmem_shared>> -> memref<128x128xf32, #tpu.memory_space<vmem_shared>>
      tpu.wait_dma2 semaphore(%run_scoped3A : memref<!tpu.dma_semaphore, #tpu.memory_space<semaphore_mem>>) src(%arg15 : memref<128x128xf32, #tpu.memory_space<vmem>>) dst(%dma_wait3A_207 : memref<128x128xf32, #tpu.memory_space<vmem_shared>>)
      tpu.yield
    }) : () -> ()
    %add3A_11 = arith.constant 256 : i32
    %add3A_12 = arith.addi %mul3A_7, %add3A_11 : i32
    "tpu.region"() ({
      %run_scoped3A = tpu.sem_alloc : memref<!tpu.dma_semaphore, #tpu.memory_space<semaphore_mem>>
      %dma_start3A_200 = arith.constant 0 : i32
      %dma_start3A_201 = tpu.memref_slice %arg17[%add3A_12, %dma_start3A_200] : memref<10240x128xf32, #tpu.memory_space<vmem_shared>> -> memref<128x128xf32, #tpu.memory_space<vmem_shared>>
      %dma_start3A_202 = arith.constant 0 : i32
      %dma_start3A_203 = tpu.memref_slice %arg17[%add3A_12, %dma_start3A_202] : memref<10240x128xf32, #tpu.memory_space<vmem_shared>> -> memref<128x128xf32, #tpu.memory_space<vmem_shared>>
      tpu.enqueue_dma source(%arg15 : memref<128x128xf32, #tpu.memory_space<vmem>>) target(%dma_start3A_203 : memref<128x128xf32, #tpu.memory_space<vmem_shared>>) target_semaphore(%run_scoped3A : memref<!tpu.dma_semaphore, #tpu.memory_space<semaphore_mem>>)
      %dma_wait3A_204 = arith.constant 0 : i32
      %dma_wait3A_205 = tpu.memref_slice %arg17[%add3A_12, %dma_wait3A_204] : memref<10240x128xf32, #tpu.memory_space<vmem_shared>> -> memref<128x128xf32, #tpu.memory_space<vmem_shared>>
      %dma_wait3A_206 = arith.constant 0 : i32
      %dma_wait3A_207 = tpu.memref_slice %arg17[%add3A_12, %dma_wait3A_206] : memref<10240x128xf32, #tpu.memory_space<vmem_shared>> -> memref<128x128xf32, #tpu.memory_space<vmem_shared>>
      tpu.wait_dma2 semaphore(%run_scoped3A : memref<!tpu.dma_semaphore, #tpu.memory_space<semaphore_mem>>) src(%arg15 : memref<128x128xf32, #tpu.memory_space<vmem>>) dst(%dma_wait3A_207 : memref<128x128xf32, #tpu.memory_space<vmem_shared>>)
      tpu.yield
    }) : () -> ()
    %add3A_13 = arith.constant 384 : i32
    %add3A_14 = arith.addi %mul3A_7, %add3A_13 : i32
    "tpu.region"() ({
      %run_scoped3A = tpu.sem_alloc : memref<!tpu.dma_semaphore, #tpu.memory_space<semaphore_mem>>
      %dma_start3A_200 = arith.constant 0 : i32
      %dma_start3A_201 = tpu.memref_slice %arg17[%add3A_14, %dma_start3A_200] : memref<10240x128xf32, #tpu.memory_space<vmem_shared>> -> memref<128x128xf32, #tpu.memory_space<vmem_shared>>
      %dma_start3A_202 = arith.constant 0 : i32
      %dma_start3A_203 = tpu.memref_slice %arg17[%add3A_14, %dma_start3A_202] : memref<10240x128xf32, #tpu.memory_space<vmem_shared>> -> memref<128x128xf32, #tpu.memory_space<vmem_shared>>
      tpu.enqueue_dma source(%arg15 : memref<128x128xf32, #tpu.memory_space<vmem>>) target(%dma_start3A_203 : memref<128x128xf32, #tpu.memory_space<vmem_shared>>) target_semaphore(%run_scoped3A : memref<!tpu.dma_semaphore, #tpu.memory_space<semaphore_mem>>)
      %dma_wait3A_204 = arith.constant 0 : i32
      %dma_wait3A_205 = tpu.memref_slice %arg17[%add3A_14, %dma_wait3A_204] : memref<10240x128xf32, #tpu.memory_space<vmem_shared>> -> memref<128x128xf32, #tpu.memory_space<vmem_shared>>
      %dma_wait3A_206 = arith.constant 0 : i32
      %dma_wait3A_207 = tpu.memref_slice %arg17[%add3A_14, %dma_wait3A_206] : memref<10240x128xf32, #tpu.memory_space<vmem_shared>> -> memref<128x128xf32, #tpu.memory_space<vmem_shared>>
      tpu.wait_dma2 semaphore(%run_scoped3A : memref<!tpu.dma_semaphore, #tpu.memory_space<semaphore_mem>>) src(%arg15 : memref<128x128xf32, #tpu.memory_space<vmem>>) dst(%dma_wait3A_207 : memref<128x128xf32, #tpu.memory_space<vmem_shared>>)
      tpu.yield
    }) : () -> ()
    %add3A_15 = arith.constant 512 : i32
    %add3A_16 = arith.addi %mul3A_7, %add3A_15 : i32
    "tpu.region"() ({
      %run_scoped3A = tpu.sem_alloc : memref<!tpu.dma_semaphore, #tpu.memory_space<semaphore_mem>>
      %dma_start3A_200 = arith.constant 0 : i32
      %dma_start3A_201 = tpu.memref_slice %arg17[%add3A_16, %dma_start3A_200] : memref<10240x128xf32, #tpu.memory_space<vmem_shared>> -> memref<128x128xf32, #tpu.memory_space<vmem_shared>>
      %dma_start3A_202 = arith.constant 0 : i32
      %dma_start3A_203 = tpu.memref_slice %arg17[%add3A_16, %dma_start3A_202] : memref<10240x128xf32, #tpu.memory_space<vmem_shared>> -> memref<128x128xf32, #tpu.memory_space<vmem_shared>>
      tpu.enqueue_dma source(%arg15 : memref<128x128xf32, #tpu.memory_space<vmem>>) target(%dma_start3A_203 : memref<128x128xf32, #tpu.memory_space<vmem_shared>>) target_semaphore(%run_scoped3A : memref<!tpu.dma_semaphore, #tpu.memory_space<semaphore_mem>>)
      %dma_wait3A_204 = arith.constant 0 : i32
      %dma_wait3A_205 = tpu.memref_slice %arg17[%add3A_16, %dma_wait3A_204] : memref<10240x128xf32, #tpu.memory_space<vmem_shared>> -> memref<128x128xf32, #tpu.memory_space<vmem_shared>>
      %dma_wait3A_206 = arith.constant 0 : i32
      %dma_wait3A_207 = tpu.memref_slice %arg17[%add3A_16, %dma_wait3A_206] : memref<10240x128xf32, #tpu.memory_space<vmem_shared>> -> memref<128x128xf32, #tpu.memory_space<vmem_shared>>
      tpu.wait_dma2 semaphore(%run_scoped3A : memref<!tpu.dma_semaphore, #tpu.memory_space<semaphore_mem>>) src(%arg15 : memref<128x128xf32, #tpu.memory_space<vmem>>) dst(%dma_wait3A_207 : memref<128x128xf32, #tpu.memory_space<vmem_shared>>)
      tpu.yield
    }) : () -> ()
    %barrier3A = arith.constant 0 : index
    tpu.barrier barrier_id(%barrier3A)
    %mul3A_17 = arith.constant 75776 : i32
    %mul3A_18 = arith.muli %arg0, %mul3A_17 : i32
    %mul3A_19 = arith.constant 4736 : i32
    %mul3A_20 = arith.muli %arg1, %mul3A_19 : i32
    %add3A_21 = arith.addi %mul3A_18, %mul3A_20 : i32
    %scan3A_22 = arith.constant 0 : i32
    %scan3A_23 = arith.constant 0 : i32
    %scan3A_24 = arith.constant 18 : i32
    %scan3A_25 = arith.addi %scan3A_23, %scan3A_24 : i32
    %scan3A_26 = arith.constant 1 : i32
    scf.for %scan3A_200 = %scan3A_23 to %scan3A_25 step %scan3A_26  : i32 {
      %mul3A_201 = arith.constant 2 : i32
      %mul3A_202 = arith.muli %scan3A_200, %mul3A_201 : i32
      %mul3A_203 = arith.constant 128 : i32
      %mul3A_204 = arith.muli %mul3A_202, %mul3A_203 : i32
      %add3A_205 = arith.addi %add3A_21, %mul3A_204 : i32
      %mul3A_206 = arith.constant 3 : i32
      %mul3A_207 = arith.muli %add3A_205, %mul3A_206 : i32
      "tpu.region"() ({
        %run_scoped3A = tpu.sem_alloc : memref<!tpu.dma_semaphore, #tpu.memory_space<semaphore_mem>>
        %dma_start3A_523 = tpu.memref_slice %arg2[%mul3A_207] : memref<454656xi32, #tpu.memory_space<hbm>> -> memref<384xi32, #tpu.memory_space<hbm>>
        %dma_start3A_524 = tpu.memref_slice %arg2[%mul3A_207] : memref<454656xi32, #tpu.memory_space<hbm>> -> memref<384xi32, #tpu.memory_space<hbm>>
        tpu.enqueue_dma source(%dma_start3A_524 : memref<384xi32, #tpu.memory_space<hbm>>) target(%arg7 : memref<384xi32, #tpu.memory_space<vmem>>) target_semaphore(%run_scoped3A : memref<!tpu.dma_semaphore, #tpu.memory_space<semaphore_mem>>)
        %dma_wait3A_525 = tpu.memref_slice %arg2[%mul3A_207] : memref<454656xi32, #tpu.memory_space<hbm>> -> memref<384xi32, #tpu.memory_space<hbm>>
        %dma_wait3A_526 = tpu.memref_slice %arg2[%mul3A_207] : memref<454656xi32, #tpu.memory_space<hbm>> -> memref<384xi32, #tpu.memory_space<hbm>>
        tpu.wait_dma2 semaphore(%run_scoped3A : memref<!tpu.dma_semaphore, #tpu.memory_space<semaphore_mem>>) src(%dma_wait3A_526 : memref<384xi32, #tpu.memory_space<hbm>>) dst(%arg7 : memref<384xi32, #tpu.memory_space<vmem>>)
        tpu.yield
      }) : () -> ()
      %get3A_208 = arith.constant 0 : index
      %get3A_209 = tpu.vector_load %arg7[%get3A_208] {strides = array<i32>} : memref<384xi32, #tpu.memory_space<vmem>>, vector<16xi32>,
      %get3A_210 = arith.constant 128 : index
      %get3A_211 = tpu.vector_load %arg7[%get3A_210] {strides = array<i32>} : memref<384xi32, #tpu.memory_space<vmem>>, vector<16xi32>,
      %get3A_212 = arith.constant 256 : index
      %get3A_213 = tpu.vector_load %arg7[%get3A_212] {strides = array<i32>} : memref<384xi32, #tpu.memory_space<vmem>>, vector<16xi32>,
      %bitcast3A_214 = vector.bitcast %get3A_213 : vector<16xi32> to vector<16xf32>
      %swap3A_215 = arith.constant 0 : index
      %swap3A_216 = tpu.vector_load %arg11[%swap3A_215] {strides = array<i32>} : memref<128xi32, #tpu.memory_space<vmem>>, vector<16xi32>,
      tpu.vector_store %arg11[%swap3A_215], %get3A_209 {strides = array<i32>} : memref<128xi32, #tpu.memory_space<vmem>>, vector<16xi32>,
      %swap3A_217 = arith.constant 0 : index
      %swap3A_218 = tpu.vector_load %arg9[%swap3A_217] {strides = array<i32>} : memref<128xi32, #tpu.memory_space<vmem>>, vector<16xi32>,
      tpu.vector_store %arg9[%swap3A_217], %get3A_211 {strides = array<i32>} : memref<128xi32, #tpu.memory_space<vmem>>, vector<16xi32>,
      %gather3A_219 = tpu.vector_load_idx %arg6[%get3A_209] : memref<10000xf32, #tpu.memory_space<vmem>>[vector<16xi32>], vector<16xf32>,
      %mul3A_220 = arith.mulf %gather3A_219, %bitcast3A_214 : vector<16xf32>
      %gather3A_221 = tpu.vector_load_idx %arg6[%get3A_211] : memref<10000xf32, #tpu.memory_space<vmem>>[vector<16xi32>], vector<16xf32>,
      %mul3A_222 = arith.mulf %mul3A_220, %gather3A_221 : vector<16xf32>
      %swap3A_223 = arith.constant 0 : index
      %swap3A_224 = tpu.vector_load %arg13[%swap3A_223] {strides = array<i32>} : memref<128xf32, #tpu.memory_space<vmem>>, vector<16xf32>,
      tpu.vector_store %arg13[%swap3A_223], %mul3A_222 {strides = array<i32>} : memref<128xf32, #tpu.memory_space<vmem>>, vector<16xf32>,
      %get3A_225 = arith.constant 16 : index
      %get3A_226 = tpu.vector_load %arg7[%get3A_225] {strides = array<i32>} : memref<384xi32, #tpu.memory_space<vmem>>, vector<16xi32>,
      %get3A_227 = arith.constant 144 : index
      %get3A_228 = tpu.vector_load %arg7[%get3A_227] {strides = array<i32>} : memref<384xi32, #tpu.memory_space<vmem>>, vector<16xi32>,
      %get3A_229 = arith.constant 272 : index
      %get3A_230 = tpu.vector_load %arg7[%get3A_229] {strides = array<i32>} : memref<384xi32, #tpu.memory_space<vmem>>, vector<16xi32>,
      %bitcast3A_231 = vector.bitcast %get3A_230 : vector<16xi32> to vector<16xf32>
      %swap3A_232 = arith.constant 16 : index
      %swap3A_233 = tpu.vector_load %arg11[%swap3A_232] {strides = array<i32>} : memref<128xi32, #tpu.memory_space<vmem>>, vector<16xi32>,
      tpu.vector_store %arg11[%swap3A_232], %get3A_226 {strides = array<i32>} : memref<128xi32, #tpu.memory_space<vmem>>, vector<16xi32>,
      %swap3A_234 = arith.constant 16 : index
      %swap3A_235 = tpu.vector_load %arg9[%swap3A_234] {strides = array<i32>} : memref<128xi32, #tpu.memory_space<vmem>>, vector<16xi32>,
      tpu.vector_store %arg9[%swap3A_234], %get3A_228 {strides = array<i32>} : memref<128xi32, #tpu.memory_space<vmem>>, vector<16xi32>,
      %gather3A_236 = tpu.vector_load_idx %arg6[%get3A_226] : memref<10000xf32, #tpu.memory_space<vmem>>[vector<16xi32>], vector<16xf32>,
      %mul3A_237 = arith.mulf %gather3A_236, %bitcast3A_231 : vector<16xf32>
      %gather3A_238 = tpu.vector_load_idx %arg6[%get3A_228] : memref<10000xf32, #tpu.memory_space<vmem>>[vector<16xi32>], vector<16xf32>,
      %mul3A_239 = arith.mulf %mul3A_237, %gather3A_238 : vector<16xf32>
      %swap3A_240 = arith.constant 16 : index
      %swap3A_241 = tpu.vector_load %arg13[%swap3A_240] {strides = array<i32>} : memref<128xf32, #tpu.memory_space<vmem>>, vector<16xf32>,
      tpu.vector_store %arg13[%swap3A_240], %mul3A_239 {strides = array<i32>} : memref<128xf32, #tpu.memory_space<vmem>>, vector<16xf32>,
      %get3A_242 = arith.constant 32 : index
      %get3A_243 = tpu.vector_load %arg7[%get3A_242] {strides = array<i32>} : memref<384xi32, #tpu.memory_space<vmem>>, vector<16xi32>,
      %get3A_244 = arith.constant 160 : index
      %get3A_245 = tpu.vector_load %arg7[%get3A_244] {strides = array<i32>} : memref<384xi32, #tpu.memory_space<vmem>>, vector<16xi32>,
      %get3A_246 = arith.constant 288 : index
      %get3A_247 = tpu.vector_load %arg7[%get3A_246] {strides = array<i32>} : memref<384xi32, #tpu.memory_space<vmem>>, vector<16xi32>,
      %bitcast3A_248 = vector.bitcast %get3A_247 : vector<16xi32> to vector<16xf32>
      %swap3A_249 = arith.constant 32 : index
      %swap3A_250 = tpu.vector_load %arg11[%swap3A_249] {strides = array<i32>} : memref<128xi32, #tpu.memory_space<vmem>>, vector<16xi32>,
      tpu.vector_store %arg11[%swap3A_249], %get3A_243 {strides = array<i32>} : memref<128xi32, #tpu.memory_space<vmem>>, vector<16xi32>,
      %swap3A_251 = arith.constant 32 : index
      %swap3A_252 = tpu.vector_load %arg9[%swap3A_251] {strides = array<i32>} : memref<128xi32, #tpu.memory_space<vmem>>, vector<16xi32>,
      tpu.vector_store %arg9[%swap3A_251], %get3A_245 {strides = array<i32>} : memref<128xi32, #tpu.memory_space<vmem>>, vector<16xi32>,
      %gather3A_253 = tpu.vector_load_idx %arg6[%get3A_243] : memref<10000xf32, #tpu.memory_space<vmem>>[vector<16xi32>], vector<16xf32>,
      %mul3A_254 = arith.mulf %gather3A_253, %bitcast3A_248 : vector<16xf32>
      %gather3A_255 = tpu.vector_load_idx %arg6[%get3A_245] : memref<10000xf32, #tpu.memory_space<vmem>>[vector<16xi32>], vector<16xf32>,
      %mul3A_256 = arith.mulf %mul3A_254, %gather3A_255 : vector<16xf32>
      %swap3A_257 = arith.constant 32 : index
      %swap3A_258 = tpu.vector_load %arg13[%swap3A_257] {strides = array<i32>} : memref<128xf32, #tpu.memory_space<vmem>>, vector<16xf32>,
      tpu.vector_store %arg13[%swap3A_257], %mul3A_256 {strides = array<i32>} : memref<128xf32, #tpu.memory_space<vmem>>, vector<16xf32>,
      %get3A_259 = arith.constant 48 : index
      %get3A_260 = tpu.vector_load %arg7[%get3A_259] {strides = array<i32>} : memref<384xi32, #tpu.memory_space<vmem>>, vector<16xi32>,
      %get3A_261 = arith.constant 176 : index
      %get3A_262 = tpu.vector_load %arg7[%get3A_261] {strides = array<i32>} : memref<384xi32, #tpu.memory_space<vmem>>, vector<16xi32>,
      %get3A_263 = arith.constant 304 : index
      %get3A_264 = tpu.vector_load %arg7[%get3A_263] {strides = array<i32>} : memref<384xi32, #tpu.memory_space<vmem>>, vector<16xi32>,
      %bitcast3A_265 = vector.bitcast %get3A_264 : vector<16xi32> to vector<16xf32>
      %swap3A_266 = arith.constant 48 : index
      %swap3A_267 = tpu.vector_load %arg11[%swap3A_266] {strides = array<i32>} : memref<128xi32, #tpu.memory_space<vmem>>, vector<16xi32>,
      tpu.vector_store %arg11[%swap3A_266], %get3A_260 {strides = array<i32>} : memref<128xi32, #tpu.memory_space<vmem>>, vector<16xi32>,
      %swap3A_268 = arith.constant 48 : index
      %swap3A_269 = tpu.vector_load %arg9[%swap3A_268] {strides = array<i32>} : memref<128xi32, #tpu.memory_space<vmem>>, vector<16xi32>,
      tpu.vector_store %arg9[%swap3A_268], %get3A_262 {strides = array<i32>} : memref<128xi32, #tpu.memory_space<vmem>>, vector<16xi32>,
      %gather3A_270 = tpu.vector_load_idx %arg6[%get3A_260] : memref<10000xf32, #tpu.memory_space<vmem>>[vector<16xi32>], vector<16xf32>,
      %mul3A_271 = arith.mulf %gather3A_270, %bitcast3A_265 : vector<16xf32>
      %gather3A_272 = tpu.vector_load_idx %arg6[%get3A_262] : memref<10000xf32, #tpu.memory_space<vmem>>[vector<16xi32>], vector<16xf32>,
      %mul3A_273 = arith.mulf %mul3A_271, %gather3A_272 : vector<16xf32>
      %swap3A_274 = arith.constant 48 : index
      %swap3A_275 = tpu.vector_load %arg13[%swap3A_274] {strides = array<i32>} : memref<128xf32, #tpu.memory_space<vmem>>, vector<16xf32>,
      tpu.vector_store %arg13[%swap3A_274], %mul3A_273 {strides = array<i32>} : memref<128xf32, #tpu.memory_space<vmem>>, vector<16xf32>,
      %get3A_276 = arith.constant 64 : index
      %get3A_277 = tpu.vector_load %arg7[%get3A_276] {strides = array<i32>} : memref<384xi32, #tpu.memory_space<vmem>>, vector<16xi32>,
      %get3A_278 = arith.constant 192 : index
      %get3A_279 = tpu.vector_load %arg7[%get3A_278] {strides = array<i32>} : memref<384xi32, #tpu.memory_space<vmem>>, vector<16xi32>,
      %get3A_280 = arith.constant 320 : index
      %get3A_281 = tpu.vector_load %arg7[%get3A_280] {strides = array<i32>} : memref<384xi32, #tpu.memory_space<vmem>>, vector<16xi32>,
      %bitcast3A_282 = vector.bitcast %get3A_281 : vector<16xi32> to vector<16xf32>
      %swap3A_283 = arith.constant 64 : index
      %swap3A_284 = tpu.vector_load %arg11[%swap3A_283] {strides = array<i32>} : memref<128xi32, #tpu.memory_space<vmem>>, vector<16xi32>,
      tpu.vector_store %arg11[%swap3A_283], %get3A_277 {strides = array<i32>} : memref<128xi32, #tpu.memory_space<vmem>>, vector<16xi32>,
      %swap3A_285 = arith.constant 64 : index
      %swap3A_286 = tpu.vector_load %arg9[%swap3A_285] {strides = array<i32>} : memref<128xi32, #tpu.memory_space<vmem>>, vector<16xi32>,
      tpu.vector_store %arg9[%swap3A_285], %get3A_279 {strides = array<i32>} : memref<128xi32, #tpu.memory_space<vmem>>, vector<16xi32>,
      %gather3A_287 = tpu.vector_load_idx %arg6[%get3A_277] : memref<10000xf32, #tpu.memory_space<vmem>>[vector<16xi32>], vector<16xf32>,
      %mul3A_288 = arith.mulf %gather3A_287, %bitcast3A_282 : vector<16xf32>
      %gather3A_289 = tpu.vector_load_idx %arg6[%get3A_279] : memref<10000xf32, #tpu.memory_space<vmem>>[vector<16xi32>], vector<16xf32>,
      %mul3A_290 = arith.mulf %mul3A_288, %gather3A_289 : vector<16xf32>
      %swap3A_291 = arith.constant 64 : index
      %swap3A_292 = tpu.vector_load %arg13[%swap3A_291] {strides = array<i32>} : memref<128xf32, #tpu.memory_space<vmem>>, vector<16xf32>,
      tpu.vector_store %arg13[%swap3A_291], %mul3A_290 {strides = array<i32>} : memref<128xf32, #tpu.memory_space<vmem>>, vector<16xf32>,
      %get3A_293 = arith.constant 80 : index
      %get3A_294 = tpu.vector_load %arg7[%get3A_293] {strides = array<i32>} : memref<384xi32, #tpu.memory_space<vmem>>, vector<16xi32>,
      %get3A_295 = arith.constant 208 : index
      %get3A_296 = tpu.vector_load %arg7[%get3A_295] {strides = array<i32>} : memref<384xi32, #tpu.memory_space<vmem>>, vector<16xi32>,
      %get3A_297 = arith.constant 336 : index
      %get3A_298 = tpu.vector_load %arg7[%get3A_297] {strides = array<i32>} : memref<384xi32, #tpu.memory_space<vmem>>, vector<16xi32>,
      %bitcast3A_299 = vector.bitcast %get3A_298 : vector<16xi32> to vector<16xf32>
      %swap3A_300 = arith.constant 80 : index
      %swap3A_301 = tpu.vector_load %arg11[%swap3A_300] {strides = array<i32>} : memref<128xi32, #tpu.memory_space<vmem>>, vector<16xi32>,
      tpu.vector_store %arg11[%swap3A_300], %get3A_294 {strides = array<i32>} : memref<128xi32, #tpu.memory_space<vmem>>, vector<16xi32>,
      %swap3A_302 = arith.constant 80 : index
      %swap3A_303 = tpu.vector_load %arg9[%swap3A_302] {strides = array<i32>} : memref<128xi32, #tpu.memory_space<vmem>>, vector<16xi32>,
      tpu.vector_store %arg9[%swap3A_302], %get3A_296 {strides = array<i32>} : memref<128xi32, #tpu.memory_space<vmem>>, vector<16xi32>,
      %gather3A_304 = tpu.vector_load_idx %arg6[%get3A_294] : memref<10000xf32, #tpu.memory_space<vmem>>[vector<16xi32>], vector<16xf32>,
      %mul3A_305 = arith.mulf %gather3A_304, %bitcast3A_299 : vector<16xf32>
      %gather3A_306 = tpu.vector_load_idx %arg6[%get3A_296] : memref<10000xf32, #tpu.memory_space<vmem>>[vector<16xi32>], vector<16xf32>,
      %mul3A_307 = arith.mulf %mul3A_305, %gather3A_306 : vector<16xf32>
      %swap3A_308 = arith.constant 80 : index
      %swap3A_309 = tpu.vector_load %arg13[%swap3A_308] {strides = array<i32>} : memref<128xf32, #tpu.memory_space<vmem>>, vector<16xf32>,
      tpu.vector_store %arg13[%swap3A_308], %mul3A_307 {strides = array<i32>} : memref<128xf32, #tpu.memory_space<vmem>>, vector<16xf32>,
      %get3A_310 = arith.constant 96 : index
      %get3A_311 = tpu.vector_load %arg7[%get3A_310] {strides = array<i32>} : memref<384xi32, #tpu.memory_space<vmem>>, vector<16xi32>,
      %get3A_312 = arith.constant 224 : index
      %get3A_313 = tpu.vector_load %arg7[%get3A_312] {strides = array<i32>} : memref<384xi32, #tpu.memory_space<vmem>>, vector<16xi32>,
      %get3A_314 = arith.constant 352 : index
      %get3A_315 = tpu.vector_load %arg7[%get3A_314] {strides = array<i32>} : memref<384xi32, #tpu.memory_space<vmem>>, vector<16xi32>,
      %bitcast3A_316 = vector.bitcast %get3A_315 : vector<16xi32> to vector<16xf32>
      %swap3A_317 = arith.constant 96 : index
      %swap3A_318 = tpu.vector_load %arg11[%swap3A_317] {strides = array<i32>} : memref<128xi32, #tpu.memory_space<vmem>>, vector<16xi32>,
      tpu.vector_store %arg11[%swap3A_317], %get3A_311 {strides = array<i32>} : memref<128xi32, #tpu.memory_space<vmem>>, vector<16xi32>,
      %swap3A_319 = arith.constant 96 : index
      %swap3A_320 = tpu.vector_load %arg9[%swap3A_319] {strides = array<i32>} : memref<128xi32, #tpu.memory_space<vmem>>, vector<16xi32>,
      tpu.vector_store %arg9[%swap3A_319], %get3A_313 {strides = array<i32>} : memref<128xi32, #tpu.memory_space<vmem>>, vector<16xi32>,
      %gather3A_321 = tpu.vector_load_idx %arg6[%get3A_311] : memref<10000xf32, #tpu.memory_space<vmem>>[vector<16xi32>], vector<16xf32>,
      %mul3A_322 = arith.mulf %gather3A_321, %bitcast3A_316 : vector<16xf32>
      %gather3A_323 = tpu.vector_load_idx %arg6[%get3A_313] : memref<10000xf32, #tpu.memory_space<vmem>>[vector<16xi32>], vector<16xf32>,
      %mul3A_324 = arith.mulf %mul3A_322, %gather3A_323 : vector<16xf32>
      %swap3A_325 = arith.constant 96 : index
      %swap3A_326 = tpu.vector_load %arg13[%swap3A_325] {strides = array<i32>} : memref<128xf32, #tpu.memory_space<vmem>>, vector<16xf32>,
      tpu.vector_store %arg13[%swap3A_325], %mul3A_324 {strides = array<i32>} : memref<128xf32, #tpu.memory_space<vmem>>, vector<16xf32>,
      %get3A_327 = arith.constant 112 : index
      %get3A_328 = tpu.vector_load %arg7[%get3A_327] {strides = array<i32>} : memref<384xi32, #tpu.memory_space<vmem>>, vector<16xi32>,
      %get3A_329 = arith.constant 240 : index
      %get3A_330 = tpu.vector_load %arg7[%get3A_329] {strides = array<i32>} : memref<384xi32, #tpu.memory_space<vmem>>, vector<16xi32>,
      %get3A_331 = arith.constant 368 : index
      %get3A_332 = tpu.vector_load %arg7[%get3A_331] {strides = array<i32>} : memref<384xi32, #tpu.memory_space<vmem>>, vector<16xi32>,
      %bitcast3A_333 = vector.bitcast %get3A_332 : vector<16xi32> to vector<16xf32>
      %swap3A_334 = arith.constant 112 : index
      %swap3A_335 = tpu.vector_load %arg11[%swap3A_334] {strides = array<i32>} : memref<128xi32, #tpu.memory_space<vmem>>, vector<16xi32>,
      tpu.vector_store %arg11[%swap3A_334], %get3A_328 {strides = array<i32>} : memref<128xi32, #tpu.memory_space<vmem>>, vector<16xi32>,
      %swap3A_336 = arith.constant 112 : index
      %swap3A_337 = tpu.vector_load %arg9[%swap3A_336] {strides = array<i32>} : memref<128xi32, #tpu.memory_space<vmem>>, vector<16xi32>,
      tpu.vector_store %arg9[%swap3A_336], %get3A_330 {strides = array<i32>} : memref<128xi32, #tpu.memory_space<vmem>>, vector<16xi32>,
      %gather3A_338 = tpu.vector_load_idx %arg6[%get3A_328] : memref<10000xf32, #tpu.memory_space<vmem>>[vector<16xi32>], vector<16xf32>,
      %mul3A_339 = arith.mulf %gather3A_338, %bitcast3A_333 : vector<16xf32>
      %gather3A_340 = tpu.vector_load_idx %arg6[%get3A_330] : memref<10000xf32, #tpu.memory_space<vmem>>[vector<16xi32>], vector<16xf32>,
      %mul3A_341 = arith.mulf %mul3A_339, %gather3A_340 : vector<16xf32>
      %swap3A_342 = arith.constant 112 : index
      %swap3A_343 = tpu.vector_load %arg13[%swap3A_342] {strides = array<i32>} : memref<128xf32, #tpu.memory_space<vmem>>, vector<16xf32>,
      tpu.vector_store %arg13[%swap3A_342], %mul3A_341 {strides = array<i32>} : memref<128xf32, #tpu.memory_space<vmem>>, vector<16xf32>,
      %dma_start3A_344 = arith.constant 0 : i32
      %dma_start3A_345 = arith.constant 0 : i32
      %dma_start3A_346 = tpu.memref_slice %arg4[%dma_start3A_344, %dma_start3A_345] : memref<10240x128xf32, #tpu.memory_space<hbm>> -> memref<10240x128xf32, #tpu.memory_space<hbm>>
      tpu.enqueue_indirect_dma source(%dma_start3A_346 : memref<10240x128xf32, #tpu.memory_space<hbm>>) target(%arg15 : memref<128x128xf32, #tpu.memory_space<vmem>>) offsets(%arg11 : memref<128xi32, #tpu.memory_space<vmem>>) semaphore(%arg18 : memref<!tpu.dma_semaphore, #tpu.memory_space<semaphore_mem>>)
      %add3A_347 = arith.constant 1 : i32
      %add3A_348 = arith.addi %mul3A_202, %add3A_347 : i32
      %mul3A_349 = arith.constant 128 : i32
      %mul3A_350 = arith.muli %add3A_348, %mul3A_349 : i32
      %add3A_351 = arith.addi %add3A_21, %mul3A_350 : i32
      %mul3A_352 = arith.constant 3 : i32
      %mul3A_353 = arith.muli %add3A_351, %mul3A_352 : i32
      "tpu.region"() ({
        %run_scoped3A = tpu.sem_alloc : memref<!tpu.dma_semaphore, #tpu.memory_space<semaphore_mem>>
        %dma_start3A_523 = tpu.memref_slice %arg2[%mul3A_353] : memref<454656xi32, #tpu.memory_space<hbm>> -> memref<384xi32, #tpu.memory_space<hbm>>
        %dma_start3A_524 = tpu.memref_slice %arg2[%mul3A_353] : memref<454656xi32, #tpu.memory_space<hbm>> -> memref<384xi32, #tpu.memory_space<hbm>>
        tpu.enqueue_dma source(%dma_start3A_524 : memref<384xi32, #tpu.memory_space<hbm>>) target(%arg8 : memref<384xi32, #tpu.memory_space<vmem>>) target_semaphore(%run_scoped3A : memref<!tpu.dma_semaphore, #tpu.memory_space<semaphore_mem>>)
        %dma_wait3A_525 = tpu.memref_slice %arg2[%mul3A_353] : memref<454656xi32, #tpu.memory_space<hbm>> -> memref<384xi32, #tpu.memory_space<hbm>>
        %dma_wait3A_526 = tpu.memref_slice %arg2[%mul3A_353] : memref<454656xi32, #tpu.memory_space<hbm>> -> memref<384xi32, #tpu.memory_space<hbm>>
        tpu.wait_dma2 semaphore(%run_scoped3A : memref<!tpu.dma_semaphore, #tpu.memory_space<semaphore_mem>>) src(%dma_wait3A_526 : memref<384xi32, #tpu.memory_space<hbm>>) dst(%arg8 : memref<384xi32, #tpu.memory_space<vmem>>)
        tpu.yield
      }) : () -> ()
      %get3A_354 = arith.constant 0 : index
      %get3A_355 = tpu.vector_load %arg8[%get3A_354] {strides = array<i32>} : memref<384xi32, #tpu.memory_space<vmem>>, vector<16xi32>,
      %get3A_356 = arith.constant 128 : index
      %get3A_357 = tpu.vector_load %arg8[%get3A_356] {strides = array<i32>} : memref<384xi32, #tpu.memory_space<vmem>>, vector<16xi32>,
      %get3A_358 = arith.constant 256 : index
      %get3A_359 = tpu.vector_load %arg8[%get3A_358] {strides = array<i32>} : memref<384xi32, #tpu.memory_space<vmem>>, vector<16xi32>,
      %bitcast3A_360 = vector.bitcast %get3A_359 : vector<16xi32> to vector<16xf32>
      %swap3A_361 = arith.constant 0 : index
      %swap3A_362 = tpu.vector_load %arg12[%swap3A_361] {strides = array<i32>} : memref<128xi32, #tpu.memory_space<vmem>>, vector<16xi32>,
      tpu.vector_store %arg12[%swap3A_361], %get3A_355 {strides = array<i32>} : memref<128xi32, #tpu.memory_space<vmem>>, vector<16xi32>,
      %swap3A_363 = arith.constant 0 : index
      %swap3A_364 = tpu.vector_load %arg10[%swap3A_363] {strides = array<i32>} : memref<128xi32, #tpu.memory_space<vmem>>, vector<16xi32>,
      tpu.vector_store %arg10[%swap3A_363], %get3A_357 {strides = array<i32>} : memref<128xi32, #tpu.memory_space<vmem>>, vector<16xi32>,
      %gather3A_365 = tpu.vector_load_idx %arg6[%get3A_355] : memref<10000xf32, #tpu.memory_space<vmem>>[vector<16xi32>], vector<16xf32>,
      %mul3A_366 = arith.mulf %gather3A_365, %bitcast3A_360 : vector<16xf32>
      %gather3A_367 = tpu.vector_load_idx %arg6[%get3A_357] : memref<10000xf32, #tpu.memory_space<vmem>>[vector<16xi32>], vector<16xf32>,
      %mul3A_368 = arith.mulf %mul3A_366, %gather3A_367 : vector<16xf32>
      %swap3A_369 = arith.constant 0 : index
      %swap3A_370 = tpu.vector_load %arg14[%swap3A_369] {strides = array<i32>} : memref<128xf32, #tpu.memory_space<vmem>>, vector<16xf32>,
      tpu.vector_store %arg14[%swap3A_369], %mul3A_368 {strides = array<i32>} : memref<128xf32, #tpu.memory_space<vmem>>, vector<16xf32>,
      %get3A_371 = arith.constant 16 : index
      %get3A_372 = tpu.vector_load %arg8[%get3A_371] {strides = array<i32>} : memref<384xi32, #tpu.memory_space<vmem>>, vector<16xi32>,
      %get3A_373 = arith.constant 144 : index
      %get3A_374 = tpu.vector_load %arg8[%get3A_373] {strides = array<i32>} : memref<384xi32, #tpu.memory_space<vmem>>, vector<16xi32>,
      %get3A_375 = arith.constant 272 : index
      %get3A_376 = tpu.vector_load %arg8[%get3A_375] {strides = array<i32>} : memref<384xi32, #tpu.memory_space<vmem>>, vector<16xi32>,
      %bitcast3A_377 = vector.bitcast %get3A_376 : vector<16xi32> to vector<16xf32>
      %swap3A_378 = arith.constant 16 : index
      %swap3A_379 = tpu.vector_load %arg12[%swap3A_378] {strides = array<i32>} : memref<128xi32, #tpu.memory_space<vmem>>, vector<16xi32>,
      tpu.vector_store %arg12[%swap3A_378], %get3A_372 {strides = array<i32>} : memref<128xi32, #tpu.memory_space<vmem>>, vector<16xi32>,
      %swap3A_380 = arith.constant 16 : index
      %swap3A_381 = tpu.vector_load %arg10[%swap3A_380] {strides = array<i32>} : memref<128xi32, #tpu.memory_space<vmem>>, vector<16xi32>,
      tpu.vector_store %arg10[%swap3A_380], %get3A_374 {strides = array<i32>} : memref<128xi32, #tpu.memory_space<vmem>>, vector<16xi32>,
      %gather3A_382 = tpu.vector_load_idx %arg6[%get3A_372] : memref<10000xf32, #tpu.memory_space<vmem>>[vector<16xi32>], vector<16xf32>,
      %mul3A_383 = arith.mulf %gather3A_382, %bitcast3A_377 : vector<16xf32>
      %gather3A_384 = tpu.vector_load_idx %arg6[%get3A_374] : memref<10000xf32, #tpu.memory_space<vmem>>[vector<16xi32>], vector<16xf32>,
      %mul3A_385 = arith.mulf %mul3A_383, %gather3A_384 : vector<16xf32>
      %swap3A_386 = arith.constant 16 : index
      %swap3A_387 = tpu.vector_load %arg14[%swap3A_386] {strides = array<i32>} : memref<128xf32, #tpu.memory_space<vmem>>, vector<16xf32>,
      tpu.vector_store %arg14[%swap3A_386], %mul3A_385 {strides = array<i32>} : memref<128xf32, #tpu.memory_space<vmem>>, vector<16xf32>,
      %get3A_388 = arith.constant 32 : index
      %get3A_389 = tpu.vector_load %arg8[%get3A_388] {strides = array<i32>} : memref<384xi32, #tpu.memory_space<vmem>>, vector<16xi32>,
      %get3A_390 = arith.constant 160 : index
      %get3A_391 = tpu.vector_load %arg8[%get3A_390] {strides = array<i32>} : memref<384xi32, #tpu.memory_space<vmem>>, vector<16xi32>,
      %get3A_392 = arith.constant 288 : index
      %get3A_393 = tpu.vector_load %arg8[%get3A_392] {strides = array<i32>} : memref<384xi32, #tpu.memory_space<vmem>>, vector<16xi32>,
      %bitcast3A_394 = vector.bitcast %get3A_393 : vector<16xi32> to vector<16xf32>
      %swap3A_395 = arith.constant 32 : index
      %swap3A_396 = tpu.vector_load %arg12[%swap3A_395] {strides = array<i32>} : memref<128xi32, #tpu.memory_space<vmem>>, vector<16xi32>,
      tpu.vector_store %arg12[%swap3A_395], %get3A_389 {strides = array<i32>} : memref<128xi32, #tpu.memory_space<vmem>>, vector<16xi32>,
      %swap3A_397 = arith.constant 32 : index
      %swap3A_398 = tpu.vector_load %arg10[%swap3A_397] {strides = array<i32>} : memref<128xi32, #tpu.memory_space<vmem>>, vector<16xi32>,
      tpu.vector_store %arg10[%swap3A_397], %get3A_391 {strides = array<i32>} : memref<128xi32, #tpu.memory_space<vmem>>, vector<16xi32>,
      %gather3A_399 = tpu.vector_load_idx %arg6[%get3A_389] : memref<10000xf32, #tpu.memory_space<vmem>>[vector<16xi32>], vector<16xf32>,
      %mul3A_400 = arith.mulf %gather3A_399, %bitcast3A_394 : vector<16xf32>
      %gather3A_401 = tpu.vector_load_idx %arg6[%get3A_391] : memref<10000xf32, #tpu.memory_space<vmem>>[vector<16xi32>], vector<16xf32>,
      %mul3A_402 = arith.mulf %mul3A_400, %gather3A_401 : vector<16xf32>
      %swap3A_403 = arith.constant 32 : index
      %swap3A_404 = tpu.vector_load %arg14[%swap3A_403] {strides = array<i32>} : memref<128xf32, #tpu.memory_space<vmem>>, vector<16xf32>,
      tpu.vector_store %arg14[%swap3A_403], %mul3A_402 {strides = array<i32>} : memref<128xf32, #tpu.memory_space<vmem>>, vector<16xf32>,
      %get3A_405 = arith.constant 48 : index
      %get3A_406 = tpu.vector_load %arg8[%get3A_405] {strides = array<i32>} : memref<384xi32, #tpu.memory_space<vmem>>, vector<16xi32>,
      %get3A_407 = arith.constant 176 : index
      %get3A_408 = tpu.vector_load %arg8[%get3A_407] {strides = array<i32>} : memref<384xi32, #tpu.memory_space<vmem>>, vector<16xi32>,
      %get3A_409 = arith.constant 304 : index
      %get3A_410 = tpu.vector_load %arg8[%get3A_409] {strides = array<i32>} : memref<384xi32, #tpu.memory_space<vmem>>, vector<16xi32>,
      %bitcast3A_411 = vector.bitcast %get3A_410 : vector<16xi32> to vector<16xf32>
      %swap3A_412 = arith.constant 48 : index
      %swap3A_413 = tpu.vector_load %arg12[%swap3A_412] {strides = array<i32>} : memref<128xi32, #tpu.memory_space<vmem>>, vector<16xi32>,
      tpu.vector_store %arg12[%swap3A_412], %get3A_406 {strides = array<i32>} : memref<128xi32, #tpu.memory_space<vmem>>, vector<16xi32>,
      %swap3A_414 = arith.constant 48 : index
      %swap3A_415 = tpu.vector_load %arg10[%swap3A_414] {strides = array<i32>} : memref<128xi32, #tpu.memory_space<vmem>>, vector<16xi32>,
      tpu.vector_store %arg10[%swap3A_414], %get3A_408 {strides = array<i32>} : memref<128xi32, #tpu.memory_space<vmem>>, vector<16xi32>,
      %gather3A_416 = tpu.vector_load_idx %arg6[%get3A_406] : memref<10000xf32, #tpu.memory_space<vmem>>[vector<16xi32>], vector<16xf32>,
      %mul3A_417 = arith.mulf %gather3A_416, %bitcast3A_411 : vector<16xf32>
      %gather3A_418 = tpu.vector_load_idx %arg6[%get3A_408] : memref<10000xf32, #tpu.memory_space<vmem>>[vector<16xi32>], vector<16xf32>,
      %mul3A_419 = arith.mulf %mul3A_417, %gather3A_418 : vector<16xf32>
      %swap3A_420 = arith.constant 48 : index
      %swap3A_421 = tpu.vector_load %arg14[%swap3A_420] {strides = array<i32>} : memref<128xf32, #tpu.memory_space<vmem>>, vector<16xf32>,
      tpu.vector_store %arg14[%swap3A_420], %mul3A_419 {strides = array<i32>} : memref<128xf32, #tpu.memory_space<vmem>>, vector<16xf32>,
      %get3A_422 = arith.constant 64 : index
      %get3A_423 = tpu.vector_load %arg8[%get3A_422] {strides = array<i32>} : memref<384xi32, #tpu.memory_space<vmem>>, vector<16xi32>,
      %get3A_424 = arith.constant 192 : index
      %get3A_425 = tpu.vector_load %arg8[%get3A_424] {strides = array<i32>} : memref<384xi32, #tpu.memory_space<vmem>>, vector<16xi32>,
      %get3A_426 = arith.constant 320 : index
      %get3A_427 = tpu.vector_load %arg8[%get3A_426] {strides = array<i32>} : memref<384xi32, #tpu.memory_space<vmem>>, vector<16xi32>,
      %bitcast3A_428 = vector.bitcast %get3A_427 : vector<16xi32> to vector<16xf32>
      %swap3A_429 = arith.constant 64 : index
      %swap3A_430 = tpu.vector_load %arg12[%swap3A_429] {strides = array<i32>} : memref<128xi32, #tpu.memory_space<vmem>>, vector<16xi32>,
      tpu.vector_store %arg12[%swap3A_429], %get3A_423 {strides = array<i32>} : memref<128xi32, #tpu.memory_space<vmem>>, vector<16xi32>,
      %swap3A_431 = arith.constant 64 : index
      %swap3A_432 = tpu.vector_load %arg10[%swap3A_431] {strides = array<i32>} : memref<128xi32, #tpu.memory_space<vmem>>, vector<16xi32>,
      tpu.vector_store %arg10[%swap3A_431], %get3A_425 {strides = array<i32>} : memref<128xi32, #tpu.memory_space<vmem>>, vector<16xi32>,
      %gather3A_433 = tpu.vector_load_idx %arg6[%get3A_423] : memref<10000xf32, #tpu.memory_space<vmem>>[vector<16xi32>], vector<16xf32>,
      %mul3A_434 = arith.mulf %gather3A_433, %bitcast3A_428 : vector<16xf32>
      %gather3A_435 = tpu.vector_load_idx %arg6[%get3A_425] : memref<10000xf32, #tpu.memory_space<vmem>>[vector<16xi32>], vector<16xf32>,
      %mul3A_436 = arith.mulf %mul3A_434, %gather3A_435 : vector<16xf32>
      %swap3A_437 = arith.constant 64 : index
      %swap3A_438 = tpu.vector_load %arg14[%swap3A_437] {strides = array<i32>} : memref<128xf32, #tpu.memory_space<vmem>>, vector<16xf32>,
      tpu.vector_store %arg14[%swap3A_437], %mul3A_436 {strides = array<i32>} : memref<128xf32, #tpu.memory_space<vmem>>, vector<16xf32>,
      %get3A_439 = arith.constant 80 : index
      %get3A_440 = tpu.vector_load %arg8[%get3A_439] {strides = array<i32>} : memref<384xi32, #tpu.memory_space<vmem>>, vector<16xi32>,
      %get3A_441 = arith.constant 208 : index
      %get3A_442 = tpu.vector_load %arg8[%get3A_441] {strides = array<i32>} : memref<384xi32, #tpu.memory_space<vmem>>, vector<16xi32>,
      %get3A_443 = arith.constant 336 : index
      %get3A_444 = tpu.vector_load %arg8[%get3A_443] {strides = array<i32>} : memref<384xi32, #tpu.memory_space<vmem>>, vector<16xi32>,
      %bitcast3A_445 = vector.bitcast %get3A_444 : vector<16xi32> to vector<16xf32>
      %swap3A_446 = arith.constant 80 : index
      %swap3A_447 = tpu.vector_load %arg12[%swap3A_446] {strides = array<i32>} : memref<128xi32, #tpu.memory_space<vmem>>, vector<16xi32>,
      tpu.vector_store %arg12[%swap3A_446], %get3A_440 {strides = array<i32>} : memref<128xi32, #tpu.memory_space<vmem>>, vector<16xi32>,
      %swap3A_448 = arith.constant 80 : index
      %swap3A_449 = tpu.vector_load %arg10[%swap3A_448] {strides = array<i32>} : memref<128xi32, #tpu.memory_space<vmem>>, vector<16xi32>,
      tpu.vector_store %arg10[%swap3A_448], %get3A_442 {strides = array<i32>} : memref<128xi32, #tpu.memory_space<vmem>>, vector<16xi32>,
      %gather3A_450 = tpu.vector_load_idx %arg6[%get3A_440] : memref<10000xf32, #tpu.memory_space<vmem>>[vector<16xi32>], vector<16xf32>,
      %mul3A_451 = arith.mulf %gather3A_450, %bitcast3A_445 : vector<16xf32>
      %gather3A_452 = tpu.vector_load_idx %arg6[%get3A_442] : memref<10000xf32, #tpu.memory_space<vmem>>[vector<16xi32>], vector<16xf32>,
      %mul3A_453 = arith.mulf %mul3A_451, %gather3A_452 : vector<16xf32>
      %swap3A_454 = arith.constant 80 : index
      %swap3A_455 = tpu.vector_load %arg14[%swap3A_454] {strides = array<i32>} : memref<128xf32, #tpu.memory_space<vmem>>, vector<16xf32>,
      tpu.vector_store %arg14[%swap3A_454], %mul3A_453 {strides = array<i32>} : memref<128xf32, #tpu.memory_space<vmem>>, vector<16xf32>,
      %get3A_456 = arith.constant 96 : index
      %get3A_457 = tpu.vector_load %arg8[%get3A_456] {strides = array<i32>} : memref<384xi32, #tpu.memory_space<vmem>>, vector<16xi32>,
      %get3A_458 = arith.constant 224 : index
      %get3A_459 = tpu.vector_load %arg8[%get3A_458] {strides = array<i32>} : memref<384xi32, #tpu.memory_space<vmem>>, vector<16xi32>,
      %get3A_460 = arith.constant 352 : index
      %get3A_461 = tpu.vector_load %arg8[%get3A_460] {strides = array<i32>} : memref<384xi32, #tpu.memory_space<vmem>>, vector<16xi32>,
      %bitcast3A_462 = vector.bitcast %get3A_461 : vector<16xi32> to vector<16xf32>
      %swap3A_463 = arith.constant 96 : index
      %swap3A_464 = tpu.vector_load %arg12[%swap3A_463] {strides = array<i32>} : memref<128xi32, #tpu.memory_space<vmem>>, vector<16xi32>,
      tpu.vector_store %arg12[%swap3A_463], %get3A_457 {strides = array<i32>} : memref<128xi32, #tpu.memory_space<vmem>>, vector<16xi32>,
      %swap3A_465 = arith.constant 96 : index
      %swap3A_466 = tpu.vector_load %arg10[%swap3A_465] {strides = array<i32>} : memref<128xi32, #tpu.memory_space<vmem>>, vector<16xi32>,
      tpu.vector_store %arg10[%swap3A_465], %get3A_459 {strides = array<i32>} : memref<128xi32, #tpu.memory_space<vmem>>, vector<16xi32>,
      %gather3A_467 = tpu.vector_load_idx %arg6[%get3A_457] : memref<10000xf32, #tpu.memory_space<vmem>>[vector<16xi32>], vector<16xf32>,
      %mul3A_468 = arith.mulf %gather3A_467, %bitcast3A_462 : vector<16xf32>
      %gather3A_469 = tpu.vector_load_idx %arg6[%get3A_459] : memref<10000xf32, #tpu.memory_space<vmem>>[vector<16xi32>], vector<16xf32>,
      %mul3A_470 = arith.mulf %mul3A_468, %gather3A_469 : vector<16xf32>
      %swap3A_471 = arith.constant 96 : index
      %swap3A_472 = tpu.vector_load %arg14[%swap3A_471] {strides = array<i32>} : memref<128xf32, #tpu.memory_space<vmem>>, vector<16xf32>,
      tpu.vector_store %arg14[%swap3A_471], %mul3A_470 {strides = array<i32>} : memref<128xf32, #tpu.memory_space<vmem>>, vector<16xf32>,
      %get3A_473 = arith.constant 112 : index
      %get3A_474 = tpu.vector_load %arg8[%get3A_473] {strides = array<i32>} : memref<384xi32, #tpu.memory_space<vmem>>, vector<16xi32>,
      %get3A_475 = arith.constant 240 : index
      %get3A_476 = tpu.vector_load %arg8[%get3A_475] {strides = array<i32>} : memref<384xi32, #tpu.memory_space<vmem>>, vector<16xi32>,
      %get3A_477 = arith.constant 368 : index
      %get3A_478 = tpu.vector_load %arg8[%get3A_477] {strides = array<i32>} : memref<384xi32, #tpu.memory_space<vmem>>, vector<16xi32>,
      %bitcast3A_479 = vector.bitcast %get3A_478 : vector<16xi32> to vector<16xf32>
      %swap3A_480 = arith.constant 112 : index
      %swap3A_481 = tpu.vector_load %arg12[%swap3A_480] {strides = array<i32>} : memref<128xi32, #tpu.memory_space<vmem>>, vector<16xi32>,
      tpu.vector_store %arg12[%swap3A_480], %get3A_474 {strides = array<i32>} : memref<128xi32, #tpu.memory_space<vmem>>, vector<16xi32>,
      %swap3A_482 = arith.constant 112 : index
      %swap3A_483 = tpu.vector_load %arg10[%swap3A_482] {strides = array<i32>} : memref<128xi32, #tpu.memory_space<vmem>>, vector<16xi32>,
      tpu.vector_store %arg10[%swap3A_482], %get3A_476 {strides = array<i32>} : memref<128xi32, #tpu.memory_space<vmem>>, vector<16xi32>,
      %gather3A_484 = tpu.vector_load_idx %arg6[%get3A_474] : memref<10000xf32, #tpu.memory_space<vmem>>[vector<16xi32>], vector<16xf32>,
      %mul3A_485 = arith.mulf %gather3A_484, %bitcast3A_479 : vector<16xf32>
      %gather3A_486 = tpu.vector_load_idx %arg6[%get3A_476] : memref<10000xf32, #tpu.memory_space<vmem>>[vector<16xi32>], vector<16xf32>,
      %mul3A_487 = arith.mulf %mul3A_485, %gather3A_486 : vector<16xf32>
      %swap3A_488 = arith.constant 112 : index
      %swap3A_489 = tpu.vector_load %arg14[%swap3A_488] {strides = array<i32>} : memref<128xf32, #tpu.memory_space<vmem>>, vector<16xf32>,
      tpu.vector_store %arg14[%swap3A_488], %mul3A_487 {strides = array<i32>} : memref<128xf32, #tpu.memory_space<vmem>>, vector<16xf32>,
      %dma_start3A_490 = arith.constant 0 : i32
      %dma_start3A_491 = arith.constant 0 : i32
      %dma_start3A_492 = tpu.memref_slice %arg4[%dma_start3A_490, %dma_start3A_491] : memref<10240x128xf32, #tpu.memory_space<hbm>> -> memref<10240x128xf32, #tpu.memory_space<hbm>>
      tpu.enqueue_indirect_dma source(%dma_start3A_492 : memref<10240x128xf32, #tpu.memory_space<hbm>>) target(%arg16 : memref<128x128xf32, #tpu.memory_space<vmem>>) offsets(%arg12 : memref<128xi32, #tpu.memory_space<vmem>>) semaphore(%arg19 : memref<!tpu.dma_semaphore, #tpu.memory_space<semaphore_mem>>)
      %dma_wait3A_493 = arith.constant 0 : i32
      %dma_wait3A_494 = arith.constant 0 : i32
      %dma_wait3A_495 = tpu.memref_slice %arg4[%dma_wait3A_493, %dma_wait3A_494] : memref<10240x128xf32, #tpu.memory_space<hbm>> -> memref<10240x128xf32, #tpu.memory_space<hbm>>
      tpu.wait_indirect_dma semaphore(%arg18 : memref<!tpu.dma_semaphore, #tpu.memory_space<semaphore_mem>>) src(%dma_wait3A_495 : memref<10240x128xf32, #tpu.memory_space<hbm>>) dst(%arg15 : memref<128x128xf32, #tpu.memory_space<vmem>>)
      %scan3A_496 = arith.constant 0 : i32
      %scan3A_497 = arith.constant 0 : i32
      %scan3A_498 = arith.constant 128 : i32
      %scan3A_499 = arith.addi %scan3A_497, %scan3A_498 : i32
      %scan3A_500 = arith.constant 1 : i32
      scf.for %scan3A_523 = %scan3A_497 to %scan3A_499 step %scan3A_500  : i32 {
        %broadcast_in_dim3A = vector.broadcast %scan3A_523 : i32 to vector<16xi32>
        %gather3A_524 = tpu.vector_load_idx %arg13[%broadcast_in_dim3A] : memref<128xf32, #tpu.memory_space<vmem>>[vector<16xi32>], vector<16xf32>,
        %get3A_525 = arith.index_cast %scan3A_523 : i32 to index
        %get3A_526 = arith.constant 0 : index
        %get3A_527 = tpu.vector_load %arg15[%get3A_525, %get3A_526] {strides = array<i32>} : memref<128x128xf32, #tpu.memory_space<vmem>>, vector<16xf32>,
        %mul3A_528 = arith.mulf %get3A_527, %gather3A_524 : vector<16xf32>
        %swap3A_529 = arith.index_cast %scan3A_523 : i32 to index
        %swap3A_530 = arith.constant 0 : index
        %swap3A_531 = tpu.vector_load %arg15[%swap3A_529, %swap3A_530] {strides = array<i32>} : memref<128x128xf32, #tpu.memory_space<vmem>>, vector<16xf32>,
        tpu.vector_store %arg15[%swap3A_529, %swap3A_530], %mul3A_528 {strides = array<i32>} : memref<128x128xf32, #tpu.memory_space<vmem>>, vector<16xf32>,
        %get3A_532 = arith.index_cast %scan3A_523 : i32 to index
        %get3A_533 = arith.constant 16 : index
        %get3A_534 = tpu.vector_load %arg15[%get3A_532, %get3A_533] {strides = array<i32>} : memref<128x128xf32, #tpu.memory_space<vmem>>, vector<16xf32>,
        %mul3A_535 = arith.mulf %get3A_534, %gather3A_524 : vector<16xf32>
        %swap3A_536 = arith.index_cast %scan3A_523 : i32 to index
        %swap3A_537 = arith.constant 16 : index
        %swap3A_538 = tpu.vector_load %arg15[%swap3A_536, %swap3A_537] {strides = array<i32>} : memref<128x128xf32, #tpu.memory_space<vmem>>, vector<16xf32>,
        tpu.vector_store %arg15[%swap3A_536, %swap3A_537], %mul3A_535 {strides = array<i32>} : memref<128x128xf32, #tpu.memory_space<vmem>>, vector<16xf32>,
        %get3A_539 = arith.index_cast %scan3A_523 : i32 to index
        %get3A_540 = arith.constant 32 : index
        %get3A_541 = tpu.vector_load %arg15[%get3A_539, %get3A_540] {strides = array<i32>} : memref<128x128xf32, #tpu.memory_space<vmem>>, vector<16xf32>,
        %mul3A_542 = arith.mulf %get3A_541, %gather3A_524 : vector<16xf32>
        %swap3A_543 = arith.index_cast %scan3A_523 : i32 to index
        %swap3A_544 = arith.constant 32 : index
        %swap3A_545 = tpu.vector_load %arg15[%swap3A_543, %swap3A_544] {strides = array<i32>} : memref<128x128xf32, #tpu.memory_space<vmem>>, vector<16xf32>,
        tpu.vector_store %arg15[%swap3A_543, %swap3A_544], %mul3A_542 {strides = array<i32>} : memref<128x128xf32, #tpu.memory_space<vmem>>, vector<16xf32>,
        %get3A_546 = arith.index_cast %scan3A_523 : i32 to index
        %get3A_547 = arith.constant 48 : index
        %get3A_548 = tpu.vector_load %arg15[%get3A_546, %get3A_547] {strides = array<i32>} : memref<128x128xf32, #tpu.memory_space<vmem>>, vector<16xf32>,
        %mul3A_549 = arith.mulf %get3A_548, %gather3A_524 : vector<16xf32>
        %swap3A_550 = arith.index_cast %scan3A_523 : i32 to index
        %swap3A_551 = arith.constant 48 : index
        %swap3A_552 = tpu.vector_load %arg15[%swap3A_550, %swap3A_551] {strides = array<i32>} : memref<128x128xf32, #tpu.memory_space<vmem>>, vector<16xf32>,
        tpu.vector_store %arg15[%swap3A_550, %swap3A_551], %mul3A_549 {strides = array<i32>} : memref<128x128xf32, #tpu.memory_space<vmem>>, vector<16xf32>,
        %get3A_553 = arith.index_cast %scan3A_523 : i32 to index
        %get3A_554 = arith.constant 64 : index
        %get3A_555 = tpu.vector_load %arg15[%get3A_553, %get3A_554] {strides = array<i32>} : memref<128x128xf32, #tpu.memory_space<vmem>>, vector<16xf32>,
        %mul3A_556 = arith.mulf %get3A_555, %gather3A_524 : vector<16xf32>
        %swap3A_557 = arith.index_cast %scan3A_523 : i32 to index
        %swap3A_558 = arith.constant 64 : index
        %swap3A_559 = tpu.vector_load %arg15[%swap3A_557, %swap3A_558] {strides = array<i32>} : memref<128x128xf32, #tpu.memory_space<vmem>>, vector<16xf32>,
        tpu.vector_store %arg15[%swap3A_557, %swap3A_558], %mul3A_556 {strides = array<i32>} : memref<128x128xf32, #tpu.memory_space<vmem>>, vector<16xf32>,
        %get3A_560 = arith.index_cast %scan3A_523 : i32 to index
        %get3A_561 = arith.constant 80 : index
        %get3A_562 = tpu.vector_load %arg15[%get3A_560, %get3A_561] {strides = array<i32>} : memref<128x128xf32, #tpu.memory_space<vmem>>, vector<16xf32>,
        %mul3A_563 = arith.mulf %get3A_562, %gather3A_524 : vector<16xf32>
        %swap3A_564 = arith.index_cast %scan3A_523 : i32 to index
        %swap3A_565 = arith.constant 80 : index
        %swap3A_566 = tpu.vector_load %arg15[%swap3A_564, %swap3A_565] {strides = array<i32>} : memref<128x128xf32, #tpu.memory_space<vmem>>, vector<16xf32>,
        tpu.vector_store %arg15[%swap3A_564, %swap3A_565], %mul3A_563 {strides = array<i32>} : memref<128x128xf32, #tpu.memory_space<vmem>>, vector<16xf32>,
        %get3A_567 = arith.index_cast %scan3A_523 : i32 to index
        %get3A_568 = arith.constant 96 : index
        %get3A_569 = tpu.vector_load %arg15[%get3A_567, %get3A_568] {strides = array<i32>} : memref<128x128xf32, #tpu.memory_space<vmem>>, vector<16xf32>,
        %mul3A_570 = arith.mulf %get3A_569, %gather3A_524 : vector<16xf32>
        %swap3A_571 = arith.index_cast %scan3A_523 : i32 to index
        %swap3A_572 = arith.constant 96 : index
        %swap3A_573 = tpu.vector_load %arg15[%swap3A_571, %swap3A_572] {strides = array<i32>} : memref<128x128xf32, #tpu.memory_space<vmem>>, vector<16xf32>,
        tpu.vector_store %arg15[%swap3A_571, %swap3A_572], %mul3A_570 {strides = array<i32>} : memref<128x128xf32, #tpu.memory_space<vmem>>, vector<16xf32>,
        %get3A_574 = arith.index_cast %scan3A_523 : i32 to index
        %get3A_575 = arith.constant 112 : index
        %get3A_576 = tpu.vector_load %arg15[%get3A_574, %get3A_575] {strides = array<i32>} : memref<128x128xf32, #tpu.memory_space<vmem>>, vector<16xf32>,
        %mul3A_577 = arith.mulf %get3A_576, %gather3A_524 : vector<16xf32>
        %swap3A_578 = arith.index_cast %scan3A_523 : i32 to index
        %swap3A_579 = arith.constant 112 : index
        %swap3A_580 = tpu.vector_load %arg15[%swap3A_578, %swap3A_579] {strides = array<i32>} : memref<128x128xf32, #tpu.memory_space<vmem>>, vector<16xf32>,
        tpu.vector_store %arg15[%swap3A_578, %swap3A_579], %mul3A_577 {strides = array<i32>} : memref<128x128xf32, #tpu.memory_space<vmem>>, vector<16xf32>,
      }
      %scan3A_501 = arith.constant 128 : i32
      %dma_start3A_502 = arith.constant 0 : i32
      %dma_start3A_503 = arith.constant 0 : i32
      %dma_start3A_504 = tpu.memref_slice %arg17[%dma_start3A_502, %dma_start3A_503] : memref<10240x128xf32, #tpu.memory_space<vmem_shared>> -> memref<10240x128xf32, #tpu.memory_space<vmem_shared>>
      tpu.enqueue_indirect_dma source(%arg15 : memref<128x128xf32, #tpu.memory_space<vmem>>) target(%dma_start3A_504 : memref<10240x128xf32, #tpu.memory_space<vmem_shared>>) offsets(%arg9 : memref<128xi32, #tpu.memory_space<vmem>>) semaphore(%arg20 : memref<!tpu.dma_semaphore, #tpu.memory_space<semaphore_mem>>) {add = true}
      %dma_wait3A_505 = arith.constant 0 : i32
      %dma_wait3A_506 = arith.constant 0 : i32
      %dma_wait3A_507 = tpu.memref_slice %arg4[%dma_wait3A_505, %dma_wait3A_506] : memref<10240x128xf32, #tpu.memory_space<hbm>> -> memref<10240x128xf32, #tpu.memory_space<hbm>>
      tpu.wait_indirect_dma semaphore(%arg19 : memref<!tpu.dma_semaphore, #tpu.memory_space<semaphore_mem>>) src(%dma_wait3A_507 : memref<10240x128xf32, #tpu.memory_space<hbm>>) dst(%arg16 : memref<128x128xf32, #tpu.memory_space<vmem>>)
      %scan3A_508 = arith.constant 0 : i32
      %scan3A_509 = arith.constant 0 : i32
      %scan3A_510 = arith.constant 128 : i32
      %scan3A_511 = arith.addi %scan3A_509, %scan3A_510 : i32
      %scan3A_512 = arith.constant 1 : i32
      scf.for %scan3A_523 = %scan3A_509 to %scan3A_511 step %scan3A_512  : i32 {
        %broadcast_in_dim3A = vector.broadcast %scan3A_523 : i32 to vector<16xi32>
        %gather3A_524 = tpu.vector_load_idx %arg14[%broadcast_in_dim3A] : memref<128xf32, #tpu.memory_space<vmem>>[vector<16xi32>], vector<16xf32>,
        %get3A_525 = arith.index_cast %scan3A_523 : i32 to index
        %get3A_526 = arith.constant 0 : index
        %get3A_527 = tpu.vector_load %arg16[%get3A_525, %get3A_526] {strides = array<i32>} : memref<128x128xf32, #tpu.memory_space<vmem>>, vector<16xf32>,
        %mul3A_528 = arith.mulf %get3A_527, %gather3A_524 : vector<16xf32>
        %swap3A_529 = arith.index_cast %scan3A_523 : i32 to index
        %swap3A_530 = arith.constant 0 : index
        %swap3A_531 = tpu.vector_load %arg16[%swap3A_529, %swap3A_530] {strides = array<i32>} : memref<128x128xf32, #tpu.memory_space<vmem>>, vector<16xf32>,
        tpu.vector_store %arg16[%swap3A_529, %swap3A_530], %mul3A_528 {strides = array<i32>} : memref<128x128xf32, #tpu.memory_space<vmem>>, vector<16xf32>,
        %get3A_532 = arith.index_cast %scan3A_523 : i32 to index
        %get3A_533 = arith.constant 16 : index
        %get3A_534 = tpu.vector_load %arg16[%get3A_532, %get3A_533] {strides = array<i32>} : memref<128x128xf32, #tpu.memory_space<vmem>>, vector<16xf32>,
        %mul3A_535 = arith.mulf %get3A_534, %gather3A_524 : vector<16xf32>
        %swap3A_536 = arith.index_cast %scan3A_523 : i32 to index
        %swap3A_537 = arith.constant 16 : index
        %swap3A_538 = tpu.vector_load %arg16[%swap3A_536, %swap3A_537] {strides = array<i32>} : memref<128x128xf32, #tpu.memory_space<vmem>>, vector<16xf32>,
        tpu.vector_store %arg16[%swap3A_536, %swap3A_537], %mul3A_535 {strides = array<i32>} : memref<128x128xf32, #tpu.memory_space<vmem>>, vector<16xf32>,
        %get3A_539 = arith.index_cast %scan3A_523 : i32 to index
        %get3A_540 = arith.constant 32 : index
        %get3A_541 = tpu.vector_load %arg16[%get3A_539, %get3A_540] {strides = array<i32>} : memref<128x128xf32, #tpu.memory_space<vmem>>, vector<16xf32>,
        %mul3A_542 = arith.mulf %get3A_541, %gather3A_524 : vector<16xf32>
        %swap3A_543 = arith.index_cast %scan3A_523 : i32 to index
        %swap3A_544 = arith.constant 32 : index
        %swap3A_545 = tpu.vector_load %arg16[%swap3A_543, %swap3A_544] {strides = array<i32>} : memref<128x128xf32, #tpu.memory_space<vmem>>, vector<16xf32>,
        tpu.vector_store %arg16[%swap3A_543, %swap3A_544], %mul3A_542 {strides = array<i32>} : memref<128x128xf32, #tpu.memory_space<vmem>>, vector<16xf32>,
        %get3A_546 = arith.index_cast %scan3A_523 : i32 to index
        %get3A_547 = arith.constant 48 : index
        %get3A_548 = tpu.vector_load %arg16[%get3A_546, %get3A_547] {strides = array<i32>} : memref<128x128xf32, #tpu.memory_space<vmem>>, vector<16xf32>,
        %mul3A_549 = arith.mulf %get3A_548, %gather3A_524 : vector<16xf32>
        %swap3A_550 = arith.index_cast %scan3A_523 : i32 to index
        %swap3A_551 = arith.constant 48 : index
        %swap3A_552 = tpu.vector_load %arg16[%swap3A_550, %swap3A_551] {strides = array<i32>} : memref<128x128xf32, #tpu.memory_space<vmem>>, vector<16xf32>,
        tpu.vector_store %arg16[%swap3A_550, %swap3A_551], %mul3A_549 {strides = array<i32>} : memref<128x128xf32, #tpu.memory_space<vmem>>, vector<16xf32>,
        %get3A_553 = arith.index_cast %scan3A_523 : i32 to index
        %get3A_554 = arith.constant 64 : index
        %get3A_555 = tpu.vector_load %arg16[%get3A_553, %get3A_554] {strides = array<i32>} : memref<128x128xf32, #tpu.memory_space<vmem>>, vector<16xf32>,
        %mul3A_556 = arith.mulf %get3A_555, %gather3A_524 : vector<16xf32>
        %swap3A_557 = arith.index_cast %scan3A_523 : i32 to index
        %swap3A_558 = arith.constant 64 : index
        %swap3A_559 = tpu.vector_load %arg16[%swap3A_557, %swap3A_558] {strides = array<i32>} : memref<128x128xf32, #tpu.memory_space<vmem>>, vector<16xf32>,
        tpu.vector_store %arg16[%swap3A_557, %swap3A_558], %mul3A_556 {strides = array<i32>} : memref<128x128xf32, #tpu.memory_space<vmem>>, vector<16xf32>,
        %get3A_560 = arith.index_cast %scan3A_523 : i32 to index
        %get3A_561 = arith.constant 80 : index
        %get3A_562 = tpu.vector_load %arg16[%get3A_560, %get3A_561] {strides = array<i32>} : memref<128x128xf32, #tpu.memory_space<vmem>>, vector<16xf32>,
        %mul3A_563 = arith.mulf %get3A_562, %gather3A_524 : vector<16xf32>
        %swap3A_564 = arith.index_cast %scan3A_523 : i32 to index
        %swap3A_565 = arith.constant 80 : index
        %swap3A_566 = tpu.vector_load %arg16[%swap3A_564, %swap3A_565] {strides = array<i32>} : memref<128x128xf32, #tpu.memory_space<vmem>>, vector<16xf32>,
        tpu.vector_store %arg16[%swap3A_564, %swap3A_565], %mul3A_563 {strides = array<i32>} : memref<128x128xf32, #tpu.memory_space<vmem>>, vector<16xf32>,
        %get3A_567 = arith.index_cast %scan3A_523 : i32 to index
        %get3A_568 = arith.constant 96 : index
        %get3A_569 = tpu.vector_load %arg16[%get3A_567, %get3A_568] {strides = array<i32>} : memref<128x128xf32, #tpu.memory_space<vmem>>, vector<16xf32>,
        %mul3A_570 = arith.mulf %get3A_569, %gather3A_524 : vector<16xf32>
        %swap3A_571 = arith.index_cast %scan3A_523 : i32 to index
        %swap3A_572 = arith.constant 96 : index
        %swap3A_573 = tpu.vector_load %arg16[%swap3A_571, %swap3A_572] {strides = array<i32>} : memref<128x128xf32, #tpu.memory_space<vmem>>, vector<16xf32>,
        tpu.vector_store %arg16[%swap3A_571, %swap3A_572], %mul3A_570 {strides = array<i32>} : memref<128x128xf32, #tpu.memory_space<vmem>>, vector<16xf32>,
        %get3A_574 = arith.index_cast %scan3A_523 : i32 to index
        %get3A_575 = arith.constant 112 : index
        %get3A_576 = tpu.vector_load %arg16[%get3A_574, %get3A_575] {strides = array<i32>} : memref<128x128xf32, #tpu.memory_space<vmem>>, vector<16xf32>,
        %mul3A_577 = arith.mulf %get3A_576, %gather3A_524 : vector<16xf32>
        %swap3A_578 = arith.index_cast %scan3A_523 : i32 to index
        %swap3A_579 = arith.constant 112 : index
        %swap3A_580 = tpu.vector_load %arg16[%swap3A_578, %swap3A_579] {strides = array<i32>} : memref<128x128xf32, #tpu.memory_space<vmem>>, vector<16xf32>,
        tpu.vector_store %arg16[%swap3A_578, %swap3A_579], %mul3A_577 {strides = array<i32>} : memref<128x128xf32, #tpu.memory_space<vmem>>, vector<16xf32>,
      }
      %scan3A_513 = arith.constant 128 : i32
      %dma_start3A_514 = arith.constant 0 : i32
      %dma_start3A_515 = arith.constant 0 : i32
      %dma_start3A_516 = tpu.memref_slice %arg17[%dma_start3A_514, %dma_start3A_515] : memref<10240x128xf32, #tpu.memory_space<vmem_shared>> -> memref<10240x128xf32, #tpu.memory_space<vmem_shared>>
      tpu.enqueue_indirect_dma source(%arg16 : memref<128x128xf32, #tpu.memory_space<vmem>>) target(%dma_start3A_516 : memref<10240x128xf32, #tpu.memory_space<vmem_shared>>) offsets(%arg10 : memref<128xi32, #tpu.memory_space<vmem>>) semaphore(%arg21 : memref<!tpu.dma_semaphore, #tpu.memory_space<semaphore_mem>>) {add = true}
      %dma_wait3A_517 = arith.constant 0 : i32
      %dma_wait3A_518 = arith.constant 0 : i32
      %dma_wait3A_519 = tpu.memref_slice %arg17[%dma_wait3A_517, %dma_wait3A_518] : memref<10240x128xf32, #tpu.memory_space<vmem_shared>> -> memref<10240x128xf32, #tpu.memory_space<vmem_shared>>
      tpu.wait_indirect_dma semaphore(%arg20 : memref<!tpu.dma_semaphore, #tpu.memory_space<semaphore_mem>>) src(%arg15 : memref<128x128xf32, #tpu.memory_space<vmem>>) dst(%dma_wait3A_519 : memref<10240x128xf32, #tpu.memory_space<vmem_shared>>)
      %dma_wait3A_520 = arith.constant 0 : i32
      %dma_wait3A_521 = arith.constant 0 : i32
      %dma_wait3A_522 = tpu.memref_slice %arg17[%dma_wait3A_520, %dma_wait3A_521] : memref<10240x128xf32, #tpu.memory_space<vmem_shared>> -> memref<10240x128xf32, #tpu.memory_space<vmem_shared>>
      tpu.wait_indirect_dma semaphore(%arg21 : memref<!tpu.dma_semaphore, #tpu.memory_space<semaphore_mem>>) src(%arg16 : memref<128x128xf32, #tpu.memory_space<vmem>>) dst(%dma_wait3A_522 : memref<10240x128xf32, #tpu.memory_space<vmem_shared>>)
    }
    %scan3A_27 = arith.constant 18 : i32
    %add3A_28 = arith.constant 4608 : i32
    %add3A_29 = arith.addi %add3A_21, %add3A_28 : i32
    %mul3A_30 = arith.constant 3 : i32
    %mul3A_31 = arith.muli %add3A_29, %mul3A_30 : i32
    "tpu.region"() ({
      %run_scoped3A = tpu.sem_alloc : memref<!tpu.dma_semaphore, #tpu.memory_space<semaphore_mem>>
      %dma_start3A_200 = tpu.memref_slice %arg2[%mul3A_31] : memref<454656xi32, #tpu.memory_space<hbm>> -> memref<384xi32, #tpu.memory_space<hbm>>
      %dma_start3A_201 = tpu.memref_slice %arg2[%mul3A_31] : memref<454656xi32, #tpu.memory_space<hbm>> -> memref<384xi32, #tpu.memory_space<hbm>>
      tpu.enqueue_dma source(%dma_start3A_201 : memref<384xi32, #tpu.memory_space<hbm>>) target(%arg7 : memref<384xi32, #tpu.memory_space<vmem>>) target_semaphore(%run_scoped3A : memref<!tpu.dma_semaphore, #tpu.memory_space<semaphore_mem>>)
      %dma_wait3A_202 = tpu.memref_slice %arg2[%mul3A_31] : memref<454656xi32, #tpu.memory_space<hbm>> -> memref<384xi32, #tpu.memory_space<hbm>>
      %dma_wait3A_203 = tpu.memref_slice %arg2[%mul3A_31] : memref<454656xi32, #tpu.memory_space<hbm>> -> memref<384xi32, #tpu.memory_space<hbm>>
      tpu.wait_dma2 semaphore(%run_scoped3A : memref<!tpu.dma_semaphore, #tpu.memory_space<semaphore_mem>>) src(%dma_wait3A_203 : memref<384xi32, #tpu.memory_space<hbm>>) dst(%arg7 : memref<384xi32, #tpu.memory_space<vmem>>)
      tpu.yield
    }) : () -> ()
    %get3A = arith.constant 0 : index
    %get3A_32 = tpu.vector_load %arg7[%get3A] {strides = array<i32>} : memref<384xi32, #tpu.memory_space<vmem>>, vector<16xi32>,
    %get3A_33 = arith.constant 128 : index
    %get3A_34 = tpu.vector_load %arg7[%get3A_33] {strides = array<i32>} : memref<384xi32, #tpu.memory_space<vmem>>, vector<16xi32>,
    %get3A_35 = arith.constant 256 : index
    %get3A_36 = tpu.vector_load %arg7[%get3A_35] {strides = array<i32>} : memref<384xi32, #tpu.memory_space<vmem>>, vector<16xi32>,
    %bitcast3A = vector.bitcast %get3A_36 : vector<16xi32> to vector<16xf32>
    %swap3A = arith.constant 0 : index
    %swap3A_37 = tpu.vector_load %arg11[%swap3A] {strides = array<i32>} : memref<128xi32, #tpu.memory_space<vmem>>, vector<16xi32>,
    tpu.vector_store %arg11[%swap3A], %get3A_32 {strides = array<i32>} : memref<128xi32, #tpu.memory_space<vmem>>, vector<16xi32>,
    %swap3A_38 = arith.constant 0 : index
    %swap3A_39 = tpu.vector_load %arg9[%swap3A_38] {strides = array<i32>} : memref<128xi32, #tpu.memory_space<vmem>>, vector<16xi32>,
    tpu.vector_store %arg9[%swap3A_38], %get3A_34 {strides = array<i32>} : memref<128xi32, #tpu.memory_space<vmem>>, vector<16xi32>,
    %gather3A = tpu.vector_load_idx %arg6[%get3A_32] : memref<10000xf32, #tpu.memory_space<vmem>>[vector<16xi32>], vector<16xf32>,
    %mul3A_40 = arith.mulf %gather3A, %bitcast3A : vector<16xf32>
    %gather3A_41 = tpu.vector_load_idx %arg6[%get3A_34] : memref<10000xf32, #tpu.memory_space<vmem>>[vector<16xi32>], vector<16xf32>,
    %mul3A_42 = arith.mulf %mul3A_40, %gather3A_41 : vector<16xf32>
    %swap3A_43 = arith.constant 0 : index
    %swap3A_44 = tpu.vector_load %arg13[%swap3A_43] {strides = array<i32>} : memref<128xf32, #tpu.memory_space<vmem>>, vector<16xf32>,
    tpu.vector_store %arg13[%swap3A_43], %mul3A_42 {strides = array<i32>} : memref<128xf32, #tpu.memory_space<vmem>>, vector<16xf32>,
    %get3A_45 = arith.constant 16 : index
    %get3A_46 = tpu.vector_load %arg7[%get3A_45] {strides = array<i32>} : memref<384xi32, #tpu.memory_space<vmem>>, vector<16xi32>,
    %get3A_47 = arith.constant 144 : index
    %get3A_48 = tpu.vector_load %arg7[%get3A_47] {strides = array<i32>} : memref<384xi32, #tpu.memory_space<vmem>>, vector<16xi32>,
    %get3A_49 = arith.constant 272 : index
    %get3A_50 = tpu.vector_load %arg7[%get3A_49] {strides = array<i32>} : memref<384xi32, #tpu.memory_space<vmem>>, vector<16xi32>,
    %bitcast3A_51 = vector.bitcast %get3A_50 : vector<16xi32> to vector<16xf32>
    %swap3A_52 = arith.constant 16 : index
    %swap3A_53 = tpu.vector_load %arg11[%swap3A_52] {strides = array<i32>} : memref<128xi32, #tpu.memory_space<vmem>>, vector<16xi32>,
    tpu.vector_store %arg11[%swap3A_52], %get3A_46 {strides = array<i32>} : memref<128xi32, #tpu.memory_space<vmem>>, vector<16xi32>,
    %swap3A_54 = arith.constant 16 : index
    %swap3A_55 = tpu.vector_load %arg9[%swap3A_54] {strides = array<i32>} : memref<128xi32, #tpu.memory_space<vmem>>, vector<16xi32>,
    tpu.vector_store %arg9[%swap3A_54], %get3A_48 {strides = array<i32>} : memref<128xi32, #tpu.memory_space<vmem>>, vector<16xi32>,
    %gather3A_56 = tpu.vector_load_idx %arg6[%get3A_46] : memref<10000xf32, #tpu.memory_space<vmem>>[vector<16xi32>], vector<16xf32>,
    %mul3A_57 = arith.mulf %gather3A_56, %bitcast3A_51 : vector<16xf32>
    %gather3A_58 = tpu.vector_load_idx %arg6[%get3A_48] : memref<10000xf32, #tpu.memory_space<vmem>>[vector<16xi32>], vector<16xf32>,
    %mul3A_59 = arith.mulf %mul3A_57, %gather3A_58 : vector<16xf32>
    %swap3A_60 = arith.constant 16 : index
    %swap3A_61 = tpu.vector_load %arg13[%swap3A_60] {strides = array<i32>} : memref<128xf32, #tpu.memory_space<vmem>>, vector<16xf32>,
    tpu.vector_store %arg13[%swap3A_60], %mul3A_59 {strides = array<i32>} : memref<128xf32, #tpu.memory_space<vmem>>, vector<16xf32>,
    %get3A_62 = arith.constant 32 : index
    %get3A_63 = tpu.vector_load %arg7[%get3A_62] {strides = array<i32>} : memref<384xi32, #tpu.memory_space<vmem>>, vector<16xi32>,
    %get3A_64 = arith.constant 160 : index
    %get3A_65 = tpu.vector_load %arg7[%get3A_64] {strides = array<i32>} : memref<384xi32, #tpu.memory_space<vmem>>, vector<16xi32>,
    %get3A_66 = arith.constant 288 : index
    %get3A_67 = tpu.vector_load %arg7[%get3A_66] {strides = array<i32>} : memref<384xi32, #tpu.memory_space<vmem>>, vector<16xi32>,
    %bitcast3A_68 = vector.bitcast %get3A_67 : vector<16xi32> to vector<16xf32>
    %swap3A_69 = arith.constant 32 : index
    %swap3A_70 = tpu.vector_load %arg11[%swap3A_69] {strides = array<i32>} : memref<128xi32, #tpu.memory_space<vmem>>, vector<16xi32>,
    tpu.vector_store %arg11[%swap3A_69], %get3A_63 {strides = array<i32>} : memref<128xi32, #tpu.memory_space<vmem>>, vector<16xi32>,
    %swap3A_71 = arith.constant 32 : index
    %swap3A_72 = tpu.vector_load %arg9[%swap3A_71] {strides = array<i32>} : memref<128xi32, #tpu.memory_space<vmem>>, vector<16xi32>,
    tpu.vector_store %arg9[%swap3A_71], %get3A_65 {strides = array<i32>} : memref<128xi32, #tpu.memory_space<vmem>>, vector<16xi32>,
    %gather3A_73 = tpu.vector_load_idx %arg6[%get3A_63] : memref<10000xf32, #tpu.memory_space<vmem>>[vector<16xi32>], vector<16xf32>,
    %mul3A_74 = arith.mulf %gather3A_73, %bitcast3A_68 : vector<16xf32>
    %gather3A_75 = tpu.vector_load_idx %arg6[%get3A_65] : memref<10000xf32, #tpu.memory_space<vmem>>[vector<16xi32>], vector<16xf32>,
    %mul3A_76 = arith.mulf %mul3A_74, %gather3A_75 : vector<16xf32>
    %swap3A_77 = arith.constant 32 : index
    %swap3A_78 = tpu.vector_load %arg13[%swap3A_77] {strides = array<i32>} : memref<128xf32, #tpu.memory_space<vmem>>, vector<16xf32>,
    tpu.vector_store %arg13[%swap3A_77], %mul3A_76 {strides = array<i32>} : memref<128xf32, #tpu.memory_space<vmem>>, vector<16xf32>,
    %get3A_79 = arith.constant 48 : index
    %get3A_80 = tpu.vector_load %arg7[%get3A_79] {strides = array<i32>} : memref<384xi32, #tpu.memory_space<vmem>>, vector<16xi32>,
    %get3A_81 = arith.constant 176 : index
    %get3A_82 = tpu.vector_load %arg7[%get3A_81] {strides = array<i32>} : memref<384xi32, #tpu.memory_space<vmem>>, vector<16xi32>,
    %get3A_83 = arith.constant 304 : index
    %get3A_84 = tpu.vector_load %arg7[%get3A_83] {strides = array<i32>} : memref<384xi32, #tpu.memory_space<vmem>>, vector<16xi32>,
    %bitcast3A_85 = vector.bitcast %get3A_84 : vector<16xi32> to vector<16xf32>
    %swap3A_86 = arith.constant 48 : index
    %swap3A_87 = tpu.vector_load %arg11[%swap3A_86] {strides = array<i32>} : memref<128xi32, #tpu.memory_space<vmem>>, vector<16xi32>,
    tpu.vector_store %arg11[%swap3A_86], %get3A_80 {strides = array<i32>} : memref<128xi32, #tpu.memory_space<vmem>>, vector<16xi32>,
    %swap3A_88 = arith.constant 48 : index
    %swap3A_89 = tpu.vector_load %arg9[%swap3A_88] {strides = array<i32>} : memref<128xi32, #tpu.memory_space<vmem>>, vector<16xi32>,
    tpu.vector_store %arg9[%swap3A_88], %get3A_82 {strides = array<i32>} : memref<128xi32, #tpu.memory_space<vmem>>, vector<16xi32>,
    %gather3A_90 = tpu.vector_load_idx %arg6[%get3A_80] : memref<10000xf32, #tpu.memory_space<vmem>>[vector<16xi32>], vector<16xf32>,
    %mul3A_91 = arith.mulf %gather3A_90, %bitcast3A_85 : vector<16xf32>
    %gather3A_92 = tpu.vector_load_idx %arg6[%get3A_82] : memref<10000xf32, #tpu.memory_space<vmem>>[vector<16xi32>], vector<16xf32>,
    %mul3A_93 = arith.mulf %mul3A_91, %gather3A_92 : vector<16xf32>
    %swap3A_94 = arith.constant 48 : index
    %swap3A_95 = tpu.vector_load %arg13[%swap3A_94] {strides = array<i32>} : memref<128xf32, #tpu.memory_space<vmem>>, vector<16xf32>,
    tpu.vector_store %arg13[%swap3A_94], %mul3A_93 {strides = array<i32>} : memref<128xf32, #tpu.memory_space<vmem>>, vector<16xf32>,
    %get3A_96 = arith.constant 64 : index
    %get3A_97 = tpu.vector_load %arg7[%get3A_96] {strides = array<i32>} : memref<384xi32, #tpu.memory_space<vmem>>, vector<16xi32>,
    %get3A_98 = arith.constant 192 : index
    %get3A_99 = tpu.vector_load %arg7[%get3A_98] {strides = array<i32>} : memref<384xi32, #tpu.memory_space<vmem>>, vector<16xi32>,
    %get3A_100 = arith.constant 320 : index
    %get3A_101 = tpu.vector_load %arg7[%get3A_100] {strides = array<i32>} : memref<384xi32, #tpu.memory_space<vmem>>, vector<16xi32>,
    %bitcast3A_102 = vector.bitcast %get3A_101 : vector<16xi32> to vector<16xf32>
    %swap3A_103 = arith.constant 64 : index
    %swap3A_104 = tpu.vector_load %arg11[%swap3A_103] {strides = array<i32>} : memref<128xi32, #tpu.memory_space<vmem>>, vector<16xi32>,
    tpu.vector_store %arg11[%swap3A_103], %get3A_97 {strides = array<i32>} : memref<128xi32, #tpu.memory_space<vmem>>, vector<16xi32>,
    %swap3A_105 = arith.constant 64 : index
    %swap3A_106 = tpu.vector_load %arg9[%swap3A_105] {strides = array<i32>} : memref<128xi32, #tpu.memory_space<vmem>>, vector<16xi32>,
    tpu.vector_store %arg9[%swap3A_105], %get3A_99 {strides = array<i32>} : memref<128xi32, #tpu.memory_space<vmem>>, vector<16xi32>,
    %gather3A_107 = tpu.vector_load_idx %arg6[%get3A_97] : memref<10000xf32, #tpu.memory_space<vmem>>[vector<16xi32>], vector<16xf32>,
    %mul3A_108 = arith.mulf %gather3A_107, %bitcast3A_102 : vector<16xf32>
    %gather3A_109 = tpu.vector_load_idx %arg6[%get3A_99] : memref<10000xf32, #tpu.memory_space<vmem>>[vector<16xi32>], vector<16xf32>,
    %mul3A_110 = arith.mulf %mul3A_108, %gather3A_109 : vector<16xf32>
    %swap3A_111 = arith.constant 64 : index
    %swap3A_112 = tpu.vector_load %arg13[%swap3A_111] {strides = array<i32>} : memref<128xf32, #tpu.memory_space<vmem>>, vector<16xf32>,
    tpu.vector_store %arg13[%swap3A_111], %mul3A_110 {strides = array<i32>} : memref<128xf32, #tpu.memory_space<vmem>>, vector<16xf32>,
    %get3A_113 = arith.constant 80 : index
    %get3A_114 = tpu.vector_load %arg7[%get3A_113] {strides = array<i32>} : memref<384xi32, #tpu.memory_space<vmem>>, vector<16xi32>,
    %get3A_115 = arith.constant 208 : index
    %get3A_116 = tpu.vector_load %arg7[%get3A_115] {strides = array<i32>} : memref<384xi32, #tpu.memory_space<vmem>>, vector<16xi32>,
    %get3A_117 = arith.constant 336 : index
    %get3A_118 = tpu.vector_load %arg7[%get3A_117] {strides = array<i32>} : memref<384xi32, #tpu.memory_space<vmem>>, vector<16xi32>,
    %bitcast3A_119 = vector.bitcast %get3A_118 : vector<16xi32> to vector<16xf32>
    %swap3A_120 = arith.constant 80 : index
    %swap3A_121 = tpu.vector_load %arg11[%swap3A_120] {strides = array<i32>} : memref<128xi32, #tpu.memory_space<vmem>>, vector<16xi32>,
    tpu.vector_store %arg11[%swap3A_120], %get3A_114 {strides = array<i32>} : memref<128xi32, #tpu.memory_space<vmem>>, vector<16xi32>,
    %swap3A_122 = arith.constant 80 : index
    %swap3A_123 = tpu.vector_load %arg9[%swap3A_122] {strides = array<i32>} : memref<128xi32, #tpu.memory_space<vmem>>, vector<16xi32>,
    tpu.vector_store %arg9[%swap3A_122], %get3A_116 {strides = array<i32>} : memref<128xi32, #tpu.memory_space<vmem>>, vector<16xi32>,
    %gather3A_124 = tpu.vector_load_idx %arg6[%get3A_114] : memref<10000xf32, #tpu.memory_space<vmem>>[vector<16xi32>], vector<16xf32>,
    %mul3A_125 = arith.mulf %gather3A_124, %bitcast3A_119 : vector<16xf32>
    %gather3A_126 = tpu.vector_load_idx %arg6[%get3A_116] : memref<10000xf32, #tpu.memory_space<vmem>>[vector<16xi32>], vector<16xf32>,
    %mul3A_127 = arith.mulf %mul3A_125, %gather3A_126 : vector<16xf32>
    %swap3A_128 = arith.constant 80 : index
    %swap3A_129 = tpu.vector_load %arg13[%swap3A_128] {strides = array<i32>} : memref<128xf32, #tpu.memory_space<vmem>>, vector<16xf32>,
    tpu.vector_store %arg13[%swap3A_128], %mul3A_127 {strides = array<i32>} : memref<128xf32, #tpu.memory_space<vmem>>, vector<16xf32>,
    %get3A_130 = arith.constant 96 : index
    %get3A_131 = tpu.vector_load %arg7[%get3A_130] {strides = array<i32>} : memref<384xi32, #tpu.memory_space<vmem>>, vector<16xi32>,
    %get3A_132 = arith.constant 224 : index
    %get3A_133 = tpu.vector_load %arg7[%get3A_132] {strides = array<i32>} : memref<384xi32, #tpu.memory_space<vmem>>, vector<16xi32>,
    %get3A_134 = arith.constant 352 : index
    %get3A_135 = tpu.vector_load %arg7[%get3A_134] {strides = array<i32>} : memref<384xi32, #tpu.memory_space<vmem>>, vector<16xi32>,
    %bitcast3A_136 = vector.bitcast %get3A_135 : vector<16xi32> to vector<16xf32>
    %swap3A_137 = arith.constant 96 : index
    %swap3A_138 = tpu.vector_load %arg11[%swap3A_137] {strides = array<i32>} : memref<128xi32, #tpu.memory_space<vmem>>, vector<16xi32>,
    tpu.vector_store %arg11[%swap3A_137], %get3A_131 {strides = array<i32>} : memref<128xi32, #tpu.memory_space<vmem>>, vector<16xi32>,
    %swap3A_139 = arith.constant 96 : index
    %swap3A_140 = tpu.vector_load %arg9[%swap3A_139] {strides = array<i32>} : memref<128xi32, #tpu.memory_space<vmem>>, vector<16xi32>,
    tpu.vector_store %arg9[%swap3A_139], %get3A_133 {strides = array<i32>} : memref<128xi32, #tpu.memory_space<vmem>>, vector<16xi32>,
    %gather3A_141 = tpu.vector_load_idx %arg6[%get3A_131] : memref<10000xf32, #tpu.memory_space<vmem>>[vector<16xi32>], vector<16xf32>,
    %mul3A_142 = arith.mulf %gather3A_141, %bitcast3A_136 : vector<16xf32>
    %gather3A_143 = tpu.vector_load_idx %arg6[%get3A_133] : memref<10000xf32, #tpu.memory_space<vmem>>[vector<16xi32>], vector<16xf32>,
    %mul3A_144 = arith.mulf %mul3A_142, %gather3A_143 : vector<16xf32>
    %swap3A_145 = arith.constant 96 : index
    %swap3A_146 = tpu.vector_load %arg13[%swap3A_145] {strides = array<i32>} : memref<128xf32, #tpu.memory_space<vmem>>, vector<16xf32>,
    tpu.vector_store %arg13[%swap3A_145], %mul3A_144 {strides = array<i32>} : memref<128xf32, #tpu.memory_space<vmem>>, vector<16xf32>,
    %get3A_147 = arith.constant 112 : index
    %get3A_148 = tpu.vector_load %arg7[%get3A_147] {strides = array<i32>} : memref<384xi32, #tpu.memory_space<vmem>>, vector<16xi32>,
    %get3A_149 = arith.constant 240 : index
    %get3A_150 = tpu.vector_load %arg7[%get3A_149] {strides = array<i32>} : memref<384xi32, #tpu.memory_space<vmem>>, vector<16xi32>,
    %get3A_151 = arith.constant 368 : index
    %get3A_152 = tpu.vector_load %arg7[%get3A_151] {strides = array<i32>} : memref<384xi32, #tpu.memory_space<vmem>>, vector<16xi32>,
    %bitcast3A_153 = vector.bitcast %get3A_152 : vector<16xi32> to vector<16xf32>
    %swap3A_154 = arith.constant 112 : index
    %swap3A_155 = tpu.vector_load %arg11[%swap3A_154] {strides = array<i32>} : memref<128xi32, #tpu.memory_space<vmem>>, vector<16xi32>,
    tpu.vector_store %arg11[%swap3A_154], %get3A_148 {strides = array<i32>} : memref<128xi32, #tpu.memory_space<vmem>>, vector<16xi32>,
    %swap3A_156 = arith.constant 112 : index
    %swap3A_157 = tpu.vector_load %arg9[%swap3A_156] {strides = array<i32>} : memref<128xi32, #tpu.memory_space<vmem>>, vector<16xi32>,
    tpu.vector_store %arg9[%swap3A_156], %get3A_150 {strides = array<i32>} : memref<128xi32, #tpu.memory_space<vmem>>, vector<16xi32>,
    %gather3A_158 = tpu.vector_load_idx %arg6[%get3A_148] : memref<10000xf32, #tpu.memory_space<vmem>>[vector<16xi32>], vector<16xf32>,
    %mul3A_159 = arith.mulf %gather3A_158, %bitcast3A_153 : vector<16xf32>
    %gather3A_160 = tpu.vector_load_idx %arg6[%get3A_150] : memref<10000xf32, #tpu.memory_space<vmem>>[vector<16xi32>], vector<16xf32>,
    %mul3A_161 = arith.mulf %mul3A_159, %gather3A_160 : vector<16xf32>
    %swap3A_162 = arith.constant 112 : index
    %swap3A_163 = tpu.vector_load %arg13[%swap3A_162] {strides = array<i32>} : memref<128xf32, #tpu.memory_space<vmem>>, vector<16xf32>,
    tpu.vector_store %arg13[%swap3A_162], %mul3A_161 {strides = array<i32>} : memref<128xf32, #tpu.memory_space<vmem>>, vector<16xf32>,
    %dma_start3A = arith.constant 0 : i32
    %dma_start3A_164 = arith.constant 0 : i32
    %dma_start3A_165 = tpu.memref_slice %arg4[%dma_start3A, %dma_start3A_164] : memref<10240x128xf32, #tpu.memory_space<hbm>> -> memref<10240x128xf32, #tpu.memory_space<hbm>>
    tpu.enqueue_indirect_dma source(%dma_start3A_165 : memref<10240x128xf32, #tpu.memory_space<hbm>>) target(%arg15 : memref<128x128xf32, #tpu.memory_space<vmem>>) offsets(%arg11 : memref<128xi32, #tpu.memory_space<vmem>>) semaphore(%arg18 : memref<!tpu.dma_semaphore, #tpu.memory_space<semaphore_mem>>)
    %dma_wait3A = arith.constant 0 : i32
    %dma_wait3A_166 = arith.constant 0 : i32
    %dma_wait3A_167 = tpu.memref_slice %arg4[%dma_wait3A, %dma_wait3A_166] : memref<10240x128xf32, #tpu.memory_space<hbm>> -> memref<10240x128xf32, #tpu.memory_space<hbm>>
    tpu.wait_indirect_dma semaphore(%arg18 : memref<!tpu.dma_semaphore, #tpu.memory_space<semaphore_mem>>) src(%dma_wait3A_167 : memref<10240x128xf32, #tpu.memory_space<hbm>>) dst(%arg15 : memref<128x128xf32, #tpu.memory_space<vmem>>)
    %scan3A_168 = arith.constant 0 : i32
    %scan3A_169 = arith.constant 0 : i32
    %scan3A_170 = arith.constant 128 : i32
    %scan3A_171 = arith.addi %scan3A_169, %scan3A_170 : i32
    %scan3A_172 = arith.constant 1 : i32
    scf.for %scan3A_200 = %scan3A_169 to %scan3A_171 step %scan3A_172  : i32 {
      %broadcast_in_dim3A = vector.broadcast %scan3A_200 : i32 to vector<16xi32>
      %gather3A_201 = tpu.vector_load_idx %arg13[%broadcast_in_dim3A] : memref<128xf32, #tpu.memory_space<vmem>>[vector<16xi32>], vector<16xf32>,
      %get3A_202 = arith.index_cast %scan3A_200 : i32 to index
      %get3A_203 = arith.constant 0 : index
      %get3A_204 = tpu.vector_load %arg15[%get3A_202, %get3A_203] {strides = array<i32>} : memref<128x128xf32, #tpu.memory_space<vmem>>, vector<16xf32>,
      %mul3A_205 = arith.mulf %get3A_204, %gather3A_201 : vector<16xf32>
      %swap3A_206 = arith.index_cast %scan3A_200 : i32 to index
      %swap3A_207 = arith.constant 0 : index
      %swap3A_208 = tpu.vector_load %arg15[%swap3A_206, %swap3A_207] {strides = array<i32>} : memref<128x128xf32, #tpu.memory_space<vmem>>, vector<16xf32>,
      tpu.vector_store %arg15[%swap3A_206, %swap3A_207], %mul3A_205 {strides = array<i32>} : memref<128x128xf32, #tpu.memory_space<vmem>>, vector<16xf32>,
      %get3A_209 = arith.index_cast %scan3A_200 : i32 to index
      %get3A_210 = arith.constant 16 : index
      %get3A_211 = tpu.vector_load %arg15[%get3A_209, %get3A_210] {strides = array<i32>} : memref<128x128xf32, #tpu.memory_space<vmem>>, vector<16xf32>,
      %mul3A_212 = arith.mulf %get3A_211, %gather3A_201 : vector<16xf32>
      %swap3A_213 = arith.index_cast %scan3A_200 : i32 to index
      %swap3A_214 = arith.constant 16 : index
      %swap3A_215 = tpu.vector_load %arg15[%swap3A_213, %swap3A_214] {strides = array<i32>} : memref<128x128xf32, #tpu.memory_space<vmem>>, vector<16xf32>,
      tpu.vector_store %arg15[%swap3A_213, %swap3A_214], %mul3A_212 {strides = array<i32>} : memref<128x128xf32, #tpu.memory_space<vmem>>, vector<16xf32>,
      %get3A_216 = arith.index_cast %scan3A_200 : i32 to index
      %get3A_217 = arith.constant 32 : index
      %get3A_218 = tpu.vector_load %arg15[%get3A_216, %get3A_217] {strides = array<i32>} : memref<128x128xf32, #tpu.memory_space<vmem>>, vector<16xf32>,
      %mul3A_219 = arith.mulf %get3A_218, %gather3A_201 : vector<16xf32>
      %swap3A_220 = arith.index_cast %scan3A_200 : i32 to index
      %swap3A_221 = arith.constant 32 : index
      %swap3A_222 = tpu.vector_load %arg15[%swap3A_220, %swap3A_221] {strides = array<i32>} : memref<128x128xf32, #tpu.memory_space<vmem>>, vector<16xf32>,
      tpu.vector_store %arg15[%swap3A_220, %swap3A_221], %mul3A_219 {strides = array<i32>} : memref<128x128xf32, #tpu.memory_space<vmem>>, vector<16xf32>,
      %get3A_223 = arith.index_cast %scan3A_200 : i32 to index
      %get3A_224 = arith.constant 48 : index
      %get3A_225 = tpu.vector_load %arg15[%get3A_223, %get3A_224] {strides = array<i32>} : memref<128x128xf32, #tpu.memory_space<vmem>>, vector<16xf32>,
      %mul3A_226 = arith.mulf %get3A_225, %gather3A_201 : vector<16xf32>
      %swap3A_227 = arith.index_cast %scan3A_200 : i32 to index
      %swap3A_228 = arith.constant 48 : index
      %swap3A_229 = tpu.vector_load %arg15[%swap3A_227, %swap3A_228] {strides = array<i32>} : memref<128x128xf32, #tpu.memory_space<vmem>>, vector<16xf32>,
      tpu.vector_store %arg15[%swap3A_227, %swap3A_228], %mul3A_226 {strides = array<i32>} : memref<128x128xf32, #tpu.memory_space<vmem>>, vector<16xf32>,
      %get3A_230 = arith.index_cast %scan3A_200 : i32 to index
      %get3A_231 = arith.constant 64 : index
      %get3A_232 = tpu.vector_load %arg15[%get3A_230, %get3A_231] {strides = array<i32>} : memref<128x128xf32, #tpu.memory_space<vmem>>, vector<16xf32>,
      %mul3A_233 = arith.mulf %get3A_232, %gather3A_201 : vector<16xf32>
      %swap3A_234 = arith.index_cast %scan3A_200 : i32 to index
      %swap3A_235 = arith.constant 64 : index
      %swap3A_236 = tpu.vector_load %arg15[%swap3A_234, %swap3A_235] {strides = array<i32>} : memref<128x128xf32, #tpu.memory_space<vmem>>, vector<16xf32>,
      tpu.vector_store %arg15[%swap3A_234, %swap3A_235], %mul3A_233 {strides = array<i32>} : memref<128x128xf32, #tpu.memory_space<vmem>>, vector<16xf32>,
      %get3A_237 = arith.index_cast %scan3A_200 : i32 to index
      %get3A_238 = arith.constant 80 : index
      %get3A_239 = tpu.vector_load %arg15[%get3A_237, %get3A_238] {strides = array<i32>} : memref<128x128xf32, #tpu.memory_space<vmem>>, vector<16xf32>,
      %mul3A_240 = arith.mulf %get3A_239, %gather3A_201 : vector<16xf32>
      %swap3A_241 = arith.index_cast %scan3A_200 : i32 to index
      %swap3A_242 = arith.constant 80 : index
      %swap3A_243 = tpu.vector_load %arg15[%swap3A_241, %swap3A_242] {strides = array<i32>} : memref<128x128xf32, #tpu.memory_space<vmem>>, vector<16xf32>,
      tpu.vector_store %arg15[%swap3A_241, %swap3A_242], %mul3A_240 {strides = array<i32>} : memref<128x128xf32, #tpu.memory_space<vmem>>, vector<16xf32>,
      %get3A_244 = arith.index_cast %scan3A_200 : i32 to index
      %get3A_245 = arith.constant 96 : index
      %get3A_246 = tpu.vector_load %arg15[%get3A_244, %get3A_245] {strides = array<i32>} : memref<128x128xf32, #tpu.memory_space<vmem>>, vector<16xf32>,
      %mul3A_247 = arith.mulf %get3A_246, %gather3A_201 : vector<16xf32>
      %swap3A_248 = arith.index_cast %scan3A_200 : i32 to index
      %swap3A_249 = arith.constant 96 : index
      %swap3A_250 = tpu.vector_load %arg15[%swap3A_248, %swap3A_249] {strides = array<i32>} : memref<128x128xf32, #tpu.memory_space<vmem>>, vector<16xf32>,
      tpu.vector_store %arg15[%swap3A_248, %swap3A_249], %mul3A_247 {strides = array<i32>} : memref<128x128xf32, #tpu.memory_space<vmem>>, vector<16xf32>,
      %get3A_251 = arith.index_cast %scan3A_200 : i32 to index
      %get3A_252 = arith.constant 112 : index
      %get3A_253 = tpu.vector_load %arg15[%get3A_251, %get3A_252] {strides = array<i32>} : memref<128x128xf32, #tpu.memory_space<vmem>>, vector<16xf32>,
      %mul3A_254 = arith.mulf %get3A_253, %gather3A_201 : vector<16xf32>
      %swap3A_255 = arith.index_cast %scan3A_200 : i32 to index
      %swap3A_256 = arith.constant 112 : index
      %swap3A_257 = tpu.vector_load %arg15[%swap3A_255, %swap3A_256] {strides = array<i32>} : memref<128x128xf32, #tpu.memory_space<vmem>>, vector<16xf32>,
      tpu.vector_store %arg15[%swap3A_255, %swap3A_256], %mul3A_254 {strides = array<i32>} : memref<128x128xf32, #tpu.memory_space<vmem>>, vector<16xf32>,
    }
    %scan3A_173 = arith.constant 128 : i32
    "tpu.region"() ({
      %run_scoped3A = tpu.sem_alloc : memref<!tpu.dma_semaphore, #tpu.memory_space<semaphore_mem>>
      %dma_start3A_200 = arith.constant 0 : i32
      %dma_start3A_201 = arith.constant 0 : i32
      %dma_start3A_202 = tpu.memref_slice %arg17[%dma_start3A_200, %dma_start3A_201] : memref<10240x128xf32, #tpu.memory_space<vmem_shared>> -> memref<10240x128xf32, #tpu.memory_space<vmem_shared>>
      tpu.enqueue_indirect_dma source(%arg15 : memref<128x128xf32, #tpu.memory_space<vmem>>) target(%dma_start3A_202 : memref<10240x128xf32, #tpu.memory_space<vmem_shared>>) offsets(%arg9 : memref<128xi32, #tpu.memory_space<vmem>>) semaphore(%run_scoped3A : memref<!tpu.dma_semaphore, #tpu.memory_space<semaphore_mem>>) {add = true}
      %dma_wait3A_203 = arith.constant 0 : i32
      %dma_wait3A_204 = arith.constant 0 : i32
      %dma_wait3A_205 = tpu.memref_slice %arg17[%dma_wait3A_203, %dma_wait3A_204] : memref<10240x128xf32, #tpu.memory_space<vmem_shared>> -> memref<10240x128xf32, #tpu.memory_space<vmem_shared>>
      tpu.wait_indirect_dma semaphore(%run_scoped3A : memref<!tpu.dma_semaphore, #tpu.memory_space<semaphore_mem>>) src(%arg15 : memref<128x128xf32, #tpu.memory_space<vmem>>) dst(%dma_wait3A_205 : memref<10240x128xf32, #tpu.memory_space<vmem_shared>>)
      tpu.yield
    }) : () -> ()
    %barrier3A_174 = arith.constant 0 : index
    tpu.barrier barrier_id(%barrier3A_174)
    %add3A_175 = arith.constant 0 : i32
    %add3A_176 = arith.addi %mul3A_7, %add3A_175 : i32
    "tpu.region"() ({
      %run_scoped3A = tpu.sem_alloc : memref<!tpu.dma_semaphore, #tpu.memory_space<semaphore_mem>>
      %dma_start3A_200 = arith.constant 0 : i32
      %dma_start3A_201 = tpu.memref_slice %arg17[%add3A_176, %dma_start3A_200] : memref<10240x128xf32, #tpu.memory_space<vmem_shared>> -> memref<128x128xf32, #tpu.memory_space<vmem_shared>>
      %dma_start3A_202 = arith.constant 0 : i32
      %dma_start3A_203 = tpu.memref_slice %arg17[%add3A_176, %dma_start3A_202] : memref<10240x128xf32, #tpu.memory_space<vmem_shared>> -> memref<128x128xf32, #tpu.memory_space<vmem_shared>>
      tpu.enqueue_dma source(%dma_start3A_203 : memref<128x128xf32, #tpu.memory_space<vmem_shared>>) target(%arg15 : memref<128x128xf32, #tpu.memory_space<vmem>>) target_semaphore(%run_scoped3A : memref<!tpu.dma_semaphore, #tpu.memory_space<semaphore_mem>>)
      %dma_wait3A_204 = arith.constant 0 : i32
      %dma_wait3A_205 = tpu.memref_slice %arg17[%add3A_176, %dma_wait3A_204] : memref<10240x128xf32, #tpu.memory_space<vmem_shared>> -> memref<128x128xf32, #tpu.memory_space<vmem_shared>>
      %dma_wait3A_206 = arith.constant 0 : i32
      %dma_wait3A_207 = tpu.memref_slice %arg17[%add3A_176, %dma_wait3A_206] : memref<10240x128xf32, #tpu.memory_space<vmem_shared>> -> memref<128x128xf32, #tpu.memory_space<vmem_shared>>
      tpu.wait_dma2 semaphore(%run_scoped3A : memref<!tpu.dma_semaphore, #tpu.memory_space<semaphore_mem>>) src(%dma_wait3A_207 : memref<128x128xf32, #tpu.memory_space<vmem_shared>>) dst(%arg15 : memref<128x128xf32, #tpu.memory_space<vmem>>)
      tpu.yield
    }) : () -> ()
    %add3A_177 = arith.addi %mul3A_0, %mul3A_7 : i32
    %add3A_178 = arith.constant 0 : i32
    %add3A_179 = arith.addi %add3A_177, %add3A_178 : i32
    "tpu.region"() ({
      %run_scoped3A = tpu.sem_alloc : memref<!tpu.dma_semaphore, #tpu.memory_space<semaphore_mem>>
      %dma_start3A_200 = arith.constant 0 : i32
      %dma_start3A_201 = tpu.memref_slice %arg5[%add3A_179, %dma_start3A_200] : memref<20480x128xf32, #tpu.memory_space<hbm>> -> memref<128x128xf32, #tpu.memory_space<hbm>>
      %dma_start3A_202 = arith.constant 0 : i32
      %dma_start3A_203 = tpu.memref_slice %arg5[%add3A_179, %dma_start3A_202] : memref<20480x128xf32, #tpu.memory_space<hbm>> -> memref<128x128xf32, #tpu.memory_space<hbm>>
      tpu.enqueue_dma source(%arg15 : memref<128x128xf32, #tpu.memory_space<vmem>>) target(%dma_start3A_203 : memref<128x128xf32, #tpu.memory_space<hbm>>) target_semaphore(%run_scoped3A : memref<!tpu.dma_semaphore, #tpu.memory_space<semaphore_mem>>)
      %dma_wait3A_204 = arith.constant 0 : i32
      %dma_wait3A_205 = tpu.memref_slice %arg5[%add3A_179, %dma_wait3A_204] : memref<20480x128xf32, #tpu.memory_space<hbm>> -> memref<128x128xf32, #tpu.memory_space<hbm>>
      %dma_wait3A_206 = arith.constant 0 : i32
      %dma_wait3A_207 = tpu.memref_slice %arg5[%add3A_179, %dma_wait3A_206] : memref<20480x128xf32, #tpu.memory_space<hbm>> -> memref<128x128xf32, #tpu.memory_space<hbm>>
      tpu.wait_dma2 semaphore(%run_scoped3A : memref<!tpu.dma_semaphore, #tpu.memory_space<semaphore_mem>>) src(%arg15 : memref<128x128xf32, #tpu.memory_space<vmem>>) dst(%dma_wait3A_207 : memref<128x128xf32, #tpu.memory_space<hbm>>)
      tpu.yield
    }) : () -> ()
    %add3A_180 = arith.constant 128 : i32
    %add3A_181 = arith.addi %mul3A_7, %add3A_180 : i32
    "tpu.region"() ({
      %run_scoped3A = tpu.sem_alloc : memref<!tpu.dma_semaphore, #tpu.memory_space<semaphore_mem>>
      %dma_start3A_200 = arith.constant 0 : i32
      %dma_start3A_201 = tpu.memref_slice %arg17[%add3A_181, %dma_start3A_200] : memref<10240x128xf32, #tpu.memory_space<vmem_shared>> -> memref<128x128xf32, #tpu.memory_space<vmem_shared>>
      %dma_start3A_202 = arith.constant 0 : i32
      %dma_start3A_203 = tpu.memref_slice %arg17[%add3A_181, %dma_start3A_202] : memref<10240x128xf32, #tpu.memory_space<vmem_shared>> -> memref<128x128xf32, #tpu.memory_space<vmem_shared>>
      tpu.enqueue_dma source(%dma_start3A_203 : memref<128x128xf32, #tpu.memory_space<vmem_shared>>) target(%arg15 : memref<128x128xf32, #tpu.memory_space<vmem>>) target_semaphore(%run_scoped3A : memref<!tpu.dma_semaphore, #tpu.memory_space<semaphore_mem>>)
      %dma_wait3A_204 = arith.constant 0 : i32
      %dma_wait3A_205 = tpu.memref_slice %arg17[%add3A_181, %dma_wait3A_204] : memref<10240x128xf32, #tpu.memory_space<vmem_shared>> -> memref<128x128xf32, #tpu.memory_space<vmem_shared>>
      %dma_wait3A_206 = arith.constant 0 : i32
      %dma_wait3A_207 = tpu.memref_slice %arg17[%add3A_181, %dma_wait3A_206] : memref<10240x128xf32, #tpu.memory_space<vmem_shared>> -> memref<128x128xf32, #tpu.memory_space<vmem_shared>>
      tpu.wait_dma2 semaphore(%run_scoped3A : memref<!tpu.dma_semaphore, #tpu.memory_space<semaphore_mem>>) src(%dma_wait3A_207 : memref<128x128xf32, #tpu.memory_space<vmem_shared>>) dst(%arg15 : memref<128x128xf32, #tpu.memory_space<vmem>>)
      tpu.yield
    }) : () -> ()
    %add3A_182 = arith.addi %mul3A_0, %mul3A_7 : i32
    %add3A_183 = arith.constant 128 : i32
    %add3A_184 = arith.addi %add3A_182, %add3A_183 : i32
    "tpu.region"() ({
      %run_scoped3A = tpu.sem_alloc : memref<!tpu.dma_semaphore, #tpu.memory_space<semaphore_mem>>
      %dma_start3A_200 = arith.constant 0 : i32
      %dma_start3A_201 = tpu.memref_slice %arg5[%add3A_184, %dma_start3A_200] : memref<20480x128xf32, #tpu.memory_space<hbm>> -> memref<128x128xf32, #tpu.memory_space<hbm>>
      %dma_start3A_202 = arith.constant 0 : i32
      %dma_start3A_203 = tpu.memref_slice %arg5[%add3A_184, %dma_start3A_202] : memref<20480x128xf32, #tpu.memory_space<hbm>> -> memref<128x128xf32, #tpu.memory_space<hbm>>
      tpu.enqueue_dma source(%arg15 : memref<128x128xf32, #tpu.memory_space<vmem>>) target(%dma_start3A_203 : memref<128x128xf32, #tpu.memory_space<hbm>>) target_semaphore(%run_scoped3A : memref<!tpu.dma_semaphore, #tpu.memory_space<semaphore_mem>>)
      %dma_wait3A_204 = arith.constant 0 : i32
      %dma_wait3A_205 = tpu.memref_slice %arg5[%add3A_184, %dma_wait3A_204] : memref<20480x128xf32, #tpu.memory_space<hbm>> -> memref<128x128xf32, #tpu.memory_space<hbm>>
      %dma_wait3A_206 = arith.constant 0 : i32
      %dma_wait3A_207 = tpu.memref_slice %arg5[%add3A_184, %dma_wait3A_206] : memref<20480x128xf32, #tpu.memory_space<hbm>> -> memref<128x128xf32, #tpu.memory_space<hbm>>
      tpu.wait_dma2 semaphore(%run_scoped3A : memref<!tpu.dma_semaphore, #tpu.memory_space<semaphore_mem>>) src(%arg15 : memref<128x128xf32, #tpu.memory_space<vmem>>) dst(%dma_wait3A_207 : memref<128x128xf32, #tpu.memory_space<hbm>>)
      tpu.yield
    }) : () -> ()
    %add3A_185 = arith.constant 256 : i32
    %add3A_186 = arith.addi %mul3A_7, %add3A_185 : i32
    "tpu.region"() ({
      %run_scoped3A = tpu.sem_alloc : memref<!tpu.dma_semaphore, #tpu.memory_space<semaphore_mem>>
      %dma_start3A_200 = arith.constant 0 : i32
      %dma_start3A_201 = tpu.memref_slice %arg17[%add3A_186, %dma_start3A_200] : memref<10240x128xf32, #tpu.memory_space<vmem_shared>> -> memref<128x128xf32, #tpu.memory_space<vmem_shared>>
      %dma_start3A_202 = arith.constant 0 : i32
      %dma_start3A_203 = tpu.memref_slice %arg17[%add3A_186, %dma_start3A_202] : memref<10240x128xf32, #tpu.memory_space<vmem_shared>> -> memref<128x128xf32, #tpu.memory_space<vmem_shared>>
      tpu.enqueue_dma source(%dma_start3A_203 : memref<128x128xf32, #tpu.memory_space<vmem_shared>>) target(%arg15 : memref<128x128xf32, #tpu.memory_space<vmem>>) target_semaphore(%run_scoped3A : memref<!tpu.dma_semaphore, #tpu.memory_space<semaphore_mem>>)
      %dma_wait3A_204 = arith.constant 0 : i32
      %dma_wait3A_205 = tpu.memref_slice %arg17[%add3A_186, %dma_wait3A_204] : memref<10240x128xf32, #tpu.memory_space<vmem_shared>> -> memref<128x128xf32, #tpu.memory_space<vmem_shared>>
      %dma_wait3A_206 = arith.constant 0 : i32
      %dma_wait3A_207 = tpu.memref_slice %arg17[%add3A_186, %dma_wait3A_206] : memref<10240x128xf32, #tpu.memory_space<vmem_shared>> -> memref<128x128xf32, #tpu.memory_space<vmem_shared>>
      tpu.wait_dma2 semaphore(%run_scoped3A : memref<!tpu.dma_semaphore, #tpu.memory_space<semaphore_mem>>) src(%dma_wait3A_207 : memref<128x128xf32, #tpu.memory_space<vmem_shared>>) dst(%arg15 : memref<128x128xf32, #tpu.memory_space<vmem>>)
      tpu.yield
    }) : () -> ()
    %add3A_187 = arith.addi %mul3A_0, %mul3A_7 : i32
    %add3A_188 = arith.constant 256 : i32
    %add3A_189 = arith.addi %add3A_187, %add3A_188 : i32
    "tpu.region"() ({
      %run_scoped3A = tpu.sem_alloc : memref<!tpu.dma_semaphore, #tpu.memory_space<semaphore_mem>>
      %dma_start3A_200 = arith.constant 0 : i32
      %dma_start3A_201 = tpu.memref_slice %arg5[%add3A_189, %dma_start3A_200] : memref<20480x128xf32, #tpu.memory_space<hbm>> -> memref<128x128xf32, #tpu.memory_space<hbm>>
      %dma_start3A_202 = arith.constant 0 : i32
      %dma_start3A_203 = tpu.memref_slice %arg5[%add3A_189, %dma_start3A_202] : memref<20480x128xf32, #tpu.memory_space<hbm>> -> memref<128x128xf32, #tpu.memory_space<hbm>>
      tpu.enqueue_dma source(%arg15 : memref<128x128xf32, #tpu.memory_space<vmem>>) target(%dma_start3A_203 : memref<128x128xf32, #tpu.memory_space<hbm>>) target_semaphore(%run_scoped3A : memref<!tpu.dma_semaphore, #tpu.memory_space<semaphore_mem>>)
      %dma_wait3A_204 = arith.constant 0 : i32
      %dma_wait3A_205 = tpu.memref_slice %arg5[%add3A_189, %dma_wait3A_204] : memref<20480x128xf32, #tpu.memory_space<hbm>> -> memref<128x128xf32, #tpu.memory_space<hbm>>
      %dma_wait3A_206 = arith.constant 0 : i32
      %dma_wait3A_207 = tpu.memref_slice %arg5[%add3A_189, %dma_wait3A_206] : memref<20480x128xf32, #tpu.memory_space<hbm>> -> memref<128x128xf32, #tpu.memory_space<hbm>>
      tpu.wait_dma2 semaphore(%run_scoped3A : memref<!tpu.dma_semaphore, #tpu.memory_space<semaphore_mem>>) src(%arg15 : memref<128x128xf32, #tpu.memory_space<vmem>>) dst(%dma_wait3A_207 : memref<128x128xf32, #tpu.memory_space<hbm>>)
      tpu.yield
    }) : () -> ()
    %add3A_190 = arith.constant 384 : i32
    %add3A_191 = arith.addi %mul3A_7, %add3A_190 : i32
    "tpu.region"() ({
      %run_scoped3A = tpu.sem_alloc : memref<!tpu.dma_semaphore, #tpu.memory_space<semaphore_mem>>
      %dma_start3A_200 = arith.constant 0 : i32
      %dma_start3A_201 = tpu.memref_slice %arg17[%add3A_191, %dma_start3A_200] : memref<10240x128xf32, #tpu.memory_space<vmem_shared>> -> memref<128x128xf32, #tpu.memory_space<vmem_shared>>
      %dma_start3A_202 = arith.constant 0 : i32
      %dma_start3A_203 = tpu.memref_slice %arg17[%add3A_191, %dma_start3A_202] : memref<10240x128xf32, #tpu.memory_space<vmem_shared>> -> memref<128x128xf32, #tpu.memory_space<vmem_shared>>
      tpu.enqueue_dma source(%dma_start3A_203 : memref<128x128xf32, #tpu.memory_space<vmem_shared>>) target(%arg15 : memref<128x128xf32, #tpu.memory_space<vmem>>) target_semaphore(%run_scoped3A : memref<!tpu.dma_semaphore, #tpu.memory_space<semaphore_mem>>)
      %dma_wait3A_204 = arith.constant 0 : i32
      %dma_wait3A_205 = tpu.memref_slice %arg17[%add3A_191, %dma_wait3A_204] : memref<10240x128xf32, #tpu.memory_space<vmem_shared>> -> memref<128x128xf32, #tpu.memory_space<vmem_shared>>
      %dma_wait3A_206 = arith.constant 0 : i32
      %dma_wait3A_207 = tpu.memref_slice %arg17[%add3A_191, %dma_wait3A_206] : memref<10240x128xf32, #tpu.memory_space<vmem_shared>> -> memref<128x128xf32, #tpu.memory_space<vmem_shared>>
      tpu.wait_dma2 semaphore(%run_scoped3A : memref<!tpu.dma_semaphore, #tpu.memory_space<semaphore_mem>>) src(%dma_wait3A_207 : memref<128x128xf32, #tpu.memory_space<vmem_shared>>) dst(%arg15 : memref<128x128xf32, #tpu.memory_space<vmem>>)
      tpu.yield
    }) : () -> ()
    %add3A_192 = arith.addi %mul3A_0, %mul3A_7 : i32
    %add3A_193 = arith.constant 384 : i32
    %add3A_194 = arith.addi %add3A_192, %add3A_193 : i32
    "tpu.region"() ({
      %run_scoped3A = tpu.sem_alloc : memref<!tpu.dma_semaphore, #tpu.memory_space<semaphore_mem>>
      %dma_start3A_200 = arith.constant 0 : i32
      %dma_start3A_201 = tpu.memref_slice %arg5[%add3A_194, %dma_start3A_200] : memref<20480x128xf32, #tpu.memory_space<hbm>> -> memref<128x128xf32, #tpu.memory_space<hbm>>
      %dma_start3A_202 = arith.constant 0 : i32
      %dma_start3A_203 = tpu.memref_slice %arg5[%add3A_194, %dma_start3A_202] : memref<20480x128xf32, #tpu.memory_space<hbm>> -> memref<128x128xf32, #tpu.memory_space<hbm>>
      tpu.enqueue_dma source(%arg15 : memref<128x128xf32, #tpu.memory_space<vmem>>) target(%dma_start3A_203 : memref<128x128xf32, #tpu.memory_space<hbm>>) target_semaphore(%run_scoped3A : memref<!tpu.dma_semaphore, #tpu.memory_space<semaphore_mem>>)
      %dma_wait3A_204 = arith.constant 0 : i32
      %dma_wait3A_205 = tpu.memref_slice %arg5[%add3A_194, %dma_wait3A_204] : memref<20480x128xf32, #tpu.memory_space<hbm>> -> memref<128x128xf32, #tpu.memory_space<hbm>>
      %dma_wait3A_206 = arith.constant 0 : i32
      %dma_wait3A_207 = tpu.memref_slice %arg5[%add3A_194, %dma_wait3A_206] : memref<20480x128xf32, #tpu.memory_space<hbm>> -> memref<128x128xf32, #tpu.memory_space<hbm>>
      tpu.wait_dma2 semaphore(%run_scoped3A : memref<!tpu.dma_semaphore, #tpu.memory_space<semaphore_mem>>) src(%arg15 : memref<128x128xf32, #tpu.memory_space<vmem>>) dst(%dma_wait3A_207 : memref<128x128xf32, #tpu.memory_space<hbm>>)
      tpu.yield
    }) : () -> ()
    %add3A_195 = arith.constant 512 : i32
    %add3A_196 = arith.addi %mul3A_7, %add3A_195 : i32
    "tpu.region"() ({
      %run_scoped3A = tpu.sem_alloc : memref<!tpu.dma_semaphore, #tpu.memory_space<semaphore_mem>>
      %dma_start3A_200 = arith.constant 0 : i32
      %dma_start3A_201 = tpu.memref_slice %arg17[%add3A_196, %dma_start3A_200] : memref<10240x128xf32, #tpu.memory_space<vmem_shared>> -> memref<128x128xf32, #tpu.memory_space<vmem_shared>>
      %dma_start3A_202 = arith.constant 0 : i32
      %dma_start3A_203 = tpu.memref_slice %arg17[%add3A_196, %dma_start3A_202] : memref<10240x128xf32, #tpu.memory_space<vmem_shared>> -> memref<128x128xf32, #tpu.memory_space<vmem_shared>>
      tpu.enqueue_dma source(%dma_start3A_203 : memref<128x128xf32, #tpu.memory_space<vmem_shared>>) target(%arg15 : memref<128x128xf32, #tpu.memory_space<vmem>>) target_semaphore(%run_scoped3A : memref<!tpu.dma_semaphore, #tpu.memory_space<semaphore_mem>>)
      %dma_wait3A_204 = arith.constant 0 : i32
      %dma_wait3A_205 = tpu.memref_slice %arg17[%add3A_196, %dma_wait3A_204] : memref<10240x128xf32, #tpu.memory_space<vmem_shared>> -> memref<128x128xf32, #tpu.memory_space<vmem_shared>>
      %dma_wait3A_206 = arith.constant 0 : i32
      %dma_wait3A_207 = tpu.memref_slice %arg17[%add3A_196, %dma_wait3A_206] : memref<10240x128xf32, #tpu.memory_space<vmem_shared>> -> memref<128x128xf32, #tpu.memory_space<vmem_shared>>
      tpu.wait_dma2 semaphore(%run_scoped3A : memref<!tpu.dma_semaphore, #tpu.memory_space<semaphore_mem>>) src(%dma_wait3A_207 : memref<128x128xf32, #tpu.memory_space<vmem_shared>>) dst(%arg15 : memref<128x128xf32, #tpu.memory_space<vmem>>)
      tpu.yield
    }) : () -> ()
    %add3A_197 = arith.addi %mul3A_0, %mul3A_7 : i32
    %add3A_198 = arith.constant 512 : i32
    %add3A_199 = arith.addi %add3A_197, %add3A_198 : i32
    "tpu.region"() ({
      %run_scoped3A = tpu.sem_alloc : memref<!tpu.dma_semaphore, #tpu.memory_space<semaphore_mem>>
      %dma_start3A_200 = arith.constant 0 : i32
      %dma_start3A_201 = tpu.memref_slice %arg5[%add3A_199, %dma_start3A_200] : memref<20480x128xf32, #tpu.memory_space<hbm>> -> memref<128x128xf32, #tpu.memory_space<hbm>>
      %dma_start3A_202 = arith.constant 0 : i32
      %dma_start3A_203 = tpu.memref_slice %arg5[%add3A_199, %dma_start3A_202] : memref<20480x128xf32, #tpu.memory_space<hbm>> -> memref<128x128xf32, #tpu.memory_space<hbm>>
      tpu.enqueue_dma source(%arg15 : memref<128x128xf32, #tpu.memory_space<vmem>>) target(%dma_start3A_203 : memref<128x128xf32, #tpu.memory_space<hbm>>) target_semaphore(%run_scoped3A : memref<!tpu.dma_semaphore, #tpu.memory_space<semaphore_mem>>)
      %dma_wait3A_204 = arith.constant 0 : i32
      %dma_wait3A_205 = tpu.memref_slice %arg5[%add3A_199, %dma_wait3A_204] : memref<20480x128xf32, #tpu.memory_space<hbm>> -> memref<128x128xf32, #tpu.memory_space<hbm>>
      %dma_wait3A_206 = arith.constant 0 : i32
      %dma_wait3A_207 = tpu.memref_slice %arg5[%add3A_199, %dma_wait3A_206] : memref<20480x128xf32, #tpu.memory_space<hbm>> -> memref<128x128xf32, #tpu.memory_space<hbm>>
      tpu.wait_dma2 semaphore(%run_scoped3A : memref<!tpu.dma_semaphore, #tpu.memory_space<semaphore_mem>>) src(%arg15 : memref<128x128xf32, #tpu.memory_space<vmem>>) dst(%dma_wait3A_207 : memref<128x128xf32, #tpu.memory_space<hbm>>)
      tpu.yield
    }) : () -> ()
    return
  }
}

#map = affine_map<(d0, d1) -> (0)>
#map1 = affine_map<(d0, d1) -> (0, 0)>
module attributes {stable_mosaic.version = 14 : i64} {
  func.func @sc_diff(%arg0: i32, %arg1: i32, %arg2: memref<151552xi32, #tpu.memory_space<hbm>>, %arg3: memref<151552xi32, #tpu.memory_space<hbm>>, %arg4: memref<10240x128xf32, #tpu.memory_space<hbm>>, %arg5: memref<151552x128xf32, #tpu.memory_space<hbm>>, %arg6: memref<128xi32, #tpu.memory_space<vmem>>, %arg7: memref<128xi32, #tpu.memory_space<vmem>>, %arg8: memref<128xi32, #tpu.memory_space<vmem>>, %arg9: memref<128xi32, #tpu.memory_space<vmem>>, %arg10: memref<128x128xf32, #tpu.memory_space<vmem>>, %arg11: memref<128x128xf32, #tpu.memory_space<vmem>>, %arg12: memref<128x128xf32, #tpu.memory_space<vmem>>, %arg13: memref<128x128xf32, #tpu.memory_space<vmem>>, %arg14: memref<128x128xf32, #tpu.memory_space<vmem>>, %arg15: memref<128x128xf32, #tpu.memory_space<vmem>>, %arg16: memref<!tpu.dma_semaphore, #tpu.memory_space<semaphore_mem>>, %arg17: memref<!tpu.dma_semaphore, #tpu.memory_space<semaphore_mem>>, %arg18: memref<!tpu.dma_semaphore, #tpu.memory_space<semaphore_mem>>, %arg19: memref<!tpu.dma_semaphore, #tpu.memory_space<semaphore_mem>>, %arg20: memref<!tpu.dma_semaphore, #tpu.memory_space<semaphore_mem>>, %arg21: memref<!tpu.dma_semaphore, #tpu.memory_space<semaphore_mem>>) attributes {dimension_semantics = [#tpu.dimension_semantics<core_parallel>, #tpu.dimension_semantics<subcore_parallel>], iteration_bounds = array<i64: 2, 16>, scalar_prefetch = 0 : i64, scratch_operands = 16 : i64, tpu.core_type = #tpu.core_type<sc_vector_subcore>, window_params = [{transform_indices = #map}, {transform_indices = #map}, {transform_indices = #map1}, {transform_indices = #map1}]} {
    %mul3A = arith.constant 2 : i32
    %mul3A_0 = arith.muli %arg1, %mul3A : i32
    %add3A = arith.addi %mul3A_0, %arg0 : i32
    %mul3A_1 = arith.constant 4736 : i32
    %mul3A_2 = arith.muli %add3A, %mul3A_1 : i32
    %scan3A = arith.constant 0 : i32
    %scan3A_3 = arith.constant 0 : i32
    %scan3A_4 = arith.constant 18 : i32
    %scan3A_5 = arith.addi %scan3A_3, %scan3A_4 : i32
    %scan3A_6 = arith.constant 1 : i32
    scf.for %scan3A_28 = %scan3A_3 to %scan3A_5 step %scan3A_6  : i32 {
      %mul3A_29 = arith.constant 2 : i32
      %mul3A_30 = arith.muli %scan3A_28, %mul3A_29 : i32
      %mul3A_31 = arith.constant 128 : i32
      %mul3A_32 = arith.muli %mul3A_30, %mul3A_31 : i32
      %add3A_33 = arith.addi %mul3A_2, %mul3A_32 : i32
      "tpu.region"() ({
        %run_scoped3A = tpu.sem_alloc : memref<!tpu.dma_semaphore, #tpu.memory_space<semaphore_mem>>
        %dma_start3A_99 = tpu.memref_slice %arg2[%add3A_33] : memref<151552xi32, #tpu.memory_space<hbm>> -> memref<128xi32, #tpu.memory_space<hbm>>
        %dma_start3A_100 = tpu.memref_slice %arg2[%add3A_33] : memref<151552xi32, #tpu.memory_space<hbm>> -> memref<128xi32, #tpu.memory_space<hbm>>
        tpu.enqueue_dma source(%dma_start3A_100 : memref<128xi32, #tpu.memory_space<hbm>>) target(%arg6 : memref<128xi32, #tpu.memory_space<vmem>>) target_semaphore(%run_scoped3A : memref<!tpu.dma_semaphore, #tpu.memory_space<semaphore_mem>>)
        %dma_wait3A_101 = tpu.memref_slice %arg2[%add3A_33] : memref<151552xi32, #tpu.memory_space<hbm>> -> memref<128xi32, #tpu.memory_space<hbm>>
        %dma_wait3A_102 = tpu.memref_slice %arg2[%add3A_33] : memref<151552xi32, #tpu.memory_space<hbm>> -> memref<128xi32, #tpu.memory_space<hbm>>
        tpu.wait_dma2 semaphore(%run_scoped3A : memref<!tpu.dma_semaphore, #tpu.memory_space<semaphore_mem>>) src(%dma_wait3A_102 : memref<128xi32, #tpu.memory_space<hbm>>) dst(%arg6 : memref<128xi32, #tpu.memory_space<vmem>>)
        tpu.yield
      }) : () -> ()
      "tpu.region"() ({
        %run_scoped3A = tpu.sem_alloc : memref<!tpu.dma_semaphore, #tpu.memory_space<semaphore_mem>>
        %dma_start3A_99 = tpu.memref_slice %arg3[%add3A_33] : memref<151552xi32, #tpu.memory_space<hbm>> -> memref<128xi32, #tpu.memory_space<hbm>>
        %dma_start3A_100 = tpu.memref_slice %arg3[%add3A_33] : memref<151552xi32, #tpu.memory_space<hbm>> -> memref<128xi32, #tpu.memory_space<hbm>>
        tpu.enqueue_dma source(%dma_start3A_100 : memref<128xi32, #tpu.memory_space<hbm>>) target(%arg8 : memref<128xi32, #tpu.memory_space<vmem>>) target_semaphore(%run_scoped3A : memref<!tpu.dma_semaphore, #tpu.memory_space<semaphore_mem>>)
        %dma_wait3A_101 = tpu.memref_slice %arg3[%add3A_33] : memref<151552xi32, #tpu.memory_space<hbm>> -> memref<128xi32, #tpu.memory_space<hbm>>
        %dma_wait3A_102 = tpu.memref_slice %arg3[%add3A_33] : memref<151552xi32, #tpu.memory_space<hbm>> -> memref<128xi32, #tpu.memory_space<hbm>>
        tpu.wait_dma2 semaphore(%run_scoped3A : memref<!tpu.dma_semaphore, #tpu.memory_space<semaphore_mem>>) src(%dma_wait3A_102 : memref<128xi32, #tpu.memory_space<hbm>>) dst(%arg8 : memref<128xi32, #tpu.memory_space<vmem>>)
        tpu.yield
      }) : () -> ()
      %dma_start3A_34 = arith.constant 0 : i32
      %dma_start3A_35 = arith.constant 0 : i32
      %dma_start3A_36 = tpu.memref_slice %arg4[%dma_start3A_34, %dma_start3A_35] : memref<10240x128xf32, #tpu.memory_space<hbm>> -> memref<10240x128xf32, #tpu.memory_space<hbm>>
      tpu.enqueue_indirect_dma source(%dma_start3A_36 : memref<10240x128xf32, #tpu.memory_space<hbm>>) target(%arg10 : memref<128x128xf32, #tpu.memory_space<vmem>>) offsets(%arg6 : memref<128xi32, #tpu.memory_space<vmem>>) semaphore(%arg16 : memref<!tpu.dma_semaphore, #tpu.memory_space<semaphore_mem>>)
      %dma_start3A_37 = arith.constant 0 : i32
      %dma_start3A_38 = arith.constant 0 : i32
      %dma_start3A_39 = tpu.memref_slice %arg4[%dma_start3A_37, %dma_start3A_38] : memref<10240x128xf32, #tpu.memory_space<hbm>> -> memref<10240x128xf32, #tpu.memory_space<hbm>>
      tpu.enqueue_indirect_dma source(%dma_start3A_39 : memref<10240x128xf32, #tpu.memory_space<hbm>>) target(%arg12 : memref<128x128xf32, #tpu.memory_space<vmem>>) offsets(%arg8 : memref<128xi32, #tpu.memory_space<vmem>>) semaphore(%arg18 : memref<!tpu.dma_semaphore, #tpu.memory_space<semaphore_mem>>)
      %add3A_40 = arith.constant 1 : i32
      %add3A_41 = arith.addi %mul3A_30, %add3A_40 : i32
      %mul3A_42 = arith.constant 128 : i32
      %mul3A_43 = arith.muli %add3A_41, %mul3A_42 : i32
      %add3A_44 = arith.addi %mul3A_2, %mul3A_43 : i32
      "tpu.region"() ({
        %run_scoped3A = tpu.sem_alloc : memref<!tpu.dma_semaphore, #tpu.memory_space<semaphore_mem>>
        %dma_start3A_99 = tpu.memref_slice %arg2[%add3A_44] : memref<151552xi32, #tpu.memory_space<hbm>> -> memref<128xi32, #tpu.memory_space<hbm>>
        %dma_start3A_100 = tpu.memref_slice %arg2[%add3A_44] : memref<151552xi32, #tpu.memory_space<hbm>> -> memref<128xi32, #tpu.memory_space<hbm>>
        tpu.enqueue_dma source(%dma_start3A_100 : memref<128xi32, #tpu.memory_space<hbm>>) target(%arg7 : memref<128xi32, #tpu.memory_space<vmem>>) target_semaphore(%run_scoped3A : memref<!tpu.dma_semaphore, #tpu.memory_space<semaphore_mem>>)
        %dma_wait3A_101 = tpu.memref_slice %arg2[%add3A_44] : memref<151552xi32, #tpu.memory_space<hbm>> -> memref<128xi32, #tpu.memory_space<hbm>>
        %dma_wait3A_102 = tpu.memref_slice %arg2[%add3A_44] : memref<151552xi32, #tpu.memory_space<hbm>> -> memref<128xi32, #tpu.memory_space<hbm>>
        tpu.wait_dma2 semaphore(%run_scoped3A : memref<!tpu.dma_semaphore, #tpu.memory_space<semaphore_mem>>) src(%dma_wait3A_102 : memref<128xi32, #tpu.memory_space<hbm>>) dst(%arg7 : memref<128xi32, #tpu.memory_space<vmem>>)
        tpu.yield
      }) : () -> ()
      "tpu.region"() ({
        %run_scoped3A = tpu.sem_alloc : memref<!tpu.dma_semaphore, #tpu.memory_space<semaphore_mem>>
        %dma_start3A_99 = tpu.memref_slice %arg3[%add3A_44] : memref<151552xi32, #tpu.memory_space<hbm>> -> memref<128xi32, #tpu.memory_space<hbm>>
        %dma_start3A_100 = tpu.memref_slice %arg3[%add3A_44] : memref<151552xi32, #tpu.memory_space<hbm>> -> memref<128xi32, #tpu.memory_space<hbm>>
        tpu.enqueue_dma source(%dma_start3A_100 : memref<128xi32, #tpu.memory_space<hbm>>) target(%arg9 : memref<128xi32, #tpu.memory_space<vmem>>) target_semaphore(%run_scoped3A : memref<!tpu.dma_semaphore, #tpu.memory_space<semaphore_mem>>)
        %dma_wait3A_101 = tpu.memref_slice %arg3[%add3A_44] : memref<151552xi32, #tpu.memory_space<hbm>> -> memref<128xi32, #tpu.memory_space<hbm>>
        %dma_wait3A_102 = tpu.memref_slice %arg3[%add3A_44] : memref<151552xi32, #tpu.memory_space<hbm>> -> memref<128xi32, #tpu.memory_space<hbm>>
        tpu.wait_dma2 semaphore(%run_scoped3A : memref<!tpu.dma_semaphore, #tpu.memory_space<semaphore_mem>>) src(%dma_wait3A_102 : memref<128xi32, #tpu.memory_space<hbm>>) dst(%arg9 : memref<128xi32, #tpu.memory_space<vmem>>)
        tpu.yield
      }) : () -> ()
      %dma_start3A_45 = arith.constant 0 : i32
      %dma_start3A_46 = arith.constant 0 : i32
      %dma_start3A_47 = tpu.memref_slice %arg4[%dma_start3A_45, %dma_start3A_46] : memref<10240x128xf32, #tpu.memory_space<hbm>> -> memref<10240x128xf32, #tpu.memory_space<hbm>>
      tpu.enqueue_indirect_dma source(%dma_start3A_47 : memref<10240x128xf32, #tpu.memory_space<hbm>>) target(%arg11 : memref<128x128xf32, #tpu.memory_space<vmem>>) offsets(%arg7 : memref<128xi32, #tpu.memory_space<vmem>>) semaphore(%arg17 : memref<!tpu.dma_semaphore, #tpu.memory_space<semaphore_mem>>)
      %dma_start3A_48 = arith.constant 0 : i32
      %dma_start3A_49 = arith.constant 0 : i32
      %dma_start3A_50 = tpu.memref_slice %arg4[%dma_start3A_48, %dma_start3A_49] : memref<10240x128xf32, #tpu.memory_space<hbm>> -> memref<10240x128xf32, #tpu.memory_space<hbm>>
      tpu.enqueue_indirect_dma source(%dma_start3A_50 : memref<10240x128xf32, #tpu.memory_space<hbm>>) target(%arg13 : memref<128x128xf32, #tpu.memory_space<vmem>>) offsets(%arg9 : memref<128xi32, #tpu.memory_space<vmem>>) semaphore(%arg19 : memref<!tpu.dma_semaphore, #tpu.memory_space<semaphore_mem>>)
      %dma_wait3A_51 = arith.constant 0 : i32
      %dma_wait3A_52 = arith.constant 0 : i32
      %dma_wait3A_53 = tpu.memref_slice %arg4[%dma_wait3A_51, %dma_wait3A_52] : memref<10240x128xf32, #tpu.memory_space<hbm>> -> memref<10240x128xf32, #tpu.memory_space<hbm>>
      tpu.wait_indirect_dma semaphore(%arg16 : memref<!tpu.dma_semaphore, #tpu.memory_space<semaphore_mem>>) src(%dma_wait3A_53 : memref<10240x128xf32, #tpu.memory_space<hbm>>) dst(%arg10 : memref<128x128xf32, #tpu.memory_space<vmem>>)
      %dma_wait3A_54 = arith.constant 0 : i32
      %dma_wait3A_55 = arith.constant 0 : i32
      %dma_wait3A_56 = tpu.memref_slice %arg4[%dma_wait3A_54, %dma_wait3A_55] : memref<10240x128xf32, #tpu.memory_space<hbm>> -> memref<10240x128xf32, #tpu.memory_space<hbm>>
      tpu.wait_indirect_dma semaphore(%arg18 : memref<!tpu.dma_semaphore, #tpu.memory_space<semaphore_mem>>) src(%dma_wait3A_56 : memref<10240x128xf32, #tpu.memory_space<hbm>>) dst(%arg12 : memref<128x128xf32, #tpu.memory_space<vmem>>)
      %scan3A_57 = arith.constant 0 : i32
      %scan3A_58 = arith.constant 0 : i32
      %scan3A_59 = arith.constant 128 : i32
      %scan3A_60 = arith.addi %scan3A_58, %scan3A_59 : i32
      %scan3A_61 = arith.constant 1 : i32
      scf.for %scan3A_99 = %scan3A_58 to %scan3A_60 step %scan3A_61  : i32 {
        %get3A = arith.index_cast %scan3A_99 : i32 to index
        %get3A_100 = arith.constant 0 : index
        %get3A_101 = tpu.vector_load %arg10[%get3A, %get3A_100] {strides = array<i32>} : memref<128x128xf32, #tpu.memory_space<vmem>>, vector<16xf32>,
        %get3A_102 = arith.index_cast %scan3A_99 : i32 to index
        %get3A_103 = arith.constant 0 : index
        %get3A_104 = tpu.vector_load %arg12[%get3A_102, %get3A_103] {strides = array<i32>} : memref<128x128xf32, #tpu.memory_space<vmem>>, vector<16xf32>,
        %sub3A = arith.subf %get3A_101, %get3A_104 : vector<16xf32>
        %swap3A = arith.index_cast %scan3A_99 : i32 to index
        %swap3A_105 = arith.constant 0 : index
        %swap3A_106 = tpu.vector_load %arg14[%swap3A, %swap3A_105] {strides = array<i32>} : memref<128x128xf32, #tpu.memory_space<vmem>>, vector<16xf32>,
        tpu.vector_store %arg14[%swap3A, %swap3A_105], %sub3A {strides = array<i32>} : memref<128x128xf32, #tpu.memory_space<vmem>>, vector<16xf32>,
        %get3A_107 = arith.index_cast %scan3A_99 : i32 to index
        %get3A_108 = arith.constant 16 : index
        %get3A_109 = tpu.vector_load %arg10[%get3A_107, %get3A_108] {strides = array<i32>} : memref<128x128xf32, #tpu.memory_space<vmem>>, vector<16xf32>,
        %get3A_110 = arith.index_cast %scan3A_99 : i32 to index
        %get3A_111 = arith.constant 16 : index
        %get3A_112 = tpu.vector_load %arg12[%get3A_110, %get3A_111] {strides = array<i32>} : memref<128x128xf32, #tpu.memory_space<vmem>>, vector<16xf32>,
        %sub3A_113 = arith.subf %get3A_109, %get3A_112 : vector<16xf32>
        %swap3A_114 = arith.index_cast %scan3A_99 : i32 to index
        %swap3A_115 = arith.constant 16 : index
        %swap3A_116 = tpu.vector_load %arg14[%swap3A_114, %swap3A_115] {strides = array<i32>} : memref<128x128xf32, #tpu.memory_space<vmem>>, vector<16xf32>,
        tpu.vector_store %arg14[%swap3A_114, %swap3A_115], %sub3A_113 {strides = array<i32>} : memref<128x128xf32, #tpu.memory_space<vmem>>, vector<16xf32>,
        %get3A_117 = arith.index_cast %scan3A_99 : i32 to index
        %get3A_118 = arith.constant 32 : index
        %get3A_119 = tpu.vector_load %arg10[%get3A_117, %get3A_118] {strides = array<i32>} : memref<128x128xf32, #tpu.memory_space<vmem>>, vector<16xf32>,
        %get3A_120 = arith.index_cast %scan3A_99 : i32 to index
        %get3A_121 = arith.constant 32 : index
        %get3A_122 = tpu.vector_load %arg12[%get3A_120, %get3A_121] {strides = array<i32>} : memref<128x128xf32, #tpu.memory_space<vmem>>, vector<16xf32>,
        %sub3A_123 = arith.subf %get3A_119, %get3A_122 : vector<16xf32>
        %swap3A_124 = arith.index_cast %scan3A_99 : i32 to index
        %swap3A_125 = arith.constant 32 : index
        %swap3A_126 = tpu.vector_load %arg14[%swap3A_124, %swap3A_125] {strides = array<i32>} : memref<128x128xf32, #tpu.memory_space<vmem>>, vector<16xf32>,
        tpu.vector_store %arg14[%swap3A_124, %swap3A_125], %sub3A_123 {strides = array<i32>} : memref<128x128xf32, #tpu.memory_space<vmem>>, vector<16xf32>,
        %get3A_127 = arith.index_cast %scan3A_99 : i32 to index
        %get3A_128 = arith.constant 48 : index
        %get3A_129 = tpu.vector_load %arg10[%get3A_127, %get3A_128] {strides = array<i32>} : memref<128x128xf32, #tpu.memory_space<vmem>>, vector<16xf32>,
        %get3A_130 = arith.index_cast %scan3A_99 : i32 to index
        %get3A_131 = arith.constant 48 : index
        %get3A_132 = tpu.vector_load %arg12[%get3A_130, %get3A_131] {strides = array<i32>} : memref<128x128xf32, #tpu.memory_space<vmem>>, vector<16xf32>,
        %sub3A_133 = arith.subf %get3A_129, %get3A_132 : vector<16xf32>
        %swap3A_134 = arith.index_cast %scan3A_99 : i32 to index
        %swap3A_135 = arith.constant 48 : index
        %swap3A_136 = tpu.vector_load %arg14[%swap3A_134, %swap3A_135] {strides = array<i32>} : memref<128x128xf32, #tpu.memory_space<vmem>>, vector<16xf32>,
        tpu.vector_store %arg14[%swap3A_134, %swap3A_135], %sub3A_133 {strides = array<i32>} : memref<128x128xf32, #tpu.memory_space<vmem>>, vector<16xf32>,
        %get3A_137 = arith.index_cast %scan3A_99 : i32 to index
        %get3A_138 = arith.constant 64 : index
        %get3A_139 = tpu.vector_load %arg10[%get3A_137, %get3A_138] {strides = array<i32>} : memref<128x128xf32, #tpu.memory_space<vmem>>, vector<16xf32>,
        %get3A_140 = arith.index_cast %scan3A_99 : i32 to index
        %get3A_141 = arith.constant 64 : index
        %get3A_142 = tpu.vector_load %arg12[%get3A_140, %get3A_141] {strides = array<i32>} : memref<128x128xf32, #tpu.memory_space<vmem>>, vector<16xf32>,
        %sub3A_143 = arith.subf %get3A_139, %get3A_142 : vector<16xf32>
        %swap3A_144 = arith.index_cast %scan3A_99 : i32 to index
        %swap3A_145 = arith.constant 64 : index
        %swap3A_146 = tpu.vector_load %arg14[%swap3A_144, %swap3A_145] {strides = array<i32>} : memref<128x128xf32, #tpu.memory_space<vmem>>, vector<16xf32>,
        tpu.vector_store %arg14[%swap3A_144, %swap3A_145], %sub3A_143 {strides = array<i32>} : memref<128x128xf32, #tpu.memory_space<vmem>>, vector<16xf32>,
        %get3A_147 = arith.index_cast %scan3A_99 : i32 to index
        %get3A_148 = arith.constant 80 : index
        %get3A_149 = tpu.vector_load %arg10[%get3A_147, %get3A_148] {strides = array<i32>} : memref<128x128xf32, #tpu.memory_space<vmem>>, vector<16xf32>,
        %get3A_150 = arith.index_cast %scan3A_99 : i32 to index
        %get3A_151 = arith.constant 80 : index
        %get3A_152 = tpu.vector_load %arg12[%get3A_150, %get3A_151] {strides = array<i32>} : memref<128x128xf32, #tpu.memory_space<vmem>>, vector<16xf32>,
        %sub3A_153 = arith.subf %get3A_149, %get3A_152 : vector<16xf32>
        %swap3A_154 = arith.index_cast %scan3A_99 : i32 to index
        %swap3A_155 = arith.constant 80 : index
        %swap3A_156 = tpu.vector_load %arg14[%swap3A_154, %swap3A_155] {strides = array<i32>} : memref<128x128xf32, #tpu.memory_space<vmem>>, vector<16xf32>,
        tpu.vector_store %arg14[%swap3A_154, %swap3A_155], %sub3A_153 {strides = array<i32>} : memref<128x128xf32, #tpu.memory_space<vmem>>, vector<16xf32>,
        %get3A_157 = arith.index_cast %scan3A_99 : i32 to index
        %get3A_158 = arith.constant 96 : index
        %get3A_159 = tpu.vector_load %arg10[%get3A_157, %get3A_158] {strides = array<i32>} : memref<128x128xf32, #tpu.memory_space<vmem>>, vector<16xf32>,
        %get3A_160 = arith.index_cast %scan3A_99 : i32 to index
        %get3A_161 = arith.constant 96 : index
        %get3A_162 = tpu.vector_load %arg12[%get3A_160, %get3A_161] {strides = array<i32>} : memref<128x128xf32, #tpu.memory_space<vmem>>, vector<16xf32>,
        %sub3A_163 = arith.subf %get3A_159, %get3A_162 : vector<16xf32>
        %swap3A_164 = arith.index_cast %scan3A_99 : i32 to index
        %swap3A_165 = arith.constant 96 : index
        %swap3A_166 = tpu.vector_load %arg14[%swap3A_164, %swap3A_165] {strides = array<i32>} : memref<128x128xf32, #tpu.memory_space<vmem>>, vector<16xf32>,
        tpu.vector_store %arg14[%swap3A_164, %swap3A_165], %sub3A_163 {strides = array<i32>} : memref<128x128xf32, #tpu.memory_space<vmem>>, vector<16xf32>,
        %get3A_167 = arith.index_cast %scan3A_99 : i32 to index
        %get3A_168 = arith.constant 112 : index
        %get3A_169 = tpu.vector_load %arg10[%get3A_167, %get3A_168] {strides = array<i32>} : memref<128x128xf32, #tpu.memory_space<vmem>>, vector<16xf32>,
        %get3A_170 = arith.index_cast %scan3A_99 : i32 to index
        %get3A_171 = arith.constant 112 : index
        %get3A_172 = tpu.vector_load %arg12[%get3A_170, %get3A_171] {strides = array<i32>} : memref<128x128xf32, #tpu.memory_space<vmem>>, vector<16xf32>,
        %sub3A_173 = arith.subf %get3A_169, %get3A_172 : vector<16xf32>
        %swap3A_174 = arith.index_cast %scan3A_99 : i32 to index
        %swap3A_175 = arith.constant 112 : index
        %swap3A_176 = tpu.vector_load %arg14[%swap3A_174, %swap3A_175] {strides = array<i32>} : memref<128x128xf32, #tpu.memory_space<vmem>>, vector<16xf32>,
        tpu.vector_store %arg14[%swap3A_174, %swap3A_175], %sub3A_173 {strides = array<i32>} : memref<128x128xf32, #tpu.memory_space<vmem>>, vector<16xf32>,
      }
      %scan3A_62 = arith.constant 128 : i32
      %mul3A_63 = arith.constant 128 : i32
      %mul3A_64 = arith.muli %mul3A_30, %mul3A_63 : i32
      %add3A_65 = arith.addi %mul3A_2, %mul3A_64 : i32
      %dma_start3A_66 = arith.constant 0 : i32
      %dma_start3A_67 = tpu.memref_slice %arg5[%add3A_65, %dma_start3A_66] : memref<151552x128xf32, #tpu.memory_space<hbm>> -> memref<128x128xf32, #tpu.memory_space<hbm>>
      %dma_start3A_68 = arith.constant 0 : i32
      %dma_start3A_69 = tpu.memref_slice %arg5[%add3A_65, %dma_start3A_68] : memref<151552x128xf32, #tpu.memory_space<hbm>> -> memref<128x128xf32, #tpu.memory_space<hbm>>
      tpu.enqueue_dma source(%arg14 : memref<128x128xf32, #tpu.memory_space<vmem>>) target(%dma_start3A_69 : memref<128x128xf32, #tpu.memory_space<hbm>>) target_semaphore(%arg20 : memref<!tpu.dma_semaphore, #tpu.memory_space<semaphore_mem>>)
      %dma_wait3A_70 = arith.constant 0 : i32
      %dma_wait3A_71 = arith.constant 0 : i32
      %dma_wait3A_72 = tpu.memref_slice %arg4[%dma_wait3A_70, %dma_wait3A_71] : memref<10240x128xf32, #tpu.memory_space<hbm>> -> memref<10240x128xf32, #tpu.memory_space<hbm>>
      tpu.wait_indirect_dma semaphore(%arg17 : memref<!tpu.dma_semaphore, #tpu.memory_space<semaphore_mem>>) src(%dma_wait3A_72 : memref<10240x128xf32, #tpu.memory_space<hbm>>) dst(%arg11 : memref<128x128xf32, #tpu.memory_space<vmem>>)
      %dma_wait3A_73 = arith.constant 0 : i32
      %dma_wait3A_74 = arith.constant 0 : i32
      %dma_wait3A_75 = tpu.memref_slice %arg4[%dma_wait3A_73, %dma_wait3A_74] : memref<10240x128xf32, #tpu.memory_space<hbm>> -> memref<10240x128xf32, #tpu.memory_space<hbm>>
      tpu.wait_indirect_dma semaphore(%arg19 : memref<!tpu.dma_semaphore, #tpu.memory_space<semaphore_mem>>) src(%dma_wait3A_75 : memref<10240x128xf32, #tpu.memory_space<hbm>>) dst(%arg13 : memref<128x128xf32, #tpu.memory_space<vmem>>)
      %scan3A_76 = arith.constant 0 : i32
      %scan3A_77 = arith.constant 0 : i32
      %scan3A_78 = arith.constant 128 : i32
      %scan3A_79 = arith.addi %scan3A_77, %scan3A_78 : i32
      %scan3A_80 = arith.constant 1 : i32
      scf.for %scan3A_99 = %scan3A_77 to %scan3A_79 step %scan3A_80  : i32 {
        %get3A = arith.index_cast %scan3A_99 : i32 to index
        %get3A_100 = arith.constant 0 : index
        %get3A_101 = tpu.vector_load %arg11[%get3A, %get3A_100] {strides = array<i32>} : memref<128x128xf32, #tpu.memory_space<vmem>>, vector<16xf32>,
        %get3A_102 = arith.index_cast %scan3A_99 : i32 to index
        %get3A_103 = arith.constant 0 : index
        %get3A_104 = tpu.vector_load %arg13[%get3A_102, %get3A_103] {strides = array<i32>} : memref<128x128xf32, #tpu.memory_space<vmem>>, vector<16xf32>,
        %sub3A = arith.subf %get3A_101, %get3A_104 : vector<16xf32>
        %swap3A = arith.index_cast %scan3A_99 : i32 to index
        %swap3A_105 = arith.constant 0 : index
        %swap3A_106 = tpu.vector_load %arg15[%swap3A, %swap3A_105] {strides = array<i32>} : memref<128x128xf32, #tpu.memory_space<vmem>>, vector<16xf32>,
        tpu.vector_store %arg15[%swap3A, %swap3A_105], %sub3A {strides = array<i32>} : memref<128x128xf32, #tpu.memory_space<vmem>>, vector<16xf32>,
        %get3A_107 = arith.index_cast %scan3A_99 : i32 to index
        %get3A_108 = arith.constant 16 : index
        %get3A_109 = tpu.vector_load %arg11[%get3A_107, %get3A_108] {strides = array<i32>} : memref<128x128xf32, #tpu.memory_space<vmem>>, vector<16xf32>,
        %get3A_110 = arith.index_cast %scan3A_99 : i32 to index
        %get3A_111 = arith.constant 16 : index
        %get3A_112 = tpu.vector_load %arg13[%get3A_110, %get3A_111] {strides = array<i32>} : memref<128x128xf32, #tpu.memory_space<vmem>>, vector<16xf32>,
        %sub3A_113 = arith.subf %get3A_109, %get3A_112 : vector<16xf32>
        %swap3A_114 = arith.index_cast %scan3A_99 : i32 to index
        %swap3A_115 = arith.constant 16 : index
        %swap3A_116 = tpu.vector_load %arg15[%swap3A_114, %swap3A_115] {strides = array<i32>} : memref<128x128xf32, #tpu.memory_space<vmem>>, vector<16xf32>,
        tpu.vector_store %arg15[%swap3A_114, %swap3A_115], %sub3A_113 {strides = array<i32>} : memref<128x128xf32, #tpu.memory_space<vmem>>, vector<16xf32>,
        %get3A_117 = arith.index_cast %scan3A_99 : i32 to index
        %get3A_118 = arith.constant 32 : index
        %get3A_119 = tpu.vector_load %arg11[%get3A_117, %get3A_118] {strides = array<i32>} : memref<128x128xf32, #tpu.memory_space<vmem>>, vector<16xf32>,
        %get3A_120 = arith.index_cast %scan3A_99 : i32 to index
        %get3A_121 = arith.constant 32 : index
        %get3A_122 = tpu.vector_load %arg13[%get3A_120, %get3A_121] {strides = array<i32>} : memref<128x128xf32, #tpu.memory_space<vmem>>, vector<16xf32>,
        %sub3A_123 = arith.subf %get3A_119, %get3A_122 : vector<16xf32>
        %swap3A_124 = arith.index_cast %scan3A_99 : i32 to index
        %swap3A_125 = arith.constant 32 : index
        %swap3A_126 = tpu.vector_load %arg15[%swap3A_124, %swap3A_125] {strides = array<i32>} : memref<128x128xf32, #tpu.memory_space<vmem>>, vector<16xf32>,
        tpu.vector_store %arg15[%swap3A_124, %swap3A_125], %sub3A_123 {strides = array<i32>} : memref<128x128xf32, #tpu.memory_space<vmem>>, vector<16xf32>,
        %get3A_127 = arith.index_cast %scan3A_99 : i32 to index
        %get3A_128 = arith.constant 48 : index
        %get3A_129 = tpu.vector_load %arg11[%get3A_127, %get3A_128] {strides = array<i32>} : memref<128x128xf32, #tpu.memory_space<vmem>>, vector<16xf32>,
        %get3A_130 = arith.index_cast %scan3A_99 : i32 to index
        %get3A_131 = arith.constant 48 : index
        %get3A_132 = tpu.vector_load %arg13[%get3A_130, %get3A_131] {strides = array<i32>} : memref<128x128xf32, #tpu.memory_space<vmem>>, vector<16xf32>,
        %sub3A_133 = arith.subf %get3A_129, %get3A_132 : vector<16xf32>
        %swap3A_134 = arith.index_cast %scan3A_99 : i32 to index
        %swap3A_135 = arith.constant 48 : index
        %swap3A_136 = tpu.vector_load %arg15[%swap3A_134, %swap3A_135] {strides = array<i32>} : memref<128x128xf32, #tpu.memory_space<vmem>>, vector<16xf32>,
        tpu.vector_store %arg15[%swap3A_134, %swap3A_135], %sub3A_133 {strides = array<i32>} : memref<128x128xf32, #tpu.memory_space<vmem>>, vector<16xf32>,
        %get3A_137 = arith.index_cast %scan3A_99 : i32 to index
        %get3A_138 = arith.constant 64 : index
        %get3A_139 = tpu.vector_load %arg11[%get3A_137, %get3A_138] {strides = array<i32>} : memref<128x128xf32, #tpu.memory_space<vmem>>, vector<16xf32>,
        %get3A_140 = arith.index_cast %scan3A_99 : i32 to index
        %get3A_141 = arith.constant 64 : index
        %get3A_142 = tpu.vector_load %arg13[%get3A_140, %get3A_141] {strides = array<i32>} : memref<128x128xf32, #tpu.memory_space<vmem>>, vector<16xf32>,
        %sub3A_143 = arith.subf %get3A_139, %get3A_142 : vector<16xf32>
        %swap3A_144 = arith.index_cast %scan3A_99 : i32 to index
        %swap3A_145 = arith.constant 64 : index
        %swap3A_146 = tpu.vector_load %arg15[%swap3A_144, %swap3A_145] {strides = array<i32>} : memref<128x128xf32, #tpu.memory_space<vmem>>, vector<16xf32>,
        tpu.vector_store %arg15[%swap3A_144, %swap3A_145], %sub3A_143 {strides = array<i32>} : memref<128x128xf32, #tpu.memory_space<vmem>>, vector<16xf32>,
        %get3A_147 = arith.index_cast %scan3A_99 : i32 to index
        %get3A_148 = arith.constant 80 : index
        %get3A_149 = tpu.vector_load %arg11[%get3A_147, %get3A_148] {strides = array<i32>} : memref<128x128xf32, #tpu.memory_space<vmem>>, vector<16xf32>,
        %get3A_150 = arith.index_cast %scan3A_99 : i32 to index
        %get3A_151 = arith.constant 80 : index
        %get3A_152 = tpu.vector_load %arg13[%get3A_150, %get3A_151] {strides = array<i32>} : memref<128x128xf32, #tpu.memory_space<vmem>>, vector<16xf32>,
        %sub3A_153 = arith.subf %get3A_149, %get3A_152 : vector<16xf32>
        %swap3A_154 = arith.index_cast %scan3A_99 : i32 to index
        %swap3A_155 = arith.constant 80 : index
        %swap3A_156 = tpu.vector_load %arg15[%swap3A_154, %swap3A_155] {strides = array<i32>} : memref<128x128xf32, #tpu.memory_space<vmem>>, vector<16xf32>,
        tpu.vector_store %arg15[%swap3A_154, %swap3A_155], %sub3A_153 {strides = array<i32>} : memref<128x128xf32, #tpu.memory_space<vmem>>, vector<16xf32>,
        %get3A_157 = arith.index_cast %scan3A_99 : i32 to index
        %get3A_158 = arith.constant 96 : index
        %get3A_159 = tpu.vector_load %arg11[%get3A_157, %get3A_158] {strides = array<i32>} : memref<128x128xf32, #tpu.memory_space<vmem>>, vector<16xf32>,
        %get3A_160 = arith.index_cast %scan3A_99 : i32 to index
        %get3A_161 = arith.constant 96 : index
        %get3A_162 = tpu.vector_load %arg13[%get3A_160, %get3A_161] {strides = array<i32>} : memref<128x128xf32, #tpu.memory_space<vmem>>, vector<16xf32>,
        %sub3A_163 = arith.subf %get3A_159, %get3A_162 : vector<16xf32>
        %swap3A_164 = arith.index_cast %scan3A_99 : i32 to index
        %swap3A_165 = arith.constant 96 : index
        %swap3A_166 = tpu.vector_load %arg15[%swap3A_164, %swap3A_165] {strides = array<i32>} : memref<128x128xf32, #tpu.memory_space<vmem>>, vector<16xf32>,
        tpu.vector_store %arg15[%swap3A_164, %swap3A_165], %sub3A_163 {strides = array<i32>} : memref<128x128xf32, #tpu.memory_space<vmem>>, vector<16xf32>,
        %get3A_167 = arith.index_cast %scan3A_99 : i32 to index
        %get3A_168 = arith.constant 112 : index
        %get3A_169 = tpu.vector_load %arg11[%get3A_167, %get3A_168] {strides = array<i32>} : memref<128x128xf32, #tpu.memory_space<vmem>>, vector<16xf32>,
        %get3A_170 = arith.index_cast %scan3A_99 : i32 to index
        %get3A_171 = arith.constant 112 : index
        %get3A_172 = tpu.vector_load %arg13[%get3A_170, %get3A_171] {strides = array<i32>} : memref<128x128xf32, #tpu.memory_space<vmem>>, vector<16xf32>,
        %sub3A_173 = arith.subf %get3A_169, %get3A_172 : vector<16xf32>
        %swap3A_174 = arith.index_cast %scan3A_99 : i32 to index
        %swap3A_175 = arith.constant 112 : index
        %swap3A_176 = tpu.vector_load %arg15[%swap3A_174, %swap3A_175] {strides = array<i32>} : memref<128x128xf32, #tpu.memory_space<vmem>>, vector<16xf32>,
        tpu.vector_store %arg15[%swap3A_174, %swap3A_175], %sub3A_173 {strides = array<i32>} : memref<128x128xf32, #tpu.memory_space<vmem>>, vector<16xf32>,
      }
      %scan3A_81 = arith.constant 128 : i32
      %add3A_82 = arith.constant 1 : i32
      %add3A_83 = arith.addi %mul3A_30, %add3A_82 : i32
      %mul3A_84 = arith.constant 128 : i32
      %mul3A_85 = arith.muli %add3A_83, %mul3A_84 : i32
      %add3A_86 = arith.addi %mul3A_2, %mul3A_85 : i32
      %dma_start3A_87 = arith.constant 0 : i32
      %dma_start3A_88 = tpu.memref_slice %arg5[%add3A_86, %dma_start3A_87] : memref<151552x128xf32, #tpu.memory_space<hbm>> -> memref<128x128xf32, #tpu.memory_space<hbm>>
      %dma_start3A_89 = arith.constant 0 : i32
      %dma_start3A_90 = tpu.memref_slice %arg5[%add3A_86, %dma_start3A_89] : memref<151552x128xf32, #tpu.memory_space<hbm>> -> memref<128x128xf32, #tpu.memory_space<hbm>>
      tpu.enqueue_dma source(%arg15 : memref<128x128xf32, #tpu.memory_space<vmem>>) target(%dma_start3A_90 : memref<128x128xf32, #tpu.memory_space<hbm>>) target_semaphore(%arg21 : memref<!tpu.dma_semaphore, #tpu.memory_space<semaphore_mem>>)
      %dma_wait3A_91 = arith.constant 0 : i32
      %dma_wait3A_92 = tpu.memref_slice %arg5[%add3A_65, %dma_wait3A_91] : memref<151552x128xf32, #tpu.memory_space<hbm>> -> memref<128x128xf32, #tpu.memory_space<hbm>>
      %dma_wait3A_93 = arith.constant 0 : i32
      %dma_wait3A_94 = tpu.memref_slice %arg5[%add3A_65, %dma_wait3A_93] : memref<151552x128xf32, #tpu.memory_space<hbm>> -> memref<128x128xf32, #tpu.memory_space<hbm>>
      tpu.wait_dma2 semaphore(%arg20 : memref<!tpu.dma_semaphore, #tpu.memory_space<semaphore_mem>>) src(%arg14 : memref<128x128xf32, #tpu.memory_space<vmem>>) dst(%dma_wait3A_94 : memref<128x128xf32, #tpu.memory_space<hbm>>)
      %dma_wait3A_95 = arith.constant 0 : i32
      %dma_wait3A_96 = tpu.memref_slice %arg5[%add3A_86, %dma_wait3A_95] : memref<151552x128xf32, #tpu.memory_space<hbm>> -> memref<128x128xf32, #tpu.memory_space<hbm>>
      %dma_wait3A_97 = arith.constant 0 : i32
      %dma_wait3A_98 = tpu.memref_slice %arg5[%add3A_86, %dma_wait3A_97] : memref<151552x128xf32, #tpu.memory_space<hbm>> -> memref<128x128xf32, #tpu.memory_space<hbm>>
      tpu.wait_dma2 semaphore(%arg21 : memref<!tpu.dma_semaphore, #tpu.memory_space<semaphore_mem>>) src(%arg15 : memref<128x128xf32, #tpu.memory_space<vmem>>) dst(%dma_wait3A_98 : memref<128x128xf32, #tpu.memory_space<hbm>>)
    }
    %scan3A_7 = arith.constant 18 : i32
    %add3A_8 = arith.constant 4608 : i32
    %add3A_9 = arith.addi %mul3A_2, %add3A_8 : i32
    "tpu.region"() ({
      %run_scoped3A = tpu.sem_alloc : memref<!tpu.dma_semaphore, #tpu.memory_space<semaphore_mem>>
      %dma_start3A_28 = tpu.memref_slice %arg2[%add3A_9] : memref<151552xi32, #tpu.memory_space<hbm>> -> memref<128xi32, #tpu.memory_space<hbm>>
      %dma_start3A_29 = tpu.memref_slice %arg2[%add3A_9] : memref<151552xi32, #tpu.memory_space<hbm>> -> memref<128xi32, #tpu.memory_space<hbm>>
      tpu.enqueue_dma source(%dma_start3A_29 : memref<128xi32, #tpu.memory_space<hbm>>) target(%arg6 : memref<128xi32, #tpu.memory_space<vmem>>) target_semaphore(%run_scoped3A : memref<!tpu.dma_semaphore, #tpu.memory_space<semaphore_mem>>)
      %dma_wait3A_30 = tpu.memref_slice %arg2[%add3A_9] : memref<151552xi32, #tpu.memory_space<hbm>> -> memref<128xi32, #tpu.memory_space<hbm>>
      %dma_wait3A_31 = tpu.memref_slice %arg2[%add3A_9] : memref<151552xi32, #tpu.memory_space<hbm>> -> memref<128xi32, #tpu.memory_space<hbm>>
      tpu.wait_dma2 semaphore(%run_scoped3A : memref<!tpu.dma_semaphore, #tpu.memory_space<semaphore_mem>>) src(%dma_wait3A_31 : memref<128xi32, #tpu.memory_space<hbm>>) dst(%arg6 : memref<128xi32, #tpu.memory_space<vmem>>)
      tpu.yield
    }) : () -> ()
    "tpu.region"() ({
      %run_scoped3A = tpu.sem_alloc : memref<!tpu.dma_semaphore, #tpu.memory_space<semaphore_mem>>
      %dma_start3A_28 = tpu.memref_slice %arg3[%add3A_9] : memref<151552xi32, #tpu.memory_space<hbm>> -> memref<128xi32, #tpu.memory_space<hbm>>
      %dma_start3A_29 = tpu.memref_slice %arg3[%add3A_9] : memref<151552xi32, #tpu.memory_space<hbm>> -> memref<128xi32, #tpu.memory_space<hbm>>
      tpu.enqueue_dma source(%dma_start3A_29 : memref<128xi32, #tpu.memory_space<hbm>>) target(%arg8 : memref<128xi32, #tpu.memory_space<vmem>>) target_semaphore(%run_scoped3A : memref<!tpu.dma_semaphore, #tpu.memory_space<semaphore_mem>>)
      %dma_wait3A_30 = tpu.memref_slice %arg3[%add3A_9] : memref<151552xi32, #tpu.memory_space<hbm>> -> memref<128xi32, #tpu.memory_space<hbm>>
      %dma_wait3A_31 = tpu.memref_slice %arg3[%add3A_9] : memref<151552xi32, #tpu.memory_space<hbm>> -> memref<128xi32, #tpu.memory_space<hbm>>
      tpu.wait_dma2 semaphore(%run_scoped3A : memref<!tpu.dma_semaphore, #tpu.memory_space<semaphore_mem>>) src(%dma_wait3A_31 : memref<128xi32, #tpu.memory_space<hbm>>) dst(%arg8 : memref<128xi32, #tpu.memory_space<vmem>>)
      tpu.yield
    }) : () -> ()
    %dma_start3A = arith.constant 0 : i32
    %dma_start3A_10 = arith.constant 0 : i32
    %dma_start3A_11 = tpu.memref_slice %arg4[%dma_start3A, %dma_start3A_10] : memref<10240x128xf32, #tpu.memory_space<hbm>> -> memref<10240x128xf32, #tpu.memory_space<hbm>>
    tpu.enqueue_indirect_dma source(%dma_start3A_11 : memref<10240x128xf32, #tpu.memory_space<hbm>>) target(%arg10 : memref<128x128xf32, #tpu.memory_space<vmem>>) offsets(%arg6 : memref<128xi32, #tpu.memory_space<vmem>>) semaphore(%arg16 : memref<!tpu.dma_semaphore, #tpu.memory_space<semaphore_mem>>)
    %dma_start3A_12 = arith.constant 0 : i32
    %dma_start3A_13 = arith.constant 0 : i32
    %dma_start3A_14 = tpu.memref_slice %arg4[%dma_start3A_12, %dma_start3A_13] : memref<10240x128xf32, #tpu.memory_space<hbm>> -> memref<10240x128xf32, #tpu.memory_space<hbm>>
    tpu.enqueue_indirect_dma source(%dma_start3A_14 : memref<10240x128xf32, #tpu.memory_space<hbm>>) target(%arg12 : memref<128x128xf32, #tpu.memory_space<vmem>>) offsets(%arg8 : memref<128xi32, #tpu.memory_space<vmem>>) semaphore(%arg18 : memref<!tpu.dma_semaphore, #tpu.memory_space<semaphore_mem>>)
    %dma_wait3A = arith.constant 0 : i32
    %dma_wait3A_15 = arith.constant 0 : i32
    %dma_wait3A_16 = tpu.memref_slice %arg4[%dma_wait3A, %dma_wait3A_15] : memref<10240x128xf32, #tpu.memory_space<hbm>> -> memref<10240x128xf32, #tpu.memory_space<hbm>>
    tpu.wait_indirect_dma semaphore(%arg16 : memref<!tpu.dma_semaphore, #tpu.memory_space<semaphore_mem>>) src(%dma_wait3A_16 : memref<10240x128xf32, #tpu.memory_space<hbm>>) dst(%arg10 : memref<128x128xf32, #tpu.memory_space<vmem>>)
    %dma_wait3A_17 = arith.constant 0 : i32
    %dma_wait3A_18 = arith.constant 0 : i32
    %dma_wait3A_19 = tpu.memref_slice %arg4[%dma_wait3A_17, %dma_wait3A_18] : memref<10240x128xf32, #tpu.memory_space<hbm>> -> memref<10240x128xf32, #tpu.memory_space<hbm>>
    tpu.wait_indirect_dma semaphore(%arg18 : memref<!tpu.dma_semaphore, #tpu.memory_space<semaphore_mem>>) src(%dma_wait3A_19 : memref<10240x128xf32, #tpu.memory_space<hbm>>) dst(%arg12 : memref<128x128xf32, #tpu.memory_space<vmem>>)
    %scan3A_20 = arith.constant 0 : i32
    %scan3A_21 = arith.constant 0 : i32
    %scan3A_22 = arith.constant 128 : i32
    %scan3A_23 = arith.addi %scan3A_21, %scan3A_22 : i32
    %scan3A_24 = arith.constant 1 : i32
    scf.for %scan3A_28 = %scan3A_21 to %scan3A_23 step %scan3A_24  : i32 {
      %get3A = arith.index_cast %scan3A_28 : i32 to index
      %get3A_29 = arith.constant 0 : index
      %get3A_30 = tpu.vector_load %arg10[%get3A, %get3A_29] {strides = array<i32>} : memref<128x128xf32, #tpu.memory_space<vmem>>, vector<16xf32>,
      %get3A_31 = arith.index_cast %scan3A_28 : i32 to index
      %get3A_32 = arith.constant 0 : index
      %get3A_33 = tpu.vector_load %arg12[%get3A_31, %get3A_32] {strides = array<i32>} : memref<128x128xf32, #tpu.memory_space<vmem>>, vector<16xf32>,
      %sub3A = arith.subf %get3A_30, %get3A_33 : vector<16xf32>
      %swap3A = arith.index_cast %scan3A_28 : i32 to index
      %swap3A_34 = arith.constant 0 : index
      %swap3A_35 = tpu.vector_load %arg14[%swap3A, %swap3A_34] {strides = array<i32>} : memref<128x128xf32, #tpu.memory_space<vmem>>, vector<16xf32>,
      tpu.vector_store %arg14[%swap3A, %swap3A_34], %sub3A {strides = array<i32>} : memref<128x128xf32, #tpu.memory_space<vmem>>, vector<16xf32>,
      %get3A_36 = arith.index_cast %scan3A_28 : i32 to index
      %get3A_37 = arith.constant 16 : index
      %get3A_38 = tpu.vector_load %arg10[%get3A_36, %get3A_37] {strides = array<i32>} : memref<128x128xf32, #tpu.memory_space<vmem>>, vector<16xf32>,
      %get3A_39 = arith.index_cast %scan3A_28 : i32 to index
      %get3A_40 = arith.constant 16 : index
      %get3A_41 = tpu.vector_load %arg12[%get3A_39, %get3A_40] {strides = array<i32>} : memref<128x128xf32, #tpu.memory_space<vmem>>, vector<16xf32>,
      %sub3A_42 = arith.subf %get3A_38, %get3A_41 : vector<16xf32>
      %swap3A_43 = arith.index_cast %scan3A_28 : i32 to index
      %swap3A_44 = arith.constant 16 : index
      %swap3A_45 = tpu.vector_load %arg14[%swap3A_43, %swap3A_44] {strides = array<i32>} : memref<128x128xf32, #tpu.memory_space<vmem>>, vector<16xf32>,
      tpu.vector_store %arg14[%swap3A_43, %swap3A_44], %sub3A_42 {strides = array<i32>} : memref<128x128xf32, #tpu.memory_space<vmem>>, vector<16xf32>,
      %get3A_46 = arith.index_cast %scan3A_28 : i32 to index
      %get3A_47 = arith.constant 32 : index
      %get3A_48 = tpu.vector_load %arg10[%get3A_46, %get3A_47] {strides = array<i32>} : memref<128x128xf32, #tpu.memory_space<vmem>>, vector<16xf32>,
      %get3A_49 = arith.index_cast %scan3A_28 : i32 to index
      %get3A_50 = arith.constant 32 : index
      %get3A_51 = tpu.vector_load %arg12[%get3A_49, %get3A_50] {strides = array<i32>} : memref<128x128xf32, #tpu.memory_space<vmem>>, vector<16xf32>,
      %sub3A_52 = arith.subf %get3A_48, %get3A_51 : vector<16xf32>
      %swap3A_53 = arith.index_cast %scan3A_28 : i32 to index
      %swap3A_54 = arith.constant 32 : index
      %swap3A_55 = tpu.vector_load %arg14[%swap3A_53, %swap3A_54] {strides = array<i32>} : memref<128x128xf32, #tpu.memory_space<vmem>>, vector<16xf32>,
      tpu.vector_store %arg14[%swap3A_53, %swap3A_54], %sub3A_52 {strides = array<i32>} : memref<128x128xf32, #tpu.memory_space<vmem>>, vector<16xf32>,
      %get3A_56 = arith.index_cast %scan3A_28 : i32 to index
      %get3A_57 = arith.constant 48 : index
      %get3A_58 = tpu.vector_load %arg10[%get3A_56, %get3A_57] {strides = array<i32>} : memref<128x128xf32, #tpu.memory_space<vmem>>, vector<16xf32>,
      %get3A_59 = arith.index_cast %scan3A_28 : i32 to index
      %get3A_60 = arith.constant 48 : index
      %get3A_61 = tpu.vector_load %arg12[%get3A_59, %get3A_60] {strides = array<i32>} : memref<128x128xf32, #tpu.memory_space<vmem>>, vector<16xf32>,
      %sub3A_62 = arith.subf %get3A_58, %get3A_61 : vector<16xf32>
      %swap3A_63 = arith.index_cast %scan3A_28 : i32 to index
      %swap3A_64 = arith.constant 48 : index
      %swap3A_65 = tpu.vector_load %arg14[%swap3A_63, %swap3A_64] {strides = array<i32>} : memref<128x128xf32, #tpu.memory_space<vmem>>, vector<16xf32>,
      tpu.vector_store %arg14[%swap3A_63, %swap3A_64], %sub3A_62 {strides = array<i32>} : memref<128x128xf32, #tpu.memory_space<vmem>>, vector<16xf32>,
      %get3A_66 = arith.index_cast %scan3A_28 : i32 to index
      %get3A_67 = arith.constant 64 : index
      %get3A_68 = tpu.vector_load %arg10[%get3A_66, %get3A_67] {strides = array<i32>} : memref<128x128xf32, #tpu.memory_space<vmem>>, vector<16xf32>,
      %get3A_69 = arith.index_cast %scan3A_28 : i32 to index
      %get3A_70 = arith.constant 64 : index
      %get3A_71 = tpu.vector_load %arg12[%get3A_69, %get3A_70] {strides = array<i32>} : memref<128x128xf32, #tpu.memory_space<vmem>>, vector<16xf32>,
      %sub3A_72 = arith.subf %get3A_68, %get3A_71 : vector<16xf32>
      %swap3A_73 = arith.index_cast %scan3A_28 : i32 to index
      %swap3A_74 = arith.constant 64 : index
      %swap3A_75 = tpu.vector_load %arg14[%swap3A_73, %swap3A_74] {strides = array<i32>} : memref<128x128xf32, #tpu.memory_space<vmem>>, vector<16xf32>,
      tpu.vector_store %arg14[%swap3A_73, %swap3A_74], %sub3A_72 {strides = array<i32>} : memref<128x128xf32, #tpu.memory_space<vmem>>, vector<16xf32>,
      %get3A_76 = arith.index_cast %scan3A_28 : i32 to index
      %get3A_77 = arith.constant 80 : index
      %get3A_78 = tpu.vector_load %arg10[%get3A_76, %get3A_77] {strides = array<i32>} : memref<128x128xf32, #tpu.memory_space<vmem>>, vector<16xf32>,
      %get3A_79 = arith.index_cast %scan3A_28 : i32 to index
      %get3A_80 = arith.constant 80 : index
      %get3A_81 = tpu.vector_load %arg12[%get3A_79, %get3A_80] {strides = array<i32>} : memref<128x128xf32, #tpu.memory_space<vmem>>, vector<16xf32>,
      %sub3A_82 = arith.subf %get3A_78, %get3A_81 : vector<16xf32>
      %swap3A_83 = arith.index_cast %scan3A_28 : i32 to index
      %swap3A_84 = arith.constant 80 : index
      %swap3A_85 = tpu.vector_load %arg14[%swap3A_83, %swap3A_84] {strides = array<i32>} : memref<128x128xf32, #tpu.memory_space<vmem>>, vector<16xf32>,
      tpu.vector_store %arg14[%swap3A_83, %swap3A_84], %sub3A_82 {strides = array<i32>} : memref<128x128xf32, #tpu.memory_space<vmem>>, vector<16xf32>,
      %get3A_86 = arith.index_cast %scan3A_28 : i32 to index
      %get3A_87 = arith.constant 96 : index
      %get3A_88 = tpu.vector_load %arg10[%get3A_86, %get3A_87] {strides = array<i32>} : memref<128x128xf32, #tpu.memory_space<vmem>>, vector<16xf32>,
      %get3A_89 = arith.index_cast %scan3A_28 : i32 to index
      %get3A_90 = arith.constant 96 : index
      %get3A_91 = tpu.vector_load %arg12[%get3A_89, %get3A_90] {strides = array<i32>} : memref<128x128xf32, #tpu.memory_space<vmem>>, vector<16xf32>,
      %sub3A_92 = arith.subf %get3A_88, %get3A_91 : vector<16xf32>
      %swap3A_93 = arith.index_cast %scan3A_28 : i32 to index
      %swap3A_94 = arith.constant 96 : index
      %swap3A_95 = tpu.vector_load %arg14[%swap3A_93, %swap3A_94] {strides = array<i32>} : memref<128x128xf32, #tpu.memory_space<vmem>>, vector<16xf32>,
      tpu.vector_store %arg14[%swap3A_93, %swap3A_94], %sub3A_92 {strides = array<i32>} : memref<128x128xf32, #tpu.memory_space<vmem>>, vector<16xf32>,
      %get3A_96 = arith.index_cast %scan3A_28 : i32 to index
      %get3A_97 = arith.constant 112 : index
      %get3A_98 = tpu.vector_load %arg10[%get3A_96, %get3A_97] {strides = array<i32>} : memref<128x128xf32, #tpu.memory_space<vmem>>, vector<16xf32>,
      %get3A_99 = arith.index_cast %scan3A_28 : i32 to index
      %get3A_100 = arith.constant 112 : index
      %get3A_101 = tpu.vector_load %arg12[%get3A_99, %get3A_100] {strides = array<i32>} : memref<128x128xf32, #tpu.memory_space<vmem>>, vector<16xf32>,
      %sub3A_102 = arith.subf %get3A_98, %get3A_101 : vector<16xf32>
      %swap3A_103 = arith.index_cast %scan3A_28 : i32 to index
      %swap3A_104 = arith.constant 112 : index
      %swap3A_105 = tpu.vector_load %arg14[%swap3A_103, %swap3A_104] {strides = array<i32>} : memref<128x128xf32, #tpu.memory_space<vmem>>, vector<16xf32>,
      tpu.vector_store %arg14[%swap3A_103, %swap3A_104], %sub3A_102 {strides = array<i32>} : memref<128x128xf32, #tpu.memory_space<vmem>>, vector<16xf32>,
    }
    %scan3A_25 = arith.constant 128 : i32
    %add3A_26 = arith.constant 4608 : i32
    %add3A_27 = arith.addi %mul3A_2, %add3A_26 : i32
    "tpu.region"() ({
      %run_scoped3A = tpu.sem_alloc : memref<!tpu.dma_semaphore, #tpu.memory_space<semaphore_mem>>
      %dma_start3A_28 = arith.constant 0 : i32
      %dma_start3A_29 = tpu.memref_slice %arg5[%add3A_27, %dma_start3A_28] : memref<151552x128xf32, #tpu.memory_space<hbm>> -> memref<128x128xf32, #tpu.memory_space<hbm>>
      %dma_start3A_30 = arith.constant 0 : i32
      %dma_start3A_31 = tpu.memref_slice %arg5[%add3A_27, %dma_start3A_30] : memref<151552x128xf32, #tpu.memory_space<hbm>> -> memref<128x128xf32, #tpu.memory_space<hbm>>
      tpu.enqueue_dma source(%arg14 : memref<128x128xf32, #tpu.memory_space<vmem>>) target(%dma_start3A_31 : memref<128x128xf32, #tpu.memory_space<hbm>>) target_semaphore(%run_scoped3A : memref<!tpu.dma_semaphore, #tpu.memory_space<semaphore_mem>>)
      %dma_wait3A_32 = arith.constant 0 : i32
      %dma_wait3A_33 = tpu.memref_slice %arg5[%add3A_27, %dma_wait3A_32] : memref<151552x128xf32, #tpu.memory_space<hbm>> -> memref<128x128xf32, #tpu.memory_space<hbm>>
      %dma_wait3A_34 = arith.constant 0 : i32
      %dma_wait3A_35 = tpu.memref_slice %arg5[%add3A_27, %dma_wait3A_34] : memref<151552x128xf32, #tpu.memory_space<hbm>> -> memref<128x128xf32, #tpu.memory_space<hbm>>
      tpu.wait_dma2 semaphore(%run_scoped3A : memref<!tpu.dma_semaphore, #tpu.memory_space<semaphore_mem>>) src(%arg14 : memref<128x128xf32, #tpu.memory_space<vmem>>) dst(%dma_wait3A_35 : memref<128x128xf32, #tpu.memory_space<hbm>>)
      tpu.yield
    }) : () -> ()
    return
  }
}

module attributes {stable_mosaic.version = 14 : i64} {
  func.func @_proj_body(%arg0: memref<10000x512xf32, #tpu.memory_space<vmem>>, %arg1: memref<10000x4xf32, #tpu.memory_space<vmem>>, %arg2: memref<2x512xf32, #tpu.memory_space<vmem>>, %arg3: memref<2x4xf32, #tpu.memory_space<vmem>>, %arg4: memref<4x1xf32, #tpu.memory_space<vmem>>, %arg5: memref<4x10000xf32, #tpu.memory_space<vmem>>) attributes {dimension_semantics = [], scalar_prefetch = 0 : i64, scratch_operands = 0 : i64, tpu.core_type = #tpu.core_type<tc>} {
    %get3A = arith.constant 0 : index
    %get3A_0 = arith.constant 0 : index
    %get3A_1 = vector.load %arg2[%get3A, %get3A_0] : memref<2x512xf32, #tpu.memory_space<vmem>>, vector<2x512xf32>
    %get3A_2 = arith.constant 0 : index
    %get3A_3 = arith.constant 0 : index
    %get3A_4 = vector.load %arg0[%get3A_2, %get3A_3] : memref<10000x512xf32, #tpu.memory_space<vmem>>, vector<10000x512xf32>
    %dot_general3A = arith.constant dense<0.000000e+00> : vector<2x10000xf32>
    %dot_general3A_5 = tpu.matmul %get3A_1, %get3A_4, %dot_general3A {dimension_numbers = #tpu.dot_dimension_numbers<[1], [1], [0], [0], [0, 0, 1, 0], [], []>, transpose_lhs_hint = false} : vector<2x512xf32>, vector<10000x512xf32>, vector<2x10000xf32> -> vector<2x10000xf32>
    %get3A_6 = arith.constant 0 : index
    %get3A_7 = arith.constant 0 : index
    %get3A_8 = vector.load %arg3[%get3A_6, %get3A_7] : memref<2x4xf32, #tpu.memory_space<vmem>>, vector<2x4xf32>
    %get3A_9 = arith.constant 0 : index
    %get3A_10 = arith.constant 0 : index
    %get3A_11 = vector.load %arg1[%get3A_9, %get3A_10] : memref<10000x4xf32, #tpu.memory_space<vmem>>, vector<10000x4xf32>
    %dot_general3A_12 = arith.constant dense<0.000000e+00> : vector<2x10000xf32>
    %dot_general3A_13 = tpu.matmul %get3A_8, %get3A_11, %dot_general3A_12 {dimension_numbers = #tpu.dot_dimension_numbers<[1], [1], [0], [0], [0, 0, 1, 0], [], []>, transpose_lhs_hint = false} : vector<2x4xf32>, vector<10000x4xf32>, vector<2x10000xf32> -> vector<2x10000xf32>
    %concatenate3A = tpu.concatenate %dot_general3A_5, %dot_general3A_13 in 0 : vector<2x10000xf32>, vector<2x10000xf32> -> vector<4x10000xf32>
    %get3A_14 = arith.constant 0 : index
    %get3A_15 = arith.constant 0 : index
    %get3A_16 = vector.load %arg4[%get3A_14, %get3A_15] : memref<4x1xf32, #tpu.memory_space<vmem>>, vector<4x1xf32>
    %add3A = vector.broadcast %get3A_16 : vector<4x1xf32> to vector<4x10000xf32>
    %add3A_17 = arith.addf %concatenate3A, %add3A : vector<4x10000xf32>
    %swap3A = arith.constant 0 : index
    %swap3A_18 = arith.constant 0 : index
    %swap3A_19 = vector.load %arg5[%swap3A, %swap3A_18] : memref<4x10000xf32, #tpu.memory_space<vmem>>, vector<4x10000xf32>
    tpu.vector_store %arg5[%swap3A, %swap3A_18], %add3A_17 {strides = array<i32>} : memref<4x10000xf32, #tpu.memory_space<vmem>>, vector<4x10000xf32>,
    return
  }
}

module attributes {stable_mosaic.version = 14 : i64} {
  func.func @_hw1_body(%arg0: i32, %arg1: memref<1024x512xf32, #tpu.memory_space<vmem>>, %arg2: memref<256x512xf32, #tpu.memory_space<vmem>>, %arg3: memref<2x1024x128xf32, #tpu.memory_space<vmem>>) attributes {dimension_semantics = [#tpu.dimension_semantics<arbitrary>], iteration_bounds = array<i64: 10>, scalar_prefetch = 0 : i64, scratch_operands = 0 : i64, tpu.core_type = #tpu.core_type<tc>, window_params = [{transform_indices = @transform_0, window_bounds = array<i64: 1024, 512>}, {pipeline_mode = #tpu.pipeline_mode<synchronous>, transform_indices = @transform_1, window_bounds = array<i64: 256, 512>}, {transform_indices = @transform_2, window_bounds = array<i64: 2, 1024, 128>}]} {
    %get3A = arith.constant 0 : index
    %get3A_0 = arith.constant 0 : index
    %get3A_1 = vector.load %arg1[%get3A, %get3A_0] : memref<1024x512xf32, #tpu.memory_space<vmem>>, vector<1024x512xf32>
    %get3A_2 = arith.constant 0 : index
    %get3A_3 = arith.constant 0 : index
    %get3A_4 = vector.load %arg2[%get3A_2, %get3A_3] : memref<256x512xf32, #tpu.memory_space<vmem>>, vector<256x512xf32>
    %dot_general3A = arith.constant dense<0.000000e+00> : vector<1024x256xf32>
    %dot_general3A_5 = tpu.matmul %get3A_1, %get3A_4, %dot_general3A {dimension_numbers = #tpu.dot_dimension_numbers<[1], [1], [0], [0], [0, 0, 1, 0], [], []>, transpose_lhs_hint = false} : vector<1024x512xf32>, vector<256x512xf32>, vector<1024x256xf32> -> vector<1024x256xf32>
    %slice3A = vector.extract_strided_slice %dot_general3A_5 {offsets = [0, 0], sizes = [1024, 128], strides = [1, 1]} : vector<1024x256xf32> to vector<1024x128xf32>
    %swap3A = arith.constant 0 : index
    %swap3A_6 = arith.constant 0 : index
    %swap3A_7 = arith.constant 0 : index
    %swap3A_8 = vector.load %arg3[%swap3A, %swap3A_6, %swap3A_7] : memref<2x1024x128xf32, #tpu.memory_space<vmem>>, vector<1x1024x128xf32>
    %swap3A_9 = vector.shape_cast %swap3A_8 : vector<1x1024x128xf32> to vector<1024x128xf32>
    %swap3A_10 = vector.shape_cast %slice3A : vector<1024x128xf32> to vector<1x1024x128xf32>
    tpu.vector_store %arg3[%swap3A, %swap3A_6, %swap3A_7], %swap3A_10 {strides = array<i32>} : memref<2x1024x128xf32, #tpu.memory_space<vmem>>, vector<1x1024x128xf32>,
    %slice3A_11 = vector.extract_strided_slice %dot_general3A_5 {offsets = [0, 128], sizes = [1024, 128], strides = [1, 1]} : vector<1024x256xf32> to vector<1024x128xf32>
    %swap3A_12 = arith.constant 1 : index
    %swap3A_13 = arith.constant 0 : index
    %swap3A_14 = arith.constant 0 : index
    %swap3A_15 = vector.load %arg3[%swap3A_12, %swap3A_13, %swap3A_14] : memref<2x1024x128xf32, #tpu.memory_space<vmem>>, vector<1x1024x128xf32>
    %swap3A_16 = vector.shape_cast %swap3A_15 : vector<1x1024x128xf32> to vector<1024x128xf32>
    %swap3A_17 = vector.shape_cast %slice3A_11 : vector<1024x128xf32> to vector<1x1024x128xf32>
    tpu.vector_store %arg3[%swap3A_12, %swap3A_13, %swap3A_14], %swap3A_17 {strides = array<i32>} : memref<2x1024x128xf32, #tpu.memory_space<vmem>>, vector<1x1024x128xf32>,
    return
  }
  func.func @transform_0(%arg0: i32) -> (i32, i32) {
    %c0_i32 = arith.constant 0 : i32
    %c0_i32_0 = arith.constant 0 : i32
    return %arg0, %c0_i32 : i32, i32
  }
  func.func @transform_1(%arg0: i32) -> (i32, i32) {
    %c0_i32 = arith.constant 0 : i32
    %c0_i32_0 = arith.constant 0 : i32
    %c0_i32_1 = arith.constant 0 : i32
    return %c0_i32, %c0_i32_0 : i32, i32
  }
  func.func @transform_2(%arg0: i32) -> (i32, i32, i32) {
    %c0_i32 = arith.constant 0 : i32
    %c0_i32_0 = arith.constant 0 : i32
    %c0_i32_1 = arith.constant 0 : i32
    return %c0_i32, %arg0, %c0_i32_0 : i32, i32, i32
  }
}

module attributes {stable_mosaic.version = 14 : i64} {
  func.func @_deg_body(%arg0: memref<32x10000xf32, #tpu.memory_space<vmem>>, %arg1: memref<1x10000xf32, #tpu.memory_space<vmem>>, %arg2: memref<1x10000xf32, #tpu.memory_space<vmem>>) attributes {dimension_semantics = [], scalar_prefetch = 0 : i64, scratch_operands = 0 : i64, tpu.core_type = #tpu.core_type<tc>} {
    %get3A = arith.constant 0 : index
    %get3A_0 = arith.constant 0 : index
    %get3A_1 = vector.load %arg0[%get3A, %get3A_0] : memref<32x10000xf32, #tpu.memory_space<vmem>>, vector<32x10000xf32>
    %reduce_sum3A = arith.constant dense<0.000000e+00> : vector<10000xf32>
    %reduce_sum3A_2 = vector.multi_reduction <add>, %get3A_1, %reduce_sum3A [0] : vector<32x10000xf32> to vector<10000xf32>
    %broadcast_in_dim3A = vector.shape_cast %reduce_sum3A_2 : vector<10000xf32> to vector<1x10000xf32>
    %add3A = arith.constant 1.000000e+00 : f32
    %add3A_3 = vector.broadcast %add3A : f32 to vector<1x10000xf32>
    %add3A_4 = arith.addf %broadcast_in_dim3A, %add3A_3 : vector<1x10000xf32>
    %div3A = arith.constant 1.000000e+00 : f32
    %div3A_5 = vector.broadcast %div3A : f32 to vector<1x10000xf32>
    %div3A_6 = arith.divf %div3A_5, %add3A_4 : vector<1x10000xf32>
    %swap3A = arith.constant 0 : index
    %swap3A_7 = arith.constant 0 : index
    %swap3A_8 = vector.load %arg2[%swap3A, %swap3A_7] : memref<1x10000xf32, #tpu.memory_space<vmem>>, vector<1x10000xf32>
    tpu.vector_store %arg2[%swap3A, %swap3A_7], %div3A_6 {strides = array<i32>} : memref<1x10000xf32, #tpu.memory_space<vmem>>, vector<1x10000xf32>,
    %rsqrt3A = math.rsqrt %add3A_4 : vector<1x10000xf32>
    %swap3A_9 = arith.constant 0 : index
    %swap3A_10 = arith.constant 0 : index
    %swap3A_11 = vector.load %arg1[%swap3A_9, %swap3A_10] : memref<1x10000xf32, #tpu.memory_space<vmem>>, vector<1x10000xf32>
    tpu.vector_store %arg1[%swap3A_9, %swap3A_10], %rsqrt3A {strides = array<i32>} : memref<1x10000xf32, #tpu.memory_space<vmem>>, vector<1x10000xf32>,
    return
  }
}

module attributes {stable_mosaic.version = 14 : i64} {
  func.func @_stage_e_body(%arg0: i32, %arg1: memref<2x1024x128xf32, #tpu.memory_space<vmem>>, %arg2: memref<2x1024x128xf32, #tpu.memory_space<vmem>>, %arg3: memref<1024x1xf32, #tpu.memory_space<vmem>>, %arg4: memref<2x1x128xf32, #tpu.memory_space<vmem>>, %arg5: memref<128x128xf32, #tpu.memory_space<vmem>>, %arg6: memref<128x128xf32, #tpu.memory_space<vmem>>, %arg7: memref<128x2xf32, #tpu.memory_space<vmem>>, %arg8: memref<128x2xf32, #tpu.memory_space<vmem>>, %arg9: memref<1x2xf32, #tpu.memory_space<vmem>>, %arg10: memref<1024x128xf32, #tpu.memory_space<vmem>>, %arg11: memref<1024x2xf32, #tpu.memory_space<vmem>>) attributes {dimension_semantics = [#tpu.dimension_semantics<arbitrary>], iteration_bounds = array<i64: 10>, scalar_prefetch = 0 : i64, scratch_operands = 0 : i64, tpu.core_type = #tpu.core_type<tc>, window_params = [{transform_indices = @transform_0, window_bounds = array<i64: 2, 1024, 128>}, {transform_indices = @transform_1, window_bounds = array<i64: 2, 1024, 128>}, {transform_indices = @transform_2, window_bounds = array<i64: 1024, 1>}, {pipeline_mode = #tpu.pipeline_mode<synchronous>, transform_indices = @transform_3, window_bounds = array<i64: 2, 1, 128>}, {pipeline_mode = #tpu.pipeline_mode<synchronous>, transform_indices = @transform_4, window_bounds = array<i64: 128, 128>}, {pipeline_mode = #tpu.pipeline_mode<synchronous>, transform_indices = @transform_5, window_bounds = array<i64: 128, 128>}, {pipeline_mode = #tpu.pipeline_mode<synchronous>, transform_indices = @transform_6, window_bounds = array<i64: 128, 2>}, {pipeline_mode = #tpu.pipeline_mode<synchronous>, transform_indices = @transform_7, window_bounds = array<i64: 128, 2>}, {pipeline_mode = #tpu.pipeline_mode<synchronous>, transform_indices = @transform_8, window_bounds = array<i64: 1, 2>}, {transform_indices = @transform_9, window_bounds = array<i64: 1024, 128>}, {transform_indices = @transform_10, window_bounds = array<i64: 1024, 2>}]} {
    %get3A = arith.constant 0 : index
    %get3A_0 = arith.constant 0 : index
    %get3A_1 = vector.load %arg3[%get3A, %get3A_0] : memref<1024x1xf32, #tpu.memory_space<vmem>>, vector<1024x1xf32>
    %get3A_2 = arith.constant 0 : index
    %get3A_3 = arith.constant 0 : index
    %get3A_4 = arith.constant 0 : index
    %get3A_5 = vector.load %arg1[%get3A_2, %get3A_3, %get3A_4] : memref<2x1024x128xf32, #tpu.memory_space<vmem>>, vector<1x1024x128xf32>
    %get3A_6 = vector.shape_cast %get3A_5 : vector<1x1024x128xf32> to vector<1024x128xf32>
    %get3A_7 = arith.constant 0 : index
    %get3A_8 = arith.constant 0 : index
    %get3A_9 = arith.constant 0 : index
    %get3A_10 = vector.load %arg2[%get3A_7, %get3A_8, %get3A_9] : memref<2x1024x128xf32, #tpu.memory_space<vmem>>, vector<1x1024x128xf32>
    %get3A_11 = vector.shape_cast %get3A_10 : vector<1x1024x128xf32> to vector<1024x128xf32>
    %mul3A = vector.broadcast %get3A_1 : vector<1024x1xf32> to vector<1024x128xf32>
    %mul3A_12 = arith.mulf %get3A_11, %mul3A : vector<1024x128xf32>
    %add3A = arith.addf %get3A_6, %mul3A_12 : vector<1024x128xf32>
    %get3A_13 = arith.constant 0 : index
    %get3A_14 = arith.constant 0 : index
    %get3A_15 = arith.constant 0 : index
    %get3A_16 = vector.load %arg4[%get3A_13, %get3A_14, %get3A_15] : memref<2x1x128xf32, #tpu.memory_space<vmem>>, vector<1x1x128xf32>
    %get3A_17 = vector.shape_cast %get3A_16 : vector<1x1x128xf32> to vector<1x128xf32>
    %add3A_18 = vector.broadcast %get3A_17 : vector<1x128xf32> to vector<1024x128xf32>
    %add3A_19 = arith.addf %add3A, %add3A_18 : vector<1024x128xf32>
    %max3A = arith.constant 0.000000e+00 : f32
    %max3A_20 = vector.broadcast %max3A : f32 to vector<1024x128xf32>
    %max3A_21 = arith.maximumf %add3A_19, %max3A_20 : vector<1024x128xf32>
    %get3A_22 = arith.constant 1 : index
    %get3A_23 = arith.constant 0 : index
    %get3A_24 = arith.constant 0 : index
    %get3A_25 = vector.load %arg1[%get3A_22, %get3A_23, %get3A_24] : memref<2x1024x128xf32, #tpu.memory_space<vmem>>, vector<1x1024x128xf32>
    %get3A_26 = vector.shape_cast %get3A_25 : vector<1x1024x128xf32> to vector<1024x128xf32>
    %get3A_27 = arith.constant 1 : index
    %get3A_28 = arith.constant 0 : index
    %get3A_29 = arith.constant 0 : index
    %get3A_30 = vector.load %arg2[%get3A_27, %get3A_28, %get3A_29] : memref<2x1024x128xf32, #tpu.memory_space<vmem>>, vector<1x1024x128xf32>
    %get3A_31 = vector.shape_cast %get3A_30 : vector<1x1024x128xf32> to vector<1024x128xf32>
    %mul3A_32 = vector.broadcast %get3A_1 : vector<1024x1xf32> to vector<1024x128xf32>
    %mul3A_33 = arith.mulf %get3A_31, %mul3A_32 : vector<1024x128xf32>
    %add3A_34 = arith.addf %get3A_26, %mul3A_33 : vector<1024x128xf32>
    %get3A_35 = arith.constant 1 : index
    %get3A_36 = arith.constant 0 : index
    %get3A_37 = arith.constant 0 : index
    %get3A_38 = vector.load %arg4[%get3A_35, %get3A_36, %get3A_37] : memref<2x1x128xf32, #tpu.memory_space<vmem>>, vector<1x1x128xf32>
    %get3A_39 = vector.shape_cast %get3A_38 : vector<1x1x128xf32> to vector<1x128xf32>
    %add3A_40 = vector.broadcast %get3A_39 : vector<1x128xf32> to vector<1024x128xf32>
    %add3A_41 = arith.addf %add3A_34, %add3A_40 : vector<1024x128xf32>
    %max3A_42 = arith.constant 0.000000e+00 : f32
    %max3A_43 = vector.broadcast %max3A_42 : f32 to vector<1024x128xf32>
    %max3A_44 = arith.maximumf %add3A_41, %max3A_43 : vector<1024x128xf32>
    %get3A_45 = arith.constant 0 : index
    %get3A_46 = arith.constant 0 : index
    %get3A_47 = vector.load %arg5[%get3A_45, %get3A_46] : memref<128x128xf32, #tpu.memory_space<vmem>>, vector<128x128xf32>
    %dot_general3A = arith.constant dense<0.000000e+00> : vector<1024x128xf32>
    %dot_general3A_48 = tpu.matmul %max3A_21, %get3A_47, %dot_general3A {dimension_numbers = #tpu.dot_dimension_numbers<[1], [1], [0], [0], [0, 0, 1, 0], [], []>, transpose_lhs_hint = false} : vector<1024x128xf32>, vector<128x128xf32>, vector<1024x128xf32> -> vector<1024x128xf32>
    %get3A_49 = arith.constant 0 : index
    %get3A_50 = arith.constant 0 : index
    %get3A_51 = vector.load %arg6[%get3A_49, %get3A_50] : memref<128x128xf32, #tpu.memory_space<vmem>>, vector<128x128xf32>
    %dot_general3A_52 = arith.constant dense<0.000000e+00> : vector<1024x128xf32>
    %dot_general3A_53 = tpu.matmul %max3A_44, %get3A_51, %dot_general3A_52 {dimension_numbers = #tpu.dot_dimension_numbers<[1], [1], [0], [0], [0, 0, 1, 0], [], []>, transpose_lhs_hint = false} : vector<1024x128xf32>, vector<128x128xf32>, vector<1024x128xf32> -> vector<1024x128xf32>
    %add3A_54 = arith.addf %dot_general3A_48, %dot_general3A_53 : vector<1024x128xf32>
    %swap3A = arith.constant 0 : index
    %swap3A_55 = arith.constant 0 : index
    %swap3A_56 = vector.load %arg10[%swap3A, %swap3A_55] : memref<1024x128xf32, #tpu.memory_space<vmem>>, vector<1024x128xf32>
    tpu.vector_store %arg10[%swap3A, %swap3A_55], %add3A_54 {strides = array<i32>} : memref<1024x128xf32, #tpu.memory_space<vmem>>, vector<1024x128xf32>,
    %get3A_57 = arith.constant 0 : index
    %get3A_58 = arith.constant 0 : index
    %get3A_59 = vector.load %arg7[%get3A_57, %get3A_58] : memref<128x2xf32, #tpu.memory_space<vmem>>, vector<128x2xf32>
    %dot_general3A_60 = arith.constant dense<0.000000e+00> : vector<1024x2xf32>
    %dot_general3A_61 = tpu.matmul %max3A_21, %get3A_59, %dot_general3A_60 {dimension_numbers = #tpu.dot_dimension_numbers<[1], [0], [0], [1], [0, 0, 1, 1], [], []>, transpose_lhs_hint = false} : vector<1024x128xf32>, vector<128x2xf32>, vector<1024x2xf32> -> vector<1024x2xf32>
    %get3A_62 = arith.constant 0 : index
    %get3A_63 = arith.constant 0 : index
    %get3A_64 = vector.load %arg8[%get3A_62, %get3A_63] : memref<128x2xf32, #tpu.memory_space<vmem>>, vector<128x2xf32>
    %dot_general3A_65 = arith.constant dense<0.000000e+00> : vector<1024x2xf32>
    %dot_general3A_66 = tpu.matmul %max3A_44, %get3A_64, %dot_general3A_65 {dimension_numbers = #tpu.dot_dimension_numbers<[1], [0], [0], [1], [0, 0, 1, 1], [], []>, transpose_lhs_hint = false} : vector<1024x128xf32>, vector<128x2xf32>, vector<1024x2xf32> -> vector<1024x2xf32>
    %add3A_67 = arith.addf %dot_general3A_61, %dot_general3A_66 : vector<1024x2xf32>
    %get3A_68 = arith.constant 0 : index
    %get3A_69 = arith.constant 0 : index
    %get3A_70 = vector.load %arg9[%get3A_68, %get3A_69] : memref<1x2xf32, #tpu.memory_space<vmem>>, vector<1x2xf32>
    %add3A_71 = vector.broadcast %get3A_70 : vector<1x2xf32> to vector<1024x2xf32>
    %add3A_72 = arith.addf %add3A_67, %add3A_71 : vector<1024x2xf32>
    %swap3A_73 = arith.constant 0 : index
    %swap3A_74 = arith.constant 0 : index
    %swap3A_75 = vector.load %arg11[%swap3A_73, %swap3A_74] : memref<1024x2xf32, #tpu.memory_space<vmem>>, vector<1024x2xf32>
    tpu.vector_store %arg11[%swap3A_73, %swap3A_74], %add3A_72 {strides = array<i32>} : memref<1024x2xf32, #tpu.memory_space<vmem>>, vector<1024x2xf32>,
    return
  }
  func.func @transform_0(%arg0: i32) -> (i32, i32, i32) {
    %c0_i32 = arith.constant 0 : i32
    %c0_i32_0 = arith.constant 0 : i32
    %c0_i32_1 = arith.constant 0 : i32
    return %c0_i32, %arg0, %c0_i32_0 : i32, i32, i32
  }
  func.func @transform_1(%arg0: i32) -> (i32, i32, i32) {
    %c0_i32 = arith.constant 0 : i32
    %c0_i32_0 = arith.constant 0 : i32
    %c0_i32_1 = arith.constant 0 : i32
    return %c0_i32, %arg0, %c0_i32_0 : i32, i32, i32
  }
  func.func @transform_2(%arg0: i32) -> (i32, i32) {
    %c0_i32 = arith.constant 0 : i32
    %c0_i32_0 = arith.constant 0 : i32
    return %arg0, %c0_i32 : i32, i32
  }
  func.func @transform_3(%arg0: i32) -> (i32, i32, i32) {
    %c0_i32 = arith.constant 0 : i32
    %c0_i32_0 = arith.constant 0 : i32
    %c0_i32_1 = arith.constant 0 : i32
    %c0_i32_2 = arith.constant 0 : i32
    return %c0_i32, %c0_i32_0, %c0_i32_1 : i32, i32, i32
  }
  func.func @transform_4(%arg0: i32) -> (i32, i32) {
    %c0_i32 = arith.constant 0 : i32
    %c0_i32_0 = arith.constant 0 : i32
    %c0_i32_1 = arith.constant 0 : i32
    return %c0_i32, %c0_i32_0 : i32, i32
  }
  func.func @transform_5(%arg0: i32) -> (i32, i32) {
    %c0_i32 = arith.constant 0 : i32
    %c0_i32_0 = arith.constant 0 : i32
    %c0_i32_1 = arith.constant 0 : i32
    return %c0_i32, %c0_i32_0 : i32, i32
  }
  func.func @transform_6(%arg0: i32) -> (i32, i32) {
    %c0_i32 = arith.constant 0 : i32
    %c0_i32_0 = arith.constant 0 : i32
    %c0_i32_1 = arith.constant 0 : i32
    return %c0_i32, %c0_i32_0 : i32, i32
  }
  func.func @transform_7(%arg0: i32) -> (i32, i32) {
    %c0_i32 = arith.constant 0 : i32
    %c0_i32_0 = arith.constant 0 : i32
    %c0_i32_1 = arith.constant 0 : i32
    return %c0_i32, %c0_i32_0 : i32, i32
  }
  func.func @transform_8(%arg0: i32) -> (i32, i32) {
    %c0_i32 = arith.constant 0 : i32
    %c0_i32_0 = arith.constant 0 : i32
    %c0_i32_1 = arith.constant 0 : i32
    return %c0_i32, %c0_i32_0 : i32, i32
  }
  func.func @transform_9(%arg0: i32) -> (i32, i32) {
    %c0_i32 = arith.constant 0 : i32
    %c0_i32_0 = arith.constant 0 : i32
    return %arg0, %c0_i32 : i32, i32
  }
  func.func @transform_10(%arg0: i32) -> (i32, i32) {
    %c0_i32 = arith.constant 0 : i32
    %c0_i32_0 = arith.constant 0 : i32
    return %arg0, %c0_i32 : i32, i32
  }
}

module attributes {stable_mosaic.version = 14 : i64} {
  func.func @_combine_body(%arg0: i32, %arg1: memref<2x1024x128xf32, #tpu.memory_space<vmem>>, %arg2: memref<1024x128xf32, #tpu.memory_space<vmem>>, %arg3: memref<1024x1xf32, #tpu.memory_space<vmem>>, %arg4: memref<1024x128xf32, #tpu.memory_space<vmem>>) attributes {dimension_semantics = [#tpu.dimension_semantics<arbitrary>], iteration_bounds = array<i64: 10>, scalar_prefetch = 0 : i64, scratch_operands = 0 : i64, tpu.core_type = #tpu.core_type<tc>, window_params = [{transform_indices = @transform_0, window_bounds = array<i64: 2, 1024, 128>}, {transform_indices = @transform_1, window_bounds = array<i64: 1024, 128>}, {transform_indices = @transform_2, window_bounds = array<i64: 1024, 1>}, {transform_indices = @transform_3, window_bounds = array<i64: 1024, 128>}]} {
    %get3A = arith.constant 0 : index
    %get3A_0 = arith.constant 0 : index
    %get3A_1 = arith.constant 0 : index
    %get3A_2 = vector.load %arg1[%get3A, %get3A_0, %get3A_1] : memref<2x1024x128xf32, #tpu.memory_space<vmem>>, vector<1x1024x128xf32>
    %get3A_3 = vector.shape_cast %get3A_2 : vector<1x1024x128xf32> to vector<1024x128xf32>
    %get3A_4 = arith.constant 1 : index
    %get3A_5 = arith.constant 0 : index
    %get3A_6 = arith.constant 0 : index
    %get3A_7 = vector.load %arg1[%get3A_4, %get3A_5, %get3A_6] : memref<2x1024x128xf32, #tpu.memory_space<vmem>>, vector<1x1024x128xf32>
    %get3A_8 = vector.shape_cast %get3A_7 : vector<1x1024x128xf32> to vector<1024x128xf32>
    %add3A = arith.addf %get3A_3, %get3A_8 : vector<1024x128xf32>
    %get3A_9 = arith.constant 0 : index
    %get3A_10 = arith.constant 0 : index
    %get3A_11 = vector.load %arg2[%get3A_9, %get3A_10] : memref<1024x128xf32, #tpu.memory_space<vmem>>, vector<1024x128xf32>
    %get3A_12 = arith.constant 0 : index
    %get3A_13 = arith.constant 0 : index
    %get3A_14 = vector.load %arg3[%get3A_12, %get3A_13] : memref<1024x1xf32, #tpu.memory_space<vmem>>, vector<1024x1xf32>
    %mul3A = vector.broadcast %get3A_14 : vector<1024x1xf32> to vector<1024x128xf32>
    %mul3A_15 = arith.mulf %get3A_11, %mul3A : vector<1024x128xf32>
    %add3A_16 = arith.addf %add3A, %mul3A_15 : vector<1024x128xf32>
    %swap3A = arith.constant 0 : index
    %swap3A_17 = arith.constant 0 : index
    %swap3A_18 = vector.load %arg4[%swap3A, %swap3A_17] : memref<1024x128xf32, #tpu.memory_space<vmem>>, vector<1024x128xf32>
    tpu.vector_store %arg4[%swap3A, %swap3A_17], %add3A_16 {strides = array<i32>} : memref<1024x128xf32, #tpu.memory_space<vmem>>, vector<1024x128xf32>,
    return
  }
  func.func @transform_0(%arg0: i32) -> (i32, i32, i32) {
    %c0_i32 = arith.constant 0 : i32
    %c0_i32_0 = arith.constant 0 : i32
    %c0_i32_1 = arith.constant 0 : i32
    return %c0_i32, %arg0, %c0_i32_0 : i32, i32, i32
  }
  func.func @transform_1(%arg0: i32) -> (i32, i32) {
    %c0_i32 = arith.constant 0 : i32
    %c0_i32_0 = arith.constant 0 : i32
    return %arg0, %c0_i32 : i32, i32
  }
  func.func @transform_2(%arg0: i32) -> (i32, i32) {
    %c0_i32 = arith.constant 0 : i32
    %c0_i32_0 = arith.constant 0 : i32
    return %arg0, %c0_i32 : i32, i32
  }
  func.func @transform_3(%arg0: i32) -> (i32, i32) {
    %c0_i32 = arith.constant 0 : i32
    %c0_i32_0 = arith.constant 0 : i32
    return %arg0, %c0_i32 : i32, i32
  }
}

module attributes {stable_mosaic.version = 14 : i64} {
  func.func @_mlp_body(%arg0: i32, %arg1: memref<1024x128xf32, #tpu.memory_space<vmem>>, %arg2: memref<64x128xf32, #tpu.memory_space<vmem>>, %arg3: memref<1x64xf32, #tpu.memory_space<vmem>>, %arg4: memref<1x64xf32, #tpu.memory_space<vmem>>, %arg5: memref<1x1xf32, #tpu.memory_space<vmem>>, %arg6: memref<1024x1xf32, #tpu.memory_space<vmem>>) attributes {dimension_semantics = [#tpu.dimension_semantics<arbitrary>], iteration_bounds = array<i64: 148>, scalar_prefetch = 0 : i64, scratch_operands = 0 : i64, tpu.core_type = #tpu.core_type<tc>, window_params = [{transform_indices = @transform_0, window_bounds = array<i64: 1024, 128>}, {pipeline_mode = #tpu.pipeline_mode<synchronous>, transform_indices = @transform_1, window_bounds = array<i64: 64, 128>}, {pipeline_mode = #tpu.pipeline_mode<synchronous>, transform_indices = @transform_2, window_bounds = array<i64: 1, 64>}, {pipeline_mode = #tpu.pipeline_mode<synchronous>, transform_indices = @transform_3, window_bounds = array<i64: 1, 64>}, {pipeline_mode = #tpu.pipeline_mode<synchronous>, transform_indices = @transform_4, window_bounds = array<i64: 1, 1>}, {transform_indices = @transform_5, window_bounds = array<i64: 1024, 1>}]} {
    %get3A = arith.constant 0 : index
    %get3A_0 = arith.constant 0 : index
    %get3A_1 = vector.load %arg1[%get3A, %get3A_0] : memref<1024x128xf32, #tpu.memory_space<vmem>>, vector<1024x128xf32>
    %get3A_2 = arith.constant 0 : index
    %get3A_3 = arith.constant 0 : index
    %get3A_4 = vector.load %arg2[%get3A_2, %get3A_3] : memref<64x128xf32, #tpu.memory_space<vmem>>, vector<64x128xf32>
    %dot_general3A = arith.constant dense<0.000000e+00> : vector<1024x64xf32>
    %dot_general3A_5 = tpu.matmul %get3A_1, %get3A_4, %dot_general3A {dimension_numbers = #tpu.dot_dimension_numbers<[1], [1], [0], [0], [0, 0, 1, 0], [], []>, transpose_lhs_hint = false} : vector<1024x128xf32>, vector<64x128xf32>, vector<1024x64xf32> -> vector<1024x64xf32>
    %get3A_6 = arith.constant 0 : index
    %get3A_7 = arith.constant 0 : index
    %get3A_8 = vector.load %arg3[%get3A_6, %get3A_7] : memref<1x64xf32, #tpu.memory_space<vmem>>, vector<1x64xf32>
    %add3A = vector.broadcast %get3A_8 : vector<1x64xf32> to vector<1024x64xf32>
    %add3A_9 = arith.addf %dot_general3A_5, %add3A : vector<1024x64xf32>
    %max3A = arith.constant 0.000000e+00 : f32
    %max3A_10 = vector.broadcast %max3A : f32 to vector<1024x64xf32>
    %max3A_11 = arith.maximumf %add3A_9, %max3A_10 : vector<1024x64xf32>
    %get3A_12 = arith.constant 0 : index
    %get3A_13 = arith.constant 0 : index
    %get3A_14 = vector.load %arg4[%get3A_12, %get3A_13] : memref<1x64xf32, #tpu.memory_space<vmem>>, vector<1x64xf32>
    %mul3A = vector.broadcast %get3A_14 : vector<1x64xf32> to vector<1024x64xf32>
    %mul3A_15 = arith.mulf %max3A_11, %mul3A : vector<1024x64xf32>
    %reduce_sum3A = arith.constant dense<0.000000e+00> : vector<1024xf32>
    %reduce_sum3A_16 = vector.multi_reduction <add>, %mul3A_15, %reduce_sum3A [1] : vector<1024x64xf32> to vector<1024xf32>
    %broadcast_in_dim3A = vector.shape_cast %reduce_sum3A_16 : vector<1024xf32> to vector<1024x1xf32>
    %get3A_17 = arith.constant 0 : index
    %get3A_18 = arith.constant 0 : index
    %get3A_19 = vector.load %arg5[%get3A_17, %get3A_18] : memref<1x1xf32, #tpu.memory_space<vmem>>, vector<1x1xf32>
    %get3A_20 = vector.extract %get3A_19[0, 0] : f32 from vector<1x1xf32>
    %add3A_21 = vector.broadcast %get3A_20 : f32 to vector<1024x1xf32>
    %add3A_22 = arith.addf %broadcast_in_dim3A, %add3A_21 : vector<1024x1xf32>
    %logistic3A = arith.negf %add3A_22 : vector<1024x1xf32>
    %logistic3A_23 = math.exp %logistic3A : vector<1024x1xf32>
    %logistic3A_24 = arith.constant 1.000000e+00 : f32
    %logistic3A_25 = vector.broadcast %logistic3A_24 : f32 to vector<1024x1xf32>
    %logistic3A_26 = arith.addf %logistic3A_25, %logistic3A_23 : vector<1024x1xf32>
    %logistic3A_27 = arith.divf %logistic3A_25, %logistic3A_26 : vector<1024x1xf32>
    %swap3A = arith.constant 0 : index
    %swap3A_28 = arith.constant 0 : index
    %swap3A_29 = vector.load %arg6[%swap3A, %swap3A_28] : memref<1024x1xf32, #tpu.memory_space<vmem>>, vector<1024x1xf32>
    tpu.vector_store %arg6[%swap3A, %swap3A_28], %logistic3A_27 {strides = array<i32>} : memref<1024x1xf32, #tpu.memory_space<vmem>>, vector<1024x1xf32>,
    return
  }
  func.func @transform_0(%arg0: i32) -> (i32, i32) {
    %c0_i32 = arith.constant 0 : i32
    %c0_i32_0 = arith.constant 0 : i32
    return %arg0, %c0_i32 : i32, i32
  }
  func.func @transform_1(%arg0: i32) -> (i32, i32) {
    %c0_i32 = arith.constant 0 : i32
    %c0_i32_0 = arith.constant 0 : i32
    %c0_i32_1 = arith.constant 0 : i32
    return %c0_i32, %c0_i32_0 : i32, i32
  }
  func.func @transform_2(%arg0: i32) -> (i32, i32) {
    %c0_i32 = arith.constant 0 : i32
    %c0_i32_0 = arith.constant 0 : i32
    %c0_i32_1 = arith.constant 0 : i32
    return %c0_i32, %c0_i32_0 : i32, i32
  }
  func.func @transform_3(%arg0: i32) -> (i32, i32) {
    %c0_i32 = arith.constant 0 : i32
    %c0_i32_0 = arith.constant 0 : i32
    %c0_i32_1 = arith.constant 0 : i32
    return %c0_i32, %c0_i32_0 : i32, i32
  }
  func.func @transform_4(%arg0: i32) -> (i32, i32) {
    %c0_i32 = arith.constant 0 : i32
    %c0_i32_0 = arith.constant 0 : i32
    %c0_i32_1 = arith.constant 0 : i32
    return %c0_i32, %c0_i32_0 : i32, i32
  }
  func.func @transform_5(%arg0: i32) -> (i32, i32) {
    %c0_i32 = arith.constant 0 : i32
    %c0_i32_0 = arith.constant 0 : i32
    return %arg0, %c0_i32 : i32, i32
  }
}

</mosaic_0001>

<sc_bundles>
// kernel: sc_affinity.3.cloned.1.call-start
scs
__scs_entry_jumppad:
0x0: {  	(pc) =	sbr.rel $0x88, $3  }
0x1: {  	(tag) =	ssettag $0x0;
	lr =	simm.s32 $0x1  }
0x2: {  	[smem:$0x3F8E] =	sst lr;
	_ =	strace $0xD0000000  }
0x3: {  	_ = 	snop  }
0x4: {  	_ = 	snop  }
0x5: {  	_ = 	snop  }
0x6: {  	_ = 	snop  }
0x7: {  	_ = 	snop  }
__scs_overlays_trampoline_lowered:
0x8: {  	[smem:$0x3F9D] =	sst s0  }
0x9: {  	[smem:$0x3F9E] =	sst s1  }
0xa: {  	[smem:$0x3F9F] =	sst s2  }
0xb: {  	[smem:$0x3FA0] =	sst s3  }
0xc: {  	[smem:$0x3FA1] =	sst s4  }
0xd: {  	[smem:$0x3FA2] =	sst s5  }
0xe: {  	[smem:$0x3FA3] =	sst s6  }
0xf: {  	[smem:$0x3FA4] =	sst s7  }
0x10: {  	[smem:$0x3FA5] =	sst s8  }
0x11: {  	[smem:$0x3FA6] =	sst s9;
	s0 =	simm.s32 @!p0 $0x0  }
0x12: {  	s1 =	sld [smem:$0x3F8C];
	s0 =	simm.s32 @p0 $0x1  }
0x13: {  	[smem:$0x3FA7] =	sst s0;
	s0 =	simm.s32 @!p1 $0x0  }
0x14: {  	s2 =	sld [smem:$0x3F8B];
	s0 =	simm.s32 @p1 $0x1  }
0x15: {  	[smem:$0x3FA8] =	sst s0;
	s0 =	simm.s32 @!p2 $0x0  }
0x16: {  	s3 =	sld [smem:$0x3FDB];
	s0 =	simm.s32 @p2 $0x1  }
0x17: {  	s4 =	simm.s32 $0x1BF5;
	[smem:$0x3FAA] =	sst s0  }
0x18: {  	s0 =	sld [smem:$0x3F8D];
	_ =	swait.ge [sflag:s4], $0x0  }
0x19: {  	s7 =	sld [smem:$0x3F8E]  }
0x1a: {  	s8 =	sadd.s32 $0xFFFFE003, lr  }
0x1b: {  	s9 =	sadd.s32 $0xFFFFFEF7, lr;
	s5 =	simm.s32 $0xFFFFFFFF;
	p2 =	slt.u32 s8, $0xFFFFF086  }
0x1c: {  	p1 =	slt.u32 s9, $0xF7A;
	s5 =	simm.s32 @!p2 $0x0  }
0x1d: {  	s5 =	simm.s32 @p1 $0x1;
	p0 =	seq.s32 s7, s2  }
0x1e: {  	s7 =	smul.u32 @!p0 $0xF7A, s2;
	p2 =	seq.s32 @!p0 s5, $0x0  }
0x1f: {  	s9 =	smul.u32 $0xF7A, s1;
	s8 =	simm.s32 @!p0 $0x1BF5;
	p2 =	por !p2, p0  }
0x20: {  	[sflag:s8] =	ssyncset.s32 @!p0 $0xFFFFF086;
	s6 =	sadd.s32 @!p0 s3, s7;
	s7 =	simm.s32 @!p0 $0x108  }
0x21: {  	s3 =	sadd.s32 s3, s9;
	s6 =	sadd.s32 @!p0 $0x88, s6;
	s7 =	simm.s32 @p2 $0x1082  }
0x22: {  	[simem:s7], [sflag:s8] =	dma.local @!p0 [hbm:s6], $0xF7A  }
0x23: {  	s9 =	sor.u32 $0xD0000000, s2;
	s6 =	simm.s32 $0x108;
	_ =	swait.ge @!p0 [sflag:s8], $0x0  }
0x24: {  	s3 =	sadd.s32 $0x88, s3;
	s6 =	simm.s32 @!p1 $0x1082;
	[sflag:s4] =	ssyncset.s32 $0xFFFFF086  }
0x25: {  	[simem:s6], [sflag:s4] =	dma.local [hbm:s3], $0xF7A  }
0x26: {  	[smem:$0x3F8E] =	sst s1;
	(tag) =	ssettag s2;
	_ =	strace s9  }
0x27: {  	s1 =	sld [smem:$0x3F9E]  }
0x28: {  	s2 =	sld [smem:$0x3F9F]  }
0x29: {  	s4 =	sld [smem:$0x3FA1]  }
0x2a: {  	p0 =	seq.s32 s5, $0x0;
	s5 =	sld [smem:$0x3FA2]  }
0x2b: {  	s6 =	sld [smem:$0x3FA3]  }
0x2c: {  	s7 =	sld [smem:$0x3FA4]  }
0x2d: {  	s3 =	simm.s32 $0x108;
	s8 =	sld [smem:$0x3FA5]  }
0x2e: {  	s3 =	simm.s32 @!p0 $0x1082;
	s9 =	sld [smem:$0x3FA6]  }
0x2f: {  	lr =	sadd.s32 s0, s3;
	s0 =	sld [smem:$0x3F9D]  }
0x30: {  	s3 =	sld [smem:$0x3FA0]  }
0x31: {  	[smem:$0x3FA9] =	sst s10  }
0x32: {  	s10 =	sld [smem:$0x3FA7];
	_ =	sdelay $0x3  }
0x33: {  	p0 =	seq.s32 s10, $0x1;
	s10 =	sld [smem:$0x3FA9];
	_ =	sdelay $0x3  }
0x34: {  	[smem:$0x3FA9] =	sst s10  }
0x35: {  	s10 =	sld [smem:$0x3FA8];
	_ =	sdelay $0x3  }
0x36: {  	p1 =	seq.s32 s10, $0x1;
	s10 =	sld [smem:$0x3FA9];
	_ =	sdelay $0x3  }
0x37: {  	[smem:$0x3FA9] =	sst s10  }
0x38: {  	s10 =	sld [smem:$0x3FAA]  }
0x39: {  	_ = 	snop;
	(pc) =	sbr.ind lr, $3  }
0x3a: {  	_ = 	snop  }
0x3b: {  	_ = 	snop  }
0x3c: {  	p2 =	seq.s32 s10, $0x1;
	s10 =	sld [smem:$0x3FA9]  }
0x3d: {  	_ =	shalt  }
0x3e: {  	_ =	shalt  }
0x3f: {  	_ =	shalt  }
0x40: {  	_ =	shalt  }
0x41: {  	_ =	shalt  }
0x42: {  	_ =	shalt  }
0x43: {  	_ =	shalt  }
0x44: {  	_ =	shalt  }
0x45: {  	_ =	shalt  }
0x46: {  	_ =	shalt  }
0x47: {  	_ =	shalt  }
0x48: {  	_ =	shalt  }
0x49: {  	_ =	shalt  }
0x4a: {  	_ =	shalt  }
0x4b: {  	_ =	shalt  }
0x4c: {  	_ =	shalt  }
0x4d: {  	_ =	shalt  }
0x4e: {  	_ =	shalt  }
0x4f: {  	_ =	shalt  }
0x50: {  	_ =	shalt  }
0x51: {  	_ =	shalt  }
0x52: {  	_ =	shalt  }
0x53: {  	_ =	shalt  }
0x54: {  	_ =	shalt  }
0x55: {  	_ =	shalt  }
0x56: {  	_ =	shalt  }
0x57: {  	_ =	shalt  }
0x58: {  	_ =	shalt  }
0x59: {  	_ =	shalt  }
0x5a: {  	_ =	shalt  }
0x5b: {  	_ =	shalt  }
0x5c: {  	_ =	shalt  }
0x5d: {  	_ =	shalt  }
0x5e: {  	_ =	shalt  }
0x5f: {  	_ =	shalt  }
0x60: {  	_ =	shalt  }
0x61: {  	_ =	shalt  }
0x62: {  	_ =	shalt  }
0x63: {  	_ =	shalt  }
0x64: {  	_ =	shalt  }
0x65: {  	_ =	shalt  }
0x66: {  	_ =	shalt  }
0x67: {  	_ =	shalt  }
0x68: {  	_ =	shalt  }
0x69: {  	_ =	shalt  }
0x6a: {  	_ =	shalt  }
0x6b: {  	_ =	shalt  }
0x6c: {  	_ =	shalt  }
0x6d: {  	_ =	shalt  }
0x6e: {  	_ =	shalt  }
0x6f: {  	_ =	shalt  }
0x70: {  	_ =	shalt  }
0x71: {  	_ =	shalt  }
0x72: {  	_ =	shalt  }
0x73: {  	_ =	shalt  }
0x74: {  	_ =	shalt  }
0x75: {  	_ =	shalt  }
0x76: {  	_ =	shalt  }
0x77: {  	_ =	shalt  }
0x78: {  	_ =	shalt  }
0x79: {  	_ =	shalt  }
0x7a: {  	_ =	shalt  }
0x7b: {  	_ =	shalt  }
0x7c: {  	_ =	shalt  }
0x7d: {  	_ =	shalt  }
0x7e: {  	_ =	shalt  }
0x7f: {  	_ =	shalt  }
0x80: {  	_ =	shalt  }
0x81: {  	_ =	shalt  }
0x82: {  	_ =	shalt  }
0x83: {  	_ =	shalt  }
0x84: {  	_ =	shalt  }
0x85: {  	_ =	shalt  }
0x86: {  	_ =	shalt  }
0x87: {  	_ =	shalt  }
.Lfunc_end0:
.L_simem_size_0:
called_computation_lowered:
.L_overlay_start_0:
0x88: {  	s2 =	sld [smem:$0x3FD9]  }
0x89: {  	s3 =	sld [smem:$0x3FFE];
	_ =	sdelay $0x1  }
0x8a: {  	s1 =	srdreg.scid  }
0x8b: {  	s0 =	sand.u32 $0x1, s1  }
0x8c: {  	s17 =	sshll.u32 s0, $0xA;
	s2 =	sadd.s32 s3, s2  }
0x8d: {  	s2 =	sadd.s32 s2, s17  }
0x8e: {  	[smem:$0x3FB5] =	sst s2  }
0x8f: {  	_ = 	snop  }
0x90: {  	s2 =	sld [smem:$0x3FD0];
	(tm) =	ssettm $0x1  }
0x91: {  	s18 =	sld [smem:$0x3FFB];
	_ =	sdelay $0x3  }
0x92: {  	_ =	strace s18  }
0x93: {  	s3 =	sld [smem:$0x3FFC];
	_ =	sdelay $0x3  }
0x94: {  	_ =	strace s3  }
0x95: {  	s3 =	sld [smem:$0x3FFD];
	_ =	sdelay $0x3  }
0x96: {  	_ =	strace s3  }
0x97: {  	_ =	strace $0x8FFFFFFF  }
0x98: {  	s19 =	sld [smem:$0x3FDB];
	_ =	sdelay $0x1  }
0x99: {  	s4 =	simm.s32 $_scs_section_size  }
0x9a: {  	s5 =	simm.s32 $_size__tile_overlayer_lowered;
	s6 =	simm.s32 $_tile_overlayer_lowered  }
0x9b: {  	s22 =	simm.s32 $0x1BFF;
	s21 =	sshll.u32 s6, $0x1;
	s3 =	sadd.s32 s4, s19  }
0x9c: {  	s7 =	simm.s32 $0x0;
	s20 =	sshll.u32 s5, $0x1;
	s5 =	sadd.s32 s21, s3  }
0x9d: {  	[timem:s7], [sflag:s22] =	dma.local [hbm:s5], s20  }
0x9e: {  	_ =	swait.ge [sflag:s22], s20  }
0x9f: {  	s4 =	ssub.s32 $0x0, s20;
	[sflag:s22] =	ssyncset.done $0x0  }
0xa0: {  	[sflag:s22] =	ssyncadd.s32 s4;
	_ =	sdelay $0x1  }
0xa1: {  	s23 =	simm.s32 $0x1B8B  }
0xa2: {  	_ =	swait.ge [sflag:s23], $0x1  }
0xa3: {  	[sflag:s23] =	ssyncset.done $0x0  }
0xa4: {  	s25 =	simm.s32 $0x1B8E;
	s24 =	sld [smem:$0x3FFE];
	[sflag:s23] =	ssyncadd.s32 $0xFFFFFFFF  }
0xa5: {  	s26 =	simm.s32 $execute0_lowered;
	[smem:$0x3FD2] =	sst s25  }
0xa6: {  	s5 =	sshll.u32 s26, $0x1;
	_ =	strace $0x80000046;
	[dreg:$0x1] =	wrdreg $0xFFFFFFFF  }
0xa7: {  	s28 =	simm.s32 $_size_execute0_lowered;
	s3 =	sadd.s32 s3, s5;
	[dreg:$0x0] =	wrdreg $0x0  }
0xa8: {  	s5 =	sshll.u32 s28, $0x1;
	[dreg:$0x2] =	wrdreg s3  }
0xa9: {  	[dreg:$0x3] =	wrdreg s5  }
0xaa: {  	[dreg:$0x4] =	wrdreg $0xC0  }
0xab: {  	_ =	task [dreg:s7], $0x5FFFF  }
0xac: {  	[dreg:$0x1] =	wrdreg $0xFFFFFFFF  }
0xad: {  	[dreg:$0x0] =	wrdreg $0x60  }
0xae: {  	[dreg:$0x2] =	wrdreg s24  }
0xaf: {  	[dreg:$0x3] =	wrdreg s2  }
0xb0: {  	[dreg:$0x4] =	wrdreg $0x9  }
0xb1: {  	_ =	task.clear_ibuf [dreg:s7], $0x5FFFF;
	_ =	strace $0x90000046  }
0xb2: {  	s29 =	simm.s32 $0x9;
	_ =	strace $0x80000048  }
0xb3: {  	_ =	swait.ge [sflag:s29], $0x1  }
0xb4: {  	[sflag:s29] =	ssyncadd.s32 $0xFFFFFFFF  }
0xb5: {  	_ =	strace $0x90000048  }
0xb6: {  	_ =	sfence  }
0xb7: {  	s30 =	sld [smem:$0x0];
	_ =	sdelay $0x2  }
0xb8: {  	s31 =	sshll.u32 s1, $0xD;
	s1 =	sshrl.u32 s1, $0x2  }
0xb9: {  	s3 =	sand.u32 $0x4000, s31;
	s1 =	sadd.s32 s1, s30  }
0xba: {  	s0 =	sor.u32 s3, s0;
	s1 =	sshll.u32 s1, $0x11  }
0xbb: {  	s0 =	sor.u32 s1, s0  }
0xbc: {  	s0 =	sadd.s32 $0x8F2B, s0  }
0xbd: {  	[sflag:s0] =	ssyncadd.remote.s32 $0x1  }
0xbe: {  	_ =	sfence.sel $0xFFFF  }
0xbf: {  	[dreg:$0x0] =	wrdreg $0xFFFFFFFF;
	(pc) =	sbr.abs _section_cstart, $3  }
0xc0: {  	[dreg:$0x1] =	wrdreg $0xFFFFFFFF  }
0xc1: {  	_ =	task.clear_ibuf [dreg:s7], $0x2FFFF;
	_ =	strace $0x9FFFFFFF  }
0xc2: {  	(tm) =	ssettm $0x7FFFFFFF  }
0xc3: {  	_ =	shalt  }
tec
execute0_lowered:
.L_overlay_start_1:
0x0: {  	(tag) =	ssettag $0x1  }
0x1: {  	s5 =	rddreg [dreg:$0x0];
	s1 =	srdreg.scid  }
0x2: {  	s0 =	stileid.u32;
	s2 =	rddreg [dreg:$0x1];
	s3 =	simm.s32 $0x0  }
0x3: {  	s16 =	simm.s32 $0x2500;
	s17 =	simm.s32 $0x4C80;
	s18 =	simm.s32 $0x7400  }
0x4: {  	s19 =	simm.s32 $0x9B80;
	s20 =	simm.s32 $0xFD00;
	s21 =	simm.s32 $0xC300  }
0x5: {  	s22 =	simm.s32 $0xEA80;
	s23 =	simm.s32 $0x0;
	s9 =	sand.u32 $0x1, s1  }
0x6: {  	s4 =	sshll.u32 s0, $0x1;
	s1 =	rddreg [dreg:$0x2];
	s14 =	smul.u32 $0x2500, s0  }
0x7: {  	[smem:$0x7FF] =	sst s3;
	s4 =	sor.u32 s9, s4;
	s15 =	smul.u32 $0x1280, s9  }
0x8: {  	_ =	strace $0x80000047;
	s8 =	ssub.s32 $0x2, s9;
	s6 =	smul.u32 $0x1280, s4  }
0x9: {  	s9 =	sadd.s32 $0xEA6, s2;
	s7 =	smul.u32 $0x4E2, s4;
	s10 =	sshrl.u32 s8, $0x1  }
0xa: {  	s4 =	sadd.s32 $0x4E00, s5;
	s13 =	ssub.s32 s8, s10;
	s6 =	sshrl.u32 s6, $0x3  }
0xb: {  	s8 =	sadd.s32 $0x9C4, s2;
	s12 =	sadd.s32 s7, s5;
	s11 =	sadd.s32 s6, s5  }
0xc: {  	s7 =	sadd.s32 $0x4E2, s2;
	s5 =	sadd.s32 $0x9E00, s11;
	s6 =	sadd.s32 $0x5400, s11  }
0xd: {  	s10 =	sadd.s32 $0xE800, s11;
	s11 =	sadd.s32 $0x13200, s12;
	s12 =	smax.u32 s13, $0x1  }
0xe: {  	v0 =	vimm.f32 $0.0e+00;
	s13 =	sadd.s32 s15, s14;
	s14 =	simm.s32 $0x1;
	s15 =	simm.s32 $0x1280  }
.LBB2_1:
0xf: {  	[tilespmem:s3], [sflag:$0x1] =	stream.linear.gather [hbm4b:s5+s3], $0x1280, $0x38;
	[tilespmem:$0xFD80] =	vst v63  }
0x10: {  	_ =	swait.ge [sflag:s14], $0x1280  }
0x11: {  	[sflag:s14] =	ssyncset.done $0x0  }
0x12: {  	[sflag:s14] =	ssyncadd.s32 $0xFFFFED80  }
0x13: {  	[tilespmem:s15], [sflag:$0x1] =	stream.linear.gather [hbm4b:s6+s3], $0x1280, $0x38;
	[tilespmem:$0xFD80] =	vst v63  }
0x14: {  	_ =	swait.ge [sflag:s14], $0x1280  }
0x15: {  	[sflag:s14] =	ssyncset.done $0x0  }
0x16: {  	[sflag:s14] =	ssyncadd.s32 $0xFFFFED80  }
0x17: {  	[tilespmem:s16], [sflag:$0x1] =	stream.linear.gather [hbm4b:s2+s3], $0x2710, $0x38;
	[tilespmem:$0xFD80] =	vst v63  }
0x18: {  	_ =	swait.ge [sflag:s14], $0x2710  }
0x19: {  	[sflag:s14] =	ssyncset.done $0x0  }
0x1a: {  	[sflag:s14] =	ssyncadd.s32 $0xFFFFD8F0  }
0x1b: {  	[tilespmem:s17], [sflag:$0x1] =	stream.linear.gather [hbm4b:s7+s3], $0x2710, $0x38;
	[tilespmem:$0xFD80] =	vst v63  }
0x1c: {  	_ =	swait.ge [sflag:s14], $0x2710  }
0x1d: {  	[sflag:s14] =	ssyncset.done $0x0  }
0x1e: {  	[sflag:s14] =	ssyncadd.s32 $0xFFFFD8F0  }
0x1f: {  	[tilespmem:s18], [sflag:$0x1] =	stream.linear.gather [hbm4b:s8+s3], $0x2710, $0x38;
	[tilespmem:$0xFD80] =	vst v63  }
0x20: {  	_ =	swait.ge [sflag:s14], $0x2710  }
0x21: {  	[sflag:s14] =	ssyncset.done $0x0  }
0x22: {  	[sflag:s14] =	ssyncadd.s32 $0xFFFFD8F0  }
0x23: {  	[tilespmem:s19], [sflag:$0x1] =	stream.linear.gather [hbm4b:s9+s3], $0x2710, $0x38;
	[tilespmem:$0xFD80] =	vst v63  }
0x24: {  	_ =	swait.ge [sflag:s14], $0x2710  }
0x25: {  	[sflag:s14] =	ssyncset.done $0x0  }
0x26: {  	[sflag:s14] =	ssyncadd.s32 $0xFFFFD8F0  }
0x27: {  	[tilespmem:s20], [sflag:$0x1] =	stream.linear.gather [hbm4b:s4+s3], $0x80, $0x38;
	[tilespmem:$0xFD80] =	vst v63  }
0x28: {  	_ =	swait.ge [sflag:s14], $0x80  }
0x29: {  	[sflag:s14] =	ssyncset.done $0x0  }
0x2a: {  	[sflag:s14] =	ssyncadd.s32 $0xFFFFFF80  }
0x2b: {  	v1 =	vld [tilespmem:$0xFD00]  }
0x2c: {  	v2 =	vld [tilespmem:$0xFD10]  }
0x2d: {  	s24 =	simm.s32 $0x0;
	v3 =	vld [tilespmem:$0xFD20]  }
.LBB2_2:
0x2e: {  	p0 =	sne.s32 s24, $0x9C00  }
.Ltmp0:
0x2f: {  	_ = 	snop;
	(pc) =	sbr.rel @p0 .LBB2_2-.Ltmp0, $3  }
0x30: {  	_ =	sdelay $0x1  }
0x31: {  	s25 =	sshra.s32 s24, $0x2  }
0x32: {  	s24 =	sadd.s32 $0x40, s24;
	[tilespmem:s25+$0xC300] =	vst v0  }
0x33: {  	s24 =	simm.s32 $0x0  }
0x34: {  	v5 =	vld [tilespmem:s24+$0x0];
	_ =	sdelay $0x1  }
0x35: {  	v4 =	vld [tilespmem:s24+$0x1280];
	_ =	sdelay $0x5  }
0x36: {  	v6 =	vld.idx.msk [tilespmem:v5+s16+$0x0], $0xffff  }
0x37: {  	v5 =	vld.idx.msk [tilespmem:v5+s18+$0x0], $0xffff  }
0x38: {  	v7 =	vld.idx.msk [tilespmem:v4+s17+$0x0], $0xffff  }
0x39: {  	v8 =	vld.idx.msk [tilespmem:v4+s19+$0x0], $0xffff;
	_ =	sdelay $0x4  }
0x3a: {  	v6 =	vadd.f32 v7, v6;
	v5 =	vadd.f32 v8, v5;
	_ =	sdelay $0x1  }
0x3b: {  	v6 =	vmax.f32 v6, $0.0e+00;
	v5 =	vmax.f32 v5, $0.0e+00  }
0x3c: {  	v6 =	vmul.f32 v6, v1;
	v5 =	vmul.f32 v5, v2;
	_ =	sdelay $0x1  }
0x3d: {  	v5 =	vadd.f32 v5, v6;
	_ =	sdelay $0x1  }
0x3e: {  	s25 =	simm.s32 $0x40;
	p1 =	slt.u32 s13, $0x249F0;
	s26 =	smov.u32 s13;
	v5 =	vadd.f32 v5, v3  }
.LBB2_4:
0x3f: {  	p0 =	sne.s32 s25, $0x49C0  }
0x40: {  	v5 =	vmax.f32 v5, $0.0e+00;
	s26 =	sadd.s32 $0x10, s26;
	s28 =	smov.u32 s25;
	s25 =	sadd.s32 $0x40, s25  }
0x41: {  	v5 =	vpsel !p1, $0x0, v5  }
0x42: {  	[tilespmem:s24+$0xEA80] =	vst v5  }
0x43: {  	s24 =	sshra.s32 s28, $0x2;
	[tilespmem:v4+s21+$0x0] =	vst.idx.add.f32.msk $0xffff, v5  }
0x44: {  	v5 =	vld [tilespmem:s24+$0x0]  }
0x45: {  	v4 =	vld [tilespmem:s24+$0x1280];
	_ =	sdelay $0x6  }
0x46: {  	v6 =	vld.idx.msk [tilespmem:v5+s16+$0x0], $0xffff  }
0x47: {  	v5 =	vld.idx.msk [tilespmem:v5+s18+$0x0], $0xffff  }
0x48: {  	v7 =	vld.idx.msk [tilespmem:v4+s17+$0x0], $0xffff  }
0x49: {  	v8 =	vld.idx.msk [tilespmem:v4+s19+$0x0], $0xffff;
	_ =	sdelay $0x4  }
0x4a: {  	v6 =	vadd.f32 v7, v6  }
0x4b: {  	v5 =	vadd.f32 v8, v5  }
0x4c: {  	v6 =	vmax.f32 v6, $0.0e+00  }
0x4d: {  	v5 =	vmax.f32 v5, $0.0e+00;
	v6 =	vmul.f32 v6, v1  }
0x4e: {  	v5 =	vmul.f32 v5, v2  }
.Ltmp1:
0x4f: {  	(pc) =	sbr.rel @p0 .LBB2_4-.Ltmp1, $3  }
0x50: {  	v5 =	vadd.f32 v5, v6;
	_ =	sdelay $0x1  }
0x51: {  	v5 =	vadd.f32 v5, v3  }
0x52: {  	p1 =	slt.u32 s26, $0x249F0  }
0x53: {  	_ = 	snop  }
0x54: {  	v1 =	vmax.f32 v5, $0.0e+00  }
0x55: {  	v1 =	vpsel !p1, $0x0, v1  }
0x56: {  	[tilespmem:s24+$0xEA80] =	vst v1  }
0x57: {  	[tilespmem:v4+s21+$0x0] =	vst.idx.add.f32.msk $0xffff, v1  }
0x58: {  	[hbm4b:s10+s3] =	stream.linear.scatter [tilespmem:s22], [sflag:$0x1], $0x1280, $0x38;
	[tilespmem:$0xFD80] =	vst v63  }
0x59: {  	s23 =	sadd.s32 $0x1, s23;
	_ =	swait.ge [sflag:s14], $0x1280  }
0x5a: {  	p0 =	sne.s32 s23, s12;
	[sflag:s14] =	ssyncset.done $0x0  }
.Ltmp2:
0x5b: {  	[sflag:s14] =	ssyncadd.s32 $0xFFFFED80;
	(pc) =	sbr.rel @p0 .LBB2_1-.Ltmp2, $4  }
0x5c: {  	[hbm4b:s11+s3] =	stream.linear.scatter [tilespmem:s21], [sflag:$0x1], $0x2710, $0x38;
	[tilespmem:$0xFD80] =	vst v63  }
0x5d: {  	_ =	swait.ge [sflag:s14], $0x2710  }
0x5e: {  	[sflag:s14] =	ssyncset.done $0x0  }
0x5f: {  	[sflag:s14] =	ssyncadd.s32 $0xFFFFD8F0  }
0x60: {  	_ =	sfence.sel $0x180000  }
0x61: {  	[bflag:$0x0] =	sbarrier.arrive $0xFFFF  }
0x62: {  	p0 =	sne.s32 s0, $0x0;
	_ =	strace $0x90000047  }
0x63: {  	s0 =	sadd.s32 @!p0 $0x100000, s1;
	[bflag:$0x2] =	sbarrier.arrive $0xFFFF  }
0x64: {  	[sflag:s0] =	ssyncadd.tile.s32 @!p0 $0x1;
	_ =	shalt  }
.Lfunc_end2:
_tile_overlayer_lowered:
.L_overlay_start_2:
0x65: {  	(tag) =	ssettag $0x2  }
0x66: {  	s0 =	rddreg [dreg:$0x0];
	s2 =	stileid.u32  }
0x67: {  	s1 =	rddreg [dreg:$0x1];
	p0 =	sne.s32 s2, $0x0  }
0x68: {  	s3 =	rddreg [dreg:$0x2];
	[bflag:$0x3] =	sbarrier.arrive $0xFFFF;
	s2 =	simm.s32 @!p0 $0x1C01  }
0x69: {  	[timem:s3], [sflag:s2] =	dma.local @!p0 [hbm:s0], s1  }
0x6a: {  	s0 =	simm.s32 @!p0 $0x1  }
0x6b: {  	_ =	swait.ge @!p0 [sflag:s0], s1  }
0x6c: {  	s1 =	ssub.s32 @!p0 $0x0, s1;
	[sflag:s0] =	ssyncset.done @!p0 $0x0  }
0x6d: {  	[sflag:s0] =	ssyncadd.s32 @!p0 s1  }
0x6e: {  	[bflag:$0x3] =	sbarrier.arrive $0xFFFF  }
0x6f: {  	_ =	shalt  }

// kernel: sc_affinity2.3.cloned.1.call-start
scs
__scs_entry_jumppad:
0x0: {  	(pc) =	sbr.rel $0x88, $3  }
0x1: {  	(tag) =	ssettag $0x0;
	lr =	simm.s32 $0x1  }
0x2: {  	[smem:$0x3F8E] =	sst lr;
	_ =	strace $0xD0000000  }
0x3: {  	_ = 	snop  }
0x4: {  	_ = 	snop  }
0x5: {  	_ = 	snop  }
0x6: {  	_ = 	snop  }
0x7: {  	_ = 	snop  }
__scs_overlays_trampoline_lowered:
0x8: {  	[smem:$0x3F9D] =	sst s0  }
0x9: {  	[smem:$0x3F9E] =	sst s1  }
0xa: {  	[smem:$0x3F9F] =	sst s2  }
0xb: {  	[smem:$0x3FA0] =	sst s3  }
0xc: {  	[smem:$0x3FA1] =	sst s4  }
0xd: {  	[smem:$0x3FA2] =	sst s5  }
0xe: {  	[smem:$0x3FA3] =	sst s6  }
0xf: {  	[smem:$0x3FA4] =	sst s7  }
0x10: {  	[smem:$0x3FA5] =	sst s8  }
0x11: {  	[smem:$0x3FA6] =	sst s9;
	s0 =	simm.s32 @!p0 $0x0  }
0x12: {  	s1 =	sld [smem:$0x3F8C];
	s0 =	simm.s32 @p0 $0x1  }
0x13: {  	[smem:$0x3FA7] =	sst s0;
	s0 =	simm.s32 @!p1 $0x0  }
0x14: {  	s2 =	sld [smem:$0x3F8B];
	s0 =	simm.s32 @p1 $0x1  }
0x15: {  	[smem:$0x3FA8] =	sst s0;
	s0 =	simm.s32 @!p2 $0x0  }
0x16: {  	s3 =	sld [smem:$0x3FDB];
	s0 =	simm.s32 @p2 $0x1  }
0x17: {  	s4 =	simm.s32 $0x1BF5;
	[smem:$0x3FAA] =	sst s0  }
0x18: {  	s0 =	sld [smem:$0x3F8D];
	_ =	swait.ge [sflag:s4], $0x0  }
0x19: {  	s7 =	sld [smem:$0x3F8E]  }
0x1a: {  	s8 =	sadd.s32 $0xFFFFE003, lr  }
0x1b: {  	s9 =	sadd.s32 $0xFFFFFEF7, lr;
	s5 =	simm.s32 $0xFFFFFFFF;
	p2 =	slt.u32 s8, $0xFFFFF086  }
0x1c: {  	p1 =	slt.u32 s9, $0xF7A;
	s5 =	simm.s32 @!p2 $0x0  }
0x1d: {  	s5 =	simm.s32 @p1 $0x1;
	p0 =	seq.s32 s7, s2  }
0x1e: {  	s7 =	smul.u32 @!p0 $0xF7A, s2;
	p2 =	seq.s32 @!p0 s5, $0x0  }
0x1f: {  	s9 =	smul.u32 $0xF7A, s1;
	s8 =	simm.s32 @!p0 $0x1BF5;
	p2 =	por !p2, p0  }
0x20: {  	[sflag:s8] =	ssyncset.s32 @!p0 $0xFFFFF086;
	s6 =	sadd.s32 @!p0 s3, s7;
	s7 =	simm.s32 @!p0 $0x108  }
0x21: {  	s3 =	sadd.s32 s3, s9;
	s6 =	sadd.s32 @!p0 $0x88, s6;
	s7 =	simm.s32 @p2 $0x1082  }
0x22: {  	[simem:s7], [sflag:s8] =	dma.local @!p0 [hbm:s6], $0xF7A  }
0x23: {  	s9 =	sor.u32 $0xD0000000, s2;
	s6 =	simm.s32 $0x108;
	_ =	swait.ge @!p0 [sflag:s8], $0x0  }
0x24: {  	s3 =	sadd.s32 $0x88, s3;
	s6 =	simm.s32 @!p1 $0x1082;
	[sflag:s4] =	ssyncset.s32 $0xFFFFF086  }
0x25: {  	[simem:s6], [sflag:s4] =	dma.local [hbm:s3], $0xF7A  }
0x26: {  	[smem:$0x3F8E] =	sst s1;
	(tag) =	ssettag s2;
	_ =	strace s9  }
0x27: {  	s1 =	sld [smem:$0x3F9E]  }
0x28: {  	s2 =	sld [smem:$0x3F9F]  }
0x29: {  	s4 =	sld [smem:$0x3FA1]  }
0x2a: {  	p0 =	seq.s32 s5, $0x0;
	s5 =	sld [smem:$0x3FA2]  }
0x2b: {  	s6 =	sld [smem:$0x3FA3]  }
0x2c: {  	s7 =	sld [smem:$0x3FA4]  }
0x2d: {  	s3 =	simm.s32 $0x108;
	s8 =	sld [smem:$0x3FA5]  }
0x2e: {  	s3 =	simm.s32 @!p0 $0x1082;
	s9 =	sld [smem:$0x3FA6]  }
0x2f: {  	lr =	sadd.s32 s0, s3;
	s0 =	sld [smem:$0x3F9D]  }
0x30: {  	s3 =	sld [smem:$0x3FA0]  }
0x31: {  	[smem:$0x3FA9] =	sst s10  }
0x32: {  	s10 =	sld [smem:$0x3FA7];
	_ =	sdelay $0x3  }
0x33: {  	p0 =	seq.s32 s10, $0x1;
	s10 =	sld [smem:$0x3FA9];
	_ =	sdelay $0x3  }
0x34: {  	[smem:$0x3FA9] =	sst s10  }
0x35: {  	s10 =	sld [smem:$0x3FA8];
	_ =	sdelay $0x3  }
0x36: {  	p1 =	seq.s32 s10, $0x1;
	s10 =	sld [smem:$0x3FA9];
	_ =	sdelay $0x3  }
0x37: {  	[smem:$0x3FA9] =	sst s10  }
0x38: {  	s10 =	sld [smem:$0x3FAA]  }
0x39: {  	_ = 	snop;
	(pc) =	sbr.ind lr, $3  }
0x3a: {  	_ = 	snop  }
0x3b: {  	_ = 	snop  }
0x3c: {  	p2 =	seq.s32 s10, $0x1;
	s10 =	sld [smem:$0x3FA9]  }
0x3d: {  	_ =	shalt  }
0x3e: {  	_ =	shalt  }
0x3f: {  	_ =	shalt  }
0x40: {  	_ =	shalt  }
0x41: {  	_ =	shalt  }
0x42: {  	_ =	shalt  }
0x43: {  	_ =	shalt  }
0x44: {  	_ =	shalt  }
0x45: {  	_ =	shalt  }
0x46: {  	_ =	shalt  }
0x47: {  	_ =	shalt  }
0x48: {  	_ =	shalt  }
0x49: {  	_ =	shalt  }
0x4a: {  	_ =	shalt  }
0x4b: {  	_ =	shalt  }
0x4c: {  	_ =	shalt  }
0x4d: {  	_ =	shalt  }
0x4e: {  	_ =	shalt  }
0x4f: {  	_ =	shalt  }
0x50: {  	_ =	shalt  }
0x51: {  	_ =	shalt  }
0x52: {  	_ =	shalt  }
0x53: {  	_ =	shalt  }
0x54: {  	_ =	shalt  }
0x55: {  	_ =	shalt  }
0x56: {  	_ =	shalt  }
0x57: {  	_ =	shalt  }
0x58: {  	_ =	shalt  }
0x59: {  	_ =	shalt  }
0x5a: {  	_ =	shalt  }
0x5b: {  	_ =	shalt  }
0x5c: {  	_ =	shalt  }
0x5d: {  	_ =	shalt  }
0x5e: {  	_ =	shalt  }
0x5f: {  	_ =	shalt  }
0x60: {  	_ =	shalt  }
0x61: {  	_ =	shalt  }
0x62: {  	_ =	shalt  }
0x63: {  	_ =	shalt  }
0x64: {  	_ =	shalt  }
0x65: {  	_ =	shalt  }
0x66: {  	_ =	shalt  }
0x67: {  	_ =	shalt  }
0x68: {  	_ =	shalt  }
0x69: {  	_ =	shalt  }
0x6a: {  	_ =	shalt  }
0x6b: {  	_ =	shalt  }
0x6c: {  	_ =	shalt  }
0x6d: {  	_ =	shalt  }
0x6e: {  	_ =	shalt  }
0x6f: {  	_ =	shalt  }
0x70: {  	_ =	shalt  }
0x71: {  	_ =	shalt  }
0x72: {  	_ =	shalt  }
0x73: {  	_ =	shalt  }
0x74: {  	_ =	shalt  }
0x75: {  	_ =	shalt  }
0x76: {  	_ =	shalt  }
0x77: {  	_ =	shalt  }
0x78: {  	_ =	shalt  }
0x79: {  	_ =	shalt  }
0x7a: {  	_ =	shalt  }
0x7b: {  	_ =	shalt  }
0x7c: {  	_ =	shalt  }
0x7d: {  	_ =	shalt  }
0x7e: {  	_ =	shalt  }
0x7f: {  	_ =	shalt  }
0x80: {  	_ =	shalt  }
0x81: {  	_ =	shalt  }
0x82: {  	_ =	shalt  }
0x83: {  	_ =	shalt  }
0x84: {  	_ =	shalt  }
0x85: {  	_ =	shalt  }
0x86: {  	_ =	shalt  }
0x87: {  	_ =	shalt  }
.Lfunc_end0:
.L_simem_size_0:
called_computation.2_lowered:
.L_overlay_start_0:
0x88: {  	s2 =	sld [smem:$0x3FD9]  }
0x89: {  	s3 =	sld [smem:$0x3FFE];
	_ =	sdelay $0x1  }
0x8a: {  	s1 =	srdreg.scid  }
0x8b: {  	s0 =	sand.u32 $0x1, s1  }
0x8c: {  	s17 =	sshll.u32 s0, $0xA;
	s2 =	sadd.s32 s3, s2  }
0x8d: {  	s2 =	sadd.s32 s2, s17  }
0x8e: {  	[smem:$0x3FB5] =	sst s2  }
0x8f: {  	_ = 	snop  }
0x90: {  	s2 =	sld [smem:$0x3FD0];
	(tm) =	ssettm $0x1  }
0x91: {  	s18 =	sld [smem:$0x3FFB];
	_ =	sdelay $0x3  }
0x92: {  	_ =	strace s18  }
0x93: {  	s3 =	sld [smem:$0x3FFC];
	_ =	sdelay $0x3  }
0x94: {  	_ =	strace s3  }
0x95: {  	s3 =	sld [smem:$0x3FFD];
	_ =	sdelay $0x3  }
0x96: {  	_ =	strace s3  }
0x97: {  	_ =	strace $0x8FFFFFFF  }
0x98: {  	s19 =	sld [smem:$0x3FDB];
	_ =	sdelay $0x1  }
0x99: {  	s4 =	simm.s32 $_scs_section_size  }
0x9a: {  	s5 =	simm.s32 $_size__tile_overlayer_lowered;
	s6 =	simm.s32 $_tile_overlayer_lowered  }
0x9b: {  	s22 =	simm.s32 $0x1BFF;
	s21 =	sshll.u32 s6, $0x1;
	s3 =	sadd.s32 s4, s19  }
0x9c: {  	s7 =	simm.s32 $0x0;
	s20 =	sshll.u32 s5, $0x1;
	s5 =	sadd.s32 s21, s3  }
0x9d: {  	[timem:s7], [sflag:s22] =	dma.local [hbm:s5], s20  }
0x9e: {  	_ =	swait.ge [sflag:s22], s20  }
0x9f: {  	s4 =	ssub.s32 $0x0, s20;
	[sflag:s22] =	ssyncset.done $0x0  }
0xa0: {  	[sflag:s22] =	ssyncadd.s32 s4;
	_ =	sdelay $0x1  }
0xa1: {  	s23 =	simm.s32 $0x1B8B  }
0xa2: {  	_ =	swait.ge [sflag:s23], $0x1  }
0xa3: {  	[sflag:s23] =	ssyncset.done $0x0  }
0xa4: {  	s25 =	simm.s32 $0x1B8E;
	s24 =	sld [smem:$0x3FFE];
	[sflag:s23] =	ssyncadd.s32 $0xFFFFFFFF  }
0xa5: {  	s26 =	simm.s32 $execute0_lowered;
	[smem:$0x3FD2] =	sst s25  }
0xa6: {  	s5 =	sshll.u32 s26, $0x1;
	_ =	strace $0x8000004C;
	[dreg:$0x1] =	wrdreg $0xFFFFFFFF  }
0xa7: {  	s28 =	simm.s32 $_size_execute0_lowered;
	s3 =	sadd.s32 s3, s5;
	[dreg:$0x0] =	wrdreg $0x0  }
0xa8: {  	s5 =	sshll.u32 s28, $0x1;
	[dreg:$0x2] =	wrdreg s3  }
0xa9: {  	[dreg:$0x3] =	wrdreg s5  }
0xaa: {  	[dreg:$0x4] =	wrdreg $0xC0  }
0xab: {  	_ =	task [dreg:s7], $0x5FFFF  }
0xac: {  	[dreg:$0x1] =	wrdreg $0xFFFFFFFF  }
0xad: {  	[dreg:$0x0] =	wrdreg $0x60  }
0xae: {  	[dreg:$0x2] =	wrdreg s24  }
0xaf: {  	[dreg:$0x3] =	wrdreg s2  }
0xb0: {  	[dreg:$0x4] =	wrdreg $0x9  }
0xb1: {  	_ =	task.clear_ibuf [dreg:s7], $0x5FFFF;
	_ =	strace $0x9000004C  }
0xb2: {  	s29 =	simm.s32 $0x9;
	_ =	strace $0x8000004E  }
0xb3: {  	_ =	swait.ge [sflag:s29], $0x1  }
0xb4: {  	[sflag:s29] =	ssyncadd.s32 $0xFFFFFFFF  }
0xb5: {  	_ =	strace $0x9000004E  }
0xb6: {  	_ =	sfence  }
0xb7: {  	s30 =	sld [smem:$0x0];
	_ =	sdelay $0x2  }
0xb8: {  	s31 =	sshll.u32 s1, $0xD;
	s1 =	sshrl.u32 s1, $0x2  }
0xb9: {  	s3 =	sand.u32 $0x4000, s31;
	s1 =	sadd.s32 s1, s30  }
0xba: {  	s0 =	sor.u32 s3, s0;
	s1 =	sshll.u32 s1, $0x11  }
0xbb: {  	s0 =	sor.u32 s1, s0  }
0xbc: {  	s0 =	sadd.s32 $0x8F2B, s0  }
0xbd: {  	[sflag:s0] =	ssyncadd.remote.s32 $0x1  }
0xbe: {  	_ =	sfence.sel $0xFFFF  }
0xbf: {  	[dreg:$0x0] =	wrdreg $0xFFFFFFFF;
	(pc) =	sbr.abs _section_cstart, $3  }
0xc0: {  	[dreg:$0x1] =	wrdreg $0xFFFFFFFF  }
0xc1: {  	_ =	task.clear_ibuf [dreg:s7], $0x2FFFF;
	_ =	strace $0x9FFFFFFF  }
0xc2: {  	(tm) =	ssettm $0x7FFFFFFF  }
0xc3: {  	_ =	shalt  }
tec
execute0_lowered:
.L_overlay_start_1:
0x0: {  	(tag) =	ssettag $0x1  }
0x1: {  	s4 =	rddreg [dreg:$0x0]  }
0x2: {  	s1 =	srdreg.scid;
	s0 =	stileid.u32  }
0x3: {  	s2 =	rddreg [dreg:$0x1];
	s3 =	simm.s32 $0x0;
	s12 =	simm.s32 $0x2500  }
0x4: {  	s13 =	simm.s32 $0x7500;
	s14 =	simm.s32 $0x9C80;
	s15 =	simm.s32 $0x0  }
0x5: {  	s5 =	sand.u32 $0x1, s1;
	s6 =	sshll.u32 s0, $0x1;
	s10 =	smul.u32 $0x2500, s0  }
0x6: {  	s1 =	rddreg [dreg:$0x2];
	s6 =	sor.u32 s5, s6;
	s31 =	smul.u32 $0x1280, s5  }
0x7: {  	[smem:$0x7FF] =	sst s3;
	s8 =	ssub.s32 $0x2, s5;
	s7 =	smul.u32 $0x1280, s6  }
0x8: {  	_ =	strace $0x8000004D;
	s6 =	smul.u32 $0x4E2, s6;
	s9 =	sshrl.u32 s8, $0x1  }
0x9: {  	s8 =	ssub.s32 s8, s9;
	s9 =	sadd.s32 s31, s10;
	s7 =	sshrl.u32 s7, $0x3  }
0xa: {  	s10 =	simm.s32 $0x1;
	s11 =	sadd.s32 s6, s4;
	s7 =	sadd.s32 s7, s4  }
0xb: {  	s8 =	smax.u32 s8, $0x1;
	s4 =	sadd.s32 $0x9E00, s7;
	s5 =	sadd.s32 $0x5400, s7  }
0xc: {  	v0 =	vimm.f32 $0.0e+00;
	s6 =	sadd.s32 $0x36800, s7;
	s7 =	sadd.s32 $0x3B200, s11;
	s11 =	simm.s32 $0x1280  }
.LBB2_1:
0xd: {  	[tilespmem:s3], [sflag:$0x1] =	stream.linear.gather [hbm4b:s4+s3], $0x1280, $0x38;
	[tilespmem:$0xAF00] =	vst v63  }
0xe: {  	_ =	swait.ge [sflag:s10], $0x1280  }
0xf: {  	[sflag:s10] =	ssyncset.done $0x0  }
0x10: {  	[sflag:s10] =	ssyncadd.s32 $0xFFFFED80  }
0x11: {  	[tilespmem:s11], [sflag:$0x1] =	stream.linear.gather [hbm4b:s5+s3], $0x1280, $0x38;
	[tilespmem:$0xAF00] =	vst v63  }
0x12: {  	_ =	swait.ge [sflag:s10], $0x1280  }
0x13: {  	[sflag:s10] =	ssyncset.done $0x0  }
0x14: {  	[sflag:s10] =	ssyncadd.s32 $0xFFFFED80  }
0x15: {  	[tilespmem:s12], [sflag:$0x1] =	stream.linear.gather [hbm4b:s2+s3], $0x5000, $0x38;
	[tilespmem:$0xAF00] =	vst v63  }
0x16: {  	_ =	swait.ge [sflag:s10], $0x5000  }
0x17: {  	[sflag:s10] =	ssyncset.done $0x0  }
0x18: {  	s16 =	simm.s32 $0x0;
	[sflag:s10] =	ssyncadd.s32 $0xFFFFB000  }
.LBB2_2:
0x19: {  	p0 =	sne.s32 s16, $0x9C00  }
.Ltmp0:
0x1a: {  	_ = 	snop;
	(pc) =	sbr.rel @p0 .LBB2_2-.Ltmp0, $3  }
0x1b: {  	_ =	sdelay $0x1  }
0x1c: {  	s17 =	sshra.s32 s16, $0x2  }
0x1d: {  	s16 =	sadd.s32 $0x40, s16;
	[tilespmem:s17+$0x7500] =	vst v0  }
0x1e: {  	s16 =	simm.s32 $0x0  }
0x1f: {  	v1 =	vld [tilespmem:s16+$0x0]  }
0x20: {  	v2 =	vld [tilespmem:s16+$0x1280];
	_ =	sdelay $0x4  }
0x21: {  	v1 =	vshll.u32 v1, $0x1;
	v3 =	vshll.u32 v2, $0x1  }
0x22: {  	v3 =	vor.u32 $0x1, v3;
	_ =	sdelay $0x3  }
0x23: {  	v1 =	vld.idx.msk [tilespmem:v1+s12+$0x0], $0xffff  }
0x24: {  	v3 =	vld.idx.msk [tilespmem:v3+s12+$0x0], $0xffff;
	_ =	sdelay $0x4  }
0x25: {  	v1 =	vadd.f32 v3, v1;
	_ =	sdelay $0x1  }
0x26: {  	p0 =	slt.u32 s9, $0x249F0;
	v1 =	vmax.f32 v1, $0.0e+00  }
0x27: {  	v1 =	vpsel !p0, $0x0, v1  }
0x28: {  	[tilespmem:s16+$0x9C80] =	vst v1  }
0x29: {  	s16 =	simm.s32 $0x10;
	[tilespmem:v2+s13+$0x0] =	vst.idx.add.f32.msk $0xffff, v1  }
0x2a: {  	v2 =	vld [tilespmem:s16+$0x0]  }
0x2b: {  	s18 =	simm.s32 $0x80;
	s17 =	smov.u32 s9;
	v1 =	vld [tilespmem:s16+$0x1280]  }
.LBB2_4:
0x2c: {  	p0 =	sne.s32 s18, $0x49C0;
	_ =	sdelay $0x3  }
0x2d: {  	v2 =	vshll.u32 v2, $0x1;
	v3 =	vshll.u32 v1, $0x1  }
0x2e: {  	v3 =	vor.u32 $0x1, v3;
	_ =	sdelay $0x3  }
0x2f: {  	v2 =	vld.idx.msk [tilespmem:v2+s12+$0x0], $0xffff  }
0x30: {  	v3 =	vld.idx.msk [tilespmem:v3+s12+$0x0], $0xffff;
	_ =	sdelay $0x5  }
0x31: {  	v2 =	vadd.f32 v3, v2  }
0x32: {  	s17 =	sadd.s32 $0x10, s17  }
0x33: {  	p1 =	slt.u32 s17, $0x249F0;
	v2 =	vmax.f32 v2, $0.0e+00  }
.Ltmp1:
0x34: {  	v2 =	vpsel !p1, $0x0, v2;
	(pc) =	sbr.rel @p0 .LBB2_4-.Ltmp1, $4  }
0x35: {  	[tilespmem:s16+$0x9C80] =	vst v2  }
0x36: {  	s16 =	sshra.s32 s18, $0x2;
	[tilespmem:v1+s13+$0x0] =	vst.idx.add.f32.msk $0xffff, v2  }
0x37: {  	v2 =	vld [tilespmem:s16+$0x0]  }
0x38: {  	s18 =	sadd.s32 $0x40, s18;
	v1 =	vld [tilespmem:s16+$0x1280]  }
0x39: {  	_ =	sdelay $0x3  }
0x3a: {  	v2 =	vshll.u32 v2, $0x1;
	v3 =	vshll.u32 v1, $0x1  }
0x3b: {  	v3 =	vor.u32 $0x1, v3;
	_ =	sdelay $0x3  }
0x3c: {  	v2 =	vld.idx.msk [tilespmem:v2+s12+$0x0], $0xffff  }
0x3d: {  	v3 =	vld.idx.msk [tilespmem:v3+s12+$0x0], $0xffff;
	_ =	sdelay $0x4  }
0x3e: {  	v2 =	vadd.f32 v3, v2  }
0x3f: {  	s17 =	sadd.s32 $0x10, s17  }
0x40: {  	p0 =	slt.u32 s17, $0x249F0;
	v2 =	vmax.f32 v2, $0.0e+00  }
0x41: {  	v2 =	vpsel !p0, $0x0, v2  }
0x42: {  	[tilespmem:s16+$0x9C80] =	vst v2  }
0x43: {  	[tilespmem:v1+s13+$0x0] =	vst.idx.add.f32.msk $0xffff, v2  }
0x44: {  	[hbm4b:s6+s3] =	stream.linear.scatter [tilespmem:s14], [sflag:$0x1], $0x1280, $0x38;
	[tilespmem:$0xAF00] =	vst v63  }
0x45: {  	s15 =	sadd.s32 $0x1, s15;
	_ =	swait.ge [sflag:s10], $0x1280  }
0x46: {  	p0 =	sne.s32 s15, s8;
	[sflag:s10] =	ssyncset.done $0x0  }
.Ltmp2:
0x47: {  	[sflag:s10] =	ssyncadd.s32 $0xFFFFED80;
	(pc) =	sbr.rel @p0 .LBB2_1-.Ltmp2, $4  }
0x48: {  	[hbm4b:s7+s3] =	stream.linear.scatter [tilespmem:s13], [sflag:$0x1], $0x2710, $0x38;
	[tilespmem:$0xAF00] =	vst v63  }
0x49: {  	_ =	swait.ge [sflag:s10], $0x2710  }
0x4a: {  	[sflag:s10] =	ssyncset.done $0x0  }
0x4b: {  	[sflag:s10] =	ssyncadd.s32 $0xFFFFD8F0  }
0x4c: {  	_ =	sfence.sel $0x180000  }
0x4d: {  	[bflag:$0x0] =	sbarrier.arrive $0xFFFF  }
0x4e: {  	p0 =	sne.s32 s0, $0x0;
	_ =	strace $0x9000004D  }
0x4f: {  	s0 =	sadd.s32 @!p0 $0x100000, s1;
	[bflag:$0x2] =	sbarrier.arrive $0xFFFF  }
0x50: {  	[sflag:s0] =	ssyncadd.tile.s32 @!p0 $0x1;
	_ =	shalt  }
.Lfunc_end2:
_tile_overlayer_lowered:
.L_overlay_start_2:
0x51: {  	(tag) =	ssettag $0x2  }
0x52: {  	s0 =	rddreg [dreg:$0x0];
	s2 =	stileid.u32  }
0x53: {  	s1 =	rddreg [dreg:$0x1];
	p0 =	sne.s32 s2, $0x0  }
0x54: {  	s3 =	rddreg [dreg:$0x2];
	[bflag:$0x3] =	sbarrier.arrive $0xFFFF;
	s2 =	simm.s32 @!p0 $0x1C01  }
0x55: {  	[timem:s3], [sflag:s2] =	dma.local @!p0 [hbm:s0], s1  }
0x56: {  	s0 =	simm.s32 @!p0 $0x1  }
0x57: {  	_ =	swait.ge @!p0 [sflag:s0], s1  }
0x58: {  	s1 =	ssub.s32 @!p0 $0x0, s1;
	[sflag:s0] =	ssyncset.done @!p0 $0x0  }
0x59: {  	[sflag:s0] =	ssyncadd.s32 @!p0 s1  }
0x5a: {  	[bflag:$0x3] =	sbarrier.arrive $0xFFFF  }
0x5b: {  	_ =	shalt  }

// kernel: sc_conv_col.3.cloned.1.call-start
scs
__scs_entry_jumppad:
0x0: {  	(pc) =	sbr.rel $0x88, $3  }
0x1: {  	(tag) =	ssettag $0x0;
	lr =	simm.s32 $0x1  }
0x2: {  	[smem:$0x3F8E] =	sst lr;
	_ =	strace $0xD0000000  }
0x3: {  	_ = 	snop  }
0x4: {  	_ = 	snop  }
0x5: {  	_ = 	snop  }
0x6: {  	_ = 	snop  }
0x7: {  	_ = 	snop  }
__scs_overlays_trampoline_lowered:
0x8: {  	[smem:$0x3F9D] =	sst s0  }
0x9: {  	[smem:$0x3F9E] =	sst s1  }
0xa: {  	[smem:$0x3F9F] =	sst s2  }
0xb: {  	[smem:$0x3FA0] =	sst s3  }
0xc: {  	[smem:$0x3FA1] =	sst s4  }
0xd: {  	[smem:$0x3FA2] =	sst s5  }
0xe: {  	[smem:$0x3FA3] =	sst s6  }
0xf: {  	[smem:$0x3FA4] =	sst s7  }
0x10: {  	[smem:$0x3FA5] =	sst s8  }
0x11: {  	[smem:$0x3FA6] =	sst s9;
	s0 =	simm.s32 @!p0 $0x0  }
0x12: {  	s1 =	sld [smem:$0x3F8C];
	s0 =	simm.s32 @p0 $0x1  }
0x13: {  	[smem:$0x3FA7] =	sst s0;
	s0 =	simm.s32 @!p1 $0x0  }
0x14: {  	s2 =	sld [smem:$0x3F8B];
	s0 =	simm.s32 @p1 $0x1  }
0x15: {  	[smem:$0x3FA8] =	sst s0;
	s0 =	simm.s32 @!p2 $0x0  }
0x16: {  	s3 =	sld [smem:$0x3FDB];
	s0 =	simm.s32 @p2 $0x1  }
0x17: {  	s4 =	simm.s32 $0x1BF5;
	[smem:$0x3FAA] =	sst s0  }
0x18: {  	s0 =	sld [smem:$0x3F8D];
	_ =	swait.ge [sflag:s4], $0x0  }
0x19: {  	s7 =	sld [smem:$0x3F8E]  }
0x1a: {  	s8 =	sadd.s32 $0xFFFFE003, lr  }
0x1b: {  	s9 =	sadd.s32 $0xFFFFFEF7, lr;
	s5 =	simm.s32 $0xFFFFFFFF;
	p2 =	slt.u32 s8, $0xFFFFF086  }
0x1c: {  	p1 =	slt.u32 s9, $0xF7A;
	s5 =	simm.s32 @!p2 $0x0  }
0x1d: {  	s5 =	simm.s32 @p1 $0x1;
	p0 =	seq.s32 s7, s2  }
0x1e: {  	s7 =	smul.u32 @!p0 $0xF7A, s2;
	p2 =	seq.s32 @!p0 s5, $0x0  }
0x1f: {  	s9 =	smul.u32 $0xF7A, s1;
	s8 =	simm.s32 @!p0 $0x1BF5;
	p2 =	por !p2, p0  }
0x20: {  	[sflag:s8] =	ssyncset.s32 @!p0 $0xFFFFF086;
	s6 =	sadd.s32 @!p0 s3, s7;
	s7 =	simm.s32 @!p0 $0x108  }
0x21: {  	s3 =	sadd.s32 s3, s9;
	s6 =	sadd.s32 @!p0 $0x88, s6;
	s7 =	simm.s32 @p2 $0x1082  }
0x22: {  	[simem:s7], [sflag:s8] =	dma.local @!p0 [hbm:s6], $0xF7A  }
0x23: {  	s9 =	sor.u32 $0xD0000000, s2;
	s6 =	simm.s32 $0x108;
	_ =	swait.ge @!p0 [sflag:s8], $0x0  }
0x24: {  	s3 =	sadd.s32 $0x88, s3;
	s6 =	simm.s32 @!p1 $0x1082;
	[sflag:s4] =	ssyncset.s32 $0xFFFFF086  }
0x25: {  	[simem:s6], [sflag:s4] =	dma.local [hbm:s3], $0xF7A  }
0x26: {  	[smem:$0x3F8E] =	sst s1;
	(tag) =	ssettag s2;
	_ =	strace s9  }
0x27: {  	s1 =	sld [smem:$0x3F9E]  }
0x28: {  	s2 =	sld [smem:$0x3F9F]  }
0x29: {  	s4 =	sld [smem:$0x3FA1]  }
0x2a: {  	p0 =	seq.s32 s5, $0x0;
	s5 =	sld [smem:$0x3FA2]  }
0x2b: {  	s6 =	sld [smem:$0x3FA3]  }
0x2c: {  	s7 =	sld [smem:$0x3FA4]  }
0x2d: {  	s3 =	simm.s32 $0x108;
	s8 =	sld [smem:$0x3FA5]  }
0x2e: {  	s3 =	simm.s32 @!p0 $0x1082;
	s9 =	sld [smem:$0x3FA6]  }
0x2f: {  	lr =	sadd.s32 s0, s3;
	s0 =	sld [smem:$0x3F9D]  }
0x30: {  	s3 =	sld [smem:$0x3FA0]  }
0x31: {  	[smem:$0x3FA9] =	sst s10  }
0x32: {  	s10 =	sld [smem:$0x3FA7];
	_ =	sdelay $0x3  }
0x33: {  	p0 =	seq.s32 s10, $0x1;
	s10 =	sld [smem:$0x3FA9];
	_ =	sdelay $0x3  }
0x34: {  	[smem:$0x3FA9] =	sst s10  }
0x35: {  	s10 =	sld [smem:$0x3FA8];
	_ =	sdelay $0x3  }
0x36: {  	p1 =	seq.s32 s10, $0x1;
	s10 =	sld [smem:$0x3FA9];
	_ =	sdelay $0x3  }
0x37: {  	[smem:$0x3FA9] =	sst s10  }
0x38: {  	s10 =	sld [smem:$0x3FAA]  }
0x39: {  	_ = 	snop;
	(pc) =	sbr.ind lr, $3  }
0x3a: {  	_ = 	snop  }
0x3b: {  	_ = 	snop  }
0x3c: {  	p2 =	seq.s32 s10, $0x1;
	s10 =	sld [smem:$0x3FA9]  }
0x3d: {  	_ =	shalt  }
0x3e: {  	_ =	shalt  }
0x3f: {  	_ =	shalt  }
0x40: {  	_ =	shalt  }
0x41: {  	_ =	shalt  }
0x42: {  	_ =	shalt  }
0x43: {  	_ =	shalt  }
0x44: {  	_ =	shalt  }
0x45: {  	_ =	shalt  }
0x46: {  	_ =	shalt  }
0x47: {  	_ =	shalt  }
0x48: {  	_ =	shalt  }
0x49: {  	_ =	shalt  }
0x4a: {  	_ =	shalt  }
0x4b: {  	_ =	shalt  }
0x4c: {  	_ =	shalt  }
0x4d: {  	_ =	shalt  }
0x4e: {  	_ =	shalt  }
0x4f: {  	_ =	shalt  }
0x50: {  	_ =	shalt  }
0x51: {  	_ =	shalt  }
0x52: {  	_ =	shalt  }
0x53: {  	_ =	shalt  }
0x54: {  	_ =	shalt  }
0x55: {  	_ =	shalt  }
0x56: {  	_ =	shalt  }
0x57: {  	_ =	shalt  }
0x58: {  	_ =	shalt  }
0x59: {  	_ =	shalt  }
0x5a: {  	_ =	shalt  }
0x5b: {  	_ =	shalt  }
0x5c: {  	_ =	shalt  }
0x5d: {  	_ =	shalt  }
0x5e: {  	_ =	shalt  }
0x5f: {  	_ =	shalt  }
0x60: {  	_ =	shalt  }
0x61: {  	_ =	shalt  }
0x62: {  	_ =	shalt  }
0x63: {  	_ =	shalt  }
0x64: {  	_ =	shalt  }
0x65: {  	_ =	shalt  }
0x66: {  	_ =	shalt  }
0x67: {  	_ =	shalt  }
0x68: {  	_ =	shalt  }
0x69: {  	_ =	shalt  }
0x6a: {  	_ =	shalt  }
0x6b: {  	_ =	shalt  }
0x6c: {  	_ =	shalt  }
0x6d: {  	_ =	shalt  }
0x6e: {  	_ =	shalt  }
0x6f: {  	_ =	shalt  }
0x70: {  	_ =	shalt  }
0x71: {  	_ =	shalt  }
0x72: {  	_ =	shalt  }
0x73: {  	_ =	shalt  }
0x74: {  	_ =	shalt  }
0x75: {  	_ =	shalt  }
0x76: {  	_ =	shalt  }
0x77: {  	_ =	shalt  }
0x78: {  	_ =	shalt  }
0x79: {  	_ =	shalt  }
0x7a: {  	_ =	shalt  }
0x7b: {  	_ =	shalt  }
0x7c: {  	_ =	shalt  }
0x7d: {  	_ =	shalt  }
0x7e: {  	_ =	shalt  }
0x7f: {  	_ =	shalt  }
0x80: {  	_ =	shalt  }
0x81: {  	_ =	shalt  }
0x82: {  	_ =	shalt  }
0x83: {  	_ =	shalt  }
0x84: {  	_ =	shalt  }
0x85: {  	_ =	shalt  }
0x86: {  	_ =	shalt  }
0x87: {  	_ =	shalt  }
.Lfunc_end0:
.L_simem_size_0:
called_computation.1_lowered:
.L_overlay_start_0:
0x88: {  	s2 =	sld [smem:$0x3FD9]  }
0x89: {  	s3 =	sld [smem:$0x3FFE];
	_ =	sdelay $0x1  }
0x8a: {  	s1 =	srdreg.scid  }
0x8b: {  	s0 =	sand.u32 $0x1, s1  }
0x8c: {  	s17 =	sshll.u32 s0, $0xA;
	s2 =	sadd.s32 s3, s2  }
0x8d: {  	s2 =	sadd.s32 s2, s17  }
0x8e: {  	[smem:$0x3FB5] =	sst s2  }
0x8f: {  	_ = 	snop  }
0x90: {  	s2 =	sld [smem:$0x3FD0];
	(tm) =	ssettm $0x1  }
0x91: {  	s18 =	sld [smem:$0x3FFB];
	_ =	sdelay $0x3  }
0x92: {  	_ =	strace s18  }
0x93: {  	s3 =	sld [smem:$0x3FFC];
	_ =	sdelay $0x3  }
0x94: {  	_ =	strace s3  }
0x95: {  	s3 =	sld [smem:$0x3FFD];
	_ =	sdelay $0x3  }
0x96: {  	_ =	strace s3  }
0x97: {  	_ =	strace $0x8FFFFFFF  }
0x98: {  	s19 =	sld [smem:$0x3FDB];
	_ =	sdelay $0x1  }
0x99: {  	s4 =	simm.s32 $_scs_section_size  }
0x9a: {  	s5 =	simm.s32 $_size__tile_overlayer_lowered;
	s6 =	simm.s32 $_tile_overlayer_lowered  }
0x9b: {  	s22 =	simm.s32 $0x1BFF;
	s21 =	sshll.u32 s6, $0x1;
	s3 =	sadd.s32 s4, s19  }
0x9c: {  	s7 =	simm.s32 $0x0;
	s20 =	sshll.u32 s5, $0x1;
	s5 =	sadd.s32 s21, s3  }
0x9d: {  	[timem:s7], [sflag:s22] =	dma.local [hbm:s5], s20  }
0x9e: {  	_ =	swait.ge [sflag:s22], s20  }
0x9f: {  	s4 =	ssub.s32 $0x0, s20;
	[sflag:s22] =	ssyncset.done $0x0  }
0xa0: {  	[sflag:s22] =	ssyncadd.s32 s4;
	_ =	sdelay $0x1  }
0xa1: {  	s23 =	simm.s32 $0x1B8B  }
0xa2: {  	_ =	swait.ge [sflag:s23], $0x1  }
0xa3: {  	[sflag:s23] =	ssyncset.done $0x0  }
0xa4: {  	s25 =	simm.s32 $0x1B8E;
	s24 =	sld [smem:$0x3FFE];
	[sflag:s23] =	ssyncadd.s32 $0xFFFFFFFF  }
0xa5: {  	s26 =	simm.s32 $execute0_lowered;
	[smem:$0x3FD2] =	sst s25  }
0xa6: {  	s5 =	sshll.u32 s26, $0x1;
	_ =	strace $0x80000049;
	[dreg:$0x1] =	wrdreg $0xFFFFFFFF  }
0xa7: {  	s28 =	simm.s32 $_size_execute0_lowered;
	s3 =	sadd.s32 s3, s5;
	[dreg:$0x0] =	wrdreg $0x0  }
0xa8: {  	s5 =	sshll.u32 s28, $0x1;
	[dreg:$0x2] =	wrdreg s3  }
0xa9: {  	[dreg:$0x3] =	wrdreg s5  }
0xaa: {  	[dreg:$0x4] =	wrdreg $0xC0  }
0xab: {  	_ =	task [dreg:s7], $0x5FFFF  }
0xac: {  	[dreg:$0x1] =	wrdreg $0xFFFFFFFF  }
0xad: {  	[dreg:$0x0] =	wrdreg $0x60  }
0xae: {  	[dreg:$0x2] =	wrdreg s24  }
0xaf: {  	[dreg:$0x3] =	wrdreg s2  }
0xb0: {  	[dreg:$0x4] =	wrdreg $0xAD800  }
0xb1: {  	[dreg:$0x5] =	wrdreg $0x9  }
0xb2: {  	_ =	task.clear_ibuf [dreg:s7], $0x6FFFF;
	_ =	strace $0x90000049  }
0xb3: {  	s29 =	simm.s32 $0x9;
	_ =	strace $0x8000004B  }
0xb4: {  	_ =	swait.ge [sflag:s29], $0x1  }
0xb5: {  	[sflag:s29] =	ssyncadd.s32 $0xFFFFFFFF  }
0xb6: {  	_ =	strace $0x9000004B  }
0xb7: {  	_ =	sfence  }
0xb8: {  	s30 =	sld [smem:$0x0];
	_ =	sdelay $0x2  }
0xb9: {  	s31 =	sshll.u32 s1, $0xD;
	s1 =	sshrl.u32 s1, $0x2  }
0xba: {  	s3 =	sand.u32 $0x4000, s31;
	s1 =	sadd.s32 s1, s30  }
0xbb: {  	s0 =	sor.u32 s3, s0;
	s1 =	sshll.u32 s1, $0x11  }
0xbc: {  	s0 =	sor.u32 s1, s0  }
0xbd: {  	s0 =	sadd.s32 $0x8F2B, s0  }
0xbe: {  	[sflag:s0] =	ssyncadd.remote.s32 $0x1  }
0xbf: {  	_ =	sfence.sel $0xFFFF  }
0xc0: {  	[dreg:$0x0] =	wrdreg $0xFFFFFFFF;
	(pc) =	sbr.abs _section_cstart, $3  }
0xc1: {  	[dreg:$0x1] =	wrdreg $0xFFFFFFFF  }
0xc2: {  	_ =	task.clear_ibuf [dreg:s7], $0x2FFFF;
	_ =	strace $0x9FFFFFFF  }
0xc3: {  	(tm) =	ssettm $0x7FFFFFFF  }
tec
execute0_lowered:
.L_overlay_start_1:
0x0: {  	(tag) =	ssettag $0x1  }
0x1: {  	s0 =	rddreg [dreg:$0x0]  }
0x2: {  	s2 =	rddreg [dreg:$0x2]  }
0x3: {  	s1 =	srdreg.scid;
	s4 =	simm.s32 $0x0;
	s9 =	stileid.u32  }
0x4: {  	s28 =	simm.s32 $0x6D80;
	s29 =	simm.s32 $0x1;
	s30 =	simm.s32 $0x2C80  }
0x5: {  	s31 =	simm.s32 $0x2A80;
	s14 =	simm.s32 $0x3;
	s3 =	smul.u32 $0x280, s9  }
0x6: {  	s15 =	simm.s32 $0x4;
	s16 =	simm.s32 $0x0;
	s7 =	smul.u32 $0x50000, s9  }
0x7: {  	s1 =	sand.u32 $0x1, s1;
	[smem:$0x7FF] =	sst s4;
	s9 =	smul.u32 $0x2500, s9  }
0x8: {  	s5 =	sadd.s32 $0xE800, s0;
	s6 =	sadd.s32 $0x1D000, s0;
	s8 =	smul.u32 $0x2800, s1  }
0x9: {  	_ =	strace $0x8000004A;
	s1 =	ssub.s32 $0x2, s1;
	s7 =	sshrl.u32 s7, $0x2  }
0xa: {  	s20 =	sshrl.u32 s1, $0x1;
	s13 =	sor.u32 $0x80, s9;
	s18 =	sadd.s32 s7, s2  }
0xb: {  	s3 =	sadd.s32 s3, s8;
	s1 =	ssub.s32 s1, s20;
	s21 =	sadd.s32 $0x10000, s18  }
0xc: {  	s20 =	simm.s32 $0x5;
	s26 =	smax.u32 s1, $0x1;
	[dreg:$0x6] =	wrdreg s21  }
0xd: {  	s3 =	sshll.u32 s3, $0x4;
	s17 =	sadd.s32 $0x8000, s18;
	[dreg:$0xc] =	wrdreg s26  }
0xe: {  	s19 =	sadd.s32 $0xC000, s18;
	s0 =	sadd.s32 s3, s0;
	[dreg:$0x4] =	wrdreg s17  }
0xf: {  	s11 =	sadd.s32 $0x4000, s18;
	[dreg:$0x5] =	wrdreg s19;
	s22 =	sadd.s32 $0x6D000, s0  }
0x10: {  	s1 =	simm.s32 $0x2B00;
	s23 =	sadd.s32 $0x6D800, s0;
	[dreg:$0x7] =	wrdreg s22  }
0x11: {  	s21 =	simm.s32 $0x2D80;
	s24 =	sadd.s32 $0x6E000, s0;
	[dreg:$0x8] =	wrdreg s23  }
0x12: {  	s26 =	simm.s32 $0x2C00;
	s25 =	sadd.s32 $0x6E800, s0;
	[dreg:$0x9] =	wrdreg s24  }
0x13: {  	s3 =	simm.s32 $0x2D00;
	s0 =	sadd.s32 $0x6F000, s0;
	[dreg:$0xa] =	wrdreg s25  }
0x14: {  	[dreg:$0xb] =	wrdreg s0;
	s22 =	simm.s32 $0x2780;
	s23 =	simm.s32 $0x80  }
0x15: {  	v1 =	vimm.f32 $0.0e+00;
	v0 =	vmov s8;
	s24 =	simm.s32 $0x2B80;
	s25 =	simm.s32 $0x2900;
	s0 =	simm.s32 $0x2  }
.LBB2_1:
0x16: {  	s8 =	rddreg [dreg:$0x1]  }
0x17: {  	[tilespmem:s4], [sflag:$0x5] =	stream.linear.gather [hbm4b:s8+s4], $0x2780, $0x38;
	[tilespmem:$0x1ED80] =	vst v63  }
0x18: {  	_ =	swait.ge [sflag:s20], $0x2780  }
0x19: {  	[sflag:s20] =	ssyncset.done $0x0  }
0x1a: {  	s10 =	simm.s32 $0x200;
	s8 =	simm.s32 $0x0;
	[sflag:s20] =	ssyncadd.s32 $0xFFFFD880  }
.LBB2_2:
0x1b: {  	p0 =	sne.s32 s10, $0xFE00;
	[tilespmem:s8+$0x2DF0] =	vst v1  }
0x1c: {  	[tilespmem:s8+$0x2D80] =	vst v1  }
0x1d: {  	[tilespmem:s8+$0x2D90] =	vst v1  }
.Ltmp0:
0x1e: {  	[tilespmem:s8+$0x2DA0] =	vst v1;
	(pc) =	sbr.rel @p0 .LBB2_2-.Ltmp0, $4  }
0x1f: {  	[tilespmem:s8+$0x2DB0] =	vst v1  }
0x20: {  	[tilespmem:s8+$0x2DC0] =	vst v1  }
0x21: {  	[tilespmem:s8+$0x2DD0] =	vst v1  }
0x22: {  	[tilespmem:s8+$0x2DE0] =	vst v1;
	s8 =	sshra.s32 s10, $0x2;
	s10 =	sadd.s32 $0x200, s10  }
0x23: {  	[tilespmem:s8+$0x2DF0] =	vst v1  }
0x24: {  	[tilespmem:s8+$0x2D80] =	vst v1  }
0x25: {  	[tilespmem:s8+$0x2D90] =	vst v1  }
0x26: {  	[tilespmem:s8+$0x2DA0] =	vst v1  }
0x27: {  	[tilespmem:s8+$0x2DB0] =	vst v1  }
0x28: {  	[tilespmem:s8+$0x2DC0] =	vst v1  }
0x29: {  	[tilespmem:s8+$0x2DD0] =	vst v1  }
0x2a: {  	[tilespmem:s8+$0x2DE0] =	vst v1  }
0x2b: {  	[spmem:s18] =	stream.linear.scatter [tilespmem:s21], [sflag:$0x5], $0x4000, $0x38;
	[tilespmem:$0x1ED80] =	vst v63  }
0x2c: {  	_ =	swait.ge [sflag:s20], $0x4000  }
0x2d: {  	[sflag:s20] =	ssyncset.done $0x0  }
0x2e: {  	[sflag:s20] =	ssyncadd.s32 $0xFFFFC000  }
0x2f: {  	[spmem:s11] =	stream.linear.scatter [tilespmem:s21], [sflag:$0x5], $0x4000, $0x38;
	[tilespmem:$0x1ED80] =	vst v63  }
0x30: {  	_ =	swait.ge [sflag:s20], $0x4000  }
0x31: {  	[sflag:s20] =	ssyncset.done $0x0  }
0x32: {  	[sflag:s20] =	ssyncadd.s32 $0xFFFFC000  }
0x33: {  	[spmem:s17] =	stream.linear.scatter [tilespmem:s21], [sflag:$0x5], $0x4000, $0x38;
	[tilespmem:$0x1ED80] =	vst v63  }
0x34: {  	_ =	swait.ge [sflag:s20], $0x4000  }
0x35: {  	[sflag:s20] =	ssyncset.done $0x0  }
0x36: {  	[sflag:s20] =	ssyncadd.s32 $0xFFFFC000  }
0x37: {  	[spmem:s19] =	stream.linear.scatter [tilespmem:s21], [sflag:$0x5], $0x4000, $0x38;
	[tilespmem:$0x1ED80] =	vst v63  }
0x38: {  	_ =	swait.ge [sflag:s20], $0x4000  }
0x39: {  	[sflag:s20] =	ssyncset.done $0x0  }
0x3a: {  	s19 =	rddreg [dreg:$0x6];
	[sflag:s20] =	ssyncadd.s32 $0xFFFFC000  }
0x3b: {  	[spmem:s19] =	stream.linear.scatter [tilespmem:s21], [sflag:$0x5], $0x4000, $0x38;
	[tilespmem:$0x1ED80] =	vst v63  }
0x3c: {  	_ =	swait.ge [sflag:s20], $0x4000  }
0x3d: {  	[sflag:s20] =	ssyncset.done $0x0  }
0x3e: {  	s7 =	smov.u32 s18;
	s12 =	smov.u32 s11;
	[sflag:s20] =	ssyncadd.s32 $0xFFFFC000  }
0x3f: {  	s18 =	simm.s32 $0x0;
	s17 =	simm.s32 $0x0;
	[bflag:$0x0] =	sbarrier.arrive $0xFFFF  }
.LBB2_4:
0x40: {  	s19 =	sshll.u32 s18, $0x8  }
0x41: {  	s8 =	sadd.s32 s9, s19  }
0x42: {  	s8 =	smul.u32 $0x3, s8;
	_ =	sdelay $0x1  }
0x43: {  	s8 =	sshrl.u32 s8, $0x3  }
0x44: {  	s8 =	sadd.s32 s5, s8  }
0x45: {  	[tilespmem:s22], [sflag:$0x5] =	stream.linear.gather [hbm4b:s8+s17], $0x180, $0x38;
	[tilespmem:$0x1ED80] =	vst v63  }
0x46: {  	_ =	swait.ge [sflag:s20], $0x180  }
0x47: {  	[sflag:s20] =	ssyncset.done $0x0  }
0x48: {  	[sflag:s20] =	ssyncadd.s32 $0xFFFFFE80  }
0x49: {  	v2 =	vld [tilespmem:$0x2780]  }
0x4a: {  	v3 =	vld [tilespmem:$0x2800];
	_ =	sdelay $0x4  }
0x4b: {  	v4 =	vadd.s32 v0, v2;
	[tilespmem:$0x2A80] =	vst v3  }
0x4c: {  	[tilespmem:$0x2B80] =	vst v4;
	v4 =	vld [tilespmem:$0x2880]  }
0x4d: {  	v2 =	vld.idx.msk [tilespmem:v2+s17+$0x0], $0xffff;
	_ =	sdelay $0x1  }
0x4e: {  	v3 =	vld.idx.msk [tilespmem:v3+s17+$0x0], $0xffff;
	_ =	sdelay $0x1  }
0x4f: {  	v5 =	vld [tilespmem:$0x2790]  }
0x50: {  	v2 =	vmul.f32 v2, v4  }
0x51: {  	v4 =	vld [tilespmem:$0x2810]  }
0x52: {  	v2 =	vmul.f32 v3, v2;
	_ =	sdelay $0x1  }
0x53: {  	[tilespmem:$0x2C80] =	vst v2;
	v2 =	vadd.s32 v0, v5  }
0x54: {  	[tilespmem:$0x2B90] =	vst v2  }
0x55: {  	v2 =	vld [tilespmem:$0x2890];
	[tilespmem:$0x2A90] =	vst v4  }
0x56: {  	v3 =	vld.idx.msk [tilespmem:v5+s17+$0x0], $0xffff;
	_ =	sdelay $0x1  }
0x57: {  	v4 =	vld.idx.msk [tilespmem:v4+s17+$0x0], $0xffff;
	_ =	sdelay $0x1  }
0x58: {  	v5 =	vld [tilespmem:$0x27A0]  }
0x59: {  	v2 =	vmul.f32 v3, v2  }
0x5a: {  	v3 =	vld [tilespmem:$0x2820]  }
0x5b: {  	v2 =	vmul.f32 v4, v2;
	_ =	sdelay $0x1  }
0x5c: {  	[tilespmem:$0x2C90] =	vst v2;
	v2 =	vadd.s32 v0, v5  }
0x5d: {  	[tilespmem:$0x2BA0] =	vst v2  }
0x5e: {  	v2 =	vld [tilespmem:$0x28A0];
	[tilespmem:$0x2AA0] =	vst v3  }
0x5f: {  	v4 =	vld.idx.msk [tilespmem:v5+s17+$0x0], $0xffff;
	_ =	sdelay $0x1  }
0x60: {  	v3 =	vld.idx.msk [tilespmem:v3+s17+$0x0], $0xffff;
	_ =	sdelay $0x1  }
0x61: {  	v5 =	vld [tilespmem:$0x27B0]  }
0x62: {  	v2 =	vmul.f32 v4, v2  }
0x63: {  	v4 =	vld [tilespmem:$0x2830]  }
0x64: {  	v2 =	vmul.f32 v3, v2;
	_ =	sdelay $0x1  }
0x65: {  	[tilespmem:$0x2CA0] =	vst v2;
	v2 =	vadd.s32 v0, v5  }
0x66: {  	[tilespmem:$0x2BB0] =	vst v2  }
0x67: {  	v2 =	vld [tilespmem:$0x28B0];
	[tilespmem:$0x2AB0] =	vst v4  }
0x68: {  	v3 =	vld.idx.msk [tilespmem:v5+s17+$0x0], $0xffff;
	_ =	sdelay $0x1  }
0x69: {  	v4 =	vld.idx.msk [tilespmem:v4+s17+$0x0], $0xffff;
	_ =	sdelay $0x1  }
0x6a: {  	v5 =	vld [tilespmem:$0x27C0]  }
0x6b: {  	v2 =	vmul.f32 v3, v2  }
0x6c: {  	v3 =	vld [tilespmem:$0x2840]  }
0x6d: {  	v2 =	vmul.f32 v4, v2;
	_ =	sdelay $0x1  }
0x6e: {  	[tilespmem:$0x2CB0] =	vst v2;
	v2 =	vadd.s32 v0, v5  }
0x6f: {  	[tilespmem:$0x2BC0] =	vst v2  }
0x70: {  	v2 =	vld [tilespmem:$0x28C0];
	[tilespmem:$0x2AC0] =	vst v3  }
0x71: {  	v4 =	vld.idx.msk [tilespmem:v5+s17+$0x0], $0xffff;
	_ =	sdelay $0x1  }
0x72: {  	v3 =	vld.idx.msk [tilespmem:v3+s17+$0x0], $0xffff;
	_ =	sdelay $0x1  }
0x73: {  	v5 =	vld [tilespmem:$0x27D0]  }
0x74: {  	v2 =	vmul.f32 v4, v2  }
0x75: {  	v4 =	vld [tilespmem:$0x2850]  }
0x76: {  	v2 =	vmul.f32 v3, v2;
	_ =	sdelay $0x1  }
0x77: {  	[tilespmem:$0x2CC0] =	vst v2;
	v2 =	vadd.s32 v0, v5  }
0x78: {  	[tilespmem:$0x2BD0] =	vst v2  }
0x79: {  	v2 =	vld [tilespmem:$0x28D0];
	[tilespmem:$0x2AD0] =	vst v4  }
0x7a: {  	v3 =	vld.idx.msk [tilespmem:v5+s17+$0x0], $0xffff;
	_ =	sdelay $0x1  }
0x7b: {  	v4 =	vld.idx.msk [tilespmem:v4+s17+$0x0], $0xffff;
	_ =	sdelay $0x1  }
0x7c: {  	v5 =	vld [tilespmem:$0x27E0]  }
0x7d: {  	v2 =	vmul.f32 v3, v2  }
0x7e: {  	v3 =	vld [tilespmem:$0x2860]  }
0x7f: {  	v2 =	vmul.f32 v4, v2;
	_ =	sdelay $0x1  }
0x80: {  	[tilespmem:$0x2CD0] =	vst v2;
	v2 =	vadd.s32 v0, v5  }
0x81: {  	[tilespmem:$0x2BE0] =	vst v2  }
0x82: {  	v2 =	vld [tilespmem:$0x28E0];
	[tilespmem:$0x2AE0] =	vst v3  }
0x83: {  	v4 =	vld.idx.msk [tilespmem:v5+s17+$0x0], $0xffff;
	_ =	sdelay $0x1  }
0x84: {  	v3 =	vld.idx.msk [tilespmem:v3+s17+$0x0], $0xffff;
	_ =	sdelay $0x1  }
0x85: {  	v5 =	vld [tilespmem:$0x27F0]  }
0x86: {  	v2 =	vmul.f32 v4, v2  }
0x87: {  	v4 =	vld [tilespmem:$0x2870]  }
0x88: {  	v2 =	vmul.f32 v3, v2;
	_ =	sdelay $0x1  }
0x89: {  	[tilespmem:$0x2CE0] =	vst v2;
	v2 =	vadd.s32 v0, v5  }
0x8a: {  	[tilespmem:$0x2BF0] =	vst v2  }
0x8b: {  	v2 =	vld [tilespmem:$0x28F0];
	[tilespmem:$0x2AF0] =	vst v4  }
0x8c: {  	v3 =	vld.idx.msk [tilespmem:v5+s17+$0x0], $0xffff;
	_ =	sdelay $0x1  }
0x8d: {  	v4 =	vld.idx.msk [tilespmem:v4+s17+$0x0], $0xffff;
	_ =	sdelay $0x2  }
0x8e: {  	v2 =	vmul.f32 v3, v2  }
0x8f: {  	s19 =	sadd.s32 s19, s13  }
0x90: {  	s8 =	smul.u32 $0x3, s19;
	v2 =	vmul.f32 v4, v2;
	_ =	sdelay $0x1  }
0x91: {  	s8 =	sshrl.u32 s8, $0x3;
	[tilespmem:$0x2CF0] =	vst v2  }
0x92: {  	[tilespmem:s21], [sflag:$0x1] =	stream.indirect.gather [hbm4b:s6+s23], $0x80, s24, s23, $0xb8;
	[tilespmem:$0x1ED80] =	vst v63  }
0x93: {  	s8 =	sadd.s32 s5, s8  }
0x94: {  	[tilespmem:s25], [sflag:$0x5] =	stream.linear.gather [hbm4b:s8+s17], $0x180, $0x38;
	[tilespmem:$0x1ED80] =	vst v63  }
0x95: {  	_ =	swait.ge [sflag:s20], $0x180  }
0x96: {  	[sflag:s20] =	ssyncset.done $0x0  }
0x97: {  	[sflag:s20] =	ssyncadd.s32 $0xFFFFFE80  }
0x98: {  	v2 =	vld [tilespmem:$0x2900]  }
0x99: {  	v3 =	vld [tilespmem:$0x2980];
	_ =	sdelay $0x4  }
0x9a: {  	v4 =	vadd.s32 v0, v2;
	[tilespmem:$0x2B00] =	vst v3  }
0x9b: {  	[tilespmem:$0x2C00] =	vst v4;
	v4 =	vld [tilespmem:$0x2A00]  }
0x9c: {  	v2 =	vld.idx.msk [tilespmem:v2+s17+$0x0], $0xffff;
	_ =	sdelay $0x1  }
0x9d: {  	v3 =	vld.idx.msk [tilespmem:v3+s17+$0x0], $0xffff;
	_ =	sdelay $0x1  }
0x9e: {  	v5 =	vld [tilespmem:$0x2910]  }
0x9f: {  	v2 =	vmul.f32 v2, v4  }
0xa0: {  	v4 =	vld [tilespmem:$0x2990]  }
0xa1: {  	v2 =	vmul.f32 v3, v2;
	_ =	sdelay $0x1  }
0xa2: {  	[tilespmem:$0x2D00] =	vst v2;
	v2 =	vadd.s32 v0, v5  }
0xa3: {  	[tilespmem:$0x2C10] =	vst v2  }
0xa4: {  	v2 =	vld [tilespmem:$0x2A10];
	[tilespmem:$0x2B10] =	vst v4  }
0xa5: {  	v3 =	vld.idx.msk [tilespmem:v5+s17+$0x0], $0xffff;
	_ =	sdelay $0x1  }
0xa6: {  	v4 =	vld.idx.msk [tilespmem:v4+s17+$0x0], $0xffff;
	_ =	sdelay $0x1  }
0xa7: {  	v5 =	vld [tilespmem:$0x2920]  }
0xa8: {  	v2 =	vmul.f32 v3, v2  }
0xa9: {  	v3 =	vld [tilespmem:$0x29A0]  }
0xaa: {  	v2 =	vmul.f32 v4, v2;
	_ =	sdelay $0x1  }
0xab: {  	[tilespmem:$0x2D10] =	vst v2;
	v2 =	vadd.s32 v0, v5  }
0xac: {  	[tilespmem:$0x2C20] =	vst v2  }
0xad: {  	v2 =	vld [tilespmem:$0x2A20];
	[tilespmem:$0x2B20] =	vst v3  }
0xae: {  	v4 =	vld.idx.msk [tilespmem:v5+s17+$0x0], $0xffff;
	_ =	sdelay $0x1  }
0xaf: {  	v3 =	vld.idx.msk [tilespmem:v3+s17+$0x0], $0xffff;
	_ =	sdelay $0x1  }
0xb0: {  	v5 =	vld [tilespmem:$0x2930]  }
0xb1: {  	v2 =	vmul.f32 v4, v2  }
0xb2: {  	v4 =	vld [tilespmem:$0x29B0]  }
0xb3: {  	v2 =	vmul.f32 v3, v2;
	_ =	sdelay $0x1  }
0xb4: {  	[tilespmem:$0x2D20] =	vst v2;
	v2 =	vadd.s32 v0, v5  }
0xb5: {  	[tilespmem:$0x2C30] =	vst v2  }
0xb6: {  	v2 =	vld [tilespmem:$0x2A30];
	[tilespmem:$0x2B30] =	vst v4  }
0xb7: {  	v3 =	vld.idx.msk [tilespmem:v5+s17+$0x0], $0xffff;
	_ =	sdelay $0x1  }
0xb8: {  	v4 =	vld.idx.msk [tilespmem:v4+s17+$0x0], $0xffff;
	_ =	sdelay $0x1  }
0xb9: {  	v5 =	vld [tilespmem:$0x2940]  }
0xba: {  	v2 =	vmul.f32 v3, v2  }
0xbb: {  	v3 =	vld [tilespmem:$0x29C0]  }
0xbc: {  	v2 =	vmul.f32 v4, v2;
	_ =	sdelay $0x1  }
0xbd: {  	[tilespmem:$0x2D30] =	vst v2;
	v2 =	vadd.s32 v0, v5  }
0xbe: {  	[tilespmem:$0x2C40] =	vst v2  }
0xbf: {  	v2 =	vld [tilespmem:$0x2A40];
	[tilespmem:$0x2B40] =	vst v3  }
0xc0: {  	v4 =	vld.idx.msk [tilespmem:v5+s17+$0x0], $0xffff;
	_ =	sdelay $0x1  }
0xc1: {  	v3 =	vld.idx.msk [tilespmem:v3+s17+$0x0], $0xffff;
	_ =	sdelay $0x1  }
0xc2: {  	v5 =	vld [tilespmem:$0x2950]  }
0xc3: {  	v2 =	vmul.f32 v4, v2  }
0xc4: {  	v4 =	vld [tilespmem:$0x29D0]  }
0xc5: {  	v2 =	vmul.f32 v3, v2;
	_ =	sdelay $0x1  }
0xc6: {  	[tilespmem:$0x2D40] =	vst v2;
	v2 =	vadd.s32 v0, v5  }
0xc7: {  	[tilespmem:$0x2C50] =	vst v2  }
0xc8: {  	v2 =	vld [tilespmem:$0x2A50];
	[tilespmem:$0x2B50] =	vst v4  }
0xc9: {  	v3 =	vld.idx.msk [tilespmem:v5+s17+$0x0], $0xffff;
	_ =	sdelay $0x1  }
0xca: {  	v4 =	vld.idx.msk [tilespmem:v4+s17+$0x0], $0xffff;
	_ =	sdelay $0x1  }
0xcb: {  	v5 =	vld [tilespmem:$0x2960]  }
0xcc: {  	v2 =	vmul.f32 v3, v2  }
0xcd: {  	v3 =	vld [tilespmem:$0x29E0]  }
0xce: {  	v2 =	vmul.f32 v4, v2;
	_ =	sdelay $0x1  }
0xcf: {  	[tilespmem:$0x2D50] =	vst v2;
	v2 =	vadd.s32 v0, v5  }
0xd0: {  	[tilespmem:$0x2C60] =	vst v2  }
0xd1: {  	v2 =	vld [tilespmem:$0x2A60];
	[tilespmem:$0x2B60] =	vst v3  }
0xd2: {  	v4 =	vld.idx.msk [tilespmem:v5+s17+$0x0], $0xffff;
	_ =	sdelay $0x1  }
0xd3: {  	v3 =	vld.idx.msk [tilespmem:v3+s17+$0x0], $0xffff;
	_ =	sdelay $0x1  }
0xd4: {  	v5 =	vld [tilespmem:$0x2970]  }
0xd5: {  	v2 =	vmul.f32 v4, v2  }
0xd6: {  	v4 =	vld [tilespmem:$0x29F0]  }
0xd7: {  	v2 =	vmul.f32 v3, v2;
	_ =	sdelay $0x1  }
0xd8: {  	[tilespmem:$0x2D60] =	vst v2;
	v2 =	vadd.s32 v0, v5  }
0xd9: {  	[tilespmem:$0x2C70] =	vst v2  }
0xda: {  	v2 =	vld [tilespmem:$0x2A70];
	[tilespmem:$0x2B70] =	vst v4  }
0xdb: {  	v3 =	vld.idx.msk [tilespmem:v5+s17+$0x0], $0xffff;
	_ =	sdelay $0x1  }
0xdc: {  	v4 =	vld.idx.msk [tilespmem:v4+s17+$0x0], $0xffff;
	_ =	sdelay $0x2  }
0xdd: {  	v2 =	vmul.f32 v3, v2;
	_ =	sdelay $0x1  }
0xde: {  	v2 =	vmul.f32 v4, v2;
	_ =	sdelay $0x1  }
0xdf: {  	[tilespmem:$0x2D70] =	vst v2  }
0xe0: {  	[tilespmem:s28], [sflag:$0x2] =	stream.indirect.gather [hbm4b:s6+s23], $0x80, s26, s23, $0xb8;
	[tilespmem:$0x1ED80] =	vst v63  }
0xe1: {  	_ =	swait.ge [sflag:s29], $0x4000  }
0xe2: {  	v2 =	vmov s17;
	[sflag:s29] =	ssyncset.done $0x0  }
0xe3: {  	s19 =	simm.s32 $0x2DC0;
	[sflag:s29] =	ssyncadd.s32 $0xFFFFC000  }
0xe4: {  	v6 =	vld [tilespmem:s19+$0x30]  }
0xe5: {  	v9 =	vld [tilespmem:s19+$0x10]  }
0xe6: {  	v7 =	vld [tilespmem:s19+$0xFFFFFFC0]  }
0xe7: {  	v3 =	vld.idx.msk [tilespmem:v2+s30+$0x0], $0xffff  }
0xe8: {  	v11 =	vld [tilespmem:s19+$0xFFFFFFE0]  }
0xe9: {  	v2 =	vld [tilespmem:s19+$0xFFFFFFF0]  }
0xea: {  	v4 =	vld [tilespmem:s19+$0x20]  }
0xeb: {  	v5 =	vld [tilespmem:s19+$0xFFFFFFD0]  }
0xec: {  	v10 =	vmul.f32 v6, v3;
	v6 =	vld [tilespmem:s19+$0x0]  }
0xed: {  	v8 =	vmul.f32 v7, v3  }
0xee: {  	s10 =	simm.s32 $0x2DC0;
	s8 =	simm.s32 $0x1;
	v7 =	vmul.f32 v11, v3;
	v9 =	vmul.f32 v9, v3  }
.LBB2_5:
0xef: {  	p0 =	sne.s32 s8, $0x7F  }
0xf0: {  	v5 =	vmul.f32 v5, v3;
	v4 =	vmul.f32 v4, v3;
	[tilespmem:s19+$0x30] =	vst v10;
	s10 =	sadd.s32 $0x80, s10;
	s11 =	smov.u32 s8;
	s8 =	sadd.s32 $0x1, s8  }
0xf1: {  	[tilespmem:s19+$0xFFFFFFC0] =	vst v8;
	v8 =	vmul.f32 v2, v3;
	v3 =	vmul.f32 v6, v3  }
0xf2: {  	[tilespmem:s19+$0x10] =	vst v9  }
0xf3: {  	v6 =	vmov s11;
	[tilespmem:s19+$0xFFFFFFE0] =	vst v7  }
0xf4: {  	v2 =	vld [tilespmem:s10+$0xFFFFFFF0];
	[tilespmem:s19+$0xFFFFFFF0] =	vst v8  }
0xf5: {  	v7 =	vld [tilespmem:s10+$0x30];
	[tilespmem:s19+$0x0] =	vst v3  }
0xf6: {  	v9 =	vld [tilespmem:s10+$0x10];
	[tilespmem:s19+$0x20] =	vst v4  }
0xf7: {  	v8 =	vld [tilespmem:s10+$0xFFFFFFC0];
	[tilespmem:s19+$0xFFFFFFD0] =	vst v5;
	s19 =	smov.u32 s10  }
0xf8: {  	v3 =	vld.idx.msk [tilespmem:v6+s30+$0x0], $0xffff  }
0xf9: {  	v11 =	vld [tilespmem:s10+$0xFFFFFFE0]  }
0xfa: {  	v4 =	vld [tilespmem:s10+$0x20]  }
.Ltmp1:
0xfb: {  	v5 =	vld [tilespmem:s10+$0xFFFFFFD0];
	(pc) =	sbr.rel @p0 .LBB2_5-.Ltmp1, $3  }
0xfc: {  	v6 =	vld [tilespmem:s10+$0x0];
	_ =	sdelay $0x1  }
0xfd: {  	v8 =	vmul.f32 v8, v3;
	v10 =	vmul.f32 v7, v3  }
0xfe: {  	v9 =	vmul.f32 v9, v3;
	v7 =	vmul.f32 v11, v3  }
0xff: {  	[tilespmem:s19+$0x30] =	vst v10  }
0x100: {  	[tilespmem:s19+$0xFFFFFFC0] =	vst v8  }
0x101: {  	v2 =	vmul.f32 v2, v3;
	[tilespmem:s19+$0x10] =	vst v9  }
0x102: {  	v4 =	vmul.f32 v4, v3;
	[tilespmem:s19+$0xFFFFFFE0] =	vst v7  }
0x103: {  	v6 =	vmul.f32 v6, v3;
	[tilespmem:s19+$0xFFFFFFF0] =	vst v2  }
0x104: {  	v2 =	vmul.f32 v5, v3;
	[tilespmem:s19+$0x20] =	vst v4  }
0x105: {  	[tilespmem:s19+$0x0] =	vst v6  }
0x106: {  	[tilespmem:s19+$0xFFFFFFD0] =	vst v2  }
0x107: {  	[spmem:s2] =	stream.indirect.scatter.add.f32 [tilespmem:s21], [sflag:$0x3], $0x80, s31, s23, $0xb8;
	[tilespmem:$0x1ED80] =	vst v63  }
0x108: {  	s8 =	simm.s32 $0x0;
	_ =	swait.ge [sflag:s0], $0x4000  }
0x109: {  	v2 =	vmov s8;
	[sflag:s0] =	ssyncset.done $0x0  }
0x10a: {  	s19 =	simm.s32 $0x6DC0;
	[sflag:s0] =	ssyncadd.s32 $0xFFFFC000  }
0x10b: {  	v6 =	vld [tilespmem:s19+$0x30]  }
0x10c: {  	v9 =	vld [tilespmem:s19+$0x10]  }
0x10d: {  	v7 =	vld [tilespmem:s19+$0xFFFFFFC0]  }
0x10e: {  	v3 =	vld.idx.msk [tilespmem:v2+s3+$0x0], $0xffff  }
0x10f: {  	v11 =	vld [tilespmem:s19+$0xFFFFFFE0]  }
0x110: {  	v2 =	vld [tilespmem:s19+$0xFFFFFFF0]  }
0x111: {  	v4 =	vld [tilespmem:s19+$0x20]  }
0x112: {  	v5 =	vld [tilespmem:s19+$0xFFFFFFD0]  }
0x113: {  	v10 =	vmul.f32 v6, v3;
	v6 =	vld [tilespmem:s19+$0x0]  }
0x114: {  	v8 =	vmul.f32 v7, v3  }
0x115: {  	s10 =	simm.s32 $0x6DC0;
	s8 =	simm.s32 $0x1;
	v7 =	vmul.f32 v11, v3;
	v9 =	vmul.f32 v9, v3  }
.LBB2_7:
0x116: {  	p0 =	sne.s32 s8, $0x7F  }
0x117: {  	v5 =	vmul.f32 v5, v3;
	v4 =	vmul.f32 v4, v3;
	[tilespmem:s19+$0x30] =	vst v10;
	s10 =	sadd.s32 $0x80, s10;
	s11 =	smov.u32 s8;
	s8 =	sadd.s32 $0x1, s8  }
0x118: {  	[tilespmem:s19+$0xFFFFFFC0] =	vst v8;
	v8 =	vmul.f32 v2, v3;
	v3 =	vmul.f32 v6, v3  }
0x119: {  	[tilespmem:s19+$0x10] =	vst v9  }
0x11a: {  	v6 =	vmov s11;
	[tilespmem:s19+$0xFFFFFFE0] =	vst v7  }
0x11b: {  	v2 =	vld [tilespmem:s10+$0xFFFFFFF0];
	[tilespmem:s19+$0xFFFFFFF0] =	vst v8  }
0x11c: {  	v7 =	vld [tilespmem:s10+$0x30];
	[tilespmem:s19+$0x0] =	vst v3  }
0x11d: {  	v9 =	vld [tilespmem:s10+$0x10];
	[tilespmem:s19+$0x20] =	vst v4  }
0x11e: {  	v8 =	vld [tilespmem:s10+$0xFFFFFFC0];
	[tilespmem:s19+$0xFFFFFFD0] =	vst v5;
	s19 =	smov.u32 s10  }
0x11f: {  	v3 =	vld.idx.msk [tilespmem:v6+s3+$0x0], $0xffff  }
0x120: {  	v11 =	vld [tilespmem:s10+$0xFFFFFFE0]  }
0x121: {  	v4 =	vld [tilespmem:s10+$0x20]  }
.Ltmp2:
0x122: {  	v5 =	vld [tilespmem:s10+$0xFFFFFFD0];
	(pc) =	sbr.rel @p0 .LBB2_7-.Ltmp2, $3  }
0x123: {  	v6 =	vld [tilespmem:s10+$0x0];
	_ =	sdelay $0x1  }
0x124: {  	v8 =	vmul.f32 v8, v3;
	v10 =	vmul.f32 v7, v3  }
0x125: {  	v9 =	vmul.f32 v9, v3;
	v7 =	vmul.f32 v11, v3  }
0x126: {  	[tilespmem:s19+$0x30] =	vst v10  }
0x127: {  	[tilespmem:s19+$0xFFFFFFC0] =	vst v8  }
0x128: {  	v2 =	vmul.f32 v2, v3;
	[tilespmem:s19+$0x10] =	vst v9  }
0x129: {  	v4 =	vmul.f32 v4, v3;
	[tilespmem:s19+$0xFFFFFFE0] =	vst v7  }
0x12a: {  	v6 =	vmul.f32 v6, v3;
	[tilespmem:s19+$0xFFFFFFF0] =	vst v2  }
0x12b: {  	v2 =	vmul.f32 v5, v3;
	[tilespmem:s19+$0x20] =	vst v4  }
0x12c: {  	[tilespmem:s19+$0x0] =	vst v6  }
0x12d: {  	s18 =	sadd.s32 $0x1, s18;
	[tilespmem:s19+$0xFFFFFFD0] =	vst v2  }
0x12e: {  	[spmem:s2] =	stream.indirect.scatter.add.f32 [tilespmem:s28], [sflag:$0x4], $0x80, s1, s23, $0xb8;
	[tilespmem:$0x1ED80] =	vst v63  }
0x12f: {  	p0 =	sne.s32 s18, $0x25;
	_ =	swait.ge [sflag:s14], $0x4000  }
.Ltmp3:
0x130: {  	[sflag:s14] =	ssyncset.done $0x0;
	(pc) =	sbr.rel @p0 .LBB2_4-.Ltmp3, $4  }
0x131: {  	[sflag:s14] =	ssyncadd.s32 $0xFFFFC000  }
0x132: {  	_ =	swait.ge [sflag:s15], $0x4000  }
0x133: {  	[sflag:s15] =	ssyncset.done $0x0  }
0x134: {  	[sflag:s15] =	ssyncadd.s32 $0xFFFFC000  }
0x135: {  	[bflag:$0x0] =	sbarrier.arrive $0xFFFF  }
0x136: {  	[tilespmem:s21], [sflag:$0x5] =	stream.linear.gather [spmem:s7], $0x4000, $0x38;
	[tilespmem:$0x1ED80] =	vst v63  }
0x137: {  	_ =	swait.ge [sflag:s20], $0x4000  }
0x138: {  	[sflag:s20] =	ssyncset.done $0x0  }
0x139: {  	s19 =	rddreg [dreg:$0x7];
	[sflag:s20] =	ssyncadd.s32 $0xFFFFC000  }
0x13a: {  	[hbm4b:s19+s4] =	stream.linear.scatter [tilespmem:s21], [sflag:$0x5], $0x4000, $0x38;
	[tilespmem:$0x1ED80] =	vst v63  }
0x13b: {  	_ =	swait.ge [sflag:s20], $0x4000  }
0x13c: {  	[sflag:s20] =	ssyncset.done $0x0  }
0x13d: {  	[sflag:s20] =	ssyncadd.s32 $0xFFFFC000  }
0x13e: {  	[tilespmem:s21], [sflag:$0x5] =	stream.linear.gather [spmem:s12], $0x4000, $0x38;
	[tilespmem:$0x1ED80] =	vst v63  }
0x13f: {  	_ =	swait.ge [sflag:s20], $0x4000  }
0x140: {  	[sflag:s20] =	ssyncset.done $0x0  }
0x141: {  	s8 =	rddreg [dreg:$0x8];
	[sflag:s20] =	ssyncadd.s32 $0xFFFFC000  }
0x142: {  	[hbm4b:s8+s4] =	stream.linear.scatter [tilespmem:s21], [sflag:$0x5], $0x4000, $0x38;
	[tilespmem:$0x1ED80] =	vst v63  }
0x143: {  	_ =	swait.ge [sflag:s20], $0x4000  }
0x144: {  	[sflag:s20] =	ssyncset.done $0x0  }
0x145: {  	s17 =	rddreg [dreg:$0x4];
	[sflag:s20] =	ssyncadd.s32 $0xFFFFC000  }
0x146: {  	[tilespmem:s21], [sflag:$0x5] =	stream.linear.gather [spmem:s17], $0x4000, $0x38;
	[tilespmem:$0x1ED80] =	vst v63  }
0x147: {  	_ =	swait.ge [sflag:s20], $0x4000  }
0x148: {  	[sflag:s20] =	ssyncset.done $0x0  }
0x149: {  	s10 =	rddreg [dreg:$0x9];
	[sflag:s20] =	ssyncadd.s32 $0xFFFFC000  }
0x14a: {  	[hbm4b:s10+s4] =	stream.linear.scatter [tilespmem:s21], [sflag:$0x5], $0x4000, $0x38;
	[tilespmem:$0x1ED80] =	vst v63  }
0x14b: {  	_ =	swait.ge [sflag:s20], $0x4000  }
0x14c: {  	[sflag:s20] =	ssyncset.done $0x0  }
0x14d: {  	s19 =	rddreg [dreg:$0x5];
	[sflag:s20] =	ssyncadd.s32 $0xFFFFC000  }
0x14e: {  	[tilespmem:s21], [sflag:$0x5] =	stream.linear.gather [spmem:s19], $0x4000, $0x38;
	[tilespmem:$0x1ED80] =	vst v63  }
0x14f: {  	_ =	swait.ge [sflag:s20], $0x4000  }
0x150: {  	[sflag:s20] =	ssyncset.done $0x0  }
0x151: {  	s11 =	smov.u32 s12;
	s12 =	rddreg [dreg:$0xa];
	[sflag:s20] =	ssyncadd.s32 $0xFFFFC000  }
0x152: {  	[hbm4b:s12+s4] =	stream.linear.scatter [tilespmem:s21], [sflag:$0x5], $0x4000, $0x38;
	[tilespmem:$0x1ED80] =	vst v63  }
0x153: {  	_ =	swait.ge [sflag:s20], $0x4000  }
0x154: {  	[sflag:s20] =	ssyncset.done $0x0  }
0x155: {  	s8 =	rddreg [dreg:$0x6];
	[sflag:s20] =	ssyncadd.s32 $0xFFFFC000  }
0x156: {  	[tilespmem:s21], [sflag:$0x5] =	stream.linear.gather [spmem:s8], $0x4000, $0x38;
	[tilespmem:$0x1ED80] =	vst v63  }
0x157: {  	_ =	swait.ge [sflag:s20], $0x4000  }
0x158: {  	[sflag:s20] =	ssyncset.done $0x0  }
0x159: {  	s10 =	rddreg [dreg:$0xb];
	[sflag:s20] =	ssyncadd.s32 $0xFFFFC000  }
0x15a: {  	[hbm4b:s10+s4] =	stream.linear.scatter [tilespmem:s21], [sflag:$0x5], $0x4000, $0x38;
	[tilespmem:$0x1ED80] =	vst v63  }
0x15b: {  	_ =	swait.ge [sflag:s20], $0x4000  }
0x15c: {  	s16 =	sadd.s32 $0x1, s16;
	s12 =	rddreg [dreg:$0xc]  }
0x15d: {  	p0 =	sne.s32 s16, s12  }
.Ltmp4:
0x15e: {  	_ = 	snop;
	(pc) =	sbr.rel @p0 .LBB2_1-.Ltmp4, $3  }
0x15f: {  	_ =	sdelay $0x1  }
0x160: {  	[sflag:s20] =	ssyncset.done $0x0  }
0x161: {  	s18 =	smov.u32 s7;
	[sflag:s20] =	ssyncadd.s32 $0xFFFFC000  }
0x162: {  	_ =	sfence.sel $0x180000  }
0x163: {  	[bflag:$0x0] =	sbarrier.arrive $0xFFFF  }
0x164: {  	_ =	strace $0x9000004A  }
0x165: {  	s0 =	stileid.u32;
	[bflag:$0x2] =	sbarrier.arrive $0xFFFF  }
0x166: {  	p0 =	sne.s32 s0, $0x0;
	s0 =	rddreg [dreg:$0x3]  }
0x167: {  	s0 =	sadd.s32 @!p0 $0x100000, s0  }
0x168: {  	[sflag:s0] =	ssyncadd.tile.s32 @!p0 $0x1;
	_ =	shalt  }
.Lfunc_end2:
_tile_overlayer_lowered:
.L_overlay_start_2:
0x169: {  	(tag) =	ssettag $0x2  }
0x16a: {  	s0 =	rddreg [dreg:$0x0];
	s2 =	stileid.u32  }
0x16b: {  	s1 =	rddreg [dreg:$0x1];
	p0 =	sne.s32 s2, $0x0  }
0x16c: {  	s3 =	rddreg [dreg:$0x2];
	[bflag:$0x3] =	sbarrier.arrive $0xFFFF;
	s2 =	simm.s32 @!p0 $0x1C05  }
0x16d: {  	[timem:s3], [sflag:s2] =	dma.local @!p0 [hbm:s0], s1  }
0x16e: {  	s0 =	simm.s32 @!p0 $0x5  }
0x16f: {  	_ =	swait.ge @!p0 [sflag:s0], s1  }
0x170: {  	s1 =	ssub.s32 @!p0 $0x0, s1;
	[sflag:s0] =	ssyncset.done @!p0 $0x0  }
0x171: {  	[sflag:s0] =	ssyncadd.s32 @!p0 s1  }
0x172: {  	[bflag:$0x3] =	sbarrier.arrive $0xFFFF  }
0x173: {  	_ =	shalt  }

// kernel: sc_conv_edge.3.cloned.1.call-start
scs
__scs_entry_jumppad:
0x0: {  	(pc) =	sbr.rel $0x88, $3  }
0x1: {  	(tag) =	ssettag $0x0;
	lr =	simm.s32 $0x1  }
0x2: {  	[smem:$0x3F8E] =	sst lr;
	_ =	strace $0xD0000000  }
0x3: {  	_ = 	snop  }
0x4: {  	_ = 	snop  }
0x5: {  	_ = 	snop  }
0x6: {  	_ = 	snop  }
0x7: {  	_ = 	snop  }
__scs_overlays_trampoline_lowered:
0x8: {  	[smem:$0x3F9D] =	sst s0  }
0x9: {  	[smem:$0x3F9E] =	sst s1  }
0xa: {  	[smem:$0x3F9F] =	sst s2  }
0xb: {  	[smem:$0x3FA0] =	sst s3  }
0xc: {  	[smem:$0x3FA1] =	sst s4  }
0xd: {  	[smem:$0x3FA2] =	sst s5  }
0xe: {  	[smem:$0x3FA3] =	sst s6  }
0xf: {  	[smem:$0x3FA4] =	sst s7  }
0x10: {  	[smem:$0x3FA5] =	sst s8  }
0x11: {  	[smem:$0x3FA6] =	sst s9;
	s0 =	simm.s32 @!p0 $0x0  }
0x12: {  	s1 =	sld [smem:$0x3F8C];
	s0 =	simm.s32 @p0 $0x1  }
0x13: {  	[smem:$0x3FA7] =	sst s0;
	s0 =	simm.s32 @!p1 $0x0  }
0x14: {  	s2 =	sld [smem:$0x3F8B];
	s0 =	simm.s32 @p1 $0x1  }
0x15: {  	[smem:$0x3FA8] =	sst s0;
	s0 =	simm.s32 @!p2 $0x0  }
0x16: {  	s3 =	sld [smem:$0x3FDB];
	s0 =	simm.s32 @p2 $0x1  }
0x17: {  	s4 =	simm.s32 $0x1BF5;
	[smem:$0x3FAA] =	sst s0  }
0x18: {  	s0 =	sld [smem:$0x3F8D];
	_ =	swait.ge [sflag:s4], $0x0  }
0x19: {  	s7 =	sld [smem:$0x3F8E]  }
0x1a: {  	s8 =	sadd.s32 $0xFFFFE003, lr  }
0x1b: {  	s9 =	sadd.s32 $0xFFFFFEF7, lr;
	s5 =	simm.s32 $0xFFFFFFFF;
	p2 =	slt.u32 s8, $0xFFFFF086  }
0x1c: {  	p1 =	slt.u32 s9, $0xF7A;
	s5 =	simm.s32 @!p2 $0x0  }
0x1d: {  	s5 =	simm.s32 @p1 $0x1;
	p0 =	seq.s32 s7, s2  }
0x1e: {  	s7 =	smul.u32 @!p0 $0xF7A, s2;
	p2 =	seq.s32 @!p0 s5, $0x0  }
0x1f: {  	s9 =	smul.u32 $0xF7A, s1;
	s8 =	simm.s32 @!p0 $0x1BF5;
	p2 =	por !p2, p0  }
0x20: {  	[sflag:s8] =	ssyncset.s32 @!p0 $0xFFFFF086;
	s6 =	sadd.s32 @!p0 s3, s7;
	s7 =	simm.s32 @!p0 $0x108  }
0x21: {  	s3 =	sadd.s32 s3, s9;
	s6 =	sadd.s32 @!p0 $0x88, s6;
	s7 =	simm.s32 @p2 $0x1082  }
0x22: {  	[simem:s7], [sflag:s8] =	dma.local @!p0 [hbm:s6], $0xF7A  }
0x23: {  	s9 =	sor.u32 $0xD0000000, s2;
	s6 =	simm.s32 $0x108;
	_ =	swait.ge @!p0 [sflag:s8], $0x0  }
0x24: {  	s3 =	sadd.s32 $0x88, s3;
	s6 =	simm.s32 @!p1 $0x1082;
	[sflag:s4] =	ssyncset.s32 $0xFFFFF086  }
0x25: {  	[simem:s6], [sflag:s4] =	dma.local [hbm:s3], $0xF7A  }
0x26: {  	[smem:$0x3F8E] =	sst s1;
	(tag) =	ssettag s2;
	_ =	strace s9  }
0x27: {  	s1 =	sld [smem:$0x3F9E]  }
0x28: {  	s2 =	sld [smem:$0x3F9F]  }
0x29: {  	s4 =	sld [smem:$0x3FA1]  }
0x2a: {  	p0 =	seq.s32 s5, $0x0;
	s5 =	sld [smem:$0x3FA2]  }
0x2b: {  	s6 =	sld [smem:$0x3FA3]  }
0x2c: {  	s7 =	sld [smem:$0x3FA4]  }
0x2d: {  	s3 =	simm.s32 $0x108;
	s8 =	sld [smem:$0x3FA5]  }
0x2e: {  	s3 =	simm.s32 @!p0 $0x1082;
	s9 =	sld [smem:$0x3FA6]  }
0x2f: {  	lr =	sadd.s32 s0, s3;
	s0 =	sld [smem:$0x3F9D]  }
0x30: {  	s3 =	sld [smem:$0x3FA0]  }
0x31: {  	[smem:$0x3FA9] =	sst s10  }
0x32: {  	s10 =	sld [smem:$0x3FA7];
	_ =	sdelay $0x3  }
0x33: {  	p0 =	seq.s32 s10, $0x1;
	s10 =	sld [smem:$0x3FA9];
	_ =	sdelay $0x3  }
0x34: {  	[smem:$0x3FA9] =	sst s10  }
0x35: {  	s10 =	sld [smem:$0x3FA8];
	_ =	sdelay $0x3  }
0x36: {  	p1 =	seq.s32 s10, $0x1;
	s10 =	sld [smem:$0x3FA9];
	_ =	sdelay $0x3  }
0x37: {  	[smem:$0x3FA9] =	sst s10  }
0x38: {  	s10 =	sld [smem:$0x3FAA]  }
0x39: {  	_ = 	snop;
	(pc) =	sbr.ind lr, $3  }
0x3a: {  	_ = 	snop  }
0x3b: {  	_ = 	snop  }
0x3c: {  	p2 =	seq.s32 s10, $0x1;
	s10 =	sld [smem:$0x3FA9]  }
0x3d: {  	_ =	shalt  }
0x3e: {  	_ =	shalt  }
0x3f: {  	_ =	shalt  }
0x40: {  	_ =	shalt  }
0x41: {  	_ =	shalt  }
0x42: {  	_ =	shalt  }
0x43: {  	_ =	shalt  }
0x44: {  	_ =	shalt  }
0x45: {  	_ =	shalt  }
0x46: {  	_ =	shalt  }
0x47: {  	_ =	shalt  }
0x48: {  	_ =	shalt  }
0x49: {  	_ =	shalt  }
0x4a: {  	_ =	shalt  }
0x4b: {  	_ =	shalt  }
0x4c: {  	_ =	shalt  }
0x4d: {  	_ =	shalt  }
0x4e: {  	_ =	shalt  }
0x4f: {  	_ =	shalt  }
0x50: {  	_ =	shalt  }
0x51: {  	_ =	shalt  }
0x52: {  	_ =	shalt  }
0x53: {  	_ =	shalt  }
0x54: {  	_ =	shalt  }
0x55: {  	_ =	shalt  }
0x56: {  	_ =	shalt  }
0x57: {  	_ =	shalt  }
0x58: {  	_ =	shalt  }
0x59: {  	_ =	shalt  }
0x5a: {  	_ =	shalt  }
0x5b: {  	_ =	shalt  }
0x5c: {  	_ =	shalt  }
0x5d: {  	_ =	shalt  }
0x5e: {  	_ =	shalt  }
0x5f: {  	_ =	shalt  }
0x60: {  	_ =	shalt  }
0x61: {  	_ =	shalt  }
0x62: {  	_ =	shalt  }
0x63: {  	_ =	shalt  }
0x64: {  	_ =	shalt  }
0x65: {  	_ =	shalt  }
0x66: {  	_ =	shalt  }
0x67: {  	_ =	shalt  }
0x68: {  	_ =	shalt  }
0x69: {  	_ =	shalt  }
0x6a: {  	_ =	shalt  }
0x6b: {  	_ =	shalt  }
0x6c: {  	_ =	shalt  }
0x6d: {  	_ =	shalt  }
0x6e: {  	_ =	shalt  }
0x6f: {  	_ =	shalt  }
0x70: {  	_ =	shalt  }
0x71: {  	_ =	shalt  }
0x72: {  	_ =	shalt  }
0x73: {  	_ =	shalt  }
0x74: {  	_ =	shalt  }
0x75: {  	_ =	shalt  }
0x76: {  	_ =	shalt  }
0x77: {  	_ =	shalt  }
0x78: {  	_ =	shalt  }
0x79: {  	_ =	shalt  }
0x7a: {  	_ =	shalt  }
0x7b: {  	_ =	shalt  }
0x7c: {  	_ =	shalt  }
0x7d: {  	_ =	shalt  }
0x7e: {  	_ =	shalt  }
0x7f: {  	_ =	shalt  }
0x80: {  	_ =	shalt  }
0x81: {  	_ =	shalt  }
0x82: {  	_ =	shalt  }
0x83: {  	_ =	shalt  }
0x84: {  	_ =	shalt  }
0x85: {  	_ =	shalt  }
0x86: {  	_ =	shalt  }
0x87: {  	_ =	shalt  }
.Lfunc_end0:
.L_simem_size_0:
called_computation.3_lowered:
.L_overlay_start_0:
0x88: {  	s2 =	sld [smem:$0x3FD9]  }
0x89: {  	s3 =	sld [smem:$0x3FFE];
	_ =	sdelay $0x1  }
0x8a: {  	s1 =	srdreg.scid  }
0x8b: {  	s0 =	sand.u32 $0x1, s1  }
0x8c: {  	s17 =	sshll.u32 s0, $0xA;
	s2 =	sadd.s32 s3, s2  }
0x8d: {  	s2 =	sadd.s32 s2, s17  }
0x8e: {  	[smem:$0x3FB5] =	sst s2  }
0x8f: {  	_ = 	snop  }
0x90: {  	s2 =	sld [smem:$0x3FD0];
	(tm) =	ssettm $0x1  }
0x91: {  	s18 =	sld [smem:$0x3FFB];
	_ =	sdelay $0x3  }
0x92: {  	_ =	strace s18  }
0x93: {  	s3 =	sld [smem:$0x3FFC];
	_ =	sdelay $0x3  }
0x94: {  	_ =	strace s3  }
0x95: {  	s3 =	sld [smem:$0x3FFD];
	_ =	sdelay $0x3  }
0x96: {  	_ =	strace s3  }
0x97: {  	_ =	strace $0x8FFFFFFF  }
0x98: {  	s19 =	sld [smem:$0x3FDB];
	_ =	sdelay $0x1  }
0x99: {  	s4 =	simm.s32 $_scs_section_size  }
0x9a: {  	s5 =	simm.s32 $_size__tile_overlayer_lowered;
	s6 =	simm.s32 $_tile_overlayer_lowered  }
0x9b: {  	s22 =	simm.s32 $0x1BFF;
	s21 =	sshll.u32 s6, $0x1;
	s3 =	sadd.s32 s4, s19  }
0x9c: {  	s7 =	simm.s32 $0x0;
	s20 =	sshll.u32 s5, $0x1;
	s5 =	sadd.s32 s21, s3  }
0x9d: {  	[timem:s7], [sflag:s22] =	dma.local [hbm:s5], s20  }
0x9e: {  	_ =	swait.ge [sflag:s22], s20  }
0x9f: {  	s4 =	ssub.s32 $0x0, s20;
	[sflag:s22] =	ssyncset.done $0x0  }
0xa0: {  	[sflag:s22] =	ssyncadd.s32 s4;
	_ =	sdelay $0x1  }
0xa1: {  	s23 =	simm.s32 $0x1B8B  }
0xa2: {  	_ =	swait.ge [sflag:s23], $0x1  }
0xa3: {  	[sflag:s23] =	ssyncset.done $0x0  }
0xa4: {  	s25 =	simm.s32 $0x1B8E;
	s24 =	sld [smem:$0x3FFE];
	[sflag:s23] =	ssyncadd.s32 $0xFFFFFFFF  }
0xa5: {  	s26 =	simm.s32 $execute0_lowered;
	[smem:$0x3FD2] =	sst s25  }
0xa6: {  	s5 =	sshll.u32 s26, $0x1;
	_ =	strace $0x8000004F;
	[dreg:$0x1] =	wrdreg $0xFFFFFFFF  }
0xa7: {  	s28 =	simm.s32 $_size_execute0_lowered;
	s3 =	sadd.s32 s3, s5;
	[dreg:$0x0] =	wrdreg $0x0  }
0xa8: {  	s5 =	sshll.u32 s28, $0x1;
	[dreg:$0x2] =	wrdreg s3  }
0xa9: {  	[dreg:$0x3] =	wrdreg s5  }
0xaa: {  	[dreg:$0x4] =	wrdreg $0xC0  }
0xab: {  	_ =	task [dreg:s7], $0x5FFFF  }
0xac: {  	[dreg:$0x1] =	wrdreg $0xFFFFFFFF  }
0xad: {  	[dreg:$0x0] =	wrdreg $0x60  }
0xae: {  	[dreg:$0x2] =	wrdreg s24  }
0xaf: {  	[dreg:$0x3] =	wrdreg s2  }
0xb0: {  	[dreg:$0x4] =	wrdreg $0xAD800  }
0xb1: {  	[dreg:$0x5] =	wrdreg $0x9  }
0xb2: {  	_ =	task.clear_ibuf [dreg:s7], $0x6FFFF;
	_ =	strace $0x9000004F  }
0xb3: {  	s29 =	simm.s32 $0x9;
	_ =	strace $0x80000051  }
0xb4: {  	_ =	swait.ge [sflag:s29], $0x1  }
0xb5: {  	[sflag:s29] =	ssyncadd.s32 $0xFFFFFFFF  }
0xb6: {  	_ =	strace $0x90000051  }
0xb7: {  	_ =	sfence  }
0xb8: {  	s30 =	sld [smem:$0x0];
	_ =	sdelay $0x2  }
0xb9: {  	s31 =	sshll.u32 s1, $0xD;
	s1 =	sshrl.u32 s1, $0x2  }
0xba: {  	s3 =	sand.u32 $0x4000, s31;
	s1 =	sadd.s32 s1, s30  }
0xbb: {  	s0 =	sor.u32 s3, s0;
	s1 =	sshll.u32 s1, $0x11  }
0xbc: {  	s0 =	sor.u32 s1, s0  }
0xbd: {  	s0 =	sadd.s32 $0x8F2B, s0  }
0xbe: {  	[sflag:s0] =	ssyncadd.remote.s32 $0x1  }
0xbf: {  	_ =	sfence.sel $0xFFFF  }
0xc0: {  	[dreg:$0x0] =	wrdreg $0xFFFFFFFF;
	(pc) =	sbr.abs _section_cstart, $3  }
0xc1: {  	[dreg:$0x1] =	wrdreg $0xFFFFFFFF  }
0xc2: {  	_ =	task.clear_ibuf [dreg:s7], $0x2FFFF;
	_ =	strace $0x9FFFFFFF  }
0xc3: {  	(tm) =	ssettm $0x7FFFFFFF  }
tec
execute0_lowered:
.L_overlay_start_1:
0x0: {  	(tag) =	ssettag $0x1  }
0x1: {  	s0 =	rddreg [dreg:$0x0]  }
0x2: {  	s1 =	srdreg.scid;
	s6 =	stileid.u32  }
0x3: {  	s3 =	rddreg [dreg:$0x2];
	s4 =	simm.s32 $0x0;
	s5 =	smul.u32 $0x280, s6  }
0x4: {  	s28 =	simm.s32 $0x2C00;
	s29 =	simm.s32 $0x6D80;
	s7 =	smul.u32 $0x50000, s6  }
0x5: {  	s30 =	simm.s32 $0x1;
	s1 =	sand.u32 $0x1, s1;
	s9 =	smul.u32 $0x1280, s6  }
0x6: {  	s31 =	simm.s32 $0x2C80;
	s14 =	simm.s32 $0x2B00;
	s2 =	smul.u32 $0x2800, s1  }
0x7: {  	[smem:$0x7FF] =	sst s4;
	s6 =	sadd.s32 $0xE800, s0;
	s8 =	smul.u32 $0x12800, s1  }
0x8: {  	_ =	strace $0x80000050;
	s1 =	ssub.s32 $0x2, s1;
	s10 =	sshrl.u32 s7, $0x2  }
0x9: {  	s15 =	sshrl.u32 s1, $0x1;
	s2 =	sadd.s32 s5, s2;
	s5 =	sadd.s32 $0x45000, s0  }
0xa: {  	s7 =	sadd.s32 s9, s8;
	s19 =	sadd.s32 s10, s3;
	s1 =	ssub.s32 s1, s15  }
0xb: {  	s15 =	simm.s32 $0x3;
	s2 =	sshll.u32 s2, $0x4;
	s21 =	sadd.s32 $0x10000, s19  }
0xc: {  	s16 =	smul.u32 $0x3, s7;
	s26 =	smax.u32 s1, $0x1;
	[dreg:$0x6] =	wrdreg s21  }
0xd: {  	s11 =	sadd.s32 $0x4000, s19;
	s18 =	sadd.s32 $0x8000, s19;
	[dreg:$0xd] =	wrdreg s26  }
0xe: {  	s20 =	sadd.s32 $0xC000, s19;
	s0 =	sadd.s32 s2, s0;
	[dreg:$0x4] =	wrdreg s18  }
0xf: {  	s13 =	sadd.s32 $0x80, s7;
	[dreg:$0x5] =	wrdreg s20;
	s22 =	sadd.s32 $0x52E00, s0  }
0x10: {  	s1 =	simm.s32 $0x2A80;
	s23 =	sadd.s32 $0x53600, s0;
	[dreg:$0x8] =	wrdreg s22  }
0x11: {  	s21 =	simm.s32 $0x5;
	s24 =	sadd.s32 $0x53E00, s0;
	[dreg:$0x9] =	wrdreg s23  }
0x12: {  	s26 =	simm.s32 $0x2900;
	s25 =	sadd.s32 $0x54600, s0;
	[dreg:$0xa] =	wrdreg s24  }
0x13: {  	s17 =	sshrl.u32 s16, $0x3;
	s0 =	sadd.s32 $0x54E00, s0;
	[dreg:$0xb] =	wrdreg s25  }
0x14: {  	s16 =	simm.s32 $0x4;
	s2 =	sadd.s32 s5, s17;
	[dreg:$0xc] =	wrdreg s0  }
0x15: {  	s22 =	simm.s32 $0x2D80;
	s23 =	simm.s32 $0x2780;
	s24 =	simm.s32 $0x80  }
0x16: {  	s25 =	simm.s32 $0x2B80;
	s0 =	simm.s32 $0x2;
	s2 =	sadd.s32 $0x6C0, s2  }
0x17: {  	v0 =	vimm.f32 $0.0e+00;
	s17 =	simm.s32 $0x0;
	[dreg:$0x7] =	wrdreg s2;
	s2 =	simm.s32 $0x2D00  }
.LBB2_1:
0x18: {  	s9 =	rddreg [dreg:$0x1]  }
0x19: {  	[tilespmem:s4], [sflag:$0x5] =	stream.linear.gather [hbm4b:s9+s4], $0x2780, $0x38;
	[tilespmem:$0x1ED80] =	vst v63  }
0x1a: {  	_ =	swait.ge [sflag:s21], $0x2780  }
0x1b: {  	[sflag:s21] =	ssyncset.done $0x0  }
0x1c: {  	s10 =	simm.s32 $0x200;
	s9 =	simm.s32 $0x0;
	[sflag:s21] =	ssyncadd.s32 $0xFFFFD880  }
.LBB2_2:
0x1d: {  	p0 =	sne.s32 s10, $0xFE00;
	[tilespmem:s9+$0x2DF0] =	vst v0  }
0x1e: {  	[tilespmem:s9+$0x2D80] =	vst v0  }
0x1f: {  	[tilespmem:s9+$0x2D90] =	vst v0  }
.Ltmp0:
0x20: {  	[tilespmem:s9+$0x2DA0] =	vst v0;
	(pc) =	sbr.rel @p0 .LBB2_2-.Ltmp0, $4  }
0x21: {  	[tilespmem:s9+$0x2DB0] =	vst v0  }
0x22: {  	[tilespmem:s9+$0x2DC0] =	vst v0  }
0x23: {  	[tilespmem:s9+$0x2DD0] =	vst v0  }
0x24: {  	[tilespmem:s9+$0x2DE0] =	vst v0;
	s9 =	sshra.s32 s10, $0x2;
	s10 =	sadd.s32 $0x200, s10  }
0x25: {  	[tilespmem:s9+$0x2DF0] =	vst v0  }
0x26: {  	[tilespmem:s9+$0x2D80] =	vst v0  }
0x27: {  	[tilespmem:s9+$0x2D90] =	vst v0  }
0x28: {  	[tilespmem:s9+$0x2DA0] =	vst v0  }
0x29: {  	[tilespmem:s9+$0x2DB0] =	vst v0  }
0x2a: {  	[tilespmem:s9+$0x2DC0] =	vst v0  }
0x2b: {  	[tilespmem:s9+$0x2DD0] =	vst v0  }
0x2c: {  	[tilespmem:s9+$0x2DE0] =	vst v0  }
0x2d: {  	[spmem:s19] =	stream.linear.scatter [tilespmem:s22], [sflag:$0x5], $0x4000, $0x38;
	[tilespmem:$0x1ED80] =	vst v63  }
0x2e: {  	_ =	swait.ge [sflag:s21], $0x4000  }
0x2f: {  	[sflag:s21] =	ssyncset.done $0x0  }
0x30: {  	[sflag:s21] =	ssyncadd.s32 $0xFFFFC000  }
0x31: {  	[spmem:s11] =	stream.linear.scatter [tilespmem:s22], [sflag:$0x5], $0x4000, $0x38;
	[tilespmem:$0x1ED80] =	vst v63  }
0x32: {  	_ =	swait.ge [sflag:s21], $0x4000  }
0x33: {  	[sflag:s21] =	ssyncset.done $0x0  }
0x34: {  	[sflag:s21] =	ssyncadd.s32 $0xFFFFC000  }
0x35: {  	[spmem:s18] =	stream.linear.scatter [tilespmem:s22], [sflag:$0x5], $0x4000, $0x38;
	[tilespmem:$0x1ED80] =	vst v63  }
0x36: {  	_ =	swait.ge [sflag:s21], $0x4000  }
0x37: {  	[sflag:s21] =	ssyncset.done $0x0  }
0x38: {  	[sflag:s21] =	ssyncadd.s32 $0xFFFFC000  }
0x39: {  	[spmem:s20] =	stream.linear.scatter [tilespmem:s22], [sflag:$0x5], $0x4000, $0x38;
	[tilespmem:$0x1ED80] =	vst v63  }
0x3a: {  	_ =	swait.ge [sflag:s21], $0x4000  }
0x3b: {  	[sflag:s21] =	ssyncset.done $0x0  }
0x3c: {  	s20 =	rddreg [dreg:$0x6];
	[sflag:s21] =	ssyncadd.s32 $0xFFFFC000  }
0x3d: {  	[spmem:s20] =	stream.linear.scatter [tilespmem:s22], [sflag:$0x5], $0x4000, $0x38;
	[tilespmem:$0x1ED80] =	vst v63  }
0x3e: {  	_ =	swait.ge [sflag:s21], $0x4000  }
0x3f: {  	[sflag:s21] =	ssyncset.done $0x0  }
0x40: {  	s8 =	smov.u32 s19;
	s12 =	smov.u32 s11;
	[sflag:s21] =	ssyncadd.s32 $0xFFFFC000  }
0x41: {  	s19 =	simm.s32 $0x0;
	s18 =	simm.s32 $0x0;
	[bflag:$0x0] =	sbarrier.arrive $0xFFFF  }
.LBB2_4:
0x42: {  	s20 =	sshll.u32 s19, $0x8  }
0x43: {  	s9 =	sadd.s32 s7, s20  }
0x44: {  	s9 =	smul.u32 $0x3, s9;
	_ =	sdelay $0x1  }
0x45: {  	s9 =	sshrl.u32 s9, $0x3  }
0x46: {  	s9 =	sadd.s32 s5, s9  }
0x47: {  	[tilespmem:s23], [sflag:$0x5] =	stream.linear.gather [hbm4b:s9+s18], $0x180, $0x38;
	[tilespmem:$0x1ED80] =	vst v63  }
0x48: {  	_ =	swait.ge [sflag:s21], $0x180  }
0x49: {  	[sflag:s21] =	ssyncset.done $0x0  }
0x4a: {  	[sflag:s21] =	ssyncadd.s32 $0xFFFFFE80  }
0x4b: {  	v1 =	vld [tilespmem:$0x2780];
	_ =	sdelay $0x1  }
0x4c: {  	v2 =	vld [tilespmem:$0x2800];
	_ =	sdelay $0x3  }
0x4d: {  	[tilespmem:$0x2B80] =	vst v1  }
0x4e: {  	v3 =	vld [tilespmem:$0x2880];
	[tilespmem:$0x2A80] =	vst v2  }
0x4f: {  	v1 =	vld.idx.msk [tilespmem:v1+s18+$0x0], $0xffff;
	_ =	sdelay $0x1  }
0x50: {  	v2 =	vld.idx.msk [tilespmem:v2+s18+$0x0], $0xffff  }
0x51: {  	v4 =	vld [tilespmem:$0x2790];
	_ =	sdelay $0x1  }
0x52: {  	v1 =	vmul.f32 v1, v3;
	v3 =	vld [tilespmem:$0x2810];
	_ =	sdelay $0x1  }
0x53: {  	v1 =	vmul.f32 v2, v1  }
0x54: {  	[tilespmem:$0x2B90] =	vst v4  }
0x55: {  	[tilespmem:$0x2C80] =	vst v1  }
0x56: {  	v1 =	vld [tilespmem:$0x2890];
	[tilespmem:$0x2A90] =	vst v3  }
0x57: {  	v2 =	vld.idx.msk [tilespmem:v4+s18+$0x0], $0xffff;
	_ =	sdelay $0x1  }
0x58: {  	v3 =	vld.idx.msk [tilespmem:v3+s18+$0x0], $0xffff  }
0x59: {  	v4 =	vld [tilespmem:$0x27A0];
	_ =	sdelay $0x1  }
0x5a: {  	v1 =	vmul.f32 v2, v1;
	v2 =	vld [tilespmem:$0x2820];
	_ =	sdelay $0x1  }
0x5b: {  	v1 =	vmul.f32 v3, v1  }
0x5c: {  	[tilespmem:$0x2BA0] =	vst v4  }
0x5d: {  	[tilespmem:$0x2C90] =	vst v1  }
0x5e: {  	v1 =	vld [tilespmem:$0x28A0];
	[tilespmem:$0x2AA0] =	vst v2  }
0x5f: {  	v3 =	vld.idx.msk [tilespmem:v4+s18+$0x0], $0xffff;
	_ =	sdelay $0x1  }
0x60: {  	v2 =	vld.idx.msk [tilespmem:v2+s18+$0x0], $0xffff  }
0x61: {  	v4 =	vld [tilespmem:$0x27B0];
	_ =	sdelay $0x1  }
0x62: {  	v1 =	vmul.f32 v3, v1;
	v3 =	vld [tilespmem:$0x2830];
	_ =	sdelay $0x1  }
0x63: {  	v1 =	vmul.f32 v2, v1  }
0x64: {  	[tilespmem:$0x2BB0] =	vst v4  }
0x65: {  	[tilespmem:$0x2CA0] =	vst v1  }
0x66: {  	v1 =	vld [tilespmem:$0x28B0];
	[tilespmem:$0x2AB0] =	vst v3  }
0x67: {  	v2 =	vld.idx.msk [tilespmem:v4+s18+$0x0], $0xffff;
	_ =	sdelay $0x1  }
0x68: {  	v3 =	vld.idx.msk [tilespmem:v3+s18+$0x0], $0xffff  }
0x69: {  	v4 =	vld [tilespmem:$0x27C0];
	_ =	sdelay $0x1  }
0x6a: {  	v1 =	vmul.f32 v2, v1;
	v2 =	vld [tilespmem:$0x2840];
	_ =	sdelay $0x1  }
0x6b: {  	v1 =	vmul.f32 v3, v1  }
0x6c: {  	[tilespmem:$0x2BC0] =	vst v4  }
0x6d: {  	[tilespmem:$0x2CB0] =	vst v1  }
0x6e: {  	v1 =	vld [tilespmem:$0x28C0];
	[tilespmem:$0x2AC0] =	vst v2  }
0x6f: {  	v3 =	vld.idx.msk [tilespmem:v4+s18+$0x0], $0xffff;
	_ =	sdelay $0x1  }
0x70: {  	v2 =	vld.idx.msk [tilespmem:v2+s18+$0x0], $0xffff  }
0x71: {  	v4 =	vld [tilespmem:$0x27D0];
	_ =	sdelay $0x1  }
0x72: {  	v1 =	vmul.f32 v3, v1;
	v3 =	vld [tilespmem:$0x2850];
	_ =	sdelay $0x1  }
0x73: {  	v1 =	vmul.f32 v2, v1  }
0x74: {  	[tilespmem:$0x2BD0] =	vst v4  }
0x75: {  	[tilespmem:$0x2CC0] =	vst v1  }
0x76: {  	v1 =	vld [tilespmem:$0x28D0];
	[tilespmem:$0x2AD0] =	vst v3  }
0x77: {  	v2 =	vld.idx.msk [tilespmem:v4+s18+$0x0], $0xffff;
	_ =	sdelay $0x1  }
0x78: {  	v3 =	vld.idx.msk [tilespmem:v3+s18+$0x0], $0xffff  }
0x79: {  	v4 =	vld [tilespmem:$0x27E0];
	_ =	sdelay $0x1  }
0x7a: {  	v1 =	vmul.f32 v2, v1;
	v2 =	vld [tilespmem:$0x2860];
	_ =	sdelay $0x1  }
0x7b: {  	v1 =	vmul.f32 v3, v1  }
0x7c: {  	[tilespmem:$0x2BE0] =	vst v4  }
0x7d: {  	[tilespmem:$0x2CD0] =	vst v1  }
0x7e: {  	v1 =	vld [tilespmem:$0x28E0];
	[tilespmem:$0x2AE0] =	vst v2  }
0x7f: {  	v3 =	vld.idx.msk [tilespmem:v4+s18+$0x0], $0xffff;
	_ =	sdelay $0x1  }
0x80: {  	v2 =	vld.idx.msk [tilespmem:v2+s18+$0x0], $0xffff  }
0x81: {  	v4 =	vld [tilespmem:$0x27F0];
	_ =	sdelay $0x1  }
0x82: {  	v1 =	vmul.f32 v3, v1;
	v3 =	vld [tilespmem:$0x2870];
	_ =	sdelay $0x1  }
0x83: {  	v1 =	vmul.f32 v2, v1  }
0x84: {  	[tilespmem:$0x2BF0] =	vst v4  }
0x85: {  	[tilespmem:$0x2CE0] =	vst v1  }
0x86: {  	v1 =	vld [tilespmem:$0x28F0];
	[tilespmem:$0x2AF0] =	vst v3  }
0x87: {  	v2 =	vld.idx.msk [tilespmem:v4+s18+$0x0], $0xffff;
	_ =	sdelay $0x1  }
0x88: {  	v3 =	vld.idx.msk [tilespmem:v3+s18+$0x0], $0xffff;
	_ =	sdelay $0x2  }
0x89: {  	v1 =	vmul.f32 v2, v1  }
0x8a: {  	s20 =	sadd.s32 s20, s13  }
0x8b: {  	s9 =	smul.u32 $0x3, s20;
	v1 =	vmul.f32 v3, v1;
	_ =	sdelay $0x1  }
0x8c: {  	s9 =	sshrl.u32 s9, $0x3;
	[tilespmem:$0x2CF0] =	vst v1  }
0x8d: {  	[tilespmem:s22], [sflag:$0x1] =	stream.indirect.gather [hbm4b:s6+s24], $0x80, s25, s24, $0xb8;
	[tilespmem:$0x1ED80] =	vst v63  }
0x8e: {  	s9 =	sadd.s32 s5, s9  }
0x8f: {  	[tilespmem:s26], [sflag:$0x5] =	stream.linear.gather [hbm4b:s9+s18], $0x180, $0x38;
	[tilespmem:$0x1ED80] =	vst v63  }
0x90: {  	_ =	swait.ge [sflag:s21], $0x180  }
0x91: {  	[sflag:s21] =	ssyncset.done $0x0  }
0x92: {  	[sflag:s21] =	ssyncadd.s32 $0xFFFFFE80  }
0x93: {  	v1 =	vld [tilespmem:$0x2900];
	_ =	sdelay $0x1  }
0x94: {  	v2 =	vld [tilespmem:$0x2980];
	_ =	sdelay $0x3  }
0x95: {  	[tilespmem:$0x2C00] =	vst v1  }
0x96: {  	v3 =	vld [tilespmem:$0x2A00];
	[tilespmem:$0x2B00] =	vst v2  }
0x97: {  	v1 =	vld.idx.msk [tilespmem:v1+s18+$0x0], $0xffff;
	_ =	sdelay $0x1  }
0x98: {  	v2 =	vld.idx.msk [tilespmem:v2+s18+$0x0], $0xffff  }
0x99: {  	v4 =	vld [tilespmem:$0x2910];
	_ =	sdelay $0x1  }
0x9a: {  	v1 =	vmul.f32 v1, v3;
	v3 =	vld [tilespmem:$0x2990];
	_ =	sdelay $0x1  }
0x9b: {  	v1 =	vmul.f32 v2, v1  }
0x9c: {  	[tilespmem:$0x2C10] =	vst v4  }
0x9d: {  	[tilespmem:$0x2D00] =	vst v1  }
0x9e: {  	v1 =	vld [tilespmem:$0x2A10];
	[tilespmem:$0x2B10] =	vst v3  }
0x9f: {  	v2 =	vld.idx.msk [tilespmem:v4+s18+$0x0], $0xffff;
	_ =	sdelay $0x1  }
0xa0: {  	v3 =	vld.idx.msk [tilespmem:v3+s18+$0x0], $0xffff  }
0xa1: {  	v4 =	vld [tilespmem:$0x2920];
	_ =	sdelay $0x1  }
0xa2: {  	v1 =	vmul.f32 v2, v1;
	v2 =	vld [tilespmem:$0x29A0];
	_ =	sdelay $0x1  }
0xa3: {  	v1 =	vmul.f32 v3, v1  }
0xa4: {  	[tilespmem:$0x2C20] =	vst v4  }
0xa5: {  	[tilespmem:$0x2D10] =	vst v1  }
0xa6: {  	v1 =	vld [tilespmem:$0x2A20];
	[tilespmem:$0x2B20] =	vst v2  }
0xa7: {  	v3 =	vld.idx.msk [tilespmem:v4+s18+$0x0], $0xffff;
	_ =	sdelay $0x1  }
0xa8: {  	v2 =	vld.idx.msk [tilespmem:v2+s18+$0x0], $0xffff  }
0xa9: {  	v4 =	vld [tilespmem:$0x2930];
	_ =	sdelay $0x1  }
0xaa: {  	v1 =	vmul.f32 v3, v1;
	v3 =	vld [tilespmem:$0x29B0];
	_ =	sdelay $0x1  }
0xab: {  	v1 =	vmul.f32 v2, v1  }
0xac: {  	[tilespmem:$0x2C30] =	vst v4  }
0xad: {  	[tilespmem:$0x2D20] =	vst v1  }
0xae: {  	v1 =	vld [tilespmem:$0x2A30];
	[tilespmem:$0x2B30] =	vst v3  }
0xaf: {  	v2 =	vld.idx.msk [tilespmem:v4+s18+$0x0], $0xffff;
	_ =	sdelay $0x1  }
0xb0: {  	v3 =	vld.idx.msk [tilespmem:v3+s18+$0x0], $0xffff  }
0xb1: {  	v4 =	vld [tilespmem:$0x2940];
	_ =	sdelay $0x1  }
0xb2: {  	v1 =	vmul.f32 v2, v1;
	v2 =	vld [tilespmem:$0x29C0];
	_ =	sdelay $0x1  }
0xb3: {  	v1 =	vmul.f32 v3, v1  }
0xb4: {  	[tilespmem:$0x2C40] =	vst v4  }
0xb5: {  	[tilespmem:$0x2D30] =	vst v1  }
0xb6: {  	v1 =	vld [tilespmem:$0x2A40];
	[tilespmem:$0x2B40] =	vst v2  }
0xb7: {  	v3 =	vld.idx.msk [tilespmem:v4+s18+$0x0], $0xffff;
	_ =	sdelay $0x1  }
0xb8: {  	v2 =	vld.idx.msk [tilespmem:v2+s18+$0x0], $0xffff  }
0xb9: {  	v4 =	vld [tilespmem:$0x2950];
	_ =	sdelay $0x1  }
0xba: {  	v1 =	vmul.f32 v3, v1;
	v3 =	vld [tilespmem:$0x29D0];
	_ =	sdelay $0x1  }
0xbb: {  	v1 =	vmul.f32 v2, v1  }
0xbc: {  	[tilespmem:$0x2C50] =	vst v4  }
0xbd: {  	[tilespmem:$0x2D40] =	vst v1  }
0xbe: {  	v1 =	vld [tilespmem:$0x2A50];
	[tilespmem:$0x2B50] =	vst v3  }
0xbf: {  	v2 =	vld.idx.msk [tilespmem:v4+s18+$0x0], $0xffff;
	_ =	sdelay $0x1  }
0xc0: {  	v3 =	vld.idx.msk [tilespmem:v3+s18+$0x0], $0xffff  }
0xc1: {  	v4 =	vld [tilespmem:$0x2960];
	_ =	sdelay $0x1  }
0xc2: {  	v1 =	vmul.f32 v2, v1;
	v2 =	vld [tilespmem:$0x29E0];
	_ =	sdelay $0x1  }
0xc3: {  	v1 =	vmul.f32 v3, v1  }
0xc4: {  	[tilespmem:$0x2C60] =	vst v4  }
0xc5: {  	[tilespmem:$0x2D50] =	vst v1  }
0xc6: {  	v1 =	vld [tilespmem:$0x2A60];
	[tilespmem:$0x2B60] =	vst v2  }
0xc7: {  	v3 =	vld.idx.msk [tilespmem:v4+s18+$0x0], $0xffff;
	_ =	sdelay $0x1  }
0xc8: {  	v2 =	vld.idx.msk [tilespmem:v2+s18+$0x0], $0xffff  }
0xc9: {  	v4 =	vld [tilespmem:$0x2970];
	_ =	sdelay $0x1  }
0xca: {  	v1 =	vmul.f32 v3, v1;
	v3 =	vld [tilespmem:$0x29F0];
	_ =	sdelay $0x1  }
0xcb: {  	v1 =	vmul.f32 v2, v1  }
0xcc: {  	[tilespmem:$0x2C70] =	vst v4  }
0xcd: {  	[tilespmem:$0x2D60] =	vst v1  }
0xce: {  	v1 =	vld [tilespmem:$0x2A70];
	[tilespmem:$0x2B70] =	vst v3  }
0xcf: {  	v2 =	vld.idx.msk [tilespmem:v4+s18+$0x0], $0xffff;
	_ =	sdelay $0x1  }
0xd0: {  	v3 =	vld.idx.msk [tilespmem:v3+s18+$0x0], $0xffff;
	_ =	sdelay $0x2  }
0xd1: {  	v1 =	vmul.f32 v2, v1;
	_ =	sdelay $0x1  }
0xd2: {  	v1 =	vmul.f32 v3, v1;
	_ =	sdelay $0x1  }
0xd3: {  	[tilespmem:$0x2D70] =	vst v1  }
0xd4: {  	[tilespmem:s29], [sflag:$0x2] =	stream.indirect.gather [hbm4b:s6+s24], $0x80, s28, s24, $0xb8;
	[tilespmem:$0x1ED80] =	vst v63  }
0xd5: {  	_ =	swait.ge [sflag:s30], $0x4000  }
0xd6: {  	v1 =	vmov s18;
	[sflag:s30] =	ssyncset.done $0x0  }
0xd7: {  	s20 =	simm.s32 $0x2DC0;
	[sflag:s30] =	ssyncadd.s32 $0xFFFFC000  }
0xd8: {  	v5 =	vld [tilespmem:s20+$0x30]  }
0xd9: {  	v8 =	vld [tilespmem:s20+$0x10]  }
0xda: {  	v6 =	vld [tilespmem:s20+$0xFFFFFFC0]  }
0xdb: {  	v2 =	vld.idx.msk [tilespmem:v1+s31+$0x0], $0xffff  }
0xdc: {  	v10 =	vld [tilespmem:s20+$0xFFFFFFE0]  }
0xdd: {  	v1 =	vld [tilespmem:s20+$0xFFFFFFF0]  }
0xde: {  	v3 =	vld [tilespmem:s20+$0x20]  }
0xdf: {  	v4 =	vld [tilespmem:s20+$0xFFFFFFD0]  }
0xe0: {  	v9 =	vmul.f32 v5, v2;
	v5 =	vld [tilespmem:s20+$0x0]  }
0xe1: {  	v7 =	vmul.f32 v6, v2  }
0xe2: {  	s10 =	simm.s32 $0x2DC0;
	s9 =	simm.s32 $0x1;
	v6 =	vmul.f32 v10, v2;
	v8 =	vmul.f32 v8, v2  }
.LBB2_5:
0xe3: {  	p0 =	sne.s32 s9, $0x7F  }
0xe4: {  	v4 =	vmul.f32 v4, v2;
	v3 =	vmul.f32 v3, v2;
	[tilespmem:s20+$0x30] =	vst v9;
	s10 =	sadd.s32 $0x80, s10;
	s11 =	smov.u32 s9;
	s9 =	sadd.s32 $0x1, s9  }
0xe5: {  	[tilespmem:s20+$0xFFFFFFC0] =	vst v7;
	v7 =	vmul.f32 v1, v2;
	v2 =	vmul.f32 v5, v2  }
0xe6: {  	[tilespmem:s20+$0x10] =	vst v8  }
0xe7: {  	v5 =	vmov s11;
	[tilespmem:s20+$0xFFFFFFE0] =	vst v6  }
0xe8: {  	v1 =	vld [tilespmem:s10+$0xFFFFFFF0];
	[tilespmem:s20+$0xFFFFFFF0] =	vst v7  }
0xe9: {  	v6 =	vld [tilespmem:s10+$0x30];
	[tilespmem:s20+$0x0] =	vst v2  }
0xea: {  	v8 =	vld [tilespmem:s10+$0x10];
	[tilespmem:s20+$0x20] =	vst v3  }
0xeb: {  	v7 =	vld [tilespmem:s10+$0xFFFFFFC0];
	[tilespmem:s20+$0xFFFFFFD0] =	vst v4;
	s20 =	smov.u32 s10  }
0xec: {  	v2 =	vld.idx.msk [tilespmem:v5+s31+$0x0], $0xffff  }
0xed: {  	v10 =	vld [tilespmem:s10+$0xFFFFFFE0]  }
0xee: {  	v3 =	vld [tilespmem:s10+$0x20]  }
.Ltmp1:
0xef: {  	v4 =	vld [tilespmem:s10+$0xFFFFFFD0];
	(pc) =	sbr.rel @p0 .LBB2_5-.Ltmp1, $3  }
0xf0: {  	v5 =	vld [tilespmem:s10+$0x0];
	_ =	sdelay $0x1  }
0xf1: {  	v7 =	vmul.f32 v7, v2;
	v9 =	vmul.f32 v6, v2  }
0xf2: {  	v8 =	vmul.f32 v8, v2;
	v6 =	vmul.f32 v10, v2  }
0xf3: {  	[tilespmem:s20+$0x30] =	vst v9  }
0xf4: {  	[tilespmem:s20+$0xFFFFFFC0] =	vst v7  }
0xf5: {  	v1 =	vmul.f32 v1, v2;
	[tilespmem:s20+$0x10] =	vst v8  }
0xf6: {  	v3 =	vmul.f32 v3, v2;
	[tilespmem:s20+$0xFFFFFFE0] =	vst v6  }
0xf7: {  	v5 =	vmul.f32 v5, v2;
	[tilespmem:s20+$0xFFFFFFF0] =	vst v1  }
0xf8: {  	v1 =	vmul.f32 v4, v2;
	[tilespmem:s20+$0x20] =	vst v3  }
0xf9: {  	[tilespmem:s20+$0x0] =	vst v5  }
0xfa: {  	[tilespmem:s20+$0xFFFFFFD0] =	vst v1  }
0xfb: {  	[spmem:s3] =	stream.indirect.scatter.add.f32 [tilespmem:s22], [sflag:$0x3], $0x80, s1, s24, $0xb8;
	[tilespmem:$0x1ED80] =	vst v63  }
0xfc: {  	s9 =	simm.s32 $0x0;
	_ =	swait.ge [sflag:s0], $0x4000  }
0xfd: {  	v1 =	vmov s9;
	[sflag:s0] =	ssyncset.done $0x0  }
0xfe: {  	s20 =	simm.s32 $0x6DC0;
	[sflag:s0] =	ssyncadd.s32 $0xFFFFC000  }
0xff: {  	v5 =	vld [tilespmem:s20+$0x30]  }
0x100: {  	v8 =	vld [tilespmem:s20+$0x10]  }
0x101: {  	v6 =	vld [tilespmem:s20+$0xFFFFFFC0]  }
0x102: {  	v2 =	vld.idx.msk [tilespmem:v1+s2+$0x0], $0xffff  }
0x103: {  	v10 =	vld [tilespmem:s20+$0xFFFFFFE0]  }
0x104: {  	v1 =	vld [tilespmem:s20+$0xFFFFFFF0]  }
0x105: {  	v3 =	vld [tilespmem:s20+$0x20]  }
0x106: {  	v4 =	vld [tilespmem:s20+$0xFFFFFFD0]  }
0x107: {  	v9 =	vmul.f32 v5, v2;
	v5 =	vld [tilespmem:s20+$0x0]  }
0x108: {  	v7 =	vmul.f32 v6, v2  }
0x109: {  	s10 =	simm.s32 $0x6DC0;
	s9 =	simm.s32 $0x1;
	v6 =	vmul.f32 v10, v2;
	v8 =	vmul.f32 v8, v2  }
.LBB2_7:
0x10a: {  	p0 =	sne.s32 s9, $0x7F  }
0x10b: {  	v4 =	vmul.f32 v4, v2;
	v3 =	vmul.f32 v3, v2;
	[tilespmem:s20+$0x30] =	vst v9;
	s10 =	sadd.s32 $0x80, s10;
	s11 =	smov.u32 s9;
	s9 =	sadd.s32 $0x1, s9  }
0x10c: {  	[tilespmem:s20+$0xFFFFFFC0] =	vst v7;
	v7 =	vmul.f32 v1, v2;
	v2 =	vmul.f32 v5, v2  }
0x10d: {  	[tilespmem:s20+$0x10] =	vst v8  }
0x10e: {  	v5 =	vmov s11;
	[tilespmem:s20+$0xFFFFFFE0] =	vst v6  }
0x10f: {  	v1 =	vld [tilespmem:s10+$0xFFFFFFF0];
	[tilespmem:s20+$0xFFFFFFF0] =	vst v7  }
0x110: {  	v6 =	vld [tilespmem:s10+$0x30];
	[tilespmem:s20+$0x0] =	vst v2  }
0x111: {  	v8 =	vld [tilespmem:s10+$0x10];
	[tilespmem:s20+$0x20] =	vst v3  }
0x112: {  	v7 =	vld [tilespmem:s10+$0xFFFFFFC0];
	[tilespmem:s20+$0xFFFFFFD0] =	vst v4;
	s20 =	smov.u32 s10  }
0x113: {  	v2 =	vld.idx.msk [tilespmem:v5+s2+$0x0], $0xffff  }
0x114: {  	v10 =	vld [tilespmem:s10+$0xFFFFFFE0]  }
0x115: {  	v3 =	vld [tilespmem:s10+$0x20]  }
.Ltmp2:
0x116: {  	v4 =	vld [tilespmem:s10+$0xFFFFFFD0];
	(pc) =	sbr.rel @p0 .LBB2_7-.Ltmp2, $3  }
0x117: {  	v5 =	vld [tilespmem:s10+$0x0];
	_ =	sdelay $0x1  }
0x118: {  	v7 =	vmul.f32 v7, v2;
	v9 =	vmul.f32 v6, v2  }
0x119: {  	v8 =	vmul.f32 v8, v2;
	v6 =	vmul.f32 v10, v2  }
0x11a: {  	[tilespmem:s20+$0x30] =	vst v9  }
0x11b: {  	[tilespmem:s20+$0xFFFFFFC0] =	vst v7  }
0x11c: {  	v1 =	vmul.f32 v1, v2;
	[tilespmem:s20+$0x10] =	vst v8  }
0x11d: {  	v3 =	vmul.f32 v3, v2;
	[tilespmem:s20+$0xFFFFFFE0] =	vst v6  }
0x11e: {  	v5 =	vmul.f32 v5, v2;
	[tilespmem:s20+$0xFFFFFFF0] =	vst v1  }
0x11f: {  	v1 =	vmul.f32 v4, v2;
	[tilespmem:s20+$0x20] =	vst v3  }
0x120: {  	[tilespmem:s20+$0x0] =	vst v5  }
0x121: {  	s19 =	sadd.s32 $0x1, s19;
	[tilespmem:s20+$0xFFFFFFD0] =	vst v1  }
0x122: {  	[spmem:s3] =	stream.indirect.scatter.add.f32 [tilespmem:s29], [sflag:$0x4], $0x80, s14, s24, $0xb8;
	[tilespmem:$0x1ED80] =	vst v63  }
0x123: {  	p0 =	sne.s32 s19, $0x12;
	_ =	swait.ge [sflag:s15], $0x4000  }
.Ltmp3:
0x124: {  	[sflag:s15] =	ssyncset.done $0x0;
	(pc) =	sbr.rel @p0 .LBB2_4-.Ltmp3, $4  }
0x125: {  	[sflag:s15] =	ssyncadd.s32 $0xFFFFC000  }
0x126: {  	_ =	swait.ge [sflag:s16], $0x4000  }
0x127: {  	[sflag:s16] =	ssyncset.done $0x0  }
0x128: {  	[sflag:s16] =	ssyncadd.s32 $0xFFFFC000  }
0x129: {  	s18 =	simm.s32 $0x0;
	s9 =	rddreg [dreg:$0x7]  }
0x12a: {  	[tilespmem:s23], [sflag:$0x5] =	stream.linear.gather [hbm4b:s9+s18], $0x180, $0x38;
	[tilespmem:$0x1ED80] =	vst v63  }
0x12b: {  	_ =	swait.ge [sflag:s21], $0x180  }
0x12c: {  	[sflag:s21] =	ssyncset.done $0x0  }
0x12d: {  	[sflag:s21] =	ssyncadd.s32 $0xFFFFFE80  }
0x12e: {  	v1 =	vld [tilespmem:$0x2780];
	_ =	sdelay $0x1  }
0x12f: {  	v2 =	vld [tilespmem:$0x2800];
	_ =	sdelay $0x3  }
0x130: {  	[tilespmem:$0x2B80] =	vst v1  }
0x131: {  	v3 =	vld [tilespmem:$0x2880];
	[tilespmem:$0x2A80] =	vst v2  }
0x132: {  	v1 =	vld.idx.msk [tilespmem:v1+s18+$0x0], $0xffff;
	_ =	sdelay $0x1  }
0x133: {  	v2 =	vld.idx.msk [tilespmem:v2+s18+$0x0], $0xffff  }
0x134: {  	v4 =	vld [tilespmem:$0x2790];
	_ =	sdelay $0x1  }
0x135: {  	v1 =	vmul.f32 v1, v3;
	v3 =	vld [tilespmem:$0x2810];
	_ =	sdelay $0x1  }
0x136: {  	v1 =	vmul.f32 v2, v1  }
0x137: {  	[tilespmem:$0x2B90] =	vst v4  }
0x138: {  	[tilespmem:$0x2C80] =	vst v1  }
0x139: {  	v1 =	vld [tilespmem:$0x2890];
	[tilespmem:$0x2A90] =	vst v3  }
0x13a: {  	v2 =	vld.idx.msk [tilespmem:v4+s18+$0x0], $0xffff;
	_ =	sdelay $0x1  }
0x13b: {  	v3 =	vld.idx.msk [tilespmem:v3+s18+$0x0], $0xffff  }
0x13c: {  	v4 =	vld [tilespmem:$0x27A0];
	_ =	sdelay $0x1  }
0x13d: {  	v1 =	vmul.f32 v2, v1;
	v2 =	vld [tilespmem:$0x2820];
	_ =	sdelay $0x1  }
0x13e: {  	v1 =	vmul.f32 v3, v1  }
0x13f: {  	[tilespmem:$0x2BA0] =	vst v4  }
0x140: {  	[tilespmem:$0x2C90] =	vst v1  }
0x141: {  	v1 =	vld [tilespmem:$0x28A0];
	[tilespmem:$0x2AA0] =	vst v2  }
0x142: {  	v3 =	vld.idx.msk [tilespmem:v4+s18+$0x0], $0xffff;
	_ =	sdelay $0x1  }
0x143: {  	v2 =	vld.idx.msk [tilespmem:v2+s18+$0x0], $0xffff  }
0x144: {  	v4 =	vld [tilespmem:$0x27B0];
	_ =	sdelay $0x1  }
0x145: {  	v1 =	vmul.f32 v3, v1;
	v3 =	vld [tilespmem:$0x2830];
	_ =	sdelay $0x1  }
0x146: {  	v1 =	vmul.f32 v2, v1  }
0x147: {  	[tilespmem:$0x2BB0] =	vst v4  }
0x148: {  	[tilespmem:$0x2CA0] =	vst v1  }
0x149: {  	v1 =	vld [tilespmem:$0x28B0];
	[tilespmem:$0x2AB0] =	vst v3  }
0x14a: {  	v2 =	vld.idx.msk [tilespmem:v4+s18+$0x0], $0xffff;
	_ =	sdelay $0x1  }
0x14b: {  	v3 =	vld.idx.msk [tilespmem:v3+s18+$0x0], $0xffff  }
0x14c: {  	v4 =	vld [tilespmem:$0x27C0];
	_ =	sdelay $0x1  }
0x14d: {  	v1 =	vmul.f32 v2, v1;
	v2 =	vld [tilespmem:$0x2840];
	_ =	sdelay $0x1  }
0x14e: {  	v1 =	vmul.f32 v3, v1  }
0x14f: {  	[tilespmem:$0x2BC0] =	vst v4  }
0x150: {  	[tilespmem:$0x2CB0] =	vst v1  }
0x151: {  	v1 =	vld [tilespmem:$0x28C0];
	[tilespmem:$0x2AC0] =	vst v2  }
0x152: {  	v3 =	vld.idx.msk [tilespmem:v4+s18+$0x0], $0xffff;
	_ =	sdelay $0x1  }
0x153: {  	v2 =	vld.idx.msk [tilespmem:v2+s18+$0x0], $0xffff  }
0x154: {  	v4 =	vld [tilespmem:$0x27D0];
	_ =	sdelay $0x1  }
0x155: {  	v1 =	vmul.f32 v3, v1;
	v3 =	vld [tilespmem:$0x2850];
	_ =	sdelay $0x1  }
0x156: {  	v1 =	vmul.f32 v2, v1  }
0x157: {  	[tilespmem:$0x2BD0] =	vst v4  }
0x158: {  	[tilespmem:$0x2CC0] =	vst v1  }
0x159: {  	v1 =	vld [tilespmem:$0x28D0];
	[tilespmem:$0x2AD0] =	vst v3  }
0x15a: {  	v2 =	vld.idx.msk [tilespmem:v4+s18+$0x0], $0xffff;
	_ =	sdelay $0x1  }
0x15b: {  	v3 =	vld.idx.msk [tilespmem:v3+s18+$0x0], $0xffff  }
0x15c: {  	v4 =	vld [tilespmem:$0x27E0];
	_ =	sdelay $0x1  }
0x15d: {  	v1 =	vmul.f32 v2, v1;
	v2 =	vld [tilespmem:$0x2860];
	_ =	sdelay $0x1  }
0x15e: {  	v1 =	vmul.f32 v3, v1  }
0x15f: {  	[tilespmem:$0x2BE0] =	vst v4  }
0x160: {  	[tilespmem:$0x2CD0] =	vst v1  }
0x161: {  	v1 =	vld [tilespmem:$0x28E0];
	[tilespmem:$0x2AE0] =	vst v2  }
0x162: {  	v3 =	vld.idx.msk [tilespmem:v4+s18+$0x0], $0xffff;
	_ =	sdelay $0x1  }
0x163: {  	v2 =	vld.idx.msk [tilespmem:v2+s18+$0x0], $0xffff  }
0x164: {  	v4 =	vld [tilespmem:$0x27F0];
	_ =	sdelay $0x1  }
0x165: {  	v1 =	vmul.f32 v3, v1;
	v3 =	vld [tilespmem:$0x2870];
	_ =	sdelay $0x1  }
0x166: {  	v1 =	vmul.f32 v2, v1  }
0x167: {  	[tilespmem:$0x2BF0] =	vst v4  }
0x168: {  	[tilespmem:$0x2CE0] =	vst v1  }
0x169: {  	v1 =	vld [tilespmem:$0x28F0];
	[tilespmem:$0x2AF0] =	vst v3  }
0x16a: {  	v2 =	vld.idx.msk [tilespmem:v4+s18+$0x0], $0xffff;
	_ =	sdelay $0x1  }
0x16b: {  	v3 =	vld.idx.msk [tilespmem:v3+s18+$0x0], $0xffff;
	_ =	sdelay $0x2  }
0x16c: {  	v1 =	vmul.f32 v2, v1;
	_ =	sdelay $0x1  }
0x16d: {  	v1 =	vmul.f32 v3, v1;
	_ =	sdelay $0x1  }
0x16e: {  	[tilespmem:$0x2CF0] =	vst v1  }
0x16f: {  	[tilespmem:s22], [sflag:$0x1] =	stream.indirect.gather [hbm4b:s6+s24], $0x80, s25, s24, $0xb8;
	[tilespmem:$0x1ED80] =	vst v63  }
0x170: {  	_ =	swait.ge [sflag:s30], $0x4000  }
0x171: {  	v1 =	vmov s18;
	[sflag:s30] =	ssyncset.done $0x0  }
0x172: {  	s18 =	simm.s32 $0x2DC0;
	[sflag:s30] =	ssyncadd.s32 $0xFFFFC000  }
0x173: {  	v5 =	vld [tilespmem:s18+$0x30]  }
0x174: {  	v8 =	vld [tilespmem:s18+$0x10]  }
0x175: {  	v6 =	vld [tilespmem:s18+$0xFFFFFFC0]  }
0x176: {  	v2 =	vld.idx.msk [tilespmem:v1+s31+$0x0], $0xffff  }
0x177: {  	v10 =	vld [tilespmem:s18+$0xFFFFFFE0]  }
0x178: {  	v1 =	vld [tilespmem:s18+$0xFFFFFFF0]  }
0x179: {  	v3 =	vld [tilespmem:s18+$0x20]  }
0x17a: {  	v4 =	vld [tilespmem:s18+$0xFFFFFFD0]  }
0x17b: {  	v9 =	vmul.f32 v5, v2;
	v5 =	vld [tilespmem:s18+$0x0]  }
0x17c: {  	v7 =	vmul.f32 v6, v2  }
0x17d: {  	s10 =	simm.s32 $0x2DC0;
	s9 =	simm.s32 $0x1;
	v6 =	vmul.f32 v10, v2;
	v8 =	vmul.f32 v8, v2  }
.LBB2_10:
0x17e: {  	p0 =	sne.s32 s9, $0x7F  }
0x17f: {  	v4 =	vmul.f32 v4, v2;
	v3 =	vmul.f32 v3, v2;
	[tilespmem:s18+$0x30] =	vst v9;
	s10 =	sadd.s32 $0x80, s10;
	s11 =	smov.u32 s9;
	s9 =	sadd.s32 $0x1, s9  }
0x180: {  	[tilespmem:s18+$0xFFFFFFC0] =	vst v7;
	v7 =	vmul.f32 v1, v2;
	v2 =	vmul.f32 v5, v2  }
0x181: {  	[tilespmem:s18+$0x10] =	vst v8  }
0x182: {  	v5 =	vmov s11;
	[tilespmem:s18+$0xFFFFFFE0] =	vst v6  }
0x183: {  	v1 =	vld [tilespmem:s10+$0xFFFFFFF0];
	[tilespmem:s18+$0xFFFFFFF0] =	vst v7  }
0x184: {  	v6 =	vld [tilespmem:s10+$0x30];
	[tilespmem:s18+$0x0] =	vst v2  }
0x185: {  	v8 =	vld [tilespmem:s10+$0x10];
	[tilespmem:s18+$0x20] =	vst v3  }
0x186: {  	v7 =	vld [tilespmem:s10+$0xFFFFFFC0];
	[tilespmem:s18+$0xFFFFFFD0] =	vst v4;
	s18 =	smov.u32 s10  }
0x187: {  	v2 =	vld.idx.msk [tilespmem:v5+s31+$0x0], $0xffff  }
0x188: {  	v10 =	vld [tilespmem:s10+$0xFFFFFFE0]  }
0x189: {  	v3 =	vld [tilespmem:s10+$0x20]  }
.Ltmp4:
0x18a: {  	v4 =	vld [tilespmem:s10+$0xFFFFFFD0];
	(pc) =	sbr.rel @p0 .LBB2_10-.Ltmp4, $3  }
0x18b: {  	v5 =	vld [tilespmem:s10+$0x0];
	_ =	sdelay $0x1  }
0x18c: {  	v7 =	vmul.f32 v7, v2;
	v9 =	vmul.f32 v6, v2  }
0x18d: {  	v8 =	vmul.f32 v8, v2;
	v6 =	vmul.f32 v10, v2  }
0x18e: {  	[tilespmem:s18+$0x30] =	vst v9  }
0x18f: {  	[tilespmem:s18+$0xFFFFFFC0] =	vst v7  }
0x190: {  	v1 =	vmul.f32 v1, v2;
	[tilespmem:s18+$0x10] =	vst v8  }
0x191: {  	v3 =	vmul.f32 v3, v2;
	[tilespmem:s18+$0xFFFFFFE0] =	vst v6  }
0x192: {  	v5 =	vmul.f32 v5, v2;
	[tilespmem:s18+$0xFFFFFFF0] =	vst v1  }
0x193: {  	v1 =	vmul.f32 v4, v2;
	[tilespmem:s18+$0x20] =	vst v3  }
0x194: {  	[tilespmem:s18+$0x0] =	vst v5  }
0x195: {  	[tilespmem:s18+$0xFFFFFFD0] =	vst v1  }
0x196: {  	[spmem:s3] =	stream.indirect.scatter.add.f32 [tilespmem:s22], [sflag:$0x5], $0x80, s1, s24, $0xb8;
	[tilespmem:$0x1ED80] =	vst v63  }
0x197: {  	_ =	swait.ge [sflag:s21], $0x4000  }
0x198: {  	[sflag:s21] =	ssyncset.done $0x0  }
0x199: {  	[sflag:s21] =	ssyncadd.s32 $0xFFFFC000  }
0x19a: {  	[bflag:$0x0] =	sbarrier.arrive $0xFFFF  }
0x19b: {  	[tilespmem:s22], [sflag:$0x5] =	stream.linear.gather [spmem:s8], $0x4000, $0x38;
	[tilespmem:$0x1ED80] =	vst v63  }
0x19c: {  	_ =	swait.ge [sflag:s21], $0x4000  }
0x19d: {  	[sflag:s21] =	ssyncset.done $0x0  }
0x19e: {  	s20 =	rddreg [dreg:$0x8];
	[sflag:s21] =	ssyncadd.s32 $0xFFFFC000  }
0x19f: {  	[hbm4b:s20+s4] =	stream.linear.scatter [tilespmem:s22], [sflag:$0x5], $0x4000, $0x38;
	[tilespmem:$0x1ED80] =	vst v63  }
0x1a0: {  	_ =	swait.ge [sflag:s21], $0x4000  }
0x1a1: {  	[sflag:s21] =	ssyncset.done $0x0  }
0x1a2: {  	[sflag:s21] =	ssyncadd.s32 $0xFFFFC000  }
0x1a3: {  	[tilespmem:s22], [sflag:$0x5] =	stream.linear.gather [spmem:s12], $0x4000, $0x38;
	[tilespmem:$0x1ED80] =	vst v63  }
0x1a4: {  	_ =	swait.ge [sflag:s21], $0x4000  }
0x1a5: {  	[sflag:s21] =	ssyncset.done $0x0  }
0x1a6: {  	s9 =	rddreg [dreg:$0x9];
	[sflag:s21] =	ssyncadd.s32 $0xFFFFC000  }
0x1a7: {  	[hbm4b:s9+s4] =	stream.linear.scatter [tilespmem:s22], [sflag:$0x5], $0x4000, $0x38;
	[tilespmem:$0x1ED80] =	vst v63  }
0x1a8: {  	_ =	swait.ge [sflag:s21], $0x4000  }
0x1a9: {  	[sflag:s21] =	ssyncset.done $0x0  }
0x1aa: {  	s18 =	rddreg [dreg:$0x4];
	[sflag:s21] =	ssyncadd.s32 $0xFFFFC000  }
0x1ab: {  	[tilespmem:s22], [sflag:$0x5] =	stream.linear.gather [spmem:s18], $0x4000, $0x38;
	[tilespmem:$0x1ED80] =	vst v63  }
0x1ac: {  	_ =	swait.ge [sflag:s21], $0x4000  }
0x1ad: {  	[sflag:s21] =	ssyncset.done $0x0  }
0x1ae: {  	s10 =	rddreg [dreg:$0xa];
	[sflag:s21] =	ssyncadd.s32 $0xFFFFC000  }
0x1af: {  	[hbm4b:s10+s4] =	stream.linear.scatter [tilespmem:s22], [sflag:$0x5], $0x4000, $0x38;
	[tilespmem:$0x1ED80] =	vst v63  }
0x1b0: {  	_ =	swait.ge [sflag:s21], $0x4000  }
0x1b1: {  	[sflag:s21] =	ssyncset.done $0x0  }
0x1b2: {  	s20 =	rddreg [dreg:$0x5];
	[sflag:s21] =	ssyncadd.s32 $0xFFFFC000  }
0x1b3: {  	[tilespmem:s22], [sflag:$0x5] =	stream.linear.gather [spmem:s20], $0x4000, $0x38;
	[tilespmem:$0x1ED80] =	vst v63  }
0x1b4: {  	_ =	swait.ge [sflag:s21], $0x4000  }
0x1b5: {  	[sflag:s21] =	ssyncset.done $0x0  }
0x1b6: {  	s11 =	smov.u32 s12;
	s12 =	rddreg [dreg:$0xb];
	[sflag:s21] =	ssyncadd.s32 $0xFFFFC000  }
0x1b7: {  	[hbm4b:s12+s4] =	stream.linear.scatter [tilespmem:s22], [sflag:$0x5], $0x4000, $0x38;
	[tilespmem:$0x1ED80] =	vst v63  }
0x1b8: {  	_ =	swait.ge [sflag:s21], $0x4000  }
0x1b9: {  	[sflag:s21] =	ssyncset.done $0x0  }
0x1ba: {  	s9 =	rddreg [dreg:$0x6];
	[sflag:s21] =	ssyncadd.s32 $0xFFFFC000  }
0x1bb: {  	[tilespmem:s22], [sflag:$0x5] =	stream.linear.gather [spmem:s9], $0x4000, $0x38;
	[tilespmem:$0x1ED80] =	vst v63  }
0x1bc: {  	_ =	swait.ge [sflag:s21], $0x4000  }
0x1bd: {  	[sflag:s21] =	ssyncset.done $0x0  }
0x1be: {  	s10 =	rddreg [dreg:$0xc];
	[sflag:s21] =	ssyncadd.s32 $0xFFFFC000  }
0x1bf: {  	[hbm4b:s10+s4] =	stream.linear.scatter [tilespmem:s22], [sflag:$0x5], $0x4000, $0x38;
	[tilespmem:$0x1ED80] =	vst v63  }
0x1c0: {  	_ =	swait.ge [sflag:s21], $0x4000  }
0x1c1: {  	s17 =	sadd.s32 $0x1, s17;
	s12 =	rddreg [dreg:$0xd]  }
0x1c2: {  	p0 =	sne.s32 s17, s12  }
.Ltmp5:
0x1c3: {  	_ = 	snop;
	(pc) =	sbr.rel @p0 .LBB2_1-.Ltmp5, $3  }
0x1c4: {  	_ =	sdelay $0x1  }
0x1c5: {  	[sflag:s21] =	ssyncset.done $0x0  }
0x1c6: {  	s19 =	smov.u32 s8;
	[sflag:s21] =	ssyncadd.s32 $0xFFFFC000  }
0x1c7: {  	_ =	sfence.sel $0x180000  }
0x1c8: {  	[bflag:$0x0] =	sbarrier.arrive $0xFFFF  }
0x1c9: {  	_ =	strace $0x90000050  }
0x1ca: {  	s0 =	stileid.u32;
	[bflag:$0x2] =	sbarrier.arrive $0xFFFF  }
0x1cb: {  	p0 =	sne.s32 s0, $0x0;
	s0 =	rddreg [dreg:$0x3]  }
0x1cc: {  	s0 =	sadd.s32 @!p0 $0x100000, s0  }
0x1cd: {  	[sflag:s0] =	ssyncadd.tile.s32 @!p0 $0x1;
	_ =	shalt  }
.Lfunc_end2:
_tile_overlayer_lowered:
.L_overlay_start_2:
0x1ce: {  	(tag) =	ssettag $0x2  }
0x1cf: {  	s0 =	rddreg [dreg:$0x0];
	s2 =	stileid.u32  }
0x1d0: {  	s1 =	rddreg [dreg:$0x1];
	p0 =	sne.s32 s2, $0x0  }
0x1d1: {  	s3 =	rddreg [dreg:$0x2];
	[bflag:$0x3] =	sbarrier.arrive $0xFFFF;
	s2 =	simm.s32 @!p0 $0x1C05  }
0x1d2: {  	[timem:s3], [sflag:s2] =	dma.local @!p0 [hbm:s0], s1  }
0x1d3: {  	s0 =	simm.s32 @!p0 $0x5  }
0x1d4: {  	_ =	swait.ge @!p0 [sflag:s0], s1  }
0x1d5: {  	s1 =	ssub.s32 @!p0 $0x0, s1;
	[sflag:s0] =	ssyncset.done @!p0 $0x0  }
0x1d6: {  	[sflag:s0] =	ssyncadd.s32 @!p0 s1  }
0x1d7: {  	[bflag:$0x3] =	sbarrier.arrive $0xFFFF  }
0x1d8: {  	_ =	shalt  }

// kernel: sc_diff.3.cloned.1.call-start
scs
__scs_entry_jumppad:
0x0: {  	(pc) =	sbr.rel $0x88, $3  }
0x1: {  	(tag) =	ssettag $0x0;
	lr =	simm.s32 $0x1  }
0x2: {  	[smem:$0x3F8E] =	sst lr;
	_ =	strace $0xD0000000  }
0x3: {  	_ = 	snop  }
0x4: {  	_ = 	snop  }
0x5: {  	_ = 	snop  }
0x6: {  	_ = 	snop  }
0x7: {  	_ = 	snop  }
__scs_overlays_trampoline_lowered:
0x8: {  	[smem:$0x3F9D] =	sst s0  }
0x9: {  	[smem:$0x3F9E] =	sst s1  }
0xa: {  	[smem:$0x3F9F] =	sst s2  }
0xb: {  	[smem:$0x3FA0] =	sst s3  }
0xc: {  	[smem:$0x3FA1] =	sst s4  }
0xd: {  	[smem:$0x3FA2] =	sst s5  }
0xe: {  	[smem:$0x3FA3] =	sst s6  }
0xf: {  	[smem:$0x3FA4] =	sst s7  }
0x10: {  	[smem:$0x3FA5] =	sst s8  }
0x11: {  	[smem:$0x3FA6] =	sst s9;
	s0 =	simm.s32 @!p0 $0x0  }
0x12: {  	s1 =	sld [smem:$0x3F8C];
	s0 =	simm.s32 @p0 $0x1  }
0x13: {  	[smem:$0x3FA7] =	sst s0;
	s0 =	simm.s32 @!p1 $0x0  }
0x14: {  	s2 =	sld [smem:$0x3F8B];
	s0 =	simm.s32 @p1 $0x1  }
0x15: {  	[smem:$0x3FA8] =	sst s0;
	s0 =	simm.s32 @!p2 $0x0  }
0x16: {  	s3 =	sld [smem:$0x3FDB];
	s0 =	simm.s32 @p2 $0x1  }
0x17: {  	s4 =	simm.s32 $0x1BF5;
	[smem:$0x3FAA] =	sst s0  }
0x18: {  	s0 =	sld [smem:$0x3F8D];
	_ =	swait.ge [sflag:s4], $0x0  }
0x19: {  	s7 =	sld [smem:$0x3F8E]  }
0x1a: {  	s8 =	sadd.s32 $0xFFFFE003, lr  }
0x1b: {  	s9 =	sadd.s32 $0xFFFFFEF7, lr;
	s5 =	simm.s32 $0xFFFFFFFF;
	p2 =	slt.u32 s8, $0xFFFFF086  }
0x1c: {  	p1 =	slt.u32 s9, $0xF7A;
	s5 =	simm.s32 @!p2 $0x0  }
0x1d: {  	s5 =	simm.s32 @p1 $0x1;
	p0 =	seq.s32 s7, s2  }
0x1e: {  	s7 =	smul.u32 @!p0 $0xF7A, s2;
	p2 =	seq.s32 @!p0 s5, $0x0  }
0x1f: {  	s9 =	smul.u32 $0xF7A, s1;
	s8 =	simm.s32 @!p0 $0x1BF5;
	p2 =	por !p2, p0  }
0x20: {  	[sflag:s8] =	ssyncset.s32 @!p0 $0xFFFFF086;
	s6 =	sadd.s32 @!p0 s3, s7;
	s7 =	simm.s32 @!p0 $0x108  }
0x21: {  	s3 =	sadd.s32 s3, s9;
	s6 =	sadd.s32 @!p0 $0x88, s6;
	s7 =	simm.s32 @p2 $0x1082  }
0x22: {  	[simem:s7], [sflag:s8] =	dma.local @!p0 [hbm:s6], $0xF7A  }
0x23: {  	s9 =	sor.u32 $0xD0000000, s2;
	s6 =	simm.s32 $0x108;
	_ =	swait.ge @!p0 [sflag:s8], $0x0  }
0x24: {  	s3 =	sadd.s32 $0x88, s3;
	s6 =	simm.s32 @!p1 $0x1082;
	[sflag:s4] =	ssyncset.s32 $0xFFFFF086  }
0x25: {  	[simem:s6], [sflag:s4] =	dma.local [hbm:s3], $0xF7A  }
0x26: {  	[smem:$0x3F8E] =	sst s1;
	(tag) =	ssettag s2;
	_ =	strace s9  }
0x27: {  	s1 =	sld [smem:$0x3F9E]  }
0x28: {  	s2 =	sld [smem:$0x3F9F]  }
0x29: {  	s4 =	sld [smem:$0x3FA1]  }
0x2a: {  	p0 =	seq.s32 s5, $0x0;
	s5 =	sld [smem:$0x3FA2]  }
0x2b: {  	s6 =	sld [smem:$0x3FA3]  }
0x2c: {  	s7 =	sld [smem:$0x3FA4]  }
0x2d: {  	s3 =	simm.s32 $0x108;
	s8 =	sld [smem:$0x3FA5]  }
0x2e: {  	s3 =	simm.s32 @!p0 $0x1082;
	s9 =	sld [smem:$0x3FA6]  }
0x2f: {  	lr =	sadd.s32 s0, s3;
	s0 =	sld [smem:$0x3F9D]  }
0x30: {  	s3 =	sld [smem:$0x3FA0]  }
0x31: {  	[smem:$0x3FA9] =	sst s10  }
0x32: {  	s10 =	sld [smem:$0x3FA7];
	_ =	sdelay $0x3  }
0x33: {  	p0 =	seq.s32 s10, $0x1;
	s10 =	sld [smem:$0x3FA9];
	_ =	sdelay $0x3  }
0x34: {  	[smem:$0x3FA9] =	sst s10  }
0x35: {  	s10 =	sld [smem:$0x3FA8];
	_ =	sdelay $0x3  }
0x36: {  	p1 =	seq.s32 s10, $0x1;
	s10 =	sld [smem:$0x3FA9];
	_ =	sdelay $0x3  }
0x37: {  	[smem:$0x3FA9] =	sst s10  }
0x38: {  	s10 =	sld [smem:$0x3FAA]  }
0x39: {  	_ = 	snop;
	(pc) =	sbr.ind lr, $3  }
0x3a: {  	_ = 	snop  }
0x3b: {  	_ = 	snop  }
0x3c: {  	p2 =	seq.s32 s10, $0x1;
	s10 =	sld [smem:$0x3FA9]  }
0x3d: {  	_ =	shalt  }
0x3e: {  	_ =	shalt  }
0x3f: {  	_ =	shalt  }
0x40: {  	_ =	shalt  }
0x41: {  	_ =	shalt  }
0x42: {  	_ =	shalt  }
0x43: {  	_ =	shalt  }
0x44: {  	_ =	shalt  }
0x45: {  	_ =	shalt  }
0x46: {  	_ =	shalt  }
0x47: {  	_ =	shalt  }
0x48: {  	_ =	shalt  }
0x49: {  	_ =	shalt  }
0x4a: {  	_ =	shalt  }
0x4b: {  	_ =	shalt  }
0x4c: {  	_ =	shalt  }
0x4d: {  	_ =	shalt  }
0x4e: {  	_ =	shalt  }
0x4f: {  	_ =	shalt  }
0x50: {  	_ =	shalt  }
0x51: {  	_ =	shalt  }
0x52: {  	_ =	shalt  }
0x53: {  	_ =	shalt  }
0x54: {  	_ =	shalt  }
0x55: {  	_ =	shalt  }
0x56: {  	_ =	shalt  }
0x57: {  	_ =	shalt  }
0x58: {  	_ =	shalt  }
0x59: {  	_ =	shalt  }
0x5a: {  	_ =	shalt  }
0x5b: {  	_ =	shalt  }
0x5c: {  	_ =	shalt  }
0x5d: {  	_ =	shalt  }
0x5e: {  	_ =	shalt  }
0x5f: {  	_ =	shalt  }
0x60: {  	_ =	shalt  }
0x61: {  	_ =	shalt  }
0x62: {  	_ =	shalt  }
0x63: {  	_ =	shalt  }
0x64: {  	_ =	shalt  }
0x65: {  	_ =	shalt  }
0x66: {  	_ =	shalt  }
0x67: {  	_ =	shalt  }
0x68: {  	_ =	shalt  }
0x69: {  	_ =	shalt  }
0x6a: {  	_ =	shalt  }
0x6b: {  	_ =	shalt  }
0x6c: {  	_ =	shalt  }
0x6d: {  	_ =	shalt  }
0x6e: {  	_ =	shalt  }
0x6f: {  	_ =	shalt  }
0x70: {  	_ =	shalt  }
0x71: {  	_ =	shalt  }
0x72: {  	_ =	shalt  }
0x73: {  	_ =	shalt  }
0x74: {  	_ =	shalt  }
0x75: {  	_ =	shalt  }
0x76: {  	_ =	shalt  }
0x77: {  	_ =	shalt  }
0x78: {  	_ =	shalt  }
0x79: {  	_ =	shalt  }
0x7a: {  	_ =	shalt  }
0x7b: {  	_ =	shalt  }
0x7c: {  	_ =	shalt  }
0x7d: {  	_ =	shalt  }
0x7e: {  	_ =	shalt  }
0x7f: {  	_ =	shalt  }
0x80: {  	_ =	shalt  }
0x81: {  	_ =	shalt  }
0x82: {  	_ =	shalt  }
0x83: {  	_ =	shalt  }
0x84: {  	_ =	shalt  }
0x85: {  	_ =	shalt  }
0x86: {  	_ =	shalt  }
0x87: {  	_ =	shalt  }
.Lfunc_end0:
.L_simem_size_0:
called_computation.4_lowered:
.L_overlay_start_0:
0x88: {  	s2 =	sld [smem:$0x3FD9]  }
0x89: {  	s3 =	sld [smem:$0x3FFE];
	_ =	sdelay $0x1  }
0x8a: {  	s1 =	srdreg.scid  }
0x8b: {  	s0 =	sand.u32 $0x1, s1  }
0x8c: {  	s16 =	sshll.u32 s0, $0xA;
	s2 =	sadd.s32 s3, s2  }
0x8d: {  	s2 =	sadd.s32 s2, s16  }
0x8e: {  	[smem:$0x3FB5] =	sst s2  }
0x8f: {  	_ = 	snop  }
0x90: {  	(tm) =	ssettm $0x1  }
0x91: {  	s17 =	sld [smem:$0x3FFB];
	_ =	sdelay $0x3  }
0x92: {  	_ =	strace s17  }
0x93: {  	s2 =	sld [smem:$0x3FFC];
	_ =	sdelay $0x3  }
0x94: {  	_ =	strace s2  }
0x95: {  	s2 =	sld [smem:$0x3FFD];
	_ =	sdelay $0x3  }
0x96: {  	_ =	strace s2  }
0x97: {  	_ =	strace $0x8FFFFFFF  }
0x98: {  	s18 =	sld [smem:$0x3FDB];
	_ =	sdelay $0x1  }
0x99: {  	s19 =	simm.s32 $_scs_section_size  }
0x9a: {  	s4 =	simm.s32 $_size__tile_overlayer_lowered;
	s5 =	simm.s32 $_tile_overlayer_lowered  }
0x9b: {  	s22 =	simm.s32 $0x1BFF;
	s21 =	sshll.u32 s5, $0x1;
	s2 =	sadd.s32 s19, s18  }
0x9c: {  	s6 =	simm.s32 $0x0;
	s20 =	sshll.u32 s4, $0x1;
	s4 =	sadd.s32 s21, s2  }
0x9d: {  	[timem:s6], [sflag:s22] =	dma.local [hbm:s4], s20  }
0x9e: {  	_ =	swait.ge [sflag:s22], s20  }
0x9f: {  	s3 =	ssub.s32 $0x0, s20;
	[sflag:s22] =	ssyncset.done $0x0  }
0xa0: {  	[sflag:s22] =	ssyncadd.s32 s3;
	_ =	sdelay $0x1  }
0xa1: {  	s23 =	simm.s32 $0x1B8B  }
0xa2: {  	_ =	swait.ge [sflag:s23], $0x1  }
0xa3: {  	[sflag:s23] =	ssyncset.done $0x0  }
0xa4: {  	s25 =	simm.s32 $0x1B8E;
	s24 =	sld [smem:$0x3FFE];
	[sflag:s23] =	ssyncadd.s32 $0xFFFFFFFF  }
0xa5: {  	s26 =	simm.s32 $execute0_lowered;
	[smem:$0x3FD2] =	sst s25  }
0xa6: {  	s4 =	sshll.u32 s26, $0x1;
	_ =	strace $0x80000052;
	[dreg:$0x1] =	wrdreg $0xFFFFFFFF  }
0xa7: {  	s28 =	simm.s32 $_size_execute0_lowered;
	s2 =	sadd.s32 s2, s4;
	[dreg:$0x0] =	wrdreg $0x0  }
0xa8: {  	s4 =	sshll.u32 s28, $0x1;
	[dreg:$0x2] =	wrdreg s2  }
0xa9: {  	[dreg:$0x3] =	wrdreg s4  }
0xaa: {  	[dreg:$0x4] =	wrdreg $0xC0  }
0xab: {  	_ =	task [dreg:s6], $0x5FFFF  }
0xac: {  	[dreg:$0x1] =	wrdreg $0xFFFFFFFF  }
0xad: {  	[dreg:$0x0] =	wrdreg $0x60  }
0xae: {  	[dreg:$0x2] =	wrdreg s24  }
0xaf: {  	[dreg:$0x3] =	wrdreg $0x9  }
0xb0: {  	_ =	task.clear_ibuf [dreg:s6], $0x4FFFF;
	_ =	strace $0x90000052  }
0xb1: {  	s29 =	simm.s32 $0x9;
	_ =	strace $0x80000054  }
0xb2: {  	_ =	swait.ge [sflag:s29], $0x1  }
0xb3: {  	[sflag:s29] =	ssyncadd.s32 $0xFFFFFFFF  }
0xb4: {  	_ =	strace $0x90000054  }
0xb5: {  	_ =	sfence  }
0xb6: {  	s30 =	sld [smem:$0x0];
	_ =	sdelay $0x2  }
0xb7: {  	s31 =	sshll.u32 s1, $0xD;
	s1 =	sshrl.u32 s1, $0x2  }
0xb8: {  	s3 =	sand.u32 $0x4000, s31;
	s1 =	sadd.s32 s1, s30  }
0xb9: {  	s0 =	sor.u32 s3, s0;
	s1 =	sshll.u32 s1, $0x11  }
0xba: {  	s0 =	sor.u32 s1, s0  }
0xbb: {  	s0 =	sadd.s32 $0x8F2B, s0  }
0xbc: {  	[sflag:s0] =	ssyncadd.remote.s32 $0x1  }
0xbd: {  	_ =	sfence.sel $0xFFFF  }
0xbe: {  	[dreg:$0x0] =	wrdreg $0xFFFFFFFF;
	(pc) =	sbr.abs _section_cstart, $3  }
0xbf: {  	[dreg:$0x1] =	wrdreg $0xFFFFFFFF  }
0xc0: {  	_ =	task.clear_ibuf [dreg:s6], $0x2FFFF;
	_ =	strace $0x9FFFFFFF  }
0xc1: {  	(tm) =	ssettm $0x7FFFFFFF  }
tec
execute0_lowered:
.L_overlay_start_1:
0x0: {  	(tag) =	ssettag $0x1  }
0x1: {  	s0 =	rddreg [dreg:$0x0]  }
0x2: {  	s1 =	srdreg.scid;
	s3 =	stileid.u32;
	s2 =	simm.s32 $0x0  }
0x3: {  	s12 =	simm.s32 $0x7;
	s13 =	simm.s32 $0x100;
	s14 =	simm.s32 $0x80  }
0x4: {  	s15 =	simm.s32 $0x200;
	s16 =	simm.s32 $0x8200;
	s17 =	simm.s32 $0x180  }
0x5: {  	s18 =	simm.s32 $0x4200;
	s19 =	simm.s32 $0xC200;
	s20 =	simm.s32 $0x1  }
0x6: {  	s21 =	simm.s32 $0x3;
	s22 =	simm.s32 $0x10200;
	s23 =	simm.s32 $0x2  }
0x7: {  	s24 =	simm.s32 $0x4;
	s1 =	sand.u32 $0x1, s1;
	s3 =	sshll.u32 s3, $0x1  }
0x8: {  	s25 =	simm.s32 $0x14200;
	s26 =	simm.s32 $0x5;
	s4 =	sor.u32 s1, s3  }
0x9: {  	s28 =	simm.s32 $0x6;
	s29 =	simm.s32 $0x0;
	s4 =	smul.u32 $0x1280, s4  }
0xa: {  	[smem:$0x7FF] =	sst s2;
	s5 =	sadd.s32 $0x4E00, s0;
	s6 =	sadd.s32 $0xE200, s0  }
0xb: {  	s7 =	sadd.s32 $0x36200, s0;
	s1 =	ssub.s32 $0x2, s1;
	s8 =	sadd.s32 $0x1200, s4  }
0xc: {  	s3 =	sadd.s32 $0x9800, s0;
	s30 =	sshrl.u32 s1, $0x1;
	s31 =	sshrl.u32 s8, $0x3  }
0xd: {  	_ =	strace $0x80000053;
	s0 =	ssub.s32 s1, s30;
	s9 =	sadd.s32 s3, s31  }
0xe: {  	s8 =	sshll.u32 s8, $0x4;
	s1 =	sadd.s32 s5, s31;
	[dreg:$0x2] =	wrdreg s9  }
0xf: {  	s11 =	smax.u32 s0, $0x1;
	s10 =	sadd.s32 s7, s8;
	[dreg:$0x3] =	wrdreg s1  }
.LBB2_1:
0x10: {  	s30 =	simm.s32 $0x0  }
.LBB2_2:
0x11: {  	s0 =	sshll.u32 s30, $0x8  }
0x12: {  	s0 =	sadd.s32 s4, s0  }
0x13: {  	s1 =	sshrl.u32 s0, $0x3  }
0x14: {  	s9 =	simm.s32 $0x0;
	s8 =	sadd.s32 s3, s1  }
0x15: {  	[tilespmem:s9], [sflag:$0x7] =	stream.linear.gather [hbm4b:s8+s9], $0x80, $0x38;
	[tilespmem:$0x18200] =	vst v63  }
0x16: {  	_ =	swait.ge [sflag:s12], $0x80  }
0x17: {  	[sflag:s12] =	ssyncset.done $0x0  }
0x18: {  	s1 =	sadd.s32 s5, s1;
	[sflag:s12] =	ssyncadd.s32 $0xFFFFFF80  }
0x19: {  	[tilespmem:s13], [sflag:$0x7] =	stream.linear.gather [hbm4b:s1+s9], $0x80, $0x38;
	[tilespmem:$0x18200] =	vst v63  }
0x1a: {  	_ =	swait.ge [sflag:s12], $0x80  }
0x1b: {  	[sflag:s12] =	ssyncset.done $0x0  }
0x1c: {  	s31 =	sadd.s32 $0x80, s0;
	[sflag:s12] =	ssyncadd.s32 $0xFFFFFF80  }
0x1d: {  	[tilespmem:s15], [sflag:$0x1] =	stream.indirect.gather [hbm4b:s6+s14], $0x80, s9, s14, $0xb8;
	[tilespmem:$0x18200] =	vst v63  }
0x1e: {  	s1 =	sshrl.u32 s31, $0x3  }
0x1f: {  	[tilespmem:s16], [sflag:$0x3] =	stream.indirect.gather [hbm4b:s6+s14], $0x80, s13, s14, $0xb8;
	[tilespmem:$0x18200] =	vst v63  }
0x20: {  	s8 =	sadd.s32 s3, s1  }
0x21: {  	[tilespmem:s14], [sflag:$0x7] =	stream.linear.gather [hbm4b:s8+s9], $0x80, $0x38;
	[tilespmem:$0x18200] =	vst v63  }
0x22: {  	_ =	swait.ge [sflag:s12], $0x80  }
0x23: {  	[sflag:s12] =	ssyncset.done $0x0  }
0x24: {  	s1 =	sadd.s32 s5, s1;
	[sflag:s12] =	ssyncadd.s32 $0xFFFFFF80  }
0x25: {  	[tilespmem:s17], [sflag:$0x7] =	stream.linear.gather [hbm4b:s1+s9], $0x80, $0x38;
	[tilespmem:$0x18200] =	vst v63  }
0x26: {  	_ =	swait.ge [sflag:s12], $0x80  }
0x27: {  	[sflag:s12] =	ssyncset.done $0x0  }
0x28: {  	[sflag:s12] =	ssyncadd.s32 $0xFFFFFF80  }
0x29: {  	[tilespmem:s18], [sflag:$0x2] =	stream.indirect.gather [hbm4b:s6+s14], $0x80, s14, s14, $0xb8;
	[tilespmem:$0x18200] =	vst v63  }
0x2a: {  	_ = 	snop  }
0x2b: {  	[tilespmem:s19], [sflag:$0x4] =	stream.indirect.gather [hbm4b:s6+s14], $0x80, s17, s14, $0xb8;
	[tilespmem:$0x18200] =	vst v63  }
0x2c: {  	_ =	swait.ge [sflag:s20], $0x4000  }
0x2d: {  	[sflag:s20] =	ssyncset.done $0x0  }
0x2e: {  	[sflag:s20] =	ssyncadd.s32 $0xFFFFC000  }
0x2f: {  	_ =	swait.ge [sflag:s21], $0x4000  }
0x30: {  	[sflag:s21] =	ssyncset.done $0x0  }
0x31: {  	s1 =	simm.s32 $0x0;
	[sflag:s21] =	ssyncadd.s32 $0xFFFFC000  }
0x32: {  	v0 =	vld [tilespmem:s1+$0x270]  }
0x33: {  	v1 =	vld [tilespmem:s1+$0x8270]  }
0x34: {  	v2 =	vld [tilespmem:s1+$0x200]  }
0x35: {  	v3 =	vld [tilespmem:s1+$0x8200]  }
0x36: {  	v4 =	vld [tilespmem:s1+$0x210]  }
0x37: {  	v5 =	vld [tilespmem:s1+$0x8210]  }
0x38: {  	v6 =	vld [tilespmem:s1+$0x220]  }
0x39: {  	v7 =	vld [tilespmem:s1+$0x230]  }
0x3a: {  	v0 =	vsub.f32 v0, v1;
	v1 =	vld [tilespmem:s1+$0x8220]  }
0x3b: {  	v8 =	vld [tilespmem:s1+$0x8230]  }
0x3c: {  	v9 =	vld [tilespmem:s1+$0x8240];
	v2 =	vsub.f32 v2, v3  }
0x3d: {  	[tilespmem:s1+$0x10270] =	vst v0;
	v0 =	vsub.f32 v4, v5;
	v5 =	vld [tilespmem:s1+$0x240]  }
0x3e: {  	v3 =	vld [tilespmem:s1+$0x8250];
	[tilespmem:s1+$0x10200] =	vst v2  }
0x3f: {  	v2 =	vld [tilespmem:s1+$0x250];
	[tilespmem:s1+$0x10210] =	vst v0;
	v0 =	vsub.f32 v6, v1  }
0x40: {  	v4 =	vld [tilespmem:s1+$0x8260];
	v6 =	vsub.f32 v7, v8  }
0x41: {  	s8 =	simm.s32 $0x80;
	[tilespmem:s1+$0x10220] =	vst v0;
	v0 =	vld [tilespmem:s1+$0x260]  }
0x42: {  	s9 =	simm.s32 $0x400;
	v5 =	vsub.f32 v5, v9;
	v1 =	vld [tilespmem:s8+$0x270];
	[tilespmem:s1+$0x10230] =	vst v6  }
.LBB2_3:
0x43: {  	p0 =	sne.s32 s9, $0xFE00;
	v6 =	vld [tilespmem:s8+$0x8270]  }
0x44: {  	v7 =	vld [tilespmem:s8+$0x200];
	[tilespmem:s1+$0x10240] =	vst v5;
	v2 =	vsub.f32 v2, v3  }
0x45: {  	v3 =	vld [tilespmem:s8+$0x8200]  }
0x46: {  	v5 =	vld [tilespmem:s8+$0x210];
	[tilespmem:s1+$0x10250] =	vst v2;
	v0 =	vsub.f32 v0, v4  }
0x47: {  	v2 =	vld [tilespmem:s8+$0x8210]  }
0x48: {  	v4 =	vld [tilespmem:s8+$0x220];
	v1 =	vsub.f32 v1, v6;
	[tilespmem:s1+$0x10260] =	vst v0;
	s1 =	smov.u32 s8  }
0x49: {  	v0 =	vld [tilespmem:s1+$0x8220]  }
0x4a: {  	v3 =	vsub.f32 v7, v3;
	v6 =	vld [tilespmem:s1+$0x230];
	[tilespmem:s1+$0x10270] =	vst v1  }
0x4b: {  	v1 =	vld [tilespmem:s1+$0x8230]  }
0x4c: {  	[tilespmem:s1+$0x10200] =	vst v3;
	v2 =	vsub.f32 v5, v2;
	v5 =	vld [tilespmem:s1+$0x240]  }
0x4d: {  	v7 =	vld [tilespmem:s1+$0x8240]  }
.Ltmp0:
0x4e: {  	[tilespmem:s1+$0x10210] =	vst v2;
	v0 =	vsub.f32 v4, v0;
	v2 =	vld [tilespmem:s1+$0x250];
	(pc) =	sbr.rel @p0 .LBB2_3-.Ltmp0, $4  }
0x4f: {  	v3 =	vld [tilespmem:s1+$0x8250]  }
0x50: {  	[tilespmem:s1+$0x10220] =	vst v0;
	v6 =	vsub.f32 v6, v1;
	v0 =	vld [tilespmem:s1+$0x260]  }
0x51: {  	s8 =	sshra.s32 s9, $0x2;
	v4 =	vld [tilespmem:s1+$0x8260]  }
0x52: {  	s9 =	sadd.s32 $0x200, s9;
	v1 =	vld [tilespmem:s8+$0x270];
	[tilespmem:s1+$0x10230] =	vst v6;
	v5 =	vsub.f32 v5, v7  }
0x53: {  	v6 =	vld [tilespmem:s8+$0x8270]  }
0x54: {  	v7 =	vld [tilespmem:s8+$0x200];
	[tilespmem:s1+$0x10240] =	vst v5;
	v2 =	vsub.f32 v2, v3  }
0x55: {  	v3 =	vld [tilespmem:s8+$0x8200]  }
0x56: {  	v5 =	vld [tilespmem:s8+$0x210];
	[tilespmem:s1+$0x10250] =	vst v2;
	v0 =	vsub.f32 v0, v4  }
0x57: {  	v2 =	vld [tilespmem:s8+$0x8210]  }
0x58: {  	v4 =	vld [tilespmem:s8+$0x220];
	[tilespmem:s1+$0x10260] =	vst v0  }
0x59: {  	v0 =	vsub.f32 v1, v6;
	v1 =	vld [tilespmem:s8+$0x8220]  }
0x5a: {  	v6 =	vld [tilespmem:s8+$0x230]  }
0x5b: {  	v3 =	vsub.f32 v7, v3;
	[tilespmem:s8+$0x10270] =	vst v0;
	v0 =	vld [tilespmem:s8+$0x8230]  }
0x5c: {  	v7 =	vld [tilespmem:s8+$0x8260]  }
0x5d: {  	[tilespmem:s8+$0x10200] =	vst v3;
	v2 =	vsub.f32 v5, v2;
	v3 =	vld [tilespmem:s8+$0x240]  }
0x5e: {  	v5 =	vld [tilespmem:s8+$0x8240]  }
0x5f: {  	[tilespmem:s8+$0x10210] =	vst v2;
	v1 =	vsub.f32 v4, v1;
	v2 =	vld [tilespmem:s8+$0x250]  }
0x60: {  	v4 =	vld [tilespmem:s8+$0x8250]  }
0x61: {  	[tilespmem:s8+$0x10220] =	vst v1;
	v1 =	vld [tilespmem:s8+$0x260];
	_ =	sdelay $0x1  }
0x62: {  	v0 =	vsub.f32 v6, v0  }
0x63: {  	v3 =	vsub.f32 v3, v5  }
0x64: {  	[tilespmem:s8+$0x10230] =	vst v0;
	v0 =	vsub.f32 v2, v4  }
0x65: {  	[tilespmem:s8+$0x10240] =	vst v3;
	v1 =	vsub.f32 v1, v7  }
0x66: {  	s0 =	sshll.u32 s0, $0x4;
	[tilespmem:s8+$0x10250] =	vst v0  }
0x67: {  	s9 =	simm.s32 $0x0;
	s0 =	sadd.s32 s7, s0;
	[tilespmem:s8+$0x10260] =	vst v1  }
0x68: {  	[hbm4b:s0+s9] =	stream.linear.scatter [tilespmem:s22], [sflag:$0x5], $0x4000, $0x38;
	[tilespmem:$0x18200] =	vst v63  }
0x69: {  	_ =	swait.ge [sflag:s23], $0x4000  }
0x6a: {  	[sflag:s23] =	ssyncset.done $0x0  }
0x6b: {  	[sflag:s23] =	ssyncadd.s32 $0xFFFFC000  }
0x6c: {  	_ =	swait.ge [sflag:s24], $0x4000  }
0x6d: {  	[sflag:s24] =	ssyncset.done $0x0  }
0x6e: {  	s0 =	simm.s32 $0x0;
	[sflag:s24] =	ssyncadd.s32 $0xFFFFC000  }
0x6f: {  	v0 =	vld [tilespmem:s0+$0x4270]  }
0x70: {  	v1 =	vld [tilespmem:s0+$0xC270]  }
0x71: {  	v2 =	vld [tilespmem:s0+$0x4200]  }
0x72: {  	v3 =	vld [tilespmem:s0+$0xC200]  }
0x73: {  	v4 =	vld [tilespmem:s0+$0x4210]  }
0x74: {  	v5 =	vld [tilespmem:s0+$0xC210]  }
0x75: {  	v6 =	vld [tilespmem:s0+$0x4220]  }
0x76: {  	v7 =	vld [tilespmem:s0+$0x4230]  }
0x77: {  	v0 =	vsub.f32 v0, v1;
	v1 =	vld [tilespmem:s0+$0xC220]  }
0x78: {  	v8 =	vld [tilespmem:s0+$0xC230]  }
0x79: {  	v9 =	vld [tilespmem:s0+$0xC240];
	v2 =	vsub.f32 v2, v3  }
0x7a: {  	[tilespmem:s0+$0x14270] =	vst v0;
	v0 =	vsub.f32 v4, v5;
	v5 =	vld [tilespmem:s0+$0x4240]  }
0x7b: {  	v3 =	vld [tilespmem:s0+$0xC250];
	[tilespmem:s0+$0x14200] =	vst v2  }
0x7c: {  	v2 =	vld [tilespmem:s0+$0x4250];
	[tilespmem:s0+$0x14210] =	vst v0;
	v0 =	vsub.f32 v6, v1  }
0x7d: {  	v4 =	vld [tilespmem:s0+$0xC260];
	v6 =	vsub.f32 v7, v8  }
0x7e: {  	s1 =	simm.s32 $0x80;
	[tilespmem:s0+$0x14220] =	vst v0;
	v0 =	vld [tilespmem:s0+$0x4260]  }
0x7f: {  	s8 =	simm.s32 $0x400;
	v5 =	vsub.f32 v5, v9;
	v1 =	vld [tilespmem:s1+$0x4270];
	[tilespmem:s0+$0x14230] =	vst v6  }
.LBB2_5:
0x80: {  	p0 =	sne.s32 s8, $0xFE00;
	v6 =	vld [tilespmem:s1+$0xC270]  }
0x81: {  	v7 =	vld [tilespmem:s1+$0x4200];
	[tilespmem:s0+$0x14240] =	vst v5;
	v2 =	vsub.f32 v2, v3  }
0x82: {  	v3 =	vld [tilespmem:s1+$0xC200]  }
0x83: {  	v5 =	vld [tilespmem:s1+$0x4210];
	[tilespmem:s0+$0x14250] =	vst v2;
	v0 =	vsub.f32 v0, v4  }
0x84: {  	v2 =	vld [tilespmem:s1+$0xC210]  }
0x85: {  	v4 =	vld [tilespmem:s1+$0x4220];
	v1 =	vsub.f32 v1, v6;
	[tilespmem:s0+$0x14260] =	vst v0;
	s0 =	smov.u32 s1  }
0x86: {  	v0 =	vld [tilespmem:s0+$0xC220]  }
0x87: {  	v3 =	vsub.f32 v7, v3;
	v6 =	vld [tilespmem:s0+$0x4230];
	[tilespmem:s0+$0x14270] =	vst v1  }
0x88: {  	v1 =	vld [tilespmem:s0+$0xC230]  }
0x89: {  	[tilespmem:s0+$0x14200] =	vst v3;
	v2 =	vsub.f32 v5, v2;
	v5 =	vld [tilespmem:s0+$0x4240]  }
0x8a: {  	v7 =	vld [tilespmem:s0+$0xC240]  }
.Ltmp1:
0x8b: {  	[tilespmem:s0+$0x14210] =	vst v2;
	v0 =	vsub.f32 v4, v0;
	v2 =	vld [tilespmem:s0+$0x4250];
	(pc) =	sbr.rel @p0 .LBB2_5-.Ltmp1, $4  }
0x8c: {  	v3 =	vld [tilespmem:s0+$0xC250]  }
0x8d: {  	[tilespmem:s0+$0x14220] =	vst v0;
	v6 =	vsub.f32 v6, v1;
	v0 =	vld [tilespmem:s0+$0x4260]  }
0x8e: {  	s1 =	sshra.s32 s8, $0x2;
	v4 =	vld [tilespmem:s0+$0xC260]  }
0x8f: {  	s8 =	sadd.s32 $0x200, s8;
	v1 =	vld [tilespmem:s1+$0x4270];
	[tilespmem:s0+$0x14230] =	vst v6;
	v5 =	vsub.f32 v5, v7  }
0x90: {  	v6 =	vld [tilespmem:s1+$0xC270]  }
0x91: {  	v7 =	vld [tilespmem:s1+$0x4200];
	[tilespmem:s0+$0x14240] =	vst v5;
	v2 =	vsub.f32 v2, v3  }
0x92: {  	v51 =	vld [tilespmem:s1+$0xC200]  }
0x93: {  	v5 =	vld [tilespmem:s1+$0x4210];
	[tilespmem:s0+$0x14250] =	vst v2;
	v0 =	vsub.f32 v0, v4  }
0x94: {  	v2 =	vld [tilespmem:s1+$0xC210]  }
0x95: {  	v52 =	vld [tilespmem:s1+$0x4220];
	[tilespmem:s0+$0x14260] =	vst v0  }
0x96: {  	v54 =	vld [tilespmem:s1+$0xC220]  }
0x97: {  	v55 =	vld [tilespmem:s1+$0x4230]  }
0x98: {  	v56 =	vld [tilespmem:s1+$0xC230]  }
0x99: {  	v57 =	vld [tilespmem:s1+$0x4240]  }
0x9a: {  	v58 =	vld [tilespmem:s1+$0xC240]  }
0x9b: {  	v59 =	vld [tilespmem:s1+$0x4250]  }
0x9c: {  	v53 =	vsub.f32 v1, v6;
	v60 =	vld [tilespmem:s1+$0xC250]  }
0x9d: {  	v61 =	vld [tilespmem:s1+$0x4260];
	v3 =	vsub.f32 v7, v51  }
0x9e: {  	v62 =	vld [tilespmem:s1+$0xC260];
	[tilespmem:s1+$0x14270] =	vst v53;
	v2 =	vsub.f32 v5, v2  }
0x9f: {  	[tilespmem:s1+$0x14200] =	vst v3;
	v1 =	vsub.f32 v52, v54  }
0xa0: {  	[tilespmem:s1+$0x14210] =	vst v2;
	v0 =	vsub.f32 v55, v56  }
0xa1: {  	v3 =	vsub.f32 v57, v58;
	[tilespmem:s1+$0x14220] =	vst v1  }
0xa2: {  	v63 =	vsub.f32 v59, v60;
	[tilespmem:s1+$0x14230] =	vst v0  }
0xa3: {  	[tilespmem:s1+$0x14240] =	vst v3;
	v1 =	vsub.f32 v61, v62  }
0xa4: {  	s31 =	sshll.u32 s31, $0x4;
	[tilespmem:s1+$0x14250] =	vst v63  }
0xa5: {  	s30 =	sadd.s32 $0x1, s30;
	s0 =	sadd.s32 s7, s31;
	[tilespmem:s1+$0x14260] =	vst v1  }
0xa6: {  	[hbm4b:s0+s2] =	stream.linear.scatter [tilespmem:s25], [sflag:$0x6], $0x4000, $0x38;
	[tilespmem:$0x18200] =	vst v63  }
0xa7: {  	p0 =	sne.s32 s30, $0x12;
	_ =	swait.ge [sflag:s26], $0x4000  }
.Ltmp2:
0xa8: {  	[sflag:s26] =	ssyncset.done $0x0;
	(pc) =	sbr.rel @p0 .LBB2_2-.Ltmp2, $4  }
0xa9: {  	[sflag:s26] =	ssyncadd.s32 $0xFFFFC000  }
0xaa: {  	_ =	swait.ge [sflag:s28], $0x4000  }
0xab: {  	[sflag:s28] =	ssyncset.done $0x0  }
0xac: {  	[sflag:s28] =	ssyncadd.s32 $0xFFFFC000  }
0xad: {  	s0 =	simm.s32 $0x0;
	s1 =	rddreg [dreg:$0x2]  }
0xae: {  	[tilespmem:s0], [sflag:$0x7] =	stream.linear.gather [hbm4b:s1+s0], $0x80, $0x38;
	[tilespmem:$0x18200] =	vst v63  }
0xaf: {  	_ =	swait.ge [sflag:s12], $0x80  }
0xb0: {  	[sflag:s12] =	ssyncset.done $0x0  }
0xb1: {  	s31 =	rddreg [dreg:$0x3];
	[sflag:s12] =	ssyncadd.s32 $0xFFFFFF80  }
0xb2: {  	[tilespmem:s13], [sflag:$0x7] =	stream.linear.gather [hbm4b:s31+s0], $0x80, $0x38;
	[tilespmem:$0x18200] =	vst v63  }
0xb3: {  	_ =	swait.ge [sflag:s12], $0x80  }
0xb4: {  	[sflag:s12] =	ssyncset.done $0x0  }
0xb5: {  	[sflag:s12] =	ssyncadd.s32 $0xFFFFFF80  }
0xb6: {  	[tilespmem:s15], [sflag:$0x1] =	stream.indirect.gather [hbm4b:s6+s14], $0x80, s0, s14, $0xb8;
	[tilespmem:$0x18200] =	vst v63  }
0xb7: {  	_ = 	snop  }
0xb8: {  	[tilespmem:s16], [sflag:$0x3] =	stream.indirect.gather [hbm4b:s6+s14], $0x80, s13, s14, $0xb8;
	[tilespmem:$0x18200] =	vst v63  }
0xb9: {  	_ =	swait.ge [sflag:s20], $0x4000  }
0xba: {  	[sflag:s20] =	ssyncset.done $0x0  }
0xbb: {  	[sflag:s20] =	ssyncadd.s32 $0xFFFFC000  }
0xbc: {  	_ =	swait.ge [sflag:s21], $0x4000  }
0xbd: {  	[sflag:s21] =	ssyncset.done $0x0  }
0xbe: {  	s0 =	simm.s32 $0x0;
	[sflag:s21] =	ssyncadd.s32 $0xFFFFC000  }
0xbf: {  	v0 =	vld [tilespmem:s0+$0x270]  }
0xc0: {  	v1 =	vld [tilespmem:s0+$0x8270]  }
0xc1: {  	v2 =	vld [tilespmem:s0+$0x200]  }
0xc2: {  	v3 =	vld [tilespmem:s0+$0x8200]  }
0xc3: {  	v4 =	vld [tilespmem:s0+$0x210]  }
0xc4: {  	v5 =	vld [tilespmem:s0+$0x8210]  }
0xc5: {  	v6 =	vld [tilespmem:s0+$0x220]  }
0xc6: {  	v7 =	vld [tilespmem:s0+$0x230]  }
0xc7: {  	v0 =	vsub.f32 v0, v1;
	v1 =	vld [tilespmem:s0+$0x8220]  }
0xc8: {  	v8 =	vld [tilespmem:s0+$0x8230]  }
0xc9: {  	v9 =	vld [tilespmem:s0+$0x8240];
	v2 =	vsub.f32 v2, v3  }
0xca: {  	[tilespmem:s0+$0x10270] =	vst v0;
	v0 =	vsub.f32 v4, v5;
	v5 =	vld [tilespmem:s0+$0x240]  }
0xcb: {  	v3 =	vld [tilespmem:s0+$0x8250];
	[tilespmem:s0+$0x10200] =	vst v2  }
0xcc: {  	v2 =	vld [tilespmem:s0+$0x250];
	[tilespmem:s0+$0x10210] =	vst v0;
	v0 =	vsub.f32 v6, v1  }
0xcd: {  	v4 =	vld [tilespmem:s0+$0x8260];
	v6 =	vsub.f32 v7, v8  }
0xce: {  	s1 =	simm.s32 $0x80;
	[tilespmem:s0+$0x10220] =	vst v0;
	v0 =	vld [tilespmem:s0+$0x260]  }
0xcf: {  	s8 =	simm.s32 $0x400;
	v5 =	vsub.f32 v5, v9;
	v1 =	vld [tilespmem:s1+$0x270];
	[tilespmem:s0+$0x10230] =	vst v6  }
.LBB2_8:
0xd0: {  	p0 =	sne.s32 s8, $0xFE00;
	v6 =	vld [tilespmem:s1+$0x8270]  }
0xd1: {  	v7 =	vld [tilespmem:s1+$0x200];
	[tilespmem:s0+$0x10240] =	vst v5;
	v2 =	vsub.f32 v2, v3  }
0xd2: {  	v3 =	vld [tilespmem:s1+$0x8200]  }
0xd3: {  	v5 =	vld [tilespmem:s1+$0x210];
	[tilespmem:s0+$0x10250] =	vst v2;
	v0 =	vsub.f32 v0, v4  }
0xd4: {  	v2 =	vld [tilespmem:s1+$0x8210]  }
0xd5: {  	v4 =	vld [tilespmem:s1+$0x220];
	v1 =	vsub.f32 v1, v6;
	[tilespmem:s0+$0x10260] =	vst v0;
	s0 =	smov.u32 s1  }
0xd6: {  	v0 =	vld [tilespmem:s0+$0x8220]  }
0xd7: {  	v3 =	vsub.f32 v7, v3;
	v6 =	vld [tilespmem:s0+$0x230];
	[tilespmem:s0+$0x10270] =	vst v1  }
0xd8: {  	v1 =	vld [tilespmem:s0+$0x8230]  }
0xd9: {  	[tilespmem:s0+$0x10200] =	vst v3;
	v2 =	vsub.f32 v5, v2;
	v5 =	vld [tilespmem:s0+$0x240]  }
0xda: {  	v7 =	vld [tilespmem:s0+$0x8240]  }
.Ltmp3:
0xdb: {  	[tilespmem:s0+$0x10210] =	vst v2;
	v0 =	vsub.f32 v4, v0;
	v2 =	vld [tilespmem:s0+$0x250];
	(pc) =	sbr.rel @p0 .LBB2_8-.Ltmp3, $4  }
0xdc: {  	v3 =	vld [tilespmem:s0+$0x8250]  }
0xdd: {  	[tilespmem:s0+$0x10220] =	vst v0;
	v6 =	vsub.f32 v6, v1;
	v0 =	vld [tilespmem:s0+$0x260]  }
0xde: {  	s1 =	sshra.s32 s8, $0x2;
	v4 =	vld [tilespmem:s0+$0x8260]  }
0xdf: {  	s8 =	sadd.s32 $0x200, s8;
	v1 =	vld [tilespmem:s1+$0x270];
	[tilespmem:s0+$0x10230] =	vst v6;
	v5 =	vsub.f32 v5, v7  }
0xe0: {  	v6 =	vld [tilespmem:s1+$0x8270]  }
0xe1: {  	v7 =	vld [tilespmem:s1+$0x200];
	[tilespmem:s0+$0x10240] =	vst v5;
	v2 =	vsub.f32 v2, v3  }
0xe2: {  	v51 =	vld [tilespmem:s1+$0x8200]  }
0xe3: {  	v5 =	vld [tilespmem:s1+$0x210];
	[tilespmem:s0+$0x10250] =	vst v2;
	v0 =	vsub.f32 v0, v4  }
0xe4: {  	v2 =	vld [tilespmem:s1+$0x8210]  }
0xe5: {  	v52 =	vld [tilespmem:s1+$0x220];
	[tilespmem:s0+$0x10260] =	vst v0  }
0xe6: {  	v54 =	vld [tilespmem:s1+$0x8220]  }
0xe7: {  	v55 =	vld [tilespmem:s1+$0x230]  }
0xe8: {  	v56 =	vld [tilespmem:s1+$0x8230]  }
0xe9: {  	v57 =	vld [tilespmem:s1+$0x240]  }
0xea: {  	v58 =	vld [tilespmem:s1+$0x8240]  }
0xeb: {  	v59 =	vld [tilespmem:s1+$0x250]  }
0xec: {  	v53 =	vsub.f32 v1, v6;
	v60 =	vld [tilespmem:s1+$0x8250]  }
0xed: {  	v61 =	vld [tilespmem:s1+$0x260];
	v3 =	vsub.f32 v7, v51  }
0xee: {  	v62 =	vld [tilespmem:s1+$0x8260];
	[tilespmem:s1+$0x10270] =	vst v53;
	v2 =	vsub.f32 v5, v2  }
0xef: {  	[tilespmem:s1+$0x10200] =	vst v3;
	v1 =	vsub.f32 v52, v54  }
0xf0: {  	[tilespmem:s1+$0x10210] =	vst v2;
	v0 =	vsub.f32 v55, v56  }
0xf1: {  	v3 =	vsub.f32 v57, v58;
	[tilespmem:s1+$0x10220] =	vst v1  }
0xf2: {  	v63 =	vsub.f32 v59, v60;
	[tilespmem:s1+$0x10230] =	vst v0  }
0xf3: {  	s29 =	sadd.s32 $0x1, s29;
	[tilespmem:s1+$0x10240] =	vst v3;
	v1 =	vsub.f32 v61, v62  }
0xf4: {  	p0 =	sne.s32 s29, s11;
	[tilespmem:s1+$0x10250] =	vst v63  }
.Ltmp4:
0xf5: {  	[tilespmem:s1+$0x10260] =	vst v1;
	(pc) =	sbr.rel @p0 .LBB2_1-.Ltmp4, $4  }
0xf6: {  	[hbm4b:s10+s2] =	stream.linear.scatter [tilespmem:s22], [sflag:$0x7], $0x4000, $0x38;
	[tilespmem:$0x18200] =	vst v63  }
0xf7: {  	_ =	swait.ge [sflag:s12], $0x4000  }
0xf8: {  	[sflag:s12] =	ssyncset.done $0x0  }
0xf9: {  	[sflag:s12] =	ssyncadd.s32 $0xFFFFC000  }
0xfa: {  	_ =	sfence.sel $0x180000  }
0xfb: {  	[bflag:$0x0] =	sbarrier.arrive $0xFFFF  }
0xfc: {  	_ =	strace $0x90000053  }
0xfd: {  	s0 =	stileid.u32;
	[bflag:$0x2] =	sbarrier.arrive $0xFFFF  }
0xfe: {  	p0 =	sne.s32 s0, $0x0;
	s0 =	rddreg [dreg:$0x1]  }
0xff: {  	s0 =	sadd.s32 @!p0 $0x100000, s0  }
0x100: {  	[sflag:s0] =	ssyncadd.tile.s32 @!p0 $0x1;
	_ =	shalt  }
.Lfunc_end2:
_tile_overlayer_lowered:
.L_overlay_start_2:
0x101: {  	(tag) =	ssettag $0x2  }
0x102: {  	s0 =	rddreg [dreg:$0x0];
	s2 =	stileid.u32  }
0x103: {  	s1 =	rddreg [dreg:$0x1];
	p0 =	sne.s32 s2, $0x0  }
0x104: {  	s3 =	rddreg [dreg:$0x2];
	[bflag:$0x3] =	sbarrier.arrive $0xFFFF;
	s2 =	simm.s32 @!p0 $0x1C07  }
0x105: {  	[timem:s3], [sflag:s2] =	dma.local @!p0 [hbm:s0], s1  }
0x106: {  	s0 =	simm.s32 @!p0 $0x7  }
0x107: {  	_ =	swait.ge @!p0 [sflag:s0], s1  }
0x108: {  	s1 =	ssub.s32 @!p0 $0x0, s1;
	[sflag:s0] =	ssyncset.done @!p0 $0x0  }
0x109: {  	[sflag:s0] =	ssyncadd.s32 @!p0 s1  }
0x10a: {  	[bflag:$0x3] =	sbarrier.arrive $0xFFFF  }
0x10b: {  	_ =	shalt  }

</sc_bundles>
